<compile_context>
chip_gen: v7x
topology: tpu7x:2x2x1
jax: 0.10.2.dev20260603
libtpu: 0.0.44.dev20260713+nightly
codegen_flags: <defaults>
</compile_context>

<pallas_src>
import jax
import jax.numpy as jnp
from jax import lax
from jax.experimental import pallas as pl
from jax.experimental.pallas import tpu as pltpu
from jax.experimental.pallas import tpu_sc as plsc

N = 10000
E = 320000
D = 128
DE = 4
C = 2

NC = 2
NS = 16
NW = NC * NS
CH = 128
WCH = 80
PAIRS = WCH // 2
EPAD = NW * WCH * CH
N8 = N + 8

ROWS_PER_TILE = 624
TAIL_ROWS = N8 - NS * ROWS_PER_TILE
TAIL_OFF = NS * ROWS_PER_TILE

_mesh = plsc.VectorSubcoreMesh(
    core_axis_name="c", subcore_axis_name="s", num_cores=NC, num_subcores=NS)


def _tile_table_copy(s, mk_src, mk_dst):
    r0 = s * ROWS_PER_TILE
    pltpu.sync_copy(mk_src(r0, ROWS_PER_TILE), mk_dst(r0, ROWS_PER_TILE))

    @pl.when(s == NS - 1)
    def _():
        pltpu.sync_copy(mk_src(TAIL_OFF, TAIL_ROWS), mk_dst(TAIL_OFF, TAIL_ROWS))


def _worker_row0():
    c = lax.axis_index("c")
    s = lax.axis_index("s")
    wid = c * NS + s
    return c, s, pl.multiple_of(wid * WCH, 8)


HCH = WCH // 2
HPAIRS = HCH // 2


def _seg_sum_phase(p_hbm, src_hbm, dst_hbm, agg_sh, sidx, didx,
                   rows0, rows1, sem0, sem1, h0):
    h0 = pl.multiple_of(h0, 8)
    pltpu.sync_copy(src_hbm.at[pl.ds(h0, HCH)], sidx)
    pltpu.sync_copy(dst_hbm.at[pl.ds(h0, HCH)], didx)
    pltpu.async_copy(p_hbm.at[sidx.at[0]], rows0, sem0)

    def pair(k, carry):
        c0 = 2 * k
        pltpu.async_copy(p_hbm.at[sidx.at[c0 + 1]], rows1, sem1)
        pltpu.make_async_copy(p_hbm.at[sidx.at[0]], rows0, sem0).wait()
        pltpu.sync_copy(rows0, agg_sh.at[didx.at[c0]], add=True)

        @pl.when(k < HPAIRS - 1)
        def _():
            pltpu.async_copy(p_hbm.at[sidx.at[c0 + 2]], rows0, sem0)

        pltpu.make_async_copy(p_hbm.at[sidx.at[0]], rows1, sem1).wait()
        pltpu.sync_copy(rows1, agg_sh.at[didx.at[c0 + 1]], add=True)
        return carry

    lax.fori_loop(0, HPAIRS, pair, 0)


def _seg_sum_body(p_hbm, src_hbm, dst_hbm, z_hbm, agg_out,
                  sidx, didx, rows0, rows1, agg_sh, sem0, sem1):
    c, s, w0 = _worker_row0()

    _tile_table_copy(s, lambda o, n: z_hbm.at[pl.ds(o, n)],
                     lambda o, n: agg_sh.at[pl.ds(o, n)])
    plsc.subcore_barrier()

    _seg_sum_phase(p_hbm, src_hbm, dst_hbm, agg_sh, sidx, didx,
                   rows0, rows1, sem0, sem1, w0)
    _seg_sum_phase(p_hbm, src_hbm, dst_hbm, agg_sh, sidx, didx,
                   rows0, rows1, sem0, sem1, w0 + HCH)
    plsc.subcore_barrier()

    _tile_table_copy(s, lambda o, n: agg_sh.at[pl.ds(o, n)],
                     lambda o, n: agg_out.at[c, pl.ds(o, n)])


_seg_sum = pl.kernel(
    _seg_sum_body,
    out_type=jax.ShapeDtypeStruct((NC, N8, D), jnp.float32),
    mesh=_mesh,
    scratch_types=[
        pltpu.VMEM((HCH, CH), jnp.int32),
        pltpu.VMEM((HCH, CH), jnp.int32),
        pltpu.VMEM((CH, D), jnp.float32),
        pltpu.VMEM((CH, D), jnp.float32),
        pltpu.VMEM_SHARED((N8, D), jnp.float32),
        pltpu.SemaphoreType.DMA,
        pltpu.SemaphoreType.DMA,
    ])


def _deg_hist_body(ones_hbm, dst_hbm, z_hbm, deg_out, didx, ones, deg_sh, sem):
    c, s, w0 = _worker_row0()

    _tile_table_copy(s, lambda o, n: z_hbm.at[pl.ds(o, n)],
                     lambda o, n: deg_sh.at[pl.ds(o, n)])
    pltpu.sync_copy(ones_hbm, ones)
    pltpu.sync_copy(dst_hbm.at[pl.ds(w0, WCH)], didx)
    plsc.subcore_barrier()

    def chunk(j, carry):
        pltpu.sync_copy(ones, deg_sh.at[didx.at[j]], add=True)
        return carry

    lax.fori_loop(0, WCH, chunk, 0)
    plsc.subcore_barrier()

    _tile_table_copy(s, lambda o, n: deg_sh.at[pl.ds(o, n)],
                     lambda o, n: deg_out.at[c, pl.ds(o, n)])


_deg_hist = pl.kernel(
    _deg_hist_body,
    out_type=jax.ShapeDtypeStruct((NC, N8, D), jnp.float32),
    mesh=_mesh,
    scratch_types=[
        pltpu.VMEM((WCH, CH), jnp.int32),
        pltpu.VMEM((CH, D), jnp.float32),
        pltpu.VMEM_SHARED((N8, D), jnp.float32),
        pltpu.SemaphoreType.DMA,
    ])


def _final_gather_body(half, sp_hbm, dp_hbm, src_hbm, dst_hbm, us_out, ud_out,
                       sidx, didx, s0, s1, d0, d1, semA, semB, semC, semD):
    c = lax.axis_index("c")
    s = lax.axis_index("s")
    wid = c * NS + s
    w0 = pl.multiple_of(half * (NW * HCH) + wid * HCH, 8)
    wo = pl.multiple_of(wid * HCH, 8)
    pltpu.sync_copy(src_hbm.at[pl.ds(w0, HCH)], sidx)
    pltpu.sync_copy(dst_hbm.at[pl.ds(w0, HCH)], didx)

    pltpu.async_copy(sp_hbm.at[sidx.at[0]], s0, semA)
    pltpu.async_copy(dp_hbm.at[didx.at[0]], d0, semB)

    def pair(k, carry):
        c0 = 2 * k
        off0 = pl.multiple_of((wo + c0) * CH, 8)
        off1 = pl.multiple_of((wo + c0 + 1) * CH, 8)
        pltpu.async_copy(sp_hbm.at[sidx.at[c0 + 1]], s1, semC)
        pltpu.async_copy(dp_hbm.at[didx.at[c0 + 1]], d1, semD)
        pltpu.make_async_copy(sp_hbm.at[sidx.at[0]], s0, semA).wait()
        pltpu.make_async_copy(dp_hbm.at[didx.at[0]], d0, semB).wait()
        pltpu.sync_copy(s0, us_out.at[pl.ds(off0, CH)])
        pltpu.sync_copy(d0, ud_out.at[pl.ds(off0, CH)])

        @pl.when(k < HPAIRS - 1)
        def _():
            pltpu.async_copy(sp_hbm.at[sidx.at[c0 + 2]], s0, semA)
            pltpu.async_copy(dp_hbm.at[didx.at[c0 + 2]], d0, semB)

        pltpu.make_async_copy(sp_hbm.at[sidx.at[0]], s1, semC).wait()
        pltpu.make_async_copy(dp_hbm.at[didx.at[0]], d1, semD).wait()
        pltpu.sync_copy(s1, us_out.at[pl.ds(off1, CH)])
        pltpu.sync_copy(d1, ud_out.at[pl.ds(off1, CH)])
        return carry

    lax.fori_loop(0, HPAIRS, pair, 0)


import functools as _ft

EHALF = EPAD // 2


def _make_final_gather(half):
    return pl.kernel(
        _ft.partial(_final_gather_body, half),
        out_type=(jax.ShapeDtypeStruct((EHALF, D), jnp.float32),
                  jax.ShapeDtypeStruct((EHALF, D), jnp.float32)),
        mesh=_mesh,
        scratch_types=[
            pltpu.VMEM((HCH, CH), jnp.int32),
            pltpu.VMEM((HCH, CH), jnp.int32),
            pltpu.VMEM((CH, D), jnp.float32),
            pltpu.VMEM((CH, D), jnp.float32),
            pltpu.VMEM((CH, D), jnp.float32),
            pltpu.VMEM((CH, D), jnp.float32),
            pltpu.SemaphoreType.DMA,
            pltpu.SemaphoreType.DMA,
            pltpu.SemaphoreType.DMA,
            pltpu.SemaphoreType.DMA,
        ])


_final_gather0 = _make_final_gather(0)
_final_gather1 = _make_final_gather(1)



def _mm_body(h_ref, w_ref, o_ref):
    o_ref[...] = jnp.dot(h_ref[...], w_ref[...],
                         preferred_element_type=jnp.float32)


_mm = pl.pallas_call(_mm_body, out_shape=jax.ShapeDtypeStruct((N, D), jnp.float32))


def _combine_body(h_ref, agg_ref, deg_ref, ws_ref, b_ref, wn_ref, h_out, p_out):
    a = agg_ref[0, :N] + agg_ref[1, :N]
    dcol = deg_ref[0, :N, 0:1] + deg_ref[1, :N, 0:1]
    inv = 1.0 / jnp.maximum(dcol, 1.0)
    x = jnp.dot(h_ref[...], ws_ref[...], preferred_element_type=jnp.float32)
    x = x + a * inv + b_ref[...]
    hn = jnp.where(x > 0, x, 0.01 * x)
    h_out[...] = hn
    p_out[...] = jnp.dot(hn, wn_ref[...], preferred_element_type=jnp.float32)


_combine = pl.pallas_call(
    _combine_body,
    out_shape=(jax.ShapeDtypeStruct((N, D), jnp.float32),
               jax.ShapeDtypeStruct((N, D), jnp.float32)))


def _combine3_body(h_ref, agg_ref, deg_ref, ws_ref, b_ref, w1a_ref, w1b_ref,
                   bm1_ref, sp_out, dp_out):
    a = agg_ref[0, :N] + agg_ref[1, :N]
    dcol = deg_ref[0, :N, 0:1] + deg_ref[1, :N, 0:1]
    inv = 1.0 / jnp.maximum(dcol, 1.0)
    x = jnp.dot(h_ref[...], ws_ref[...], preferred_element_type=jnp.float32)
    x = x + a * inv + b_ref[...]
    hn = jnp.where(x > 0, x, 0.01 * x)
    sp_out[...] = jnp.dot(hn, w1a_ref[...],
                          preferred_element_type=jnp.float32) + bm1_ref[...]
    dp_out[...] = jnp.dot(hn, w1b_ref[...], preferred_element_type=jnp.float32)


_combine3 = pl.pallas_call(
    _combine3_body,
    out_shape=(jax.ShapeDtypeStruct((N, D), jnp.float32),
               jax.ShapeDtypeStruct((N, D), jnp.float32)))

EBLK = 2560


def _edge_mlp_body(us_ref, ud_ref, eft_ref, w1e_ref, w2_ref, bm2_ref, o_ref):
    ec = lax.dot_general(eft_ref[...], w1e_ref[...], (((0,), (0,)), ((), ())),
                         preferred_element_type=jnp.float32)
    z = us_ref[...] + ud_ref[...] + ec
    z = jnp.maximum(z, 0.0)
    o_ref[...] = lax.dot_general(w2_ref[...], z, (((0,), (1,)), ((), ())),
                                 preferred_element_type=jnp.float32) + bm2_ref[...]


EH0 = EPAD // 2
EH1 = E - EH0
_EOFF_BLKS = EH0 // EBLK


def _make_edge_mlp(half):
    nblk = (EH0 if half == 0 else EH1) // EBLK
    off = _EOFF_BLKS if half else 0
    return pl.pallas_call(
        _edge_mlp_body,
        grid=(nblk,),
        in_specs=[
            pl.BlockSpec((EBLK, D), lambda i: (i, 0)),
            pl.BlockSpec((EBLK, D), lambda i: (i, 0)),
            pl.BlockSpec((DE, EBLK), lambda i, _o=off: (0, _o + i)),
            pl.BlockSpec((DE, D), lambda i: (0, 0)),
            pl.BlockSpec((D, C), lambda i: (0, 0)),
            pl.BlockSpec((C, 1), lambda i: (0, 0)),
        ],
        out_specs=pl.BlockSpec((C, EBLK), lambda i: (0, i)),
        out_shape=jax.ShapeDtypeStruct((C, nblk * EBLK), jnp.float32))


_edge_mlp0 = _make_edge_mlp(0)
_edge_mlp1 = _make_edge_mlp(1)


def kernel(node_feats, edge_index, edge_feats,
           Ws0, Wn0, b0, Ws1, Wn1, b1, Ws2, Wn2, b2,
           W1, bm1, W2, bm2):
    src = edge_index[0]
    dst = edge_index[1]
    pad = EPAD - E
    spread = jnp.arange(pad, dtype=jnp.int32) % N
    src2d = jnp.concatenate([src, spread]).reshape(-1, CH)
    dst2d_s = jnp.concatenate(
        [dst, N + (jnp.arange(pad, dtype=jnp.int32) % 8)]).reshape(-1, CH)
    dst2d_g = jnp.concatenate([dst, spread]).reshape(-1, CH)
    z = jnp.zeros((N8, D), jnp.float32)
    ones_ch = jnp.ones((CH, D), jnp.float32)

    deg = _deg_hist(ones_ch, dst2d_s, z)
    p0 = _mm(node_feats, Wn0)
    agg0 = _seg_sum(p0, src2d, dst2d_s, z)
    h1, p1 = _combine(node_feats, agg0, deg, Ws0, b0.reshape(1, D), Wn1)
    agg1 = _seg_sum(p1, src2d, dst2d_s, z)
    h2, p2 = _combine(h1, agg1, deg, Ws1, b1.reshape(1, D), Wn2)
    agg2 = _seg_sum(p2, src2d, dst2d_s, z)
    sp, dp = _combine3(h2, agg2, deg, Ws2, b2.reshape(1, D),
                       W1[:D], W1[D:2 * D], bm1.reshape(1, D))
    us0, ud0 = _final_gather0(sp, dp, src2d, dst2d_g)
    us1, ud1 = _final_gather1(sp, dp, src2d, dst2d_g)
    eft = edge_feats.T
    w1e = W1[2 * D:]
    bm2c = bm2.reshape(C, 1)
    lt0 = _edge_mlp0(us0, ud0, eft, w1e, W2, bm2c)
    lt1 = _edge_mlp1(us1, ud1, eft, w1e, W2, bm2c)
    return jnp.concatenate([lt0, lt1], axis=1).T

# --- scband reference (transcript-rebuilt; emitter-appended) ---
"""Pipeline reference for scband-edge-classifier-59648505806951 (READ-ONLY COPY).

The authoritative reference and input builder live on the scoring server;
editing this copy changes nothing except your own understanding.
"""

import jax, jax.numpy as jnp
import numpy as np

N = 10000
E = 320000
D = 128
H = 128
C = 2
DE = 4


def setup_inputs(seed: int = 0) -> dict:
    key = jax.random.key(seed)
    ks = jax.random.split(key, 20)
    inp = {}
    inp["node_feats"] = jax.random.normal(ks[0], (N, D), dtype=jnp.float32)
    inp["edge_index"] = jax.random.randint(ks[1], (2, E), 0, N, dtype=jnp.int32)
    inp["edge_feats"] = jax.random.normal(ks[2], (E, DE), dtype=jnp.float32)
    # SAGEConv layer params: fc_self weight, fc_neigh weight, bias (3 layers, all 128->128)
    inp["Ws0"] = jax.random.normal(ks[3], (D, H), dtype=jnp.float32) * 0.05
    inp["Wn0"] = jax.random.normal(ks[4], (D, H), dtype=jnp.float32) * 0.05
    inp["b0"] = jnp.zeros((H,), dtype=jnp.float32)
    inp["Ws1"] = jax.random.normal(ks[5], (H, H), dtype=jnp.float32) * 0.05
    inp["Wn1"] = jax.random.normal(ks[6], (H, H), dtype=jnp.float32) * 0.05
    inp["b1"] = jnp.zeros((H,), dtype=jnp.float32)
    inp["Ws2"] = jax.random.normal(ks[7], (H, H), dtype=jnp.float32) * 0.05
    inp["Wn2"] = jax.random.normal(ks[8], (H, H), dtype=jnp.float32) * 0.05
    inp["b2"] = jnp.zeros((H,), dtype=jnp.float32)
    # edge MLP params
    inp["W1"] = jax.random.normal(ks[9], (2 * H + DE, H), dtype=jnp.float32) * 0.05
    inp["bm1"] = jnp.zeros((H,), dtype=jnp.float32)
    inp["W2"] = jax.random.normal(ks[10], (H, C), dtype=jnp.float32) * 0.05
    inp["bm2"] = jnp.zeros((C,), dtype=jnp.float32)
    return inp


def _sage_layer(h, src, dst, Ws, Wn, b):
    # DGL SAGEConv 'mean': mean-aggregate src features onto dst, then
    # rst = fc_self(h) + fc_neigh(h_neigh) + bias
    msg = h[src]
    agg = jax.ops.segment_sum(msg, dst, num_segments=N)
    deg = jax.ops.segment_sum(jnp.ones((src.shape[0],), h.dtype), dst, num_segments=N)
    agg = agg / jnp.maximum(deg, 1.0)[:, None]
    return h @ Ws + agg @ Wn + b


def reference(node_feats, edge_index, edge_feats,
              Ws0, Wn0, b0, Ws1, Wn1, b1, Ws2, Wn2, b2,
              W1, bm1, W2, bm2):
    src = edge_index[0]
    dst = edge_index[1]
    h = node_feats
    for Ws, Wn, b in ((Ws0, Wn0, b0), (Ws1, Wn1, b1), (Ws2, Wn2, b2)):
        h = _sage_layer(h, src, dst, Ws, Wn, b)
        h = jax.nn.leaky_relu(h, negative_slope=0.01)
        # dropout omitted (eval mode)
    src_h = h[src]
    dst_h = h[dst]
    edge_repr = jnp.concatenate([src_h, dst_h, edge_feats], axis=1)
    z = jax.nn.relu(edge_repr @ W1 + bm1)
    logits = z @ W2 + bm2
    return logits

if __name__ == "__main__":
    import jax
    _d = setup_inputs()
    print(jax.jit(kernel)(*tuple(_d.values())))

</pallas_src>

<mosaic_0001>
#map = affine_map<(d0, d1) -> (0, 0)>
#map1 = affine_map<(d0, d1) -> (0, 0, 0)>
module attributes {stable_mosaic.version = 14 : i64} {
  func.func @_seg_sum_body(%arg0: i32, %arg1: i32, %arg2: memref<10000x128xf32, #tpu.memory_space<hbm>>, %arg3: memref<2560x128xi32, #tpu.memory_space<hbm>>, %arg4: memref<2560x128xi32, #tpu.memory_space<hbm>>, %arg5: memref<10008x128xf32, #tpu.memory_space<hbm>>, %arg6: memref<2x10008x128xf32, #tpu.memory_space<hbm>>, %arg7: memref<40x128xi32, #tpu.memory_space<vmem>>, %arg8: memref<40x128xi32, #tpu.memory_space<vmem>>, %arg9: memref<128x128xf32, #tpu.memory_space<vmem>>, %arg10: memref<128x128xf32, #tpu.memory_space<vmem>>, %arg11: memref<10008x128xf32, #tpu.memory_space<vmem_shared>>, %arg12: memref<!tpu.dma_semaphore, #tpu.memory_space<semaphore_mem>>, %arg13: memref<!tpu.dma_semaphore, #tpu.memory_space<semaphore_mem>>) attributes {dimension_semantics = [#tpu.dimension_semantics<core_parallel>, #tpu.dimension_semantics<subcore_parallel>], iteration_bounds = array<i64: 2, 16>, scalar_prefetch = 0 : i64, scratch_operands = 7 : i64, tpu.core_type = #tpu.core_type<sc_vector_subcore>, window_params = [{transform_indices = #map}, {transform_indices = #map}, {transform_indices = #map}, {transform_indices = #map}, {transform_indices = #map1}]} {
    %mul3A = arith.constant 16 : i32
    %mul3A_0 = arith.muli %arg0, %mul3A : i32
    %add3A = arith.addi %mul3A_0, %arg1 : i32
    %mul3A_1 = arith.constant 80 : i32
    %mul3A_2 = arith.muli %add3A, %mul3A_1 : i32
    %multiple_of3A = tpu.assume_multiple %mul3A_2, 8 : i32
    %mul3A_3 = arith.constant 624 : i32
    %mul3A_4 = arith.muli %arg1, %mul3A_3 : i32
    "tpu.region"() ({
      %run_scoped3A = tpu.sem_alloc : memref<!tpu.dma_semaphore, #tpu.memory_space<semaphore_mem>>
      %dma_start3A_43 = arith.constant 0 : i32
      %dma_start3A_44 = tpu.memref_slice %arg11[%mul3A_4, %dma_start3A_43] : memref<10008x128xf32, #tpu.memory_space<vmem_shared>> -> memref<624x128xf32, #tpu.memory_space<vmem_shared>>
      %dma_start3A_45 = arith.constant 0 : i32
      %dma_start3A_46 = tpu.memref_slice %arg5[%mul3A_4, %dma_start3A_45] : memref<10008x128xf32, #tpu.memory_space<hbm>> -> memref<624x128xf32, #tpu.memory_space<hbm>>
      tpu.enqueue_dma source(%dma_start3A_46 : memref<624x128xf32, #tpu.memory_space<hbm>>) target(%dma_start3A_44 : memref<624x128xf32, #tpu.memory_space<vmem_shared>>) target_semaphore(%run_scoped3A : memref<!tpu.dma_semaphore, #tpu.memory_space<semaphore_mem>>)
      %dma_wait3A = arith.constant 0 : i32
      %dma_wait3A_47 = tpu.memref_slice %arg11[%mul3A_4, %dma_wait3A] : memref<10008x128xf32, #tpu.memory_space<vmem_shared>> -> memref<624x128xf32, #tpu.memory_space<vmem_shared>>
      %dma_wait3A_48 = arith.constant 0 : i32
      %dma_wait3A_49 = tpu.memref_slice %arg5[%mul3A_4, %dma_wait3A_48] : memref<10008x128xf32, #tpu.memory_space<hbm>> -> memref<624x128xf32, #tpu.memory_space<hbm>>
      tpu.wait_dma2 semaphore(%run_scoped3A : memref<!tpu.dma_semaphore, #tpu.memory_space<semaphore_mem>>) src(%dma_wait3A_49 : memref<624x128xf32, #tpu.memory_space<hbm>>) dst(%dma_wait3A_47 : memref<624x128xf32, #tpu.memory_space<vmem_shared>>)
      tpu.yield
    }) : () -> ()
    %eq3A = arith.constant 15 : i32
    %eq3A_5 = arith.cmpi eq, %arg1, %eq3A : i32
    %convert_element_type3A = arith.extui %eq3A_5 : i1 to i32
    %cond3A = arith.constant 0 : i32
    %cond3A_6 = arith.cmpi ne, %convert_element_type3A, %cond3A : i32
    scf.if %cond3A_6 {
      "tpu.region"() ({
        %run_scoped3A = tpu.sem_alloc : memref<!tpu.dma_semaphore, #tpu.memory_space<semaphore_mem>>
        %dma_start3A_43 = arith.constant 9984 : i32
        %dma_start3A_44 = arith.constant 0 : i32
        %dma_start3A_45 = tpu.memref_slice %arg11[%dma_start3A_43, %dma_start3A_44] : memref<10008x128xf32, #tpu.memory_space<vmem_shared>> -> memref<24x128xf32, #tpu.memory_space<vmem_shared>>
        %dma_start3A_46 = arith.constant 9984 : i32
        %dma_start3A_47 = arith.constant 0 : i32
        %dma_start3A_48 = tpu.memref_slice %arg5[%dma_start3A_46, %dma_start3A_47] : memref<10008x128xf32, #tpu.memory_space<hbm>> -> memref<24x128xf32, #tpu.memory_space<hbm>>
        tpu.enqueue_dma source(%dma_start3A_48 : memref<24x128xf32, #tpu.memory_space<hbm>>) target(%dma_start3A_45 : memref<24x128xf32, #tpu.memory_space<vmem_shared>>) target_semaphore(%run_scoped3A : memref<!tpu.dma_semaphore, #tpu.memory_space<semaphore_mem>>)
        %dma_wait3A = arith.constant 9984 : i32
        %dma_wait3A_49 = arith.constant 0 : i32
        %dma_wait3A_50 = tpu.memref_slice %arg11[%dma_wait3A, %dma_wait3A_49] : memref<10008x128xf32, #tpu.memory_space<vmem_shared>> -> memref<24x128xf32, #tpu.memory_space<vmem_shared>>
        %dma_wait3A_51 = arith.constant 9984 : i32
        %dma_wait3A_52 = arith.constant 0 : i32
        %dma_wait3A_53 = tpu.memref_slice %arg5[%dma_wait3A_51, %dma_wait3A_52] : memref<10008x128xf32, #tpu.memory_space<hbm>> -> memref<24x128xf32, #tpu.memory_space<hbm>>
        tpu.wait_dma2 semaphore(%run_scoped3A : memref<!tpu.dma_semaphore, #tpu.memory_space<semaphore_mem>>) src(%dma_wait3A_53 : memref<24x128xf32, #tpu.memory_space<hbm>>) dst(%dma_wait3A_50 : memref<24x128xf32, #tpu.memory_space<vmem_shared>>)
        tpu.yield
      }) : () -> ()
    } else {
    }
    %barrier3A = arith.constant 0 : index
    tpu.barrier barrier_id(%barrier3A)
    %multiple_of3A_7 = tpu.assume_multiple %multiple_of3A, 8 : i32
    "tpu.region"() ({
      %run_scoped3A = tpu.sem_alloc : memref<!tpu.dma_semaphore, #tpu.memory_space<semaphore_mem>>
      %dma_start3A_43 = arith.constant 0 : i32
      %dma_start3A_44 = tpu.memref_slice %arg3[%multiple_of3A_7, %dma_start3A_43] : memref<2560x128xi32, #tpu.memory_space<hbm>> -> memref<40x128xi32, #tpu.memory_space<hbm>>
      %dma_start3A_45 = arith.constant 0 : i32
      %dma_start3A_46 = tpu.memref_slice %arg3[%multiple_of3A_7, %dma_start3A_45] : memref<2560x128xi32, #tpu.memory_space<hbm>> -> memref<40x128xi32, #tpu.memory_space<hbm>>
      tpu.enqueue_dma source(%dma_start3A_46 : memref<40x128xi32, #tpu.memory_space<hbm>>) target(%arg7 : memref<40x128xi32, #tpu.memory_space<vmem>>) target_semaphore(%run_scoped3A : memref<!tpu.dma_semaphore, #tpu.memory_space<semaphore_mem>>)
      %dma_wait3A = arith.constant 0 : i32
      %dma_wait3A_47 = tpu.memref_slice %arg3[%multiple_of3A_7, %dma_wait3A] : memref<2560x128xi32, #tpu.memory_space<hbm>> -> memref<40x128xi32, #tpu.memory_space<hbm>>
      %dma_wait3A_48 = arith.constant 0 : i32
      %dma_wait3A_49 = tpu.memref_slice %arg3[%multiple_of3A_7, %dma_wait3A_48] : memref<2560x128xi32, #tpu.memory_space<hbm>> -> memref<40x128xi32, #tpu.memory_space<hbm>>
      tpu.wait_dma2 semaphore(%run_scoped3A : memref<!tpu.dma_semaphore, #tpu.memory_space<semaphore_mem>>) src(%dma_wait3A_49 : memref<40x128xi32, #tpu.memory_space<hbm>>) dst(%arg7 : memref<40x128xi32, #tpu.memory_space<vmem>>)
      tpu.yield
    }) : () -> ()
    "tpu.region"() ({
      %run_scoped3A = tpu.sem_alloc : memref<!tpu.dma_semaphore, #tpu.memory_space<semaphore_mem>>
      %dma_start3A_43 = arith.constant 0 : i32
      %dma_start3A_44 = tpu.memref_slice %arg4[%multiple_of3A_7, %dma_start3A_43] : memref<2560x128xi32, #tpu.memory_space<hbm>> -> memref<40x128xi32, #tpu.memory_space<hbm>>
      %dma_start3A_45 = arith.constant 0 : i32
      %dma_start3A_46 = tpu.memref_slice %arg4[%multiple_of3A_7, %dma_start3A_45] : memref<2560x128xi32, #tpu.memory_space<hbm>> -> memref<40x128xi32, #tpu.memory_space<hbm>>
      tpu.enqueue_dma source(%dma_start3A_46 : memref<40x128xi32, #tpu.memory_space<hbm>>) target(%arg8 : memref<40x128xi32, #tpu.memory_space<vmem>>) target_semaphore(%run_scoped3A : memref<!tpu.dma_semaphore, #tpu.memory_space<semaphore_mem>>)
      %dma_wait3A = arith.constant 0 : i32
      %dma_wait3A_47 = tpu.memref_slice %arg4[%multiple_of3A_7, %dma_wait3A] : memref<2560x128xi32, #tpu.memory_space<hbm>> -> memref<40x128xi32, #tpu.memory_space<hbm>>
      %dma_wait3A_48 = arith.constant 0 : i32
      %dma_wait3A_49 = tpu.memref_slice %arg4[%multiple_of3A_7, %dma_wait3A_48] : memref<2560x128xi32, #tpu.memory_space<hbm>> -> memref<40x128xi32, #tpu.memory_space<hbm>>
      tpu.wait_dma2 semaphore(%run_scoped3A : memref<!tpu.dma_semaphore, #tpu.memory_space<semaphore_mem>>) src(%dma_wait3A_49 : memref<40x128xi32, #tpu.memory_space<hbm>>) dst(%arg8 : memref<40x128xi32, #tpu.memory_space<vmem>>)
      tpu.yield
    }) : () -> ()
    %dma_start3A = arith.constant 0 : i32
    %dma_start3A_8 = arith.constant 0 : i32
    %dma_start3A_9 = tpu.memref_slice %arg7[%dma_start3A, %dma_start3A_8] : memref<40x128xi32, #tpu.memory_space<vmem>> -> memref<1x128xi32, #tpu.memory_space<vmem>>
    %dma_start3A_10 = tpu.memref_squeeze %dma_start3A_9 : memref<1x128xi32, #tpu.memory_space<vmem>> -> memref<128xi32, #tpu.memory_space<vmem>>
    %dma_start3A_11 = arith.constant 0 : i32
    %dma_start3A_12 = arith.constant 0 : i32
    %dma_start3A_13 = tpu.memref_slice %arg2[%dma_start3A_11, %dma_start3A_12] : memref<10000x128xf32, #tpu.memory_space<hbm>> -> memref<10000x128xf32, #tpu.memory_space<hbm>>
    tpu.enqueue_indirect_dma source(%dma_start3A_13 : memref<10000x128xf32, #tpu.memory_space<hbm>>) target(%arg9 : memref<128x128xf32, #tpu.memory_space<vmem>>) offsets(%dma_start3A_10 : memref<128xi32, #tpu.memory_space<vmem>>) semaphore(%arg12 : memref<!tpu.dma_semaphore, #tpu.memory_space<semaphore_mem>>)
    %scan3A = arith.constant 0 : i32
    %scan3A_14 = arith.constant 0 : i32
    %scan3A_15 = arith.constant 20 : i32
    %scan3A_16 = arith.addi %scan3A_14, %scan3A_15 : i32
    %scan3A_17 = arith.constant 1 : i32
    scf.for %scan3A_43 = %scan3A_14 to %scan3A_16 step %scan3A_17  : i32 {
      %mul3A_44 = arith.constant 2 : i32
      %mul3A_45 = arith.muli %mul3A_44, %scan3A_43 : i32
      %add3A_46 = arith.constant 1 : i32
      %add3A_47 = arith.addi %mul3A_45, %add3A_46 : i32
      %dma_start3A_48 = arith.constant 0 : i32
      %dma_start3A_49 = tpu.memref_slice %arg7[%add3A_47, %dma_start3A_48] : memref<40x128xi32, #tpu.memory_space<vmem>> -> memref<1x128xi32, #tpu.memory_space<vmem>>
      %dma_start3A_50 = tpu.memref_squeeze %dma_start3A_49 : memref<1x128xi32, #tpu.memory_space<vmem>> -> memref<128xi32, #tpu.memory_space<vmem>>
      %dma_start3A_51 = arith.constant 0 : i32
      %dma_start3A_52 = arith.constant 0 : i32
      %dma_start3A_53 = tpu.memref_slice %arg2[%dma_start3A_51, %dma_start3A_52] : memref<10000x128xf32, #tpu.memory_space<hbm>> -> memref<10000x128xf32, #tpu.memory_space<hbm>>
      tpu.enqueue_indirect_dma source(%dma_start3A_53 : memref<10000x128xf32, #tpu.memory_space<hbm>>) target(%arg10 : memref<128x128xf32, #tpu.memory_space<vmem>>) offsets(%dma_start3A_50 : memref<128xi32, #tpu.memory_space<vmem>>) semaphore(%arg13 : memref<!tpu.dma_semaphore, #tpu.memory_space<semaphore_mem>>)
      %dma_wait3A = arith.constant 0 : i32
      %dma_wait3A_54 = arith.constant 0 : i32
      %dma_wait3A_55 = tpu.memref_slice %arg7[%dma_wait3A, %dma_wait3A_54] : memref<40x128xi32, #tpu.memory_space<vmem>> -> memref<1x128xi32, #tpu.memory_space<vmem>>
      %dma_wait3A_56 = tpu.memref_squeeze %dma_wait3A_55 : memref<1x128xi32, #tpu.memory_space<vmem>> -> memref<128xi32, #tpu.memory_space<vmem>>
      %dma_wait3A_57 = arith.constant 0 : i32
      %dma_wait3A_58 = arith.constant 0 : i32
      %dma_wait3A_59 = tpu.memref_slice %arg2[%dma_wait3A_57, %dma_wait3A_58] : memref<10000x128xf32, #tpu.memory_space<hbm>> -> memref<10000x128xf32, #tpu.memory_space<hbm>>
      tpu.wait_indirect_dma semaphore(%arg12 : memref<!tpu.dma_semaphore, #tpu.memory_space<semaphore_mem>>) src(%dma_wait3A_59 : memref<10000x128xf32, #tpu.memory_space<hbm>>) dst(%arg9 : memref<128x128xf32, #tpu.memory_space<vmem>>)
      "tpu.region"() ({
        %run_scoped3A = tpu.sem_alloc : memref<!tpu.dma_semaphore, #tpu.memory_space<semaphore_mem>>
        %dma_start3A_73 = arith.constant 0 : i32
        %dma_start3A_74 = tpu.memref_slice %arg8[%mul3A_45, %dma_start3A_73] : memref<40x128xi32, #tpu.memory_space<vmem>> -> memref<1x128xi32, #tpu.memory_space<vmem>>
        %dma_start3A_75 = tpu.memref_squeeze %dma_start3A_74 : memref<1x128xi32, #tpu.memory_space<vmem>> -> memref<128xi32, #tpu.memory_space<vmem>>
        %dma_start3A_76 = arith.constant 0 : i32
        %dma_start3A_77 = arith.constant 0 : i32
        %dma_start3A_78 = tpu.memref_slice %arg11[%dma_start3A_76, %dma_start3A_77] : memref<10008x128xf32, #tpu.memory_space<vmem_shared>> -> memref<10008x128xf32, #tpu.memory_space<vmem_shared>>
        tpu.enqueue_indirect_dma source(%arg9 : memref<128x128xf32, #tpu.memory_space<vmem>>) target(%dma_start3A_78 : memref<10008x128xf32, #tpu.memory_space<vmem_shared>>) offsets(%dma_start3A_75 : memref<128xi32, #tpu.memory_space<vmem>>) semaphore(%run_scoped3A : memref<!tpu.dma_semaphore, #tpu.memory_space<semaphore_mem>>) {add = true}
        %dma_wait3A_79 = arith.constant 0 : i32
        %dma_wait3A_80 = tpu.memref_slice %arg8[%mul3A_45, %dma_wait3A_79] : memref<40x128xi32, #tpu.memory_space<vmem>> -> memref<1x128xi32, #tpu.memory_space<vmem>>
        %dma_wait3A_81 = tpu.memref_squeeze %dma_wait3A_80 : memref<1x128xi32, #tpu.memory_space<vmem>> -> memref<128xi32, #tpu.memory_space<vmem>>
        %dma_wait3A_82 = arith.constant 0 : i32
        %dma_wait3A_83 = arith.constant 0 : i32
        %dma_wait3A_84 = tpu.memref_slice %arg11[%dma_wait3A_82, %dma_wait3A_83] : memref<10008x128xf32, #tpu.memory_space<vmem_shared>> -> memref<10008x128xf32, #tpu.memory_space<vmem_shared>>
        tpu.wait_indirect_dma semaphore(%run_scoped3A : memref<!tpu.dma_semaphore, #tpu.memory_space<semaphore_mem>>) src(%arg9 : memref<128x128xf32, #tpu.memory_space<vmem>>) dst(%dma_wait3A_84 : memref<10008x128xf32, #tpu.memory_space<vmem_shared>>)
        tpu.yield
      }) : () -> ()
      %lt3A = arith.constant 19 : i32
      %lt3A_60 = arith.cmpi slt, %scan3A_43, %lt3A : i32
      %convert_element_type3A_61 = arith.extui %lt3A_60 : i1 to i32
      %cond3A_62 = arith.constant 0 : i32
      %cond3A_63 = arith.cmpi ne, %convert_element_type3A_61, %cond3A_62 : i32
      scf.if %cond3A_63 {
        %add3A_73 = arith.constant 2 : i32
        %add3A_74 = arith.addi %mul3A_45, %add3A_73 : i32
        %dma_start3A_75 = arith.constant 0 : i32
        %dma_start3A_76 = tpu.memref_slice %arg7[%add3A_74, %dma_start3A_75] : memref<40x128xi32, #tpu.memory_space<vmem>> -> memref<1x128xi32, #tpu.memory_space<vmem>>
        %dma_start3A_77 = tpu.memref_squeeze %dma_start3A_76 : memref<1x128xi32, #tpu.memory_space<vmem>> -> memref<128xi32, #tpu.memory_space<vmem>>
        %dma_start3A_78 = arith.constant 0 : i32
        %dma_start3A_79 = arith.constant 0 : i32
        %dma_start3A_80 = tpu.memref_slice %arg2[%dma_start3A_78, %dma_start3A_79] : memref<10000x128xf32, #tpu.memory_space<hbm>> -> memref<10000x128xf32, #tpu.memory_space<hbm>>
        tpu.enqueue_indirect_dma source(%dma_start3A_80 : memref<10000x128xf32, #tpu.memory_space<hbm>>) target(%arg9 : memref<128x128xf32, #tpu.memory_space<vmem>>) offsets(%dma_start3A_77 : memref<128xi32, #tpu.memory_space<vmem>>) semaphore(%arg12 : memref<!tpu.dma_semaphore, #tpu.memory_space<semaphore_mem>>)
      } else {
      }
      %dma_wait3A_64 = arith.constant 0 : i32
      %dma_wait3A_65 = arith.constant 0 : i32
      %dma_wait3A_66 = tpu.memref_slice %arg7[%dma_wait3A_64, %dma_wait3A_65] : memref<40x128xi32, #tpu.memory_space<vmem>> -> memref<1x128xi32, #tpu.memory_space<vmem>>
      %dma_wait3A_67 = tpu.memref_squeeze %dma_wait3A_66 : memref<1x128xi32, #tpu.memory_space<vmem>> -> memref<128xi32, #tpu.memory_space<vmem>>
      %dma_wait3A_68 = arith.constant 0 : i32
      %dma_wait3A_69 = arith.constant 0 : i32
      %dma_wait3A_70 = tpu.memref_slice %arg2[%dma_wait3A_68, %dma_wait3A_69] : memref<10000x128xf32, #tpu.memory_space<hbm>> -> memref<10000x128xf32, #tpu.memory_space<hbm>>
      tpu.wait_indirect_dma semaphore(%arg13 : memref<!tpu.dma_semaphore, #tpu.memory_space<semaphore_mem>>) src(%dma_wait3A_70 : memref<10000x128xf32, #tpu.memory_space<hbm>>) dst(%arg10 : memref<128x128xf32, #tpu.memory_space<vmem>>)
      %add3A_71 = arith.constant 1 : i32
      %add3A_72 = arith.addi %mul3A_45, %add3A_71 : i32
      "tpu.region"() ({
        %run_scoped3A = tpu.sem_alloc : memref<!tpu.dma_semaphore, #tpu.memory_space<semaphore_mem>>
        %dma_start3A_73 = arith.constant 0 : i32
        %dma_start3A_74 = tpu.memref_slice %arg8[%add3A_72, %dma_start3A_73] : memref<40x128xi32, #tpu.memory_space<vmem>> -> memref<1x128xi32, #tpu.memory_space<vmem>>
        %dma_start3A_75 = tpu.memref_squeeze %dma_start3A_74 : memref<1x128xi32, #tpu.memory_space<vmem>> -> memref<128xi32, #tpu.memory_space<vmem>>
        %dma_start3A_76 = arith.constant 0 : i32
        %dma_start3A_77 = arith.constant 0 : i32
        %dma_start3A_78 = tpu.memref_slice %arg11[%dma_start3A_76, %dma_start3A_77] : memref<10008x128xf32, #tpu.memory_space<vmem_shared>> -> memref<10008x128xf32, #tpu.memory_space<vmem_shared>>
        tpu.enqueue_indirect_dma source(%arg10 : memref<128x128xf32, #tpu.memory_space<vmem>>) target(%dma_start3A_78 : memref<10008x128xf32, #tpu.memory_space<vmem_shared>>) offsets(%dma_start3A_75 : memref<128xi32, #tpu.memory_space<vmem>>) semaphore(%run_scoped3A : memref<!tpu.dma_semaphore, #tpu.memory_space<semaphore_mem>>) {add = true}
        %dma_wait3A_79 = arith.constant 0 : i32
        %dma_wait3A_80 = tpu.memref_slice %arg8[%add3A_72, %dma_wait3A_79] : memref<40x128xi32, #tpu.memory_space<vmem>> -> memref<1x128xi32, #tpu.memory_space<vmem>>
        %dma_wait3A_81 = tpu.memref_squeeze %dma_wait3A_80 : memref<1x128xi32, #tpu.memory_space<vmem>> -> memref<128xi32, #tpu.memory_space<vmem>>
        %dma_wait3A_82 = arith.constant 0 : i32
        %dma_wait3A_83 = arith.constant 0 : i32
        %dma_wait3A_84 = tpu.memref_slice %arg11[%dma_wait3A_82, %dma_wait3A_83] : memref<10008x128xf32, #tpu.memory_space<vmem_shared>> -> memref<10008x128xf32, #tpu.memory_space<vmem_shared>>
        tpu.wait_indirect_dma semaphore(%run_scoped3A : memref<!tpu.dma_semaphore, #tpu.memory_space<semaphore_mem>>) src(%arg10 : memref<128x128xf32, #tpu.memory_space<vmem>>) dst(%dma_wait3A_84 : memref<10008x128xf32, #tpu.memory_space<vmem_shared>>)
        tpu.yield
      }) : () -> ()
    }
    %scan3A_18 = arith.constant 20 : i32
    %add3A_19 = arith.constant 40 : i32
    %add3A_20 = arith.addi %multiple_of3A, %add3A_19 : i32
    %multiple_of3A_21 = tpu.assume_multiple %add3A_20, 8 : i32
    "tpu.region"() ({
      %run_scoped3A = tpu.sem_alloc : memref<!tpu.dma_semaphore, #tpu.memory_space<semaphore_mem>>
      %dma_start3A_43 = arith.constant 0 : i32
      %dma_start3A_44 = tpu.memref_slice %arg3[%multiple_of3A_21, %dma_start3A_43] : memref<2560x128xi32, #tpu.memory_space<hbm>> -> memref<40x128xi32, #tpu.memory_space<hbm>>
      %dma_start3A_45 = arith.constant 0 : i32
      %dma_start3A_46 = tpu.memref_slice %arg3[%multiple_of3A_21, %dma_start3A_45] : memref<2560x128xi32, #tpu.memory_space<hbm>> -> memref<40x128xi32, #tpu.memory_space<hbm>>
      tpu.enqueue_dma source(%dma_start3A_46 : memref<40x128xi32, #tpu.memory_space<hbm>>) target(%arg7 : memref<40x128xi32, #tpu.memory_space<vmem>>) target_semaphore(%run_scoped3A : memref<!tpu.dma_semaphore, #tpu.memory_space<semaphore_mem>>)
      %dma_wait3A = arith.constant 0 : i32
      %dma_wait3A_47 = tpu.memref_slice %arg3[%multiple_of3A_21, %dma_wait3A] : memref<2560x128xi32, #tpu.memory_space<hbm>> -> memref<40x128xi32, #tpu.memory_space<hbm>>
      %dma_wait3A_48 = arith.constant 0 : i32
      %dma_wait3A_49 = tpu.memref_slice %arg3[%multiple_of3A_21, %dma_wait3A_48] : memref<2560x128xi32, #tpu.memory_space<hbm>> -> memref<40x128xi32, #tpu.memory_space<hbm>>
      tpu.wait_dma2 semaphore(%run_scoped3A : memref<!tpu.dma_semaphore, #tpu.memory_space<semaphore_mem>>) src(%dma_wait3A_49 : memref<40x128xi32, #tpu.memory_space<hbm>>) dst(%arg7 : memref<40x128xi32, #tpu.memory_space<vmem>>)
      tpu.yield
    }) : () -> ()
    "tpu.region"() ({
      %run_scoped3A = tpu.sem_alloc : memref<!tpu.dma_semaphore, #tpu.memory_space<semaphore_mem>>
      %dma_start3A_43 = arith.constant 0 : i32
      %dma_start3A_44 = tpu.memref_slice %arg4[%multiple_of3A_21, %dma_start3A_43] : memref<2560x128xi32, #tpu.memory_space<hbm>> -> memref<40x128xi32, #tpu.memory_space<hbm>>
      %dma_start3A_45 = arith.constant 0 : i32
      %dma_start3A_46 = tpu.memref_slice %arg4[%multiple_of3A_21, %dma_start3A_45] : memref<2560x128xi32, #tpu.memory_space<hbm>> -> memref<40x128xi32, #tpu.memory_space<hbm>>
      tpu.enqueue_dma source(%dma_start3A_46 : memref<40x128xi32, #tpu.memory_space<hbm>>) target(%arg8 : memref<40x128xi32, #tpu.memory_space<vmem>>) target_semaphore(%run_scoped3A : memref<!tpu.dma_semaphore, #tpu.memory_space<semaphore_mem>>)
      %dma_wait3A = arith.constant 0 : i32
      %dma_wait3A_47 = tpu.memref_slice %arg4[%multiple_of3A_21, %dma_wait3A] : memref<2560x128xi32, #tpu.memory_space<hbm>> -> memref<40x128xi32, #tpu.memory_space<hbm>>
      %dma_wait3A_48 = arith.constant 0 : i32
      %dma_wait3A_49 = tpu.memref_slice %arg4[%multiple_of3A_21, %dma_wait3A_48] : memref<2560x128xi32, #tpu.memory_space<hbm>> -> memref<40x128xi32, #tpu.memory_space<hbm>>
      tpu.wait_dma2 semaphore(%run_scoped3A : memref<!tpu.dma_semaphore, #tpu.memory_space<semaphore_mem>>) src(%dma_wait3A_49 : memref<40x128xi32, #tpu.memory_space<hbm>>) dst(%arg8 : memref<40x128xi32, #tpu.memory_space<vmem>>)
      tpu.yield
    }) : () -> ()
    %dma_start3A_22 = arith.constant 0 : i32
    %dma_start3A_23 = arith.constant 0 : i32
    %dma_start3A_24 = tpu.memref_slice %arg7[%dma_start3A_22, %dma_start3A_23] : memref<40x128xi32, #tpu.memory_space<vmem>> -> memref<1x128xi32, #tpu.memory_space<vmem>>
    %dma_start3A_25 = tpu.memref_squeeze %dma_start3A_24 : memref<1x128xi32, #tpu.memory_space<vmem>> -> memref<128xi32, #tpu.memory_space<vmem>>
    %dma_start3A_26 = arith.constant 0 : i32
    %dma_start3A_27 = arith.constant 0 : i32
    %dma_start3A_28 = tpu.memref_slice %arg2[%dma_start3A_26, %dma_start3A_27] : memref<10000x128xf32, #tpu.memory_space<hbm>> -> memref<10000x128xf32, #tpu.memory_space<hbm>>
    tpu.enqueue_indirect_dma source(%dma_start3A_28 : memref<10000x128xf32, #tpu.memory_space<hbm>>) target(%arg9 : memref<128x128xf32, #tpu.memory_space<vmem>>) offsets(%dma_start3A_25 : memref<128xi32, #tpu.memory_space<vmem>>) semaphore(%arg12 : memref<!tpu.dma_semaphore, #tpu.memory_space<semaphore_mem>>)
    %scan3A_29 = arith.constant 0 : i32
    %scan3A_30 = arith.constant 0 : i32
    %scan3A_31 = arith.constant 20 : i32
    %scan3A_32 = arith.addi %scan3A_30, %scan3A_31 : i32
    %scan3A_33 = arith.constant 1 : i32
    scf.for %scan3A_43 = %scan3A_30 to %scan3A_32 step %scan3A_33  : i32 {
      %mul3A_44 = arith.constant 2 : i32
      %mul3A_45 = arith.muli %mul3A_44, %scan3A_43 : i32
      %add3A_46 = arith.constant 1 : i32
      %add3A_47 = arith.addi %mul3A_45, %add3A_46 : i32
      %dma_start3A_48 = arith.constant 0 : i32
      %dma_start3A_49 = tpu.memref_slice %arg7[%add3A_47, %dma_start3A_48] : memref<40x128xi32, #tpu.memory_space<vmem>> -> memref<1x128xi32, #tpu.memory_space<vmem>>
      %dma_start3A_50 = tpu.memref_squeeze %dma_start3A_49 : memref<1x128xi32, #tpu.memory_space<vmem>> -> memref<128xi32, #tpu.memory_space<vmem>>
      %dma_start3A_51 = arith.constant 0 : i32
      %dma_start3A_52 = arith.constant 0 : i32
      %dma_start3A_53 = tpu.memref_slice %arg2[%dma_start3A_51, %dma_start3A_52] : memref<10000x128xf32, #tpu.memory_space<hbm>> -> memref<10000x128xf32, #tpu.memory_space<hbm>>
      tpu.enqueue_indirect_dma source(%dma_start3A_53 : memref<10000x128xf32, #tpu.memory_space<hbm>>) target(%arg10 : memref<128x128xf32, #tpu.memory_space<vmem>>) offsets(%dma_start3A_50 : memref<128xi32, #tpu.memory_space<vmem>>) semaphore(%arg13 : memref<!tpu.dma_semaphore, #tpu.memory_space<semaphore_mem>>)
      %dma_wait3A = arith.constant 0 : i32
      %dma_wait3A_54 = arith.constant 0 : i32
      %dma_wait3A_55 = tpu.memref_slice %arg7[%dma_wait3A, %dma_wait3A_54] : memref<40x128xi32, #tpu.memory_space<vmem>> -> memref<1x128xi32, #tpu.memory_space<vmem>>
      %dma_wait3A_56 = tpu.memref_squeeze %dma_wait3A_55 : memref<1x128xi32, #tpu.memory_space<vmem>> -> memref<128xi32, #tpu.memory_space<vmem>>
      %dma_wait3A_57 = arith.constant 0 : i32
      %dma_wait3A_58 = arith.constant 0 : i32
      %dma_wait3A_59 = tpu.memref_slice %arg2[%dma_wait3A_57, %dma_wait3A_58] : memref<10000x128xf32, #tpu.memory_space<hbm>> -> memref<10000x128xf32, #tpu.memory_space<hbm>>
      tpu.wait_indirect_dma semaphore(%arg12 : memref<!tpu.dma_semaphore, #tpu.memory_space<semaphore_mem>>) src(%dma_wait3A_59 : memref<10000x128xf32, #tpu.memory_space<hbm>>) dst(%arg9 : memref<128x128xf32, #tpu.memory_space<vmem>>)
      "tpu.region"() ({
        %run_scoped3A = tpu.sem_alloc : memref<!tpu.dma_semaphore, #tpu.memory_space<semaphore_mem>>
        %dma_start3A_73 = arith.constant 0 : i32
        %dma_start3A_74 = tpu.memref_slice %arg8[%mul3A_45, %dma_start3A_73] : memref<40x128xi32, #tpu.memory_space<vmem>> -> memref<1x128xi32, #tpu.memory_space<vmem>>
        %dma_start3A_75 = tpu.memref_squeeze %dma_start3A_74 : memref<1x128xi32, #tpu.memory_space<vmem>> -> memref<128xi32, #tpu.memory_space<vmem>>
        %dma_start3A_76 = arith.constant 0 : i32
        %dma_start3A_77 = arith.constant 0 : i32
        %dma_start3A_78 = tpu.memref_slice %arg11[%dma_start3A_76, %dma_start3A_77] : memref<10008x128xf32, #tpu.memory_space<vmem_shared>> -> memref<10008x128xf32, #tpu.memory_space<vmem_shared>>
        tpu.enqueue_indirect_dma source(%arg9 : memref<128x128xf32, #tpu.memory_space<vmem>>) target(%dma_start3A_78 : memref<10008x128xf32, #tpu.memory_space<vmem_shared>>) offsets(%dma_start3A_75 : memref<128xi32, #tpu.memory_space<vmem>>) semaphore(%run_scoped3A : memref<!tpu.dma_semaphore, #tpu.memory_space<semaphore_mem>>) {add = true}
        %dma_wait3A_79 = arith.constant 0 : i32
        %dma_wait3A_80 = tpu.memref_slice %arg8[%mul3A_45, %dma_wait3A_79] : memref<40x128xi32, #tpu.memory_space<vmem>> -> memref<1x128xi32, #tpu.memory_space<vmem>>
        %dma_wait3A_81 = tpu.memref_squeeze %dma_wait3A_80 : memref<1x128xi32, #tpu.memory_space<vmem>> -> memref<128xi32, #tpu.memory_space<vmem>>
        %dma_wait3A_82 = arith.constant 0 : i32
        %dma_wait3A_83 = arith.constant 0 : i32
        %dma_wait3A_84 = tpu.memref_slice %arg11[%dma_wait3A_82, %dma_wait3A_83] : memref<10008x128xf32, #tpu.memory_space<vmem_shared>> -> memref<10008x128xf32, #tpu.memory_space<vmem_shared>>
        tpu.wait_indirect_dma semaphore(%run_scoped3A : memref<!tpu.dma_semaphore, #tpu.memory_space<semaphore_mem>>) src(%arg9 : memref<128x128xf32, #tpu.memory_space<vmem>>) dst(%dma_wait3A_84 : memref<10008x128xf32, #tpu.memory_space<vmem_shared>>)
        tpu.yield
      }) : () -> ()
      %lt3A = arith.constant 19 : i32
      %lt3A_60 = arith.cmpi slt, %scan3A_43, %lt3A : i32
      %convert_element_type3A_61 = arith.extui %lt3A_60 : i1 to i32
      %cond3A_62 = arith.constant 0 : i32
      %cond3A_63 = arith.cmpi ne, %convert_element_type3A_61, %cond3A_62 : i32
      scf.if %cond3A_63 {
        %add3A_73 = arith.constant 2 : i32
        %add3A_74 = arith.addi %mul3A_45, %add3A_73 : i32
        %dma_start3A_75 = arith.constant 0 : i32
        %dma_start3A_76 = tpu.memref_slice %arg7[%add3A_74, %dma_start3A_75] : memref<40x128xi32, #tpu.memory_space<vmem>> -> memref<1x128xi32, #tpu.memory_space<vmem>>
        %dma_start3A_77 = tpu.memref_squeeze %dma_start3A_76 : memref<1x128xi32, #tpu.memory_space<vmem>> -> memref<128xi32, #tpu.memory_space<vmem>>
        %dma_start3A_78 = arith.constant 0 : i32
        %dma_start3A_79 = arith.constant 0 : i32
        %dma_start3A_80 = tpu.memref_slice %arg2[%dma_start3A_78, %dma_start3A_79] : memref<10000x128xf32, #tpu.memory_space<hbm>> -> memref<10000x128xf32, #tpu.memory_space<hbm>>
        tpu.enqueue_indirect_dma source(%dma_start3A_80 : memref<10000x128xf32, #tpu.memory_space<hbm>>) target(%arg9 : memref<128x128xf32, #tpu.memory_space<vmem>>) offsets(%dma_start3A_77 : memref<128xi32, #tpu.memory_space<vmem>>) semaphore(%arg12 : memref<!tpu.dma_semaphore, #tpu.memory_space<semaphore_mem>>)
      } else {
      }
      %dma_wait3A_64 = arith.constant 0 : i32
      %dma_wait3A_65 = arith.constant 0 : i32
      %dma_wait3A_66 = tpu.memref_slice %arg7[%dma_wait3A_64, %dma_wait3A_65] : memref<40x128xi32, #tpu.memory_space<vmem>> -> memref<1x128xi32, #tpu.memory_space<vmem>>
      %dma_wait3A_67 = tpu.memref_squeeze %dma_wait3A_66 : memref<1x128xi32, #tpu.memory_space<vmem>> -> memref<128xi32, #tpu.memory_space<vmem>>
      %dma_wait3A_68 = arith.constant 0 : i32
      %dma_wait3A_69 = arith.constant 0 : i32
      %dma_wait3A_70 = tpu.memref_slice %arg2[%dma_wait3A_68, %dma_wait3A_69] : memref<10000x128xf32, #tpu.memory_space<hbm>> -> memref<10000x128xf32, #tpu.memory_space<hbm>>
      tpu.wait_indirect_dma semaphore(%arg13 : memref<!tpu.dma_semaphore, #tpu.memory_space<semaphore_mem>>) src(%dma_wait3A_70 : memref<10000x128xf32, #tpu.memory_space<hbm>>) dst(%arg10 : memref<128x128xf32, #tpu.memory_space<vmem>>)
      %add3A_71 = arith.constant 1 : i32
      %add3A_72 = arith.addi %mul3A_45, %add3A_71 : i32
      "tpu.region"() ({
        %run_scoped3A = tpu.sem_alloc : memref<!tpu.dma_semaphore, #tpu.memory_space<semaphore_mem>>
        %dma_start3A_73 = arith.constant 0 : i32
        %dma_start3A_74 = tpu.memref_slice %arg8[%add3A_72, %dma_start3A_73] : memref<40x128xi32, #tpu.memory_space<vmem>> -> memref<1x128xi32, #tpu.memory_space<vmem>>
        %dma_start3A_75 = tpu.memref_squeeze %dma_start3A_74 : memref<1x128xi32, #tpu.memory_space<vmem>> -> memref<128xi32, #tpu.memory_space<vmem>>
        %dma_start3A_76 = arith.constant 0 : i32
        %dma_start3A_77 = arith.constant 0 : i32
        %dma_start3A_78 = tpu.memref_slice %arg11[%dma_start3A_76, %dma_start3A_77] : memref<10008x128xf32, #tpu.memory_space<vmem_shared>> -> memref<10008x128xf32, #tpu.memory_space<vmem_shared>>
        tpu.enqueue_indirect_dma source(%arg10 : memref<128x128xf32, #tpu.memory_space<vmem>>) target(%dma_start3A_78 : memref<10008x128xf32, #tpu.memory_space<vmem_shared>>) offsets(%dma_start3A_75 : memref<128xi32, #tpu.memory_space<vmem>>) semaphore(%run_scoped3A : memref<!tpu.dma_semaphore, #tpu.memory_space<semaphore_mem>>) {add = true}
        %dma_wait3A_79 = arith.constant 0 : i32
        %dma_wait3A_80 = tpu.memref_slice %arg8[%add3A_72, %dma_wait3A_79] : memref<40x128xi32, #tpu.memory_space<vmem>> -> memref<1x128xi32, #tpu.memory_space<vmem>>
        %dma_wait3A_81 = tpu.memref_squeeze %dma_wait3A_80 : memref<1x128xi32, #tpu.memory_space<vmem>> -> memref<128xi32, #tpu.memory_space<vmem>>
        %dma_wait3A_82 = arith.constant 0 : i32
        %dma_wait3A_83 = arith.constant 0 : i32
        %dma_wait3A_84 = tpu.memref_slice %arg11[%dma_wait3A_82, %dma_wait3A_83] : memref<10008x128xf32, #tpu.memory_space<vmem_shared>> -> memref<10008x128xf32, #tpu.memory_space<vmem_shared>>
        tpu.wait_indirect_dma semaphore(%run_scoped3A : memref<!tpu.dma_semaphore, #tpu.memory_space<semaphore_mem>>) src(%arg10 : memref<128x128xf32, #tpu.memory_space<vmem>>) dst(%dma_wait3A_84 : memref<10008x128xf32, #tpu.memory_space<vmem_shared>>)
        tpu.yield
      }) : () -> ()
    }
    %scan3A_34 = arith.constant 20 : i32
    %barrier3A_35 = arith.constant 0 : index
    tpu.barrier barrier_id(%barrier3A_35)
    %mul3A_36 = arith.constant 624 : i32
    %mul3A_37 = arith.muli %arg1, %mul3A_36 : i32
    "tpu.region"() ({
      %run_scoped3A = tpu.sem_alloc : memref<!tpu.dma_semaphore, #tpu.memory_space<semaphore_mem>>
      %dma_start3A_43 = arith.constant 0 : i32
      %dma_start3A_44 = tpu.memref_slice %arg6[%arg0, %mul3A_37, %dma_start3A_43] : memref<2x10008x128xf32, #tpu.memory_space<hbm>> -> memref<1x624x128xf32, #tpu.memory_space<hbm>>
      %dma_start3A_45 = tpu.memref_squeeze %dma_start3A_44 : memref<1x624x128xf32, #tpu.memory_space<hbm>> -> memref<624x128xf32, #tpu.memory_space<hbm>>
      %dma_start3A_46 = arith.constant 0 : i32
      %dma_start3A_47 = tpu.memref_slice %arg11[%mul3A_37, %dma_start3A_46] : memref<10008x128xf32, #tpu.memory_space<vmem_shared>> -> memref<624x128xf32, #tpu.memory_space<vmem_shared>>
      tpu.enqueue_dma source(%dma_start3A_47 : memref<624x128xf32, #tpu.memory_space<vmem_shared>>) target(%dma_start3A_45 : memref<624x128xf32, #tpu.memory_space<hbm>>) target_semaphore(%run_scoped3A : memref<!tpu.dma_semaphore, #tpu.memory_space<semaphore_mem>>)
      %dma_wait3A = arith.constant 0 : i32
      %dma_wait3A_48 = tpu.memref_slice %arg6[%arg0, %mul3A_37, %dma_wait3A] : memref<2x10008x128xf32, #tpu.memory_space<hbm>> -> memref<1x624x128xf32, #tpu.memory_space<hbm>>
      %dma_wait3A_49 = tpu.memref_squeeze %dma_wait3A_48 : memref<1x624x128xf32, #tpu.memory_space<hbm>> -> memref<624x128xf32, #tpu.memory_space<hbm>>
      %dma_wait3A_50 = arith.constant 0 : i32
      %dma_wait3A_51 = tpu.memref_slice %arg11[%mul3A_37, %dma_wait3A_50] : memref<10008x128xf32, #tpu.memory_space<vmem_shared>> -> memref<624x128xf32, #tpu.memory_space<vmem_shared>>
      tpu.wait_dma2 semaphore(%run_scoped3A : memref<!tpu.dma_semaphore, #tpu.memory_space<semaphore_mem>>) src(%dma_wait3A_51 : memref<624x128xf32, #tpu.memory_space<vmem_shared>>) dst(%dma_wait3A_49 : memref<624x128xf32, #tpu.memory_space<hbm>>)
      tpu.yield
    }) : () -> ()
    %eq3A_38 = arith.constant 15 : i32
    %eq3A_39 = arith.cmpi eq, %arg1, %eq3A_38 : i32
    %convert_element_type3A_40 = arith.extui %eq3A_39 : i1 to i32
    %cond3A_41 = arith.constant 0 : i32
    %cond3A_42 = arith.cmpi ne, %convert_element_type3A_40, %cond3A_41 : i32
    scf.if %cond3A_42 {
      "tpu.region"() ({
        %run_scoped3A = tpu.sem_alloc : memref<!tpu.dma_semaphore, #tpu.memory_space<semaphore_mem>>
        %dma_start3A_43 = arith.constant 9984 : i32
        %dma_start3A_44 = arith.constant 0 : i32
        %dma_start3A_45 = tpu.memref_slice %arg6[%arg0, %dma_start3A_43, %dma_start3A_44] : memref<2x10008x128xf32, #tpu.memory_space<hbm>> -> memref<1x24x128xf32, #tpu.memory_space<hbm>>
        %dma_start3A_46 = tpu.memref_squeeze %dma_start3A_45 : memref<1x24x128xf32, #tpu.memory_space<hbm>> -> memref<24x128xf32, #tpu.memory_space<hbm>>
        %dma_start3A_47 = arith.constant 9984 : i32
        %dma_start3A_48 = arith.constant 0 : i32
        %dma_start3A_49 = tpu.memref_slice %arg11[%dma_start3A_47, %dma_start3A_48] : memref<10008x128xf32, #tpu.memory_space<vmem_shared>> -> memref<24x128xf32, #tpu.memory_space<vmem_shared>>
        tpu.enqueue_dma source(%dma_start3A_49 : memref<24x128xf32, #tpu.memory_space<vmem_shared>>) target(%dma_start3A_46 : memref<24x128xf32, #tpu.memory_space<hbm>>) target_semaphore(%run_scoped3A : memref<!tpu.dma_semaphore, #tpu.memory_space<semaphore_mem>>)
        %dma_wait3A = arith.constant 9984 : i32
        %dma_wait3A_50 = arith.constant 0 : i32
        %dma_wait3A_51 = tpu.memref_slice %arg6[%arg0, %dma_wait3A, %dma_wait3A_50] : memref<2x10008x128xf32, #tpu.memory_space<hbm>> -> memref<1x24x128xf32, #tpu.memory_space<hbm>>
        %dma_wait3A_52 = tpu.memref_squeeze %dma_wait3A_51 : memref<1x24x128xf32, #tpu.memory_space<hbm>> -> memref<24x128xf32, #tpu.memory_space<hbm>>
        %dma_wait3A_53 = arith.constant 9984 : i32
        %dma_wait3A_54 = arith.constant 0 : i32
        %dma_wait3A_55 = tpu.memref_slice %arg11[%dma_wait3A_53, %dma_wait3A_54] : memref<10008x128xf32, #tpu.memory_space<vmem_shared>> -> memref<24x128xf32, #tpu.memory_space<vmem_shared>>
        tpu.wait_dma2 semaphore(%run_scoped3A : memref<!tpu.dma_semaphore, #tpu.memory_space<semaphore_mem>>) src(%dma_wait3A_55 : memref<24x128xf32, #tpu.memory_space<vmem_shared>>) dst(%dma_wait3A_52 : memref<24x128xf32, #tpu.memory_space<hbm>>)
        tpu.yield
      }) : () -> ()
    } else {
    }
    return
  }
}

#map = affine_map<(d0, d1) -> (0, 0)>
#map1 = affine_map<(d0, d1) -> (0, 0, 0)>
module attributes {stable_mosaic.version = 14 : i64} {
  func.func @_deg_hist_body(%arg0: i32, %arg1: i32, %arg2: memref<128x128xf32, #tpu.memory_space<hbm>>, %arg3: memref<2560x128xi32, #tpu.memory_space<hbm>>, %arg4: memref<10008x128xf32, #tpu.memory_space<hbm>>, %arg5: memref<2x10008x128xf32, #tpu.memory_space<hbm>>, %arg6: memref<80x128xi32, #tpu.memory_space<vmem>>, %arg7: memref<128x128xf32, #tpu.memory_space<vmem>>, %arg8: memref<10008x128xf32, #tpu.memory_space<vmem_shared>>, %arg9: memref<!tpu.dma_semaphore, #tpu.memory_space<semaphore_mem>>) attributes {dimension_semantics = [#tpu.dimension_semantics<core_parallel>, #tpu.dimension_semantics<subcore_parallel>], iteration_bounds = array<i64: 2, 16>, scalar_prefetch = 0 : i64, scratch_operands = 4 : i64, tpu.core_type = #tpu.core_type<sc_vector_subcore>, window_params = [{transform_indices = #map}, {transform_indices = #map}, {transform_indices = #map}, {transform_indices = #map1}]} {
    %mul3A = arith.constant 16 : i32
    %mul3A_0 = arith.muli %arg0, %mul3A : i32
    %add3A = arith.addi %mul3A_0, %arg1 : i32
    %mul3A_1 = arith.constant 80 : i32
    %mul3A_2 = arith.muli %add3A, %mul3A_1 : i32
    %multiple_of3A = tpu.assume_multiple %mul3A_2, 8 : i32
    %mul3A_3 = arith.constant 624 : i32
    %mul3A_4 = arith.muli %arg1, %mul3A_3 : i32
    "tpu.region"() ({
      %run_scoped3A = tpu.sem_alloc : memref<!tpu.dma_semaphore, #tpu.memory_space<semaphore_mem>>
      %dma_start3A = arith.constant 0 : i32
      %dma_start3A_20 = tpu.memref_slice %arg8[%mul3A_4, %dma_start3A] : memref<10008x128xf32, #tpu.memory_space<vmem_shared>> -> memref<624x128xf32, #tpu.memory_space<vmem_shared>>
      %dma_start3A_21 = arith.constant 0 : i32
      %dma_start3A_22 = tpu.memref_slice %arg4[%mul3A_4, %dma_start3A_21] : memref<10008x128xf32, #tpu.memory_space<hbm>> -> memref<624x128xf32, #tpu.memory_space<hbm>>
      tpu.enqueue_dma source(%dma_start3A_22 : memref<624x128xf32, #tpu.memory_space<hbm>>) target(%dma_start3A_20 : memref<624x128xf32, #tpu.memory_space<vmem_shared>>) target_semaphore(%run_scoped3A : memref<!tpu.dma_semaphore, #tpu.memory_space<semaphore_mem>>)
      %dma_wait3A = arith.constant 0 : i32
      %dma_wait3A_23 = tpu.memref_slice %arg8[%mul3A_4, %dma_wait3A] : memref<10008x128xf32, #tpu.memory_space<vmem_shared>> -> memref<624x128xf32, #tpu.memory_space<vmem_shared>>
      %dma_wait3A_24 = arith.constant 0 : i32
      %dma_wait3A_25 = tpu.memref_slice %arg4[%mul3A_4, %dma_wait3A_24] : memref<10008x128xf32, #tpu.memory_space<hbm>> -> memref<624x128xf32, #tpu.memory_space<hbm>>
      tpu.wait_dma2 semaphore(%run_scoped3A : memref<!tpu.dma_semaphore, #tpu.memory_space<semaphore_mem>>) src(%dma_wait3A_25 : memref<624x128xf32, #tpu.memory_space<hbm>>) dst(%dma_wait3A_23 : memref<624x128xf32, #tpu.memory_space<vmem_shared>>)
      tpu.yield
    }) : () -> ()
    %eq3A = arith.constant 15 : i32
    %eq3A_5 = arith.cmpi eq, %arg1, %eq3A : i32
    %convert_element_type3A = arith.extui %eq3A_5 : i1 to i32
    %cond3A = arith.constant 0 : i32
    %cond3A_6 = arith.cmpi ne, %convert_element_type3A, %cond3A : i32
    scf.if %cond3A_6 {
      "tpu.region"() ({
        %run_scoped3A = tpu.sem_alloc : memref<!tpu.dma_semaphore, #tpu.memory_space<semaphore_mem>>
        %dma_start3A = arith.constant 9984 : i32
        %dma_start3A_20 = arith.constant 0 : i32
        %dma_start3A_21 = tpu.memref_slice %arg8[%dma_start3A, %dma_start3A_20] : memref<10008x128xf32, #tpu.memory_space<vmem_shared>> -> memref<24x128xf32, #tpu.memory_space<vmem_shared>>
        %dma_start3A_22 = arith.constant 9984 : i32
        %dma_start3A_23 = arith.constant 0 : i32
        %dma_start3A_24 = tpu.memref_slice %arg4[%dma_start3A_22, %dma_start3A_23] : memref<10008x128xf32, #tpu.memory_space<hbm>> -> memref<24x128xf32, #tpu.memory_space<hbm>>
        tpu.enqueue_dma source(%dma_start3A_24 : memref<24x128xf32, #tpu.memory_space<hbm>>) target(%dma_start3A_21 : memref<24x128xf32, #tpu.memory_space<vmem_shared>>) target_semaphore(%run_scoped3A : memref<!tpu.dma_semaphore, #tpu.memory_space<semaphore_mem>>)
        %dma_wait3A = arith.constant 9984 : i32
        %dma_wait3A_25 = arith.constant 0 : i32
        %dma_wait3A_26 = tpu.memref_slice %arg8[%dma_wait3A, %dma_wait3A_25] : memref<10008x128xf32, #tpu.memory_space<vmem_shared>> -> memref<24x128xf32, #tpu.memory_space<vmem_shared>>
        %dma_wait3A_27 = arith.constant 9984 : i32
        %dma_wait3A_28 = arith.constant 0 : i32
        %dma_wait3A_29 = tpu.memref_slice %arg4[%dma_wait3A_27, %dma_wait3A_28] : memref<10008x128xf32, #tpu.memory_space<hbm>> -> memref<24x128xf32, #tpu.memory_space<hbm>>
        tpu.wait_dma2 semaphore(%run_scoped3A : memref<!tpu.dma_semaphore, #tpu.memory_space<semaphore_mem>>) src(%dma_wait3A_29 : memref<24x128xf32, #tpu.memory_space<hbm>>) dst(%dma_wait3A_26 : memref<24x128xf32, #tpu.memory_space<vmem_shared>>)
        tpu.yield
      }) : () -> ()
    } else {
    }
    "tpu.region"() ({
      %run_scoped3A = tpu.sem_alloc : memref<!tpu.dma_semaphore, #tpu.memory_space<semaphore_mem>>
      tpu.enqueue_dma source(%arg2 : memref<128x128xf32, #tpu.memory_space<hbm>>) target(%arg7 : memref<128x128xf32, #tpu.memory_space<vmem>>) target_semaphore(%run_scoped3A : memref<!tpu.dma_semaphore, #tpu.memory_space<semaphore_mem>>)
      tpu.wait_dma2 semaphore(%run_scoped3A : memref<!tpu.dma_semaphore, #tpu.memory_space<semaphore_mem>>) src(%arg2 : memref<128x128xf32, #tpu.memory_space<hbm>>) dst(%arg7 : memref<128x128xf32, #tpu.memory_space<vmem>>)
      tpu.yield
    }) : () -> ()
    "tpu.region"() ({
      %run_scoped3A = tpu.sem_alloc : memref<!tpu.dma_semaphore, #tpu.memory_space<semaphore_mem>>
      %dma_start3A = arith.constant 0 : i32
      %dma_start3A_20 = tpu.memref_slice %arg3[%multiple_of3A, %dma_start3A] : memref<2560x128xi32, #tpu.memory_space<hbm>> -> memref<80x128xi32, #tpu.memory_space<hbm>>
      %dma_start3A_21 = arith.constant 0 : i32
      %dma_start3A_22 = tpu.memref_slice %arg3[%multiple_of3A, %dma_start3A_21] : memref<2560x128xi32, #tpu.memory_space<hbm>> -> memref<80x128xi32, #tpu.memory_space<hbm>>
      tpu.enqueue_dma source(%dma_start3A_22 : memref<80x128xi32, #tpu.memory_space<hbm>>) target(%arg6 : memref<80x128xi32, #tpu.memory_space<vmem>>) target_semaphore(%run_scoped3A : memref<!tpu.dma_semaphore, #tpu.memory_space<semaphore_mem>>)
      %dma_wait3A = arith.constant 0 : i32
      %dma_wait3A_23 = tpu.memref_slice %arg3[%multiple_of3A, %dma_wait3A] : memref<2560x128xi32, #tpu.memory_space<hbm>> -> memref<80x128xi32, #tpu.memory_space<hbm>>
      %dma_wait3A_24 = arith.constant 0 : i32
      %dma_wait3A_25 = tpu.memref_slice %arg3[%multiple_of3A, %dma_wait3A_24] : memref<2560x128xi32, #tpu.memory_space<hbm>> -> memref<80x128xi32, #tpu.memory_space<hbm>>
      tpu.wait_dma2 semaphore(%run_scoped3A : memref<!tpu.dma_semaphore, #tpu.memory_space<semaphore_mem>>) src(%dma_wait3A_25 : memref<80x128xi32, #tpu.memory_space<hbm>>) dst(%arg6 : memref<80x128xi32, #tpu.memory_space<vmem>>)
      tpu.yield
    }) : () -> ()
    %barrier3A = arith.constant 0 : index
    tpu.barrier barrier_id(%barrier3A)
    %scan3A = arith.constant 0 : i32
    %scan3A_7 = arith.constant 0 : i32
    %scan3A_8 = arith.constant 80 : i32
    %scan3A_9 = arith.addi %scan3A_7, %scan3A_8 : i32
    %scan3A_10 = arith.constant 1 : i32
    scf.for %scan3A_20 = %scan3A_7 to %scan3A_9 step %scan3A_10  : i32 {
      "tpu.region"() ({
        %run_scoped3A = tpu.sem_alloc : memref<!tpu.dma_semaphore, #tpu.memory_space<semaphore_mem>>
        %dma_start3A = arith.constant 0 : i32
        %dma_start3A_21 = tpu.memref_slice %arg6[%scan3A_20, %dma_start3A] : memref<80x128xi32, #tpu.memory_space<vmem>> -> memref<1x128xi32, #tpu.memory_space<vmem>>
        %dma_start3A_22 = tpu.memref_squeeze %dma_start3A_21 : memref<1x128xi32, #tpu.memory_space<vmem>> -> memref<128xi32, #tpu.memory_space<vmem>>
        %dma_start3A_23 = arith.constant 0 : i32
        %dma_start3A_24 = arith.constant 0 : i32
        %dma_start3A_25 = tpu.memref_slice %arg8[%dma_start3A_23, %dma_start3A_24] : memref<10008x128xf32, #tpu.memory_space<vmem_shared>> -> memref<10008x128xf32, #tpu.memory_space<vmem_shared>>
        tpu.enqueue_indirect_dma source(%arg7 : memref<128x128xf32, #tpu.memory_space<vmem>>) target(%dma_start3A_25 : memref<10008x128xf32, #tpu.memory_space<vmem_shared>>) offsets(%dma_start3A_22 : memref<128xi32, #tpu.memory_space<vmem>>) semaphore(%run_scoped3A : memref<!tpu.dma_semaphore, #tpu.memory_space<semaphore_mem>>) {add = true}
        %dma_wait3A = arith.constant 0 : i32
        %dma_wait3A_26 = tpu.memref_slice %arg6[%scan3A_20, %dma_wait3A] : memref<80x128xi32, #tpu.memory_space<vmem>> -> memref<1x128xi32, #tpu.memory_space<vmem>>
        %dma_wait3A_27 = tpu.memref_squeeze %dma_wait3A_26 : memref<1x128xi32, #tpu.memory_space<vmem>> -> memref<128xi32, #tpu.memory_space<vmem>>
        %dma_wait3A_28 = arith.constant 0 : i32
        %dma_wait3A_29 = arith.constant 0 : i32
        %dma_wait3A_30 = tpu.memref_slice %arg8[%dma_wait3A_28, %dma_wait3A_29] : memref<10008x128xf32, #tpu.memory_space<vmem_shared>> -> memref<10008x128xf32, #tpu.memory_space<vmem_shared>>
        tpu.wait_indirect_dma semaphore(%run_scoped3A : memref<!tpu.dma_semaphore, #tpu.memory_space<semaphore_mem>>) src(%arg7 : memref<128x128xf32, #tpu.memory_space<vmem>>) dst(%dma_wait3A_30 : memref<10008x128xf32, #tpu.memory_space<vmem_shared>>)
        tpu.yield
      }) : () -> ()
    }
    %scan3A_11 = arith.constant 80 : i32
    %barrier3A_12 = arith.constant 0 : index
    tpu.barrier barrier_id(%barrier3A_12)
    %mul3A_13 = arith.constant 624 : i32
    %mul3A_14 = arith.muli %arg1, %mul3A_13 : i32
    "tpu.region"() ({
      %run_scoped3A = tpu.sem_alloc : memref<!tpu.dma_semaphore, #tpu.memory_space<semaphore_mem>>
      %dma_start3A = arith.constant 0 : i32
      %dma_start3A_20 = tpu.memref_slice %arg5[%arg0, %mul3A_14, %dma_start3A] : memref<2x10008x128xf32, #tpu.memory_space<hbm>> -> memref<1x624x128xf32, #tpu.memory_space<hbm>>
      %dma_start3A_21 = tpu.memref_squeeze %dma_start3A_20 : memref<1x624x128xf32, #tpu.memory_space<hbm>> -> memref<624x128xf32, #tpu.memory_space<hbm>>
      %dma_start3A_22 = arith.constant 0 : i32
      %dma_start3A_23 = tpu.memref_slice %arg8[%mul3A_14, %dma_start3A_22] : memref<10008x128xf32, #tpu.memory_space<vmem_shared>> -> memref<624x128xf32, #tpu.memory_space<vmem_shared>>
      tpu.enqueue_dma source(%dma_start3A_23 : memref<624x128xf32, #tpu.memory_space<vmem_shared>>) target(%dma_start3A_21 : memref<624x128xf32, #tpu.memory_space<hbm>>) target_semaphore(%run_scoped3A : memref<!tpu.dma_semaphore, #tpu.memory_space<semaphore_mem>>)
      %dma_wait3A = arith.constant 0 : i32
      %dma_wait3A_24 = tpu.memref_slice %arg5[%arg0, %mul3A_14, %dma_wait3A] : memref<2x10008x128xf32, #tpu.memory_space<hbm>> -> memref<1x624x128xf32, #tpu.memory_space<hbm>>
      %dma_wait3A_25 = tpu.memref_squeeze %dma_wait3A_24 : memref<1x624x128xf32, #tpu.memory_space<hbm>> -> memref<624x128xf32, #tpu.memory_space<hbm>>
      %dma_wait3A_26 = arith.constant 0 : i32
      %dma_wait3A_27 = tpu.memref_slice %arg8[%mul3A_14, %dma_wait3A_26] : memref<10008x128xf32, #tpu.memory_space<vmem_shared>> -> memref<624x128xf32, #tpu.memory_space<vmem_shared>>
      tpu.wait_dma2 semaphore(%run_scoped3A : memref<!tpu.dma_semaphore, #tpu.memory_space<semaphore_mem>>) src(%dma_wait3A_27 : memref<624x128xf32, #tpu.memory_space<vmem_shared>>) dst(%dma_wait3A_25 : memref<624x128xf32, #tpu.memory_space<hbm>>)
      tpu.yield
    }) : () -> ()
    %eq3A_15 = arith.constant 15 : i32
    %eq3A_16 = arith.cmpi eq, %arg1, %eq3A_15 : i32
    %convert_element_type3A_17 = arith.extui %eq3A_16 : i1 to i32
    %cond3A_18 = arith.constant 0 : i32
    %cond3A_19 = arith.cmpi ne, %convert_element_type3A_17, %cond3A_18 : i32
    scf.if %cond3A_19 {
      "tpu.region"() ({
        %run_scoped3A = tpu.sem_alloc : memref<!tpu.dma_semaphore, #tpu.memory_space<semaphore_mem>>
        %dma_start3A = arith.constant 9984 : i32
        %dma_start3A_20 = arith.constant 0 : i32
        %dma_start3A_21 = tpu.memref_slice %arg5[%arg0, %dma_start3A, %dma_start3A_20] : memref<2x10008x128xf32, #tpu.memory_space<hbm>> -> memref<1x24x128xf32, #tpu.memory_space<hbm>>
        %dma_start3A_22 = tpu.memref_squeeze %dma_start3A_21 : memref<1x24x128xf32, #tpu.memory_space<hbm>> -> memref<24x128xf32, #tpu.memory_space<hbm>>
        %dma_start3A_23 = arith.constant 9984 : i32
        %dma_start3A_24 = arith.constant 0 : i32
        %dma_start3A_25 = tpu.memref_slice %arg8[%dma_start3A_23, %dma_start3A_24] : memref<10008x128xf32, #tpu.memory_space<vmem_shared>> -> memref<24x128xf32, #tpu.memory_space<vmem_shared>>
        tpu.enqueue_dma source(%dma_start3A_25 : memref<24x128xf32, #tpu.memory_space<vmem_shared>>) target(%dma_start3A_22 : memref<24x128xf32, #tpu.memory_space<hbm>>) target_semaphore(%run_scoped3A : memref<!tpu.dma_semaphore, #tpu.memory_space<semaphore_mem>>)
        %dma_wait3A = arith.constant 9984 : i32
        %dma_wait3A_26 = arith.constant 0 : i32
        %dma_wait3A_27 = tpu.memref_slice %arg5[%arg0, %dma_wait3A, %dma_wait3A_26] : memref<2x10008x128xf32, #tpu.memory_space<hbm>> -> memref<1x24x128xf32, #tpu.memory_space<hbm>>
        %dma_wait3A_28 = tpu.memref_squeeze %dma_wait3A_27 : memref<1x24x128xf32, #tpu.memory_space<hbm>> -> memref<24x128xf32, #tpu.memory_space<hbm>>
        %dma_wait3A_29 = arith.constant 9984 : i32
        %dma_wait3A_30 = arith.constant 0 : i32
        %dma_wait3A_31 = tpu.memref_slice %arg8[%dma_wait3A_29, %dma_wait3A_30] : memref<10008x128xf32, #tpu.memory_space<vmem_shared>> -> memref<24x128xf32, #tpu.memory_space<vmem_shared>>
        tpu.wait_dma2 semaphore(%run_scoped3A : memref<!tpu.dma_semaphore, #tpu.memory_space<semaphore_mem>>) src(%dma_wait3A_31 : memref<24x128xf32, #tpu.memory_space<vmem_shared>>) dst(%dma_wait3A_28 : memref<24x128xf32, #tpu.memory_space<hbm>>)
        tpu.yield
      }) : () -> ()
    } else {
    }
    return
  }
}

#map = affine_map<(d0, d1) -> (0, 0)>
#map1 = affine_map<(d0, d1) -> (0, 0, 0)>
module attributes {stable_mosaic.version = 14 : i64} {
  func.func @_seg_sum_body(%arg0: i32, %arg1: i32, %arg2: memref<10000x128xf32, #tpu.memory_space<hbm>>, %arg3: memref<2560x128xi32, #tpu.memory_space<hbm>>, %arg4: memref<2560x128xi32, #tpu.memory_space<hbm>>, %arg5: memref<10008x128xf32, #tpu.memory_space<hbm>>, %arg6: memref<2x10008x128xf32, #tpu.memory_space<hbm>>, %arg7: memref<40x128xi32, #tpu.memory_space<vmem>>, %arg8: memref<40x128xi32, #tpu.memory_space<vmem>>, %arg9: memref<128x128xf32, #tpu.memory_space<vmem>>, %arg10: memref<128x128xf32, #tpu.memory_space<vmem>>, %arg11: memref<10008x128xf32, #tpu.memory_space<vmem_shared>>, %arg12: memref<!tpu.dma_semaphore, #tpu.memory_space<semaphore_mem>>, %arg13: memref<!tpu.dma_semaphore, #tpu.memory_space<semaphore_mem>>) attributes {dimension_semantics = [#tpu.dimension_semantics<core_parallel>, #tpu.dimension_semantics<subcore_parallel>], iteration_bounds = array<i64: 2, 16>, scalar_prefetch = 0 : i64, scratch_operands = 7 : i64, tpu.core_type = #tpu.core_type<sc_vector_subcore>, window_params = [{transform_indices = #map}, {transform_indices = #map}, {transform_indices = #map}, {transform_indices = #map}, {transform_indices = #map1}]} {
    %mul3A = arith.constant 16 : i32
    %mul3A_0 = arith.muli %arg0, %mul3A : i32
    %add3A = arith.addi %mul3A_0, %arg1 : i32
    %mul3A_1 = arith.constant 80 : i32
    %mul3A_2 = arith.muli %add3A, %mul3A_1 : i32
    %multiple_of3A = tpu.assume_multiple %mul3A_2, 8 : i32
    %mul3A_3 = arith.constant 624 : i32
    %mul3A_4 = arith.muli %arg1, %mul3A_3 : i32
    "tpu.region"() ({
      %run_scoped3A = tpu.sem_alloc : memref<!tpu.dma_semaphore, #tpu.memory_space<semaphore_mem>>
      %dma_start3A_43 = arith.constant 0 : i32
      %dma_start3A_44 = tpu.memref_slice %arg11[%mul3A_4, %dma_start3A_43] : memref<10008x128xf32, #tpu.memory_space<vmem_shared>> -> memref<624x128xf32, #tpu.memory_space<vmem_shared>>
      %dma_start3A_45 = arith.constant 0 : i32
      %dma_start3A_46 = tpu.memref_slice %arg5[%mul3A_4, %dma_start3A_45] : memref<10008x128xf32, #tpu.memory_space<hbm>> -> memref<624x128xf32, #tpu.memory_space<hbm>>
      tpu.enqueue_dma source(%dma_start3A_46 : memref<624x128xf32, #tpu.memory_space<hbm>>) target(%dma_start3A_44 : memref<624x128xf32, #tpu.memory_space<vmem_shared>>) target_semaphore(%run_scoped3A : memref<!tpu.dma_semaphore, #tpu.memory_space<semaphore_mem>>)
      %dma_wait3A = arith.constant 0 : i32
      %dma_wait3A_47 = tpu.memref_slice %arg11[%mul3A_4, %dma_wait3A] : memref<10008x128xf32, #tpu.memory_space<vmem_shared>> -> memref<624x128xf32, #tpu.memory_space<vmem_shared>>
      %dma_wait3A_48 = arith.constant 0 : i32
      %dma_wait3A_49 = tpu.memref_slice %arg5[%mul3A_4, %dma_wait3A_48] : memref<10008x128xf32, #tpu.memory_space<hbm>> -> memref<624x128xf32, #tpu.memory_space<hbm>>
      tpu.wait_dma2 semaphore(%run_scoped3A : memref<!tpu.dma_semaphore, #tpu.memory_space<semaphore_mem>>) src(%dma_wait3A_49 : memref<624x128xf32, #tpu.memory_space<hbm>>) dst(%dma_wait3A_47 : memref<624x128xf32, #tpu.memory_space<vmem_shared>>)
      tpu.yield
    }) : () -> ()
    %eq3A = arith.constant 15 : i32
    %eq3A_5 = arith.cmpi eq, %arg1, %eq3A : i32
    %convert_element_type3A = arith.extui %eq3A_5 : i1 to i32
    %cond3A = arith.constant 0 : i32
    %cond3A_6 = arith.cmpi ne, %convert_element_type3A, %cond3A : i32
    scf.if %cond3A_6 {
      "tpu.region"() ({
        %run_scoped3A = tpu.sem_alloc : memref<!tpu.dma_semaphore, #tpu.memory_space<semaphore_mem>>
        %dma_start3A_43 = arith.constant 9984 : i32
        %dma_start3A_44 = arith.constant 0 : i32
        %dma_start3A_45 = tpu.memref_slice %arg11[%dma_start3A_43, %dma_start3A_44] : memref<10008x128xf32, #tpu.memory_space<vmem_shared>> -> memref<24x128xf32, #tpu.memory_space<vmem_shared>>
        %dma_start3A_46 = arith.constant 9984 : i32
        %dma_start3A_47 = arith.constant 0 : i32
        %dma_start3A_48 = tpu.memref_slice %arg5[%dma_start3A_46, %dma_start3A_47] : memref<10008x128xf32, #tpu.memory_space<hbm>> -> memref<24x128xf32, #tpu.memory_space<hbm>>
        tpu.enqueue_dma source(%dma_start3A_48 : memref<24x128xf32, #tpu.memory_space<hbm>>) target(%dma_start3A_45 : memref<24x128xf32, #tpu.memory_space<vmem_shared>>) target_semaphore(%run_scoped3A : memref<!tpu.dma_semaphore, #tpu.memory_space<semaphore_mem>>)
        %dma_wait3A = arith.constant 9984 : i32
        %dma_wait3A_49 = arith.constant 0 : i32
        %dma_wait3A_50 = tpu.memref_slice %arg11[%dma_wait3A, %dma_wait3A_49] : memref<10008x128xf32, #tpu.memory_space<vmem_shared>> -> memref<24x128xf32, #tpu.memory_space<vmem_shared>>
        %dma_wait3A_51 = arith.constant 9984 : i32
        %dma_wait3A_52 = arith.constant 0 : i32
        %dma_wait3A_53 = tpu.memref_slice %arg5[%dma_wait3A_51, %dma_wait3A_52] : memref<10008x128xf32, #tpu.memory_space<hbm>> -> memref<24x128xf32, #tpu.memory_space<hbm>>
        tpu.wait_dma2 semaphore(%run_scoped3A : memref<!tpu.dma_semaphore, #tpu.memory_space<semaphore_mem>>) src(%dma_wait3A_53 : memref<24x128xf32, #tpu.memory_space<hbm>>) dst(%dma_wait3A_50 : memref<24x128xf32, #tpu.memory_space<vmem_shared>>)
        tpu.yield
      }) : () -> ()
    } else {
    }
    %barrier3A = arith.constant 0 : index
    tpu.barrier barrier_id(%barrier3A)
    %multiple_of3A_7 = tpu.assume_multiple %multiple_of3A, 8 : i32
    "tpu.region"() ({
      %run_scoped3A = tpu.sem_alloc : memref<!tpu.dma_semaphore, #tpu.memory_space<semaphore_mem>>
      %dma_start3A_43 = arith.constant 0 : i32
      %dma_start3A_44 = tpu.memref_slice %arg3[%multiple_of3A_7, %dma_start3A_43] : memref<2560x128xi32, #tpu.memory_space<hbm>> -> memref<40x128xi32, #tpu.memory_space<hbm>>
      %dma_start3A_45 = arith.constant 0 : i32
      %dma_start3A_46 = tpu.memref_slice %arg3[%multiple_of3A_7, %dma_start3A_45] : memref<2560x128xi32, #tpu.memory_space<hbm>> -> memref<40x128xi32, #tpu.memory_space<hbm>>
      tpu.enqueue_dma source(%dma_start3A_46 : memref<40x128xi32, #tpu.memory_space<hbm>>) target(%arg7 : memref<40x128xi32, #tpu.memory_space<vmem>>) target_semaphore(%run_scoped3A : memref<!tpu.dma_semaphore, #tpu.memory_space<semaphore_mem>>)
      %dma_wait3A = arith.constant 0 : i32
      %dma_wait3A_47 = tpu.memref_slice %arg3[%multiple_of3A_7, %dma_wait3A] : memref<2560x128xi32, #tpu.memory_space<hbm>> -> memref<40x128xi32, #tpu.memory_space<hbm>>
      %dma_wait3A_48 = arith.constant 0 : i32
      %dma_wait3A_49 = tpu.memref_slice %arg3[%multiple_of3A_7, %dma_wait3A_48] : memref<2560x128xi32, #tpu.memory_space<hbm>> -> memref<40x128xi32, #tpu.memory_space<hbm>>
      tpu.wait_dma2 semaphore(%run_scoped3A : memref<!tpu.dma_semaphore, #tpu.memory_space<semaphore_mem>>) src(%dma_wait3A_49 : memref<40x128xi32, #tpu.memory_space<hbm>>) dst(%arg7 : memref<40x128xi32, #tpu.memory_space<vmem>>)
      tpu.yield
    }) : () -> ()
    "tpu.region"() ({
      %run_scoped3A = tpu.sem_alloc : memref<!tpu.dma_semaphore, #tpu.memory_space<semaphore_mem>>
      %dma_start3A_43 = arith.constant 0 : i32
      %dma_start3A_44 = tpu.memref_slice %arg4[%multiple_of3A_7, %dma_start3A_43] : memref<2560x128xi32, #tpu.memory_space<hbm>> -> memref<40x128xi32, #tpu.memory_space<hbm>>
      %dma_start3A_45 = arith.constant 0 : i32
      %dma_start3A_46 = tpu.memref_slice %arg4[%multiple_of3A_7, %dma_start3A_45] : memref<2560x128xi32, #tpu.memory_space<hbm>> -> memref<40x128xi32, #tpu.memory_space<hbm>>
      tpu.enqueue_dma source(%dma_start3A_46 : memref<40x128xi32, #tpu.memory_space<hbm>>) target(%arg8 : memref<40x128xi32, #tpu.memory_space<vmem>>) target_semaphore(%run_scoped3A : memref<!tpu.dma_semaphore, #tpu.memory_space<semaphore_mem>>)
      %dma_wait3A = arith.constant 0 : i32
      %dma_wait3A_47 = tpu.memref_slice %arg4[%multiple_of3A_7, %dma_wait3A] : memref<2560x128xi32, #tpu.memory_space<hbm>> -> memref<40x128xi32, #tpu.memory_space<hbm>>
      %dma_wait3A_48 = arith.constant 0 : i32
      %dma_wait3A_49 = tpu.memref_slice %arg4[%multiple_of3A_7, %dma_wait3A_48] : memref<2560x128xi32, #tpu.memory_space<hbm>> -> memref<40x128xi32, #tpu.memory_space<hbm>>
      tpu.wait_dma2 semaphore(%run_scoped3A : memref<!tpu.dma_semaphore, #tpu.memory_space<semaphore_mem>>) src(%dma_wait3A_49 : memref<40x128xi32, #tpu.memory_space<hbm>>) dst(%arg8 : memref<40x128xi32, #tpu.memory_space<vmem>>)
      tpu.yield
    }) : () -> ()
    %dma_start3A = arith.constant 0 : i32
    %dma_start3A_8 = arith.constant 0 : i32
    %dma_start3A_9 = tpu.memref_slice %arg7[%dma_start3A, %dma_start3A_8] : memref<40x128xi32, #tpu.memory_space<vmem>> -> memref<1x128xi32, #tpu.memory_space<vmem>>
    %dma_start3A_10 = tpu.memref_squeeze %dma_start3A_9 : memref<1x128xi32, #tpu.memory_space<vmem>> -> memref<128xi32, #tpu.memory_space<vmem>>
    %dma_start3A_11 = arith.constant 0 : i32
    %dma_start3A_12 = arith.constant 0 : i32
    %dma_start3A_13 = tpu.memref_slice %arg2[%dma_start3A_11, %dma_start3A_12] : memref<10000x128xf32, #tpu.memory_space<hbm>> -> memref<10000x128xf32, #tpu.memory_space<hbm>>
    tpu.enqueue_indirect_dma source(%dma_start3A_13 : memref<10000x128xf32, #tpu.memory_space<hbm>>) target(%arg9 : memref<128x128xf32, #tpu.memory_space<vmem>>) offsets(%dma_start3A_10 : memref<128xi32, #tpu.memory_space<vmem>>) semaphore(%arg12 : memref<!tpu.dma_semaphore, #tpu.memory_space<semaphore_mem>>)
    %scan3A = arith.constant 0 : i32
    %scan3A_14 = arith.constant 0 : i32
    %scan3A_15 = arith.constant 20 : i32
    %scan3A_16 = arith.addi %scan3A_14, %scan3A_15 : i32
    %scan3A_17 = arith.constant 1 : i32
    scf.for %scan3A_43 = %scan3A_14 to %scan3A_16 step %scan3A_17  : i32 {
      %mul3A_44 = arith.constant 2 : i32
      %mul3A_45 = arith.muli %mul3A_44, %scan3A_43 : i32
      %add3A_46 = arith.constant 1 : i32
      %add3A_47 = arith.addi %mul3A_45, %add3A_46 : i32
      %dma_start3A_48 = arith.constant 0 : i32
      %dma_start3A_49 = tpu.memref_slice %arg7[%add3A_47, %dma_start3A_48] : memref<40x128xi32, #tpu.memory_space<vmem>> -> memref<1x128xi32, #tpu.memory_space<vmem>>
      %dma_start3A_50 = tpu.memref_squeeze %dma_start3A_49 : memref<1x128xi32, #tpu.memory_space<vmem>> -> memref<128xi32, #tpu.memory_space<vmem>>
      %dma_start3A_51 = arith.constant 0 : i32
      %dma_start3A_52 = arith.constant 0 : i32
      %dma_start3A_53 = tpu.memref_slice %arg2[%dma_start3A_51, %dma_start3A_52] : memref<10000x128xf32, #tpu.memory_space<hbm>> -> memref<10000x128xf32, #tpu.memory_space<hbm>>
      tpu.enqueue_indirect_dma source(%dma_start3A_53 : memref<10000x128xf32, #tpu.memory_space<hbm>>) target(%arg10 : memref<128x128xf32, #tpu.memory_space<vmem>>) offsets(%dma_start3A_50 : memref<128xi32, #tpu.memory_space<vmem>>) semaphore(%arg13 : memref<!tpu.dma_semaphore, #tpu.memory_space<semaphore_mem>>)
      %dma_wait3A = arith.constant 0 : i32
      %dma_wait3A_54 = arith.constant 0 : i32
      %dma_wait3A_55 = tpu.memref_slice %arg7[%dma_wait3A, %dma_wait3A_54] : memref<40x128xi32, #tpu.memory_space<vmem>> -> memref<1x128xi32, #tpu.memory_space<vmem>>
      %dma_wait3A_56 = tpu.memref_squeeze %dma_wait3A_55 : memref<1x128xi32, #tpu.memory_space<vmem>> -> memref<128xi32, #tpu.memory_space<vmem>>
      %dma_wait3A_57 = arith.constant 0 : i32
      %dma_wait3A_58 = arith.constant 0 : i32
      %dma_wait3A_59 = tpu.memref_slice %arg2[%dma_wait3A_57, %dma_wait3A_58] : memref<10000x128xf32, #tpu.memory_space<hbm>> -> memref<10000x128xf32, #tpu.memory_space<hbm>>
      tpu.wait_indirect_dma semaphore(%arg12 : memref<!tpu.dma_semaphore, #tpu.memory_space<semaphore_mem>>) src(%dma_wait3A_59 : memref<10000x128xf32, #tpu.memory_space<hbm>>) dst(%arg9 : memref<128x128xf32, #tpu.memory_space<vmem>>)
      "tpu.region"() ({
        %run_scoped3A = tpu.sem_alloc : memref<!tpu.dma_semaphore, #tpu.memory_space<semaphore_mem>>
        %dma_start3A_73 = arith.constant 0 : i32
        %dma_start3A_74 = tpu.memref_slice %arg8[%mul3A_45, %dma_start3A_73] : memref<40x128xi32, #tpu.memory_space<vmem>> -> memref<1x128xi32, #tpu.memory_space<vmem>>
        %dma_start3A_75 = tpu.memref_squeeze %dma_start3A_74 : memref<1x128xi32, #tpu.memory_space<vmem>> -> memref<128xi32, #tpu.memory_space<vmem>>
        %dma_start3A_76 = arith.constant 0 : i32
        %dma_start3A_77 = arith.constant 0 : i32
        %dma_start3A_78 = tpu.memref_slice %arg11[%dma_start3A_76, %dma_start3A_77] : memref<10008x128xf32, #tpu.memory_space<vmem_shared>> -> memref<10008x128xf32, #tpu.memory_space<vmem_shared>>
        tpu.enqueue_indirect_dma source(%arg9 : memref<128x128xf32, #tpu.memory_space<vmem>>) target(%dma_start3A_78 : memref<10008x128xf32, #tpu.memory_space<vmem_shared>>) offsets(%dma_start3A_75 : memref<128xi32, #tpu.memory_space<vmem>>) semaphore(%run_scoped3A : memref<!tpu.dma_semaphore, #tpu.memory_space<semaphore_mem>>) {add = true}
        %dma_wait3A_79 = arith.constant 0 : i32
        %dma_wait3A_80 = tpu.memref_slice %arg8[%mul3A_45, %dma_wait3A_79] : memref<40x128xi32, #tpu.memory_space<vmem>> -> memref<1x128xi32, #tpu.memory_space<vmem>>
        %dma_wait3A_81 = tpu.memref_squeeze %dma_wait3A_80 : memref<1x128xi32, #tpu.memory_space<vmem>> -> memref<128xi32, #tpu.memory_space<vmem>>
        %dma_wait3A_82 = arith.constant 0 : i32
        %dma_wait3A_83 = arith.constant 0 : i32
        %dma_wait3A_84 = tpu.memref_slice %arg11[%dma_wait3A_82, %dma_wait3A_83] : memref<10008x128xf32, #tpu.memory_space<vmem_shared>> -> memref<10008x128xf32, #tpu.memory_space<vmem_shared>>
        tpu.wait_indirect_dma semaphore(%run_scoped3A : memref<!tpu.dma_semaphore, #tpu.memory_space<semaphore_mem>>) src(%arg9 : memref<128x128xf32, #tpu.memory_space<vmem>>) dst(%dma_wait3A_84 : memref<10008x128xf32, #tpu.memory_space<vmem_shared>>)
        tpu.yield
      }) : () -> ()
      %lt3A = arith.constant 19 : i32
      %lt3A_60 = arith.cmpi slt, %scan3A_43, %lt3A : i32
      %convert_element_type3A_61 = arith.extui %lt3A_60 : i1 to i32
      %cond3A_62 = arith.constant 0 : i32
      %cond3A_63 = arith.cmpi ne, %convert_element_type3A_61, %cond3A_62 : i32
      scf.if %cond3A_63 {
        %add3A_73 = arith.constant 2 : i32
        %add3A_74 = arith.addi %mul3A_45, %add3A_73 : i32
        %dma_start3A_75 = arith.constant 0 : i32
        %dma_start3A_76 = tpu.memref_slice %arg7[%add3A_74, %dma_start3A_75] : memref<40x128xi32, #tpu.memory_space<vmem>> -> memref<1x128xi32, #tpu.memory_space<vmem>>
        %dma_start3A_77 = tpu.memref_squeeze %dma_start3A_76 : memref<1x128xi32, #tpu.memory_space<vmem>> -> memref<128xi32, #tpu.memory_space<vmem>>
        %dma_start3A_78 = arith.constant 0 : i32
        %dma_start3A_79 = arith.constant 0 : i32
        %dma_start3A_80 = tpu.memref_slice %arg2[%dma_start3A_78, %dma_start3A_79] : memref<10000x128xf32, #tpu.memory_space<hbm>> -> memref<10000x128xf32, #tpu.memory_space<hbm>>
        tpu.enqueue_indirect_dma source(%dma_start3A_80 : memref<10000x128xf32, #tpu.memory_space<hbm>>) target(%arg9 : memref<128x128xf32, #tpu.memory_space<vmem>>) offsets(%dma_start3A_77 : memref<128xi32, #tpu.memory_space<vmem>>) semaphore(%arg12 : memref<!tpu.dma_semaphore, #tpu.memory_space<semaphore_mem>>)
      } else {
      }
      %dma_wait3A_64 = arith.constant 0 : i32
      %dma_wait3A_65 = arith.constant 0 : i32
      %dma_wait3A_66 = tpu.memref_slice %arg7[%dma_wait3A_64, %dma_wait3A_65] : memref<40x128xi32, #tpu.memory_space<vmem>> -> memref<1x128xi32, #tpu.memory_space<vmem>>
      %dma_wait3A_67 = tpu.memref_squeeze %dma_wait3A_66 : memref<1x128xi32, #tpu.memory_space<vmem>> -> memref<128xi32, #tpu.memory_space<vmem>>
      %dma_wait3A_68 = arith.constant 0 : i32
      %dma_wait3A_69 = arith.constant 0 : i32
      %dma_wait3A_70 = tpu.memref_slice %arg2[%dma_wait3A_68, %dma_wait3A_69] : memref<10000x128xf32, #tpu.memory_space<hbm>> -> memref<10000x128xf32, #tpu.memory_space<hbm>>
      tpu.wait_indirect_dma semaphore(%arg13 : memref<!tpu.dma_semaphore, #tpu.memory_space<semaphore_mem>>) src(%dma_wait3A_70 : memref<10000x128xf32, #tpu.memory_space<hbm>>) dst(%arg10 : memref<128x128xf32, #tpu.memory_space<vmem>>)
      %add3A_71 = arith.constant 1 : i32
      %add3A_72 = arith.addi %mul3A_45, %add3A_71 : i32
      "tpu.region"() ({
        %run_scoped3A = tpu.sem_alloc : memref<!tpu.dma_semaphore, #tpu.memory_space<semaphore_mem>>
        %dma_start3A_73 = arith.constant 0 : i32
        %dma_start3A_74 = tpu.memref_slice %arg8[%add3A_72, %dma_start3A_73] : memref<40x128xi32, #tpu.memory_space<vmem>> -> memref<1x128xi32, #tpu.memory_space<vmem>>
        %dma_start3A_75 = tpu.memref_squeeze %dma_start3A_74 : memref<1x128xi32, #tpu.memory_space<vmem>> -> memref<128xi32, #tpu.memory_space<vmem>>
        %dma_start3A_76 = arith.constant 0 : i32
        %dma_start3A_77 = arith.constant 0 : i32
        %dma_start3A_78 = tpu.memref_slice %arg11[%dma_start3A_76, %dma_start3A_77] : memref<10008x128xf32, #tpu.memory_space<vmem_shared>> -> memref<10008x128xf32, #tpu.memory_space<vmem_shared>>
        tpu.enqueue_indirect_dma source(%arg10 : memref<128x128xf32, #tpu.memory_space<vmem>>) target(%dma_start3A_78 : memref<10008x128xf32, #tpu.memory_space<vmem_shared>>) offsets(%dma_start3A_75 : memref<128xi32, #tpu.memory_space<vmem>>) semaphore(%run_scoped3A : memref<!tpu.dma_semaphore, #tpu.memory_space<semaphore_mem>>) {add = true}
        %dma_wait3A_79 = arith.constant 0 : i32
        %dma_wait3A_80 = tpu.memref_slice %arg8[%add3A_72, %dma_wait3A_79] : memref<40x128xi32, #tpu.memory_space<vmem>> -> memref<1x128xi32, #tpu.memory_space<vmem>>
        %dma_wait3A_81 = tpu.memref_squeeze %dma_wait3A_80 : memref<1x128xi32, #tpu.memory_space<vmem>> -> memref<128xi32, #tpu.memory_space<vmem>>
        %dma_wait3A_82 = arith.constant 0 : i32
        %dma_wait3A_83 = arith.constant 0 : i32
        %dma_wait3A_84 = tpu.memref_slice %arg11[%dma_wait3A_82, %dma_wait3A_83] : memref<10008x128xf32, #tpu.memory_space<vmem_shared>> -> memref<10008x128xf32, #tpu.memory_space<vmem_shared>>
        tpu.wait_indirect_dma semaphore(%run_scoped3A : memref<!tpu.dma_semaphore, #tpu.memory_space<semaphore_mem>>) src(%arg10 : memref<128x128xf32, #tpu.memory_space<vmem>>) dst(%dma_wait3A_84 : memref<10008x128xf32, #tpu.memory_space<vmem_shared>>)
        tpu.yield
      }) : () -> ()
    }
    %scan3A_18 = arith.constant 20 : i32
    %add3A_19 = arith.constant 40 : i32
    %add3A_20 = arith.addi %multiple_of3A, %add3A_19 : i32
    %multiple_of3A_21 = tpu.assume_multiple %add3A_20, 8 : i32
    "tpu.region"() ({
      %run_scoped3A = tpu.sem_alloc : memref<!tpu.dma_semaphore, #tpu.memory_space<semaphore_mem>>
      %dma_start3A_43 = arith.constant 0 : i32
      %dma_start3A_44 = tpu.memref_slice %arg3[%multiple_of3A_21, %dma_start3A_43] : memref<2560x128xi32, #tpu.memory_space<hbm>> -> memref<40x128xi32, #tpu.memory_space<hbm>>
      %dma_start3A_45 = arith.constant 0 : i32
      %dma_start3A_46 = tpu.memref_slice %arg3[%multiple_of3A_21, %dma_start3A_45] : memref<2560x128xi32, #tpu.memory_space<hbm>> -> memref<40x128xi32, #tpu.memory_space<hbm>>
      tpu.enqueue_dma source(%dma_start3A_46 : memref<40x128xi32, #tpu.memory_space<hbm>>) target(%arg7 : memref<40x128xi32, #tpu.memory_space<vmem>>) target_semaphore(%run_scoped3A : memref<!tpu.dma_semaphore, #tpu.memory_space<semaphore_mem>>)
      %dma_wait3A = arith.constant 0 : i32
      %dma_wait3A_47 = tpu.memref_slice %arg3[%multiple_of3A_21, %dma_wait3A] : memref<2560x128xi32, #tpu.memory_space<hbm>> -> memref<40x128xi32, #tpu.memory_space<hbm>>
      %dma_wait3A_48 = arith.constant 0 : i32
      %dma_wait3A_49 = tpu.memref_slice %arg3[%multiple_of3A_21, %dma_wait3A_48] : memref<2560x128xi32, #tpu.memory_space<hbm>> -> memref<40x128xi32, #tpu.memory_space<hbm>>
      tpu.wait_dma2 semaphore(%run_scoped3A : memref<!tpu.dma_semaphore, #tpu.memory_space<semaphore_mem>>) src(%dma_wait3A_49 : memref<40x128xi32, #tpu.memory_space<hbm>>) dst(%arg7 : memref<40x128xi32, #tpu.memory_space<vmem>>)
      tpu.yield
    }) : () -> ()
    "tpu.region"() ({
      %run_scoped3A = tpu.sem_alloc : memref<!tpu.dma_semaphore, #tpu.memory_space<semaphore_mem>>
      %dma_start3A_43 = arith.constant 0 : i32
      %dma_start3A_44 = tpu.memref_slice %arg4[%multiple_of3A_21, %dma_start3A_43] : memref<2560x128xi32, #tpu.memory_space<hbm>> -> memref<40x128xi32, #tpu.memory_space<hbm>>
      %dma_start3A_45 = arith.constant 0 : i32
      %dma_start3A_46 = tpu.memref_slice %arg4[%multiple_of3A_21, %dma_start3A_45] : memref<2560x128xi32, #tpu.memory_space<hbm>> -> memref<40x128xi32, #tpu.memory_space<hbm>>
      tpu.enqueue_dma source(%dma_start3A_46 : memref<40x128xi32, #tpu.memory_space<hbm>>) target(%arg8 : memref<40x128xi32, #tpu.memory_space<vmem>>) target_semaphore(%run_scoped3A : memref<!tpu.dma_semaphore, #tpu.memory_space<semaphore_mem>>)
      %dma_wait3A = arith.constant 0 : i32
      %dma_wait3A_47 = tpu.memref_slice %arg4[%multiple_of3A_21, %dma_wait3A] : memref<2560x128xi32, #tpu.memory_space<hbm>> -> memref<40x128xi32, #tpu.memory_space<hbm>>
      %dma_wait3A_48 = arith.constant 0 : i32
      %dma_wait3A_49 = tpu.memref_slice %arg4[%multiple_of3A_21, %dma_wait3A_48] : memref<2560x128xi32, #tpu.memory_space<hbm>> -> memref<40x128xi32, #tpu.memory_space<hbm>>
      tpu.wait_dma2 semaphore(%run_scoped3A : memref<!tpu.dma_semaphore, #tpu.memory_space<semaphore_mem>>) src(%dma_wait3A_49 : memref<40x128xi32, #tpu.memory_space<hbm>>) dst(%arg8 : memref<40x128xi32, #tpu.memory_space<vmem>>)
      tpu.yield
    }) : () -> ()
    %dma_start3A_22 = arith.constant 0 : i32
    %dma_start3A_23 = arith.constant 0 : i32
    %dma_start3A_24 = tpu.memref_slice %arg7[%dma_start3A_22, %dma_start3A_23] : memref<40x128xi32, #tpu.memory_space<vmem>> -> memref<1x128xi32, #tpu.memory_space<vmem>>
    %dma_start3A_25 = tpu.memref_squeeze %dma_start3A_24 : memref<1x128xi32, #tpu.memory_space<vmem>> -> memref<128xi32, #tpu.memory_space<vmem>>
    %dma_start3A_26 = arith.constant 0 : i32
    %dma_start3A_27 = arith.constant 0 : i32
    %dma_start3A_28 = tpu.memref_slice %arg2[%dma_start3A_26, %dma_start3A_27] : memref<10000x128xf32, #tpu.memory_space<hbm>> -> memref<10000x128xf32, #tpu.memory_space<hbm>>
    tpu.enqueue_indirect_dma source(%dma_start3A_28 : memref<10000x128xf32, #tpu.memory_space<hbm>>) target(%arg9 : memref<128x128xf32, #tpu.memory_space<vmem>>) offsets(%dma_start3A_25 : memref<128xi32, #tpu.memory_space<vmem>>) semaphore(%arg12 : memref<!tpu.dma_semaphore, #tpu.memory_space<semaphore_mem>>)
    %scan3A_29 = arith.constant 0 : i32
    %scan3A_30 = arith.constant 0 : i32
    %scan3A_31 = arith.constant 20 : i32
    %scan3A_32 = arith.addi %scan3A_30, %scan3A_31 : i32
    %scan3A_33 = arith.constant 1 : i32
    scf.for %scan3A_43 = %scan3A_30 to %scan3A_32 step %scan3A_33  : i32 {
      %mul3A_44 = arith.constant 2 : i32
      %mul3A_45 = arith.muli %mul3A_44, %scan3A_43 : i32
      %add3A_46 = arith.constant 1 : i32
      %add3A_47 = arith.addi %mul3A_45, %add3A_46 : i32
      %dma_start3A_48 = arith.constant 0 : i32
      %dma_start3A_49 = tpu.memref_slice %arg7[%add3A_47, %dma_start3A_48] : memref<40x128xi32, #tpu.memory_space<vmem>> -> memref<1x128xi32, #tpu.memory_space<vmem>>
      %dma_start3A_50 = tpu.memref_squeeze %dma_start3A_49 : memref<1x128xi32, #tpu.memory_space<vmem>> -> memref<128xi32, #tpu.memory_space<vmem>>
      %dma_start3A_51 = arith.constant 0 : i32
      %dma_start3A_52 = arith.constant 0 : i32
      %dma_start3A_53 = tpu.memref_slice %arg2[%dma_start3A_51, %dma_start3A_52] : memref<10000x128xf32, #tpu.memory_space<hbm>> -> memref<10000x128xf32, #tpu.memory_space<hbm>>
      tpu.enqueue_indirect_dma source(%dma_start3A_53 : memref<10000x128xf32, #tpu.memory_space<hbm>>) target(%arg10 : memref<128x128xf32, #tpu.memory_space<vmem>>) offsets(%dma_start3A_50 : memref<128xi32, #tpu.memory_space<vmem>>) semaphore(%arg13 : memref<!tpu.dma_semaphore, #tpu.memory_space<semaphore_mem>>)
      %dma_wait3A = arith.constant 0 : i32
      %dma_wait3A_54 = arith.constant 0 : i32
      %dma_wait3A_55 = tpu.memref_slice %arg7[%dma_wait3A, %dma_wait3A_54] : memref<40x128xi32, #tpu.memory_space<vmem>> -> memref<1x128xi32, #tpu.memory_space<vmem>>
      %dma_wait3A_56 = tpu.memref_squeeze %dma_wait3A_55 : memref<1x128xi32, #tpu.memory_space<vmem>> -> memref<128xi32, #tpu.memory_space<vmem>>
      %dma_wait3A_57 = arith.constant 0 : i32
      %dma_wait3A_58 = arith.constant 0 : i32
      %dma_wait3A_59 = tpu.memref_slice %arg2[%dma_wait3A_57, %dma_wait3A_58] : memref<10000x128xf32, #tpu.memory_space<hbm>> -> memref<10000x128xf32, #tpu.memory_space<hbm>>
      tpu.wait_indirect_dma semaphore(%arg12 : memref<!tpu.dma_semaphore, #tpu.memory_space<semaphore_mem>>) src(%dma_wait3A_59 : memref<10000x128xf32, #tpu.memory_space<hbm>>) dst(%arg9 : memref<128x128xf32, #tpu.memory_space<vmem>>)
      "tpu.region"() ({
        %run_scoped3A = tpu.sem_alloc : memref<!tpu.dma_semaphore, #tpu.memory_space<semaphore_mem>>
        %dma_start3A_73 = arith.constant 0 : i32
        %dma_start3A_74 = tpu.memref_slice %arg8[%mul3A_45, %dma_start3A_73] : memref<40x128xi32, #tpu.memory_space<vmem>> -> memref<1x128xi32, #tpu.memory_space<vmem>>
        %dma_start3A_75 = tpu.memref_squeeze %dma_start3A_74 : memref<1x128xi32, #tpu.memory_space<vmem>> -> memref<128xi32, #tpu.memory_space<vmem>>
        %dma_start3A_76 = arith.constant 0 : i32
        %dma_start3A_77 = arith.constant 0 : i32
        %dma_start3A_78 = tpu.memref_slice %arg11[%dma_start3A_76, %dma_start3A_77] : memref<10008x128xf32, #tpu.memory_space<vmem_shared>> -> memref<10008x128xf32, #tpu.memory_space<vmem_shared>>
        tpu.enqueue_indirect_dma source(%arg9 : memref<128x128xf32, #tpu.memory_space<vmem>>) target(%dma_start3A_78 : memref<10008x128xf32, #tpu.memory_space<vmem_shared>>) offsets(%dma_start3A_75 : memref<128xi32, #tpu.memory_space<vmem>>) semaphore(%run_scoped3A : memref<!tpu.dma_semaphore, #tpu.memory_space<semaphore_mem>>) {add = true}
        %dma_wait3A_79 = arith.constant 0 : i32
        %dma_wait3A_80 = tpu.memref_slice %arg8[%mul3A_45, %dma_wait3A_79] : memref<40x128xi32, #tpu.memory_space<vmem>> -> memref<1x128xi32, #tpu.memory_space<vmem>>
        %dma_wait3A_81 = tpu.memref_squeeze %dma_wait3A_80 : memref<1x128xi32, #tpu.memory_space<vmem>> -> memref<128xi32, #tpu.memory_space<vmem>>
        %dma_wait3A_82 = arith.constant 0 : i32
        %dma_wait3A_83 = arith.constant 0 : i32
        %dma_wait3A_84 = tpu.memref_slice %arg11[%dma_wait3A_82, %dma_wait3A_83] : memref<10008x128xf32, #tpu.memory_space<vmem_shared>> -> memref<10008x128xf32, #tpu.memory_space<vmem_shared>>
        tpu.wait_indirect_dma semaphore(%run_scoped3A : memref<!tpu.dma_semaphore, #tpu.memory_space<semaphore_mem>>) src(%arg9 : memref<128x128xf32, #tpu.memory_space<vmem>>) dst(%dma_wait3A_84 : memref<10008x128xf32, #tpu.memory_space<vmem_shared>>)
        tpu.yield
      }) : () -> ()
      %lt3A = arith.constant 19 : i32
      %lt3A_60 = arith.cmpi slt, %scan3A_43, %lt3A : i32
      %convert_element_type3A_61 = arith.extui %lt3A_60 : i1 to i32
      %cond3A_62 = arith.constant 0 : i32
      %cond3A_63 = arith.cmpi ne, %convert_element_type3A_61, %cond3A_62 : i32
      scf.if %cond3A_63 {
        %add3A_73 = arith.constant 2 : i32
        %add3A_74 = arith.addi %mul3A_45, %add3A_73 : i32
        %dma_start3A_75 = arith.constant 0 : i32
        %dma_start3A_76 = tpu.memref_slice %arg7[%add3A_74, %dma_start3A_75] : memref<40x128xi32, #tpu.memory_space<vmem>> -> memref<1x128xi32, #tpu.memory_space<vmem>>
        %dma_start3A_77 = tpu.memref_squeeze %dma_start3A_76 : memref<1x128xi32, #tpu.memory_space<vmem>> -> memref<128xi32, #tpu.memory_space<vmem>>
        %dma_start3A_78 = arith.constant 0 : i32
        %dma_start3A_79 = arith.constant 0 : i32
        %dma_start3A_80 = tpu.memref_slice %arg2[%dma_start3A_78, %dma_start3A_79] : memref<10000x128xf32, #tpu.memory_space<hbm>> -> memref<10000x128xf32, #tpu.memory_space<hbm>>
        tpu.enqueue_indirect_dma source(%dma_start3A_80 : memref<10000x128xf32, #tpu.memory_space<hbm>>) target(%arg9 : memref<128x128xf32, #tpu.memory_space<vmem>>) offsets(%dma_start3A_77 : memref<128xi32, #tpu.memory_space<vmem>>) semaphore(%arg12 : memref<!tpu.dma_semaphore, #tpu.memory_space<semaphore_mem>>)
      } else {
      }
      %dma_wait3A_64 = arith.constant 0 : i32
      %dma_wait3A_65 = arith.constant 0 : i32
      %dma_wait3A_66 = tpu.memref_slice %arg7[%dma_wait3A_64, %dma_wait3A_65] : memref<40x128xi32, #tpu.memory_space<vmem>> -> memref<1x128xi32, #tpu.memory_space<vmem>>
      %dma_wait3A_67 = tpu.memref_squeeze %dma_wait3A_66 : memref<1x128xi32, #tpu.memory_space<vmem>> -> memref<128xi32, #tpu.memory_space<vmem>>
      %dma_wait3A_68 = arith.constant 0 : i32
      %dma_wait3A_69 = arith.constant 0 : i32
      %dma_wait3A_70 = tpu.memref_slice %arg2[%dma_wait3A_68, %dma_wait3A_69] : memref<10000x128xf32, #tpu.memory_space<hbm>> -> memref<10000x128xf32, #tpu.memory_space<hbm>>
      tpu.wait_indirect_dma semaphore(%arg13 : memref<!tpu.dma_semaphore, #tpu.memory_space<semaphore_mem>>) src(%dma_wait3A_70 : memref<10000x128xf32, #tpu.memory_space<hbm>>) dst(%arg10 : memref<128x128xf32, #tpu.memory_space<vmem>>)
      %add3A_71 = arith.constant 1 : i32
      %add3A_72 = arith.addi %mul3A_45, %add3A_71 : i32
      "tpu.region"() ({
        %run_scoped3A = tpu.sem_alloc : memref<!tpu.dma_semaphore, #tpu.memory_space<semaphore_mem>>
        %dma_start3A_73 = arith.constant 0 : i32
        %dma_start3A_74 = tpu.memref_slice %arg8[%add3A_72, %dma_start3A_73] : memref<40x128xi32, #tpu.memory_space<vmem>> -> memref<1x128xi32, #tpu.memory_space<vmem>>
        %dma_start3A_75 = tpu.memref_squeeze %dma_start3A_74 : memref<1x128xi32, #tpu.memory_space<vmem>> -> memref<128xi32, #tpu.memory_space<vmem>>
        %dma_start3A_76 = arith.constant 0 : i32
        %dma_start3A_77 = arith.constant 0 : i32
        %dma_start3A_78 = tpu.memref_slice %arg11[%dma_start3A_76, %dma_start3A_77] : memref<10008x128xf32, #tpu.memory_space<vmem_shared>> -> memref<10008x128xf32, #tpu.memory_space<vmem_shared>>
        tpu.enqueue_indirect_dma source(%arg10 : memref<128x128xf32, #tpu.memory_space<vmem>>) target(%dma_start3A_78 : memref<10008x128xf32, #tpu.memory_space<vmem_shared>>) offsets(%dma_start3A_75 : memref<128xi32, #tpu.memory_space<vmem>>) semaphore(%run_scoped3A : memref<!tpu.dma_semaphore, #tpu.memory_space<semaphore_mem>>) {add = true}
        %dma_wait3A_79 = arith.constant 0 : i32
        %dma_wait3A_80 = tpu.memref_slice %arg8[%add3A_72, %dma_wait3A_79] : memref<40x128xi32, #tpu.memory_space<vmem>> -> memref<1x128xi32, #tpu.memory_space<vmem>>
        %dma_wait3A_81 = tpu.memref_squeeze %dma_wait3A_80 : memref<1x128xi32, #tpu.memory_space<vmem>> -> memref<128xi32, #tpu.memory_space<vmem>>
        %dma_wait3A_82 = arith.constant 0 : i32
        %dma_wait3A_83 = arith.constant 0 : i32
        %dma_wait3A_84 = tpu.memref_slice %arg11[%dma_wait3A_82, %dma_wait3A_83] : memref<10008x128xf32, #tpu.memory_space<vmem_shared>> -> memref<10008x128xf32, #tpu.memory_space<vmem_shared>>
        tpu.wait_indirect_dma semaphore(%run_scoped3A : memref<!tpu.dma_semaphore, #tpu.memory_space<semaphore_mem>>) src(%arg10 : memref<128x128xf32, #tpu.memory_space<vmem>>) dst(%dma_wait3A_84 : memref<10008x128xf32, #tpu.memory_space<vmem_shared>>)
        tpu.yield
      }) : () -> ()
    }
    %scan3A_34 = arith.constant 20 : i32
    %barrier3A_35 = arith.constant 0 : index
    tpu.barrier barrier_id(%barrier3A_35)
    %mul3A_36 = arith.constant 624 : i32
    %mul3A_37 = arith.muli %arg1, %mul3A_36 : i32
    "tpu.region"() ({
      %run_scoped3A = tpu.sem_alloc : memref<!tpu.dma_semaphore, #tpu.memory_space<semaphore_mem>>
      %dma_start3A_43 = arith.constant 0 : i32
      %dma_start3A_44 = tpu.memref_slice %arg6[%arg0, %mul3A_37, %dma_start3A_43] : memref<2x10008x128xf32, #tpu.memory_space<hbm>> -> memref<1x624x128xf32, #tpu.memory_space<hbm>>
      %dma_start3A_45 = tpu.memref_squeeze %dma_start3A_44 : memref<1x624x128xf32, #tpu.memory_space<hbm>> -> memref<624x128xf32, #tpu.memory_space<hbm>>
      %dma_start3A_46 = arith.constant 0 : i32
      %dma_start3A_47 = tpu.memref_slice %arg11[%mul3A_37, %dma_start3A_46] : memref<10008x128xf32, #tpu.memory_space<vmem_shared>> -> memref<624x128xf32, #tpu.memory_space<vmem_shared>>
      tpu.enqueue_dma source(%dma_start3A_47 : memref<624x128xf32, #tpu.memory_space<vmem_shared>>) target(%dma_start3A_45 : memref<624x128xf32, #tpu.memory_space<hbm>>) target_semaphore(%run_scoped3A : memref<!tpu.dma_semaphore, #tpu.memory_space<semaphore_mem>>)
      %dma_wait3A = arith.constant 0 : i32
      %dma_wait3A_48 = tpu.memref_slice %arg6[%arg0, %mul3A_37, %dma_wait3A] : memref<2x10008x128xf32, #tpu.memory_space<hbm>> -> memref<1x624x128xf32, #tpu.memory_space<hbm>>
      %dma_wait3A_49 = tpu.memref_squeeze %dma_wait3A_48 : memref<1x624x128xf32, #tpu.memory_space<hbm>> -> memref<624x128xf32, #tpu.memory_space<hbm>>
      %dma_wait3A_50 = arith.constant 0 : i32
      %dma_wait3A_51 = tpu.memref_slice %arg11[%mul3A_37, %dma_wait3A_50] : memref<10008x128xf32, #tpu.memory_space<vmem_shared>> -> memref<624x128xf32, #tpu.memory_space<vmem_shared>>
      tpu.wait_dma2 semaphore(%run_scoped3A : memref<!tpu.dma_semaphore, #tpu.memory_space<semaphore_mem>>) src(%dma_wait3A_51 : memref<624x128xf32, #tpu.memory_space<vmem_shared>>) dst(%dma_wait3A_49 : memref<624x128xf32, #tpu.memory_space<hbm>>)
      tpu.yield
    }) : () -> ()
    %eq3A_38 = arith.constant 15 : i32
    %eq3A_39 = arith.cmpi eq, %arg1, %eq3A_38 : i32
    %convert_element_type3A_40 = arith.extui %eq3A_39 : i1 to i32
    %cond3A_41 = arith.constant 0 : i32
    %cond3A_42 = arith.cmpi ne, %convert_element_type3A_40, %cond3A_41 : i32
    scf.if %cond3A_42 {
      "tpu.region"() ({
        %run_scoped3A = tpu.sem_alloc : memref<!tpu.dma_semaphore, #tpu.memory_space<semaphore_mem>>
        %dma_start3A_43 = arith.constant 9984 : i32
        %dma_start3A_44 = arith.constant 0 : i32
        %dma_start3A_45 = tpu.memref_slice %arg6[%arg0, %dma_start3A_43, %dma_start3A_44] : memref<2x10008x128xf32, #tpu.memory_space<hbm>> -> memref<1x24x128xf32, #tpu.memory_space<hbm>>
        %dma_start3A_46 = tpu.memref_squeeze %dma_start3A_45 : memref<1x24x128xf32, #tpu.memory_space<hbm>> -> memref<24x128xf32, #tpu.memory_space<hbm>>
        %dma_start3A_47 = arith.constant 9984 : i32
        %dma_start3A_48 = arith.constant 0 : i32
        %dma_start3A_49 = tpu.memref_slice %arg11[%dma_start3A_47, %dma_start3A_48] : memref<10008x128xf32, #tpu.memory_space<vmem_shared>> -> memref<24x128xf32, #tpu.memory_space<vmem_shared>>
        tpu.enqueue_dma source(%dma_start3A_49 : memref<24x128xf32, #tpu.memory_space<vmem_shared>>) target(%dma_start3A_46 : memref<24x128xf32, #tpu.memory_space<hbm>>) target_semaphore(%run_scoped3A : memref<!tpu.dma_semaphore, #tpu.memory_space<semaphore_mem>>)
        %dma_wait3A = arith.constant 9984 : i32
        %dma_wait3A_50 = arith.constant 0 : i32
        %dma_wait3A_51 = tpu.memref_slice %arg6[%arg0, %dma_wait3A, %dma_wait3A_50] : memref<2x10008x128xf32, #tpu.memory_space<hbm>> -> memref<1x24x128xf32, #tpu.memory_space<hbm>>
        %dma_wait3A_52 = tpu.memref_squeeze %dma_wait3A_51 : memref<1x24x128xf32, #tpu.memory_space<hbm>> -> memref<24x128xf32, #tpu.memory_space<hbm>>
        %dma_wait3A_53 = arith.constant 9984 : i32
        %dma_wait3A_54 = arith.constant 0 : i32
        %dma_wait3A_55 = tpu.memref_slice %arg11[%dma_wait3A_53, %dma_wait3A_54] : memref<10008x128xf32, #tpu.memory_space<vmem_shared>> -> memref<24x128xf32, #tpu.memory_space<vmem_shared>>
        tpu.wait_dma2 semaphore(%run_scoped3A : memref<!tpu.dma_semaphore, #tpu.memory_space<semaphore_mem>>) src(%dma_wait3A_55 : memref<24x128xf32, #tpu.memory_space<vmem_shared>>) dst(%dma_wait3A_52 : memref<24x128xf32, #tpu.memory_space<hbm>>)
        tpu.yield
      }) : () -> ()
    } else {
    }
    return
  }
}

#map = affine_map<(d0, d1) -> (0, 0)>
#map1 = affine_map<(d0, d1) -> (0, 0, 0)>
module attributes {stable_mosaic.version = 14 : i64} {
  func.func @_seg_sum_body(%arg0: i32, %arg1: i32, %arg2: memref<10000x128xf32, #tpu.memory_space<hbm>>, %arg3: memref<2560x128xi32, #tpu.memory_space<hbm>>, %arg4: memref<2560x128xi32, #tpu.memory_space<hbm>>, %arg5: memref<10008x128xf32, #tpu.memory_space<hbm>>, %arg6: memref<2x10008x128xf32, #tpu.memory_space<hbm>>, %arg7: memref<40x128xi32, #tpu.memory_space<vmem>>, %arg8: memref<40x128xi32, #tpu.memory_space<vmem>>, %arg9: memref<128x128xf32, #tpu.memory_space<vmem>>, %arg10: memref<128x128xf32, #tpu.memory_space<vmem>>, %arg11: memref<10008x128xf32, #tpu.memory_space<vmem_shared>>, %arg12: memref<!tpu.dma_semaphore, #tpu.memory_space<semaphore_mem>>, %arg13: memref<!tpu.dma_semaphore, #tpu.memory_space<semaphore_mem>>) attributes {dimension_semantics = [#tpu.dimension_semantics<core_parallel>, #tpu.dimension_semantics<subcore_parallel>], iteration_bounds = array<i64: 2, 16>, scalar_prefetch = 0 : i64, scratch_operands = 7 : i64, tpu.core_type = #tpu.core_type<sc_vector_subcore>, window_params = [{transform_indices = #map}, {transform_indices = #map}, {transform_indices = #map}, {transform_indices = #map}, {transform_indices = #map1}]} {
    %mul3A = arith.constant 16 : i32
    %mul3A_0 = arith.muli %arg0, %mul3A : i32
    %add3A = arith.addi %mul3A_0, %arg1 : i32
    %mul3A_1 = arith.constant 80 : i32
    %mul3A_2 = arith.muli %add3A, %mul3A_1 : i32
    %multiple_of3A = tpu.assume_multiple %mul3A_2, 8 : i32
    %mul3A_3 = arith.constant 624 : i32
    %mul3A_4 = arith.muli %arg1, %mul3A_3 : i32
    "tpu.region"() ({
      %run_scoped3A = tpu.sem_alloc : memref<!tpu.dma_semaphore, #tpu.memory_space<semaphore_mem>>
      %dma_start3A_43 = arith.constant 0 : i32
      %dma_start3A_44 = tpu.memref_slice %arg11[%mul3A_4, %dma_start3A_43] : memref<10008x128xf32, #tpu.memory_space<vmem_shared>> -> memref<624x128xf32, #tpu.memory_space<vmem_shared>>
      %dma_start3A_45 = arith.constant 0 : i32
      %dma_start3A_46 = tpu.memref_slice %arg5[%mul3A_4, %dma_start3A_45] : memref<10008x128xf32, #tpu.memory_space<hbm>> -> memref<624x128xf32, #tpu.memory_space<hbm>>
      tpu.enqueue_dma source(%dma_start3A_46 : memref<624x128xf32, #tpu.memory_space<hbm>>) target(%dma_start3A_44 : memref<624x128xf32, #tpu.memory_space<vmem_shared>>) target_semaphore(%run_scoped3A : memref<!tpu.dma_semaphore, #tpu.memory_space<semaphore_mem>>)
      %dma_wait3A = arith.constant 0 : i32
      %dma_wait3A_47 = tpu.memref_slice %arg11[%mul3A_4, %dma_wait3A] : memref<10008x128xf32, #tpu.memory_space<vmem_shared>> -> memref<624x128xf32, #tpu.memory_space<vmem_shared>>
      %dma_wait3A_48 = arith.constant 0 : i32
      %dma_wait3A_49 = tpu.memref_slice %arg5[%mul3A_4, %dma_wait3A_48] : memref<10008x128xf32, #tpu.memory_space<hbm>> -> memref<624x128xf32, #tpu.memory_space<hbm>>
      tpu.wait_dma2 semaphore(%run_scoped3A : memref<!tpu.dma_semaphore, #tpu.memory_space<semaphore_mem>>) src(%dma_wait3A_49 : memref<624x128xf32, #tpu.memory_space<hbm>>) dst(%dma_wait3A_47 : memref<624x128xf32, #tpu.memory_space<vmem_shared>>)
      tpu.yield
    }) : () -> ()
    %eq3A = arith.constant 15 : i32
    %eq3A_5 = arith.cmpi eq, %arg1, %eq3A : i32
    %convert_element_type3A = arith.extui %eq3A_5 : i1 to i32
    %cond3A = arith.constant 0 : i32
    %cond3A_6 = arith.cmpi ne, %convert_element_type3A, %cond3A : i32
    scf.if %cond3A_6 {
      "tpu.region"() ({
        %run_scoped3A = tpu.sem_alloc : memref<!tpu.dma_semaphore, #tpu.memory_space<semaphore_mem>>
        %dma_start3A_43 = arith.constant 9984 : i32
        %dma_start3A_44 = arith.constant 0 : i32
        %dma_start3A_45 = tpu.memref_slice %arg11[%dma_start3A_43, %dma_start3A_44] : memref<10008x128xf32, #tpu.memory_space<vmem_shared>> -> memref<24x128xf32, #tpu.memory_space<vmem_shared>>
        %dma_start3A_46 = arith.constant 9984 : i32
        %dma_start3A_47 = arith.constant 0 : i32
        %dma_start3A_48 = tpu.memref_slice %arg5[%dma_start3A_46, %dma_start3A_47] : memref<10008x128xf32, #tpu.memory_space<hbm>> -> memref<24x128xf32, #tpu.memory_space<hbm>>
        tpu.enqueue_dma source(%dma_start3A_48 : memref<24x128xf32, #tpu.memory_space<hbm>>) target(%dma_start3A_45 : memref<24x128xf32, #tpu.memory_space<vmem_shared>>) target_semaphore(%run_scoped3A : memref<!tpu.dma_semaphore, #tpu.memory_space<semaphore_mem>>)
        %dma_wait3A = arith.constant 9984 : i32
        %dma_wait3A_49 = arith.constant 0 : i32
        %dma_wait3A_50 = tpu.memref_slice %arg11[%dma_wait3A, %dma_wait3A_49] : memref<10008x128xf32, #tpu.memory_space<vmem_shared>> -> memref<24x128xf32, #tpu.memory_space<vmem_shared>>
        %dma_wait3A_51 = arith.constant 9984 : i32
        %dma_wait3A_52 = arith.constant 0 : i32
        %dma_wait3A_53 = tpu.memref_slice %arg5[%dma_wait3A_51, %dma_wait3A_52] : memref<10008x128xf32, #tpu.memory_space<hbm>> -> memref<24x128xf32, #tpu.memory_space<hbm>>
        tpu.wait_dma2 semaphore(%run_scoped3A : memref<!tpu.dma_semaphore, #tpu.memory_space<semaphore_mem>>) src(%dma_wait3A_53 : memref<24x128xf32, #tpu.memory_space<hbm>>) dst(%dma_wait3A_50 : memref<24x128xf32, #tpu.memory_space<vmem_shared>>)
        tpu.yield
      }) : () -> ()
    } else {
    }
    %barrier3A = arith.constant 0 : index
    tpu.barrier barrier_id(%barrier3A)
    %multiple_of3A_7 = tpu.assume_multiple %multiple_of3A, 8 : i32
    "tpu.region"() ({
      %run_scoped3A = tpu.sem_alloc : memref<!tpu.dma_semaphore, #tpu.memory_space<semaphore_mem>>
      %dma_start3A_43 = arith.constant 0 : i32
      %dma_start3A_44 = tpu.memref_slice %arg3[%multiple_of3A_7, %dma_start3A_43] : memref<2560x128xi32, #tpu.memory_space<hbm>> -> memref<40x128xi32, #tpu.memory_space<hbm>>
      %dma_start3A_45 = arith.constant 0 : i32
      %dma_start3A_46 = tpu.memref_slice %arg3[%multiple_of3A_7, %dma_start3A_45] : memref<2560x128xi32, #tpu.memory_space<hbm>> -> memref<40x128xi32, #tpu.memory_space<hbm>>
      tpu.enqueue_dma source(%dma_start3A_46 : memref<40x128xi32, #tpu.memory_space<hbm>>) target(%arg7 : memref<40x128xi32, #tpu.memory_space<vmem>>) target_semaphore(%run_scoped3A : memref<!tpu.dma_semaphore, #tpu.memory_space<semaphore_mem>>)
      %dma_wait3A = arith.constant 0 : i32
      %dma_wait3A_47 = tpu.memref_slice %arg3[%multiple_of3A_7, %dma_wait3A] : memref<2560x128xi32, #tpu.memory_space<hbm>> -> memref<40x128xi32, #tpu.memory_space<hbm>>
      %dma_wait3A_48 = arith.constant 0 : i32
      %dma_wait3A_49 = tpu.memref_slice %arg3[%multiple_of3A_7, %dma_wait3A_48] : memref<2560x128xi32, #tpu.memory_space<hbm>> -> memref<40x128xi32, #tpu.memory_space<hbm>>
      tpu.wait_dma2 semaphore(%run_scoped3A : memref<!tpu.dma_semaphore, #tpu.memory_space<semaphore_mem>>) src(%dma_wait3A_49 : memref<40x128xi32, #tpu.memory_space<hbm>>) dst(%arg7 : memref<40x128xi32, #tpu.memory_space<vmem>>)
      tpu.yield
    }) : () -> ()
    "tpu.region"() ({
      %run_scoped3A = tpu.sem_alloc : memref<!tpu.dma_semaphore, #tpu.memory_space<semaphore_mem>>
      %dma_start3A_43 = arith.constant 0 : i32
      %dma_start3A_44 = tpu.memref_slice %arg4[%multiple_of3A_7, %dma_start3A_43] : memref<2560x128xi32, #tpu.memory_space<hbm>> -> memref<40x128xi32, #tpu.memory_space<hbm>>
      %dma_start3A_45 = arith.constant 0 : i32
      %dma_start3A_46 = tpu.memref_slice %arg4[%multiple_of3A_7, %dma_start3A_45] : memref<2560x128xi32, #tpu.memory_space<hbm>> -> memref<40x128xi32, #tpu.memory_space<hbm>>
      tpu.enqueue_dma source(%dma_start3A_46 : memref<40x128xi32, #tpu.memory_space<hbm>>) target(%arg8 : memref<40x128xi32, #tpu.memory_space<vmem>>) target_semaphore(%run_scoped3A : memref<!tpu.dma_semaphore, #tpu.memory_space<semaphore_mem>>)
      %dma_wait3A = arith.constant 0 : i32
      %dma_wait3A_47 = tpu.memref_slice %arg4[%multiple_of3A_7, %dma_wait3A] : memref<2560x128xi32, #tpu.memory_space<hbm>> -> memref<40x128xi32, #tpu.memory_space<hbm>>
      %dma_wait3A_48 = arith.constant 0 : i32
      %dma_wait3A_49 = tpu.memref_slice %arg4[%multiple_of3A_7, %dma_wait3A_48] : memref<2560x128xi32, #tpu.memory_space<hbm>> -> memref<40x128xi32, #tpu.memory_space<hbm>>
      tpu.wait_dma2 semaphore(%run_scoped3A : memref<!tpu.dma_semaphore, #tpu.memory_space<semaphore_mem>>) src(%dma_wait3A_49 : memref<40x128xi32, #tpu.memory_space<hbm>>) dst(%arg8 : memref<40x128xi32, #tpu.memory_space<vmem>>)
      tpu.yield
    }) : () -> ()
    %dma_start3A = arith.constant 0 : i32
    %dma_start3A_8 = arith.constant 0 : i32
    %dma_start3A_9 = tpu.memref_slice %arg7[%dma_start3A, %dma_start3A_8] : memref<40x128xi32, #tpu.memory_space<vmem>> -> memref<1x128xi32, #tpu.memory_space<vmem>>
    %dma_start3A_10 = tpu.memref_squeeze %dma_start3A_9 : memref<1x128xi32, #tpu.memory_space<vmem>> -> memref<128xi32, #tpu.memory_space<vmem>>
    %dma_start3A_11 = arith.constant 0 : i32
    %dma_start3A_12 = arith.constant 0 : i32
    %dma_start3A_13 = tpu.memref_slice %arg2[%dma_start3A_11, %dma_start3A_12] : memref<10000x128xf32, #tpu.memory_space<hbm>> -> memref<10000x128xf32, #tpu.memory_space<hbm>>
    tpu.enqueue_indirect_dma source(%dma_start3A_13 : memref<10000x128xf32, #tpu.memory_space<hbm>>) target(%arg9 : memref<128x128xf32, #tpu.memory_space<vmem>>) offsets(%dma_start3A_10 : memref<128xi32, #tpu.memory_space<vmem>>) semaphore(%arg12 : memref<!tpu.dma_semaphore, #tpu.memory_space<semaphore_mem>>)
    %scan3A = arith.constant 0 : i32
    %scan3A_14 = arith.constant 0 : i32
    %scan3A_15 = arith.constant 20 : i32
    %scan3A_16 = arith.addi %scan3A_14, %scan3A_15 : i32
    %scan3A_17 = arith.constant 1 : i32
    scf.for %scan3A_43 = %scan3A_14 to %scan3A_16 step %scan3A_17  : i32 {
      %mul3A_44 = arith.constant 2 : i32
      %mul3A_45 = arith.muli %mul3A_44, %scan3A_43 : i32
      %add3A_46 = arith.constant 1 : i32
      %add3A_47 = arith.addi %mul3A_45, %add3A_46 : i32
      %dma_start3A_48 = arith.constant 0 : i32
      %dma_start3A_49 = tpu.memref_slice %arg7[%add3A_47, %dma_start3A_48] : memref<40x128xi32, #tpu.memory_space<vmem>> -> memref<1x128xi32, #tpu.memory_space<vmem>>
      %dma_start3A_50 = tpu.memref_squeeze %dma_start3A_49 : memref<1x128xi32, #tpu.memory_space<vmem>> -> memref<128xi32, #tpu.memory_space<vmem>>
      %dma_start3A_51 = arith.constant 0 : i32
      %dma_start3A_52 = arith.constant 0 : i32
      %dma_start3A_53 = tpu.memref_slice %arg2[%dma_start3A_51, %dma_start3A_52] : memref<10000x128xf32, #tpu.memory_space<hbm>> -> memref<10000x128xf32, #tpu.memory_space<hbm>>
      tpu.enqueue_indirect_dma source(%dma_start3A_53 : memref<10000x128xf32, #tpu.memory_space<hbm>>) target(%arg10 : memref<128x128xf32, #tpu.memory_space<vmem>>) offsets(%dma_start3A_50 : memref<128xi32, #tpu.memory_space<vmem>>) semaphore(%arg13 : memref<!tpu.dma_semaphore, #tpu.memory_space<semaphore_mem>>)
      %dma_wait3A = arith.constant 0 : i32
      %dma_wait3A_54 = arith.constant 0 : i32
      %dma_wait3A_55 = tpu.memref_slice %arg7[%dma_wait3A, %dma_wait3A_54] : memref<40x128xi32, #tpu.memory_space<vmem>> -> memref<1x128xi32, #tpu.memory_space<vmem>>
      %dma_wait3A_56 = tpu.memref_squeeze %dma_wait3A_55 : memref<1x128xi32, #tpu.memory_space<vmem>> -> memref<128xi32, #tpu.memory_space<vmem>>
      %dma_wait3A_57 = arith.constant 0 : i32
      %dma_wait3A_58 = arith.constant 0 : i32
      %dma_wait3A_59 = tpu.memref_slice %arg2[%dma_wait3A_57, %dma_wait3A_58] : memref<10000x128xf32, #tpu.memory_space<hbm>> -> memref<10000x128xf32, #tpu.memory_space<hbm>>
      tpu.wait_indirect_dma semaphore(%arg12 : memref<!tpu.dma_semaphore, #tpu.memory_space<semaphore_mem>>) src(%dma_wait3A_59 : memref<10000x128xf32, #tpu.memory_space<hbm>>) dst(%arg9 : memref<128x128xf32, #tpu.memory_space<vmem>>)
      "tpu.region"() ({
        %run_scoped3A = tpu.sem_alloc : memref<!tpu.dma_semaphore, #tpu.memory_space<semaphore_mem>>
        %dma_start3A_73 = arith.constant 0 : i32
        %dma_start3A_74 = tpu.memref_slice %arg8[%mul3A_45, %dma_start3A_73] : memref<40x128xi32, #tpu.memory_space<vmem>> -> memref<1x128xi32, #tpu.memory_space<vmem>>
        %dma_start3A_75 = tpu.memref_squeeze %dma_start3A_74 : memref<1x128xi32, #tpu.memory_space<vmem>> -> memref<128xi32, #tpu.memory_space<vmem>>
        %dma_start3A_76 = arith.constant 0 : i32
        %dma_start3A_77 = arith.constant 0 : i32
        %dma_start3A_78 = tpu.memref_slice %arg11[%dma_start3A_76, %dma_start3A_77] : memref<10008x128xf32, #tpu.memory_space<vmem_shared>> -> memref<10008x128xf32, #tpu.memory_space<vmem_shared>>
        tpu.enqueue_indirect_dma source(%arg9 : memref<128x128xf32, #tpu.memory_space<vmem>>) target(%dma_start3A_78 : memref<10008x128xf32, #tpu.memory_space<vmem_shared>>) offsets(%dma_start3A_75 : memref<128xi32, #tpu.memory_space<vmem>>) semaphore(%run_scoped3A : memref<!tpu.dma_semaphore, #tpu.memory_space<semaphore_mem>>) {add = true}
        %dma_wait3A_79 = arith.constant 0 : i32
        %dma_wait3A_80 = tpu.memref_slice %arg8[%mul3A_45, %dma_wait3A_79] : memref<40x128xi32, #tpu.memory_space<vmem>> -> memref<1x128xi32, #tpu.memory_space<vmem>>
        %dma_wait3A_81 = tpu.memref_squeeze %dma_wait3A_80 : memref<1x128xi32, #tpu.memory_space<vmem>> -> memref<128xi32, #tpu.memory_space<vmem>>
        %dma_wait3A_82 = arith.constant 0 : i32
        %dma_wait3A_83 = arith.constant 0 : i32
        %dma_wait3A_84 = tpu.memref_slice %arg11[%dma_wait3A_82, %dma_wait3A_83] : memref<10008x128xf32, #tpu.memory_space<vmem_shared>> -> memref<10008x128xf32, #tpu.memory_space<vmem_shared>>
        tpu.wait_indirect_dma semaphore(%run_scoped3A : memref<!tpu.dma_semaphore, #tpu.memory_space<semaphore_mem>>) src(%arg9 : memref<128x128xf32, #tpu.memory_space<vmem>>) dst(%dma_wait3A_84 : memref<10008x128xf32, #tpu.memory_space<vmem_shared>>)
        tpu.yield
      }) : () -> ()
      %lt3A = arith.constant 19 : i32
      %lt3A_60 = arith.cmpi slt, %scan3A_43, %lt3A : i32
      %convert_element_type3A_61 = arith.extui %lt3A_60 : i1 to i32
      %cond3A_62 = arith.constant 0 : i32
      %cond3A_63 = arith.cmpi ne, %convert_element_type3A_61, %cond3A_62 : i32
      scf.if %cond3A_63 {
        %add3A_73 = arith.constant 2 : i32
        %add3A_74 = arith.addi %mul3A_45, %add3A_73 : i32
        %dma_start3A_75 = arith.constant 0 : i32
        %dma_start3A_76 = tpu.memref_slice %arg7[%add3A_74, %dma_start3A_75] : memref<40x128xi32, #tpu.memory_space<vmem>> -> memref<1x128xi32, #tpu.memory_space<vmem>>
        %dma_start3A_77 = tpu.memref_squeeze %dma_start3A_76 : memref<1x128xi32, #tpu.memory_space<vmem>> -> memref<128xi32, #tpu.memory_space<vmem>>
        %dma_start3A_78 = arith.constant 0 : i32
        %dma_start3A_79 = arith.constant 0 : i32
        %dma_start3A_80 = tpu.memref_slice %arg2[%dma_start3A_78, %dma_start3A_79] : memref<10000x128xf32, #tpu.memory_space<hbm>> -> memref<10000x128xf32, #tpu.memory_space<hbm>>
        tpu.enqueue_indirect_dma source(%dma_start3A_80 : memref<10000x128xf32, #tpu.memory_space<hbm>>) target(%arg9 : memref<128x128xf32, #tpu.memory_space<vmem>>) offsets(%dma_start3A_77 : memref<128xi32, #tpu.memory_space<vmem>>) semaphore(%arg12 : memref<!tpu.dma_semaphore, #tpu.memory_space<semaphore_mem>>)
      } else {
      }
      %dma_wait3A_64 = arith.constant 0 : i32
      %dma_wait3A_65 = arith.constant 0 : i32
      %dma_wait3A_66 = tpu.memref_slice %arg7[%dma_wait3A_64, %dma_wait3A_65] : memref<40x128xi32, #tpu.memory_space<vmem>> -> memref<1x128xi32, #tpu.memory_space<vmem>>
      %dma_wait3A_67 = tpu.memref_squeeze %dma_wait3A_66 : memref<1x128xi32, #tpu.memory_space<vmem>> -> memref<128xi32, #tpu.memory_space<vmem>>
      %dma_wait3A_68 = arith.constant 0 : i32
      %dma_wait3A_69 = arith.constant 0 : i32
      %dma_wait3A_70 = tpu.memref_slice %arg2[%dma_wait3A_68, %dma_wait3A_69] : memref<10000x128xf32, #tpu.memory_space<hbm>> -> memref<10000x128xf32, #tpu.memory_space<hbm>>
      tpu.wait_indirect_dma semaphore(%arg13 : memref<!tpu.dma_semaphore, #tpu.memory_space<semaphore_mem>>) src(%dma_wait3A_70 : memref<10000x128xf32, #tpu.memory_space<hbm>>) dst(%arg10 : memref<128x128xf32, #tpu.memory_space<vmem>>)
      %add3A_71 = arith.constant 1 : i32
      %add3A_72 = arith.addi %mul3A_45, %add3A_71 : i32
      "tpu.region"() ({
        %run_scoped3A = tpu.sem_alloc : memref<!tpu.dma_semaphore, #tpu.memory_space<semaphore_mem>>
        %dma_start3A_73 = arith.constant 0 : i32
        %dma_start3A_74 = tpu.memref_slice %arg8[%add3A_72, %dma_start3A_73] : memref<40x128xi32, #tpu.memory_space<vmem>> -> memref<1x128xi32, #tpu.memory_space<vmem>>
        %dma_start3A_75 = tpu.memref_squeeze %dma_start3A_74 : memref<1x128xi32, #tpu.memory_space<vmem>> -> memref<128xi32, #tpu.memory_space<vmem>>
        %dma_start3A_76 = arith.constant 0 : i32
        %dma_start3A_77 = arith.constant 0 : i32
        %dma_start3A_78 = tpu.memref_slice %arg11[%dma_start3A_76, %dma_start3A_77] : memref<10008x128xf32, #tpu.memory_space<vmem_shared>> -> memref<10008x128xf32, #tpu.memory_space<vmem_shared>>
        tpu.enqueue_indirect_dma source(%arg10 : memref<128x128xf32, #tpu.memory_space<vmem>>) target(%dma_start3A_78 : memref<10008x128xf32, #tpu.memory_space<vmem_shared>>) offsets(%dma_start3A_75 : memref<128xi32, #tpu.memory_space<vmem>>) semaphore(%run_scoped3A : memref<!tpu.dma_semaphore, #tpu.memory_space<semaphore_mem>>) {add = true}
        %dma_wait3A_79 = arith.constant 0 : i32
        %dma_wait3A_80 = tpu.memref_slice %arg8[%add3A_72, %dma_wait3A_79] : memref<40x128xi32, #tpu.memory_space<vmem>> -> memref<1x128xi32, #tpu.memory_space<vmem>>
        %dma_wait3A_81 = tpu.memref_squeeze %dma_wait3A_80 : memref<1x128xi32, #tpu.memory_space<vmem>> -> memref<128xi32, #tpu.memory_space<vmem>>
        %dma_wait3A_82 = arith.constant 0 : i32
        %dma_wait3A_83 = arith.constant 0 : i32
        %dma_wait3A_84 = tpu.memref_slice %arg11[%dma_wait3A_82, %dma_wait3A_83] : memref<10008x128xf32, #tpu.memory_space<vmem_shared>> -> memref<10008x128xf32, #tpu.memory_space<vmem_shared>>
        tpu.wait_indirect_dma semaphore(%run_scoped3A : memref<!tpu.dma_semaphore, #tpu.memory_space<semaphore_mem>>) src(%arg10 : memref<128x128xf32, #tpu.memory_space<vmem>>) dst(%dma_wait3A_84 : memref<10008x128xf32, #tpu.memory_space<vmem_shared>>)
        tpu.yield
      }) : () -> ()
    }
    %scan3A_18 = arith.constant 20 : i32
    %add3A_19 = arith.constant 40 : i32
    %add3A_20 = arith.addi %multiple_of3A, %add3A_19 : i32
    %multiple_of3A_21 = tpu.assume_multiple %add3A_20, 8 : i32
    "tpu.region"() ({
      %run_scoped3A = tpu.sem_alloc : memref<!tpu.dma_semaphore, #tpu.memory_space<semaphore_mem>>
      %dma_start3A_43 = arith.constant 0 : i32
      %dma_start3A_44 = tpu.memref_slice %arg3[%multiple_of3A_21, %dma_start3A_43] : memref<2560x128xi32, #tpu.memory_space<hbm>> -> memref<40x128xi32, #tpu.memory_space<hbm>>
      %dma_start3A_45 = arith.constant 0 : i32
      %dma_start3A_46 = tpu.memref_slice %arg3[%multiple_of3A_21, %dma_start3A_45] : memref<2560x128xi32, #tpu.memory_space<hbm>> -> memref<40x128xi32, #tpu.memory_space<hbm>>
      tpu.enqueue_dma source(%dma_start3A_46 : memref<40x128xi32, #tpu.memory_space<hbm>>) target(%arg7 : memref<40x128xi32, #tpu.memory_space<vmem>>) target_semaphore(%run_scoped3A : memref<!tpu.dma_semaphore, #tpu.memory_space<semaphore_mem>>)
      %dma_wait3A = arith.constant 0 : i32
      %dma_wait3A_47 = tpu.memref_slice %arg3[%multiple_of3A_21, %dma_wait3A] : memref<2560x128xi32, #tpu.memory_space<hbm>> -> memref<40x128xi32, #tpu.memory_space<hbm>>
      %dma_wait3A_48 = arith.constant 0 : i32
      %dma_wait3A_49 = tpu.memref_slice %arg3[%multiple_of3A_21, %dma_wait3A_48] : memref<2560x128xi32, #tpu.memory_space<hbm>> -> memref<40x128xi32, #tpu.memory_space<hbm>>
      tpu.wait_dma2 semaphore(%run_scoped3A : memref<!tpu.dma_semaphore, #tpu.memory_space<semaphore_mem>>) src(%dma_wait3A_49 : memref<40x128xi32, #tpu.memory_space<hbm>>) dst(%arg7 : memref<40x128xi32, #tpu.memory_space<vmem>>)
      tpu.yield
    }) : () -> ()
    "tpu.region"() ({
      %run_scoped3A = tpu.sem_alloc : memref<!tpu.dma_semaphore, #tpu.memory_space<semaphore_mem>>
      %dma_start3A_43 = arith.constant 0 : i32
      %dma_start3A_44 = tpu.memref_slice %arg4[%multiple_of3A_21, %dma_start3A_43] : memref<2560x128xi32, #tpu.memory_space<hbm>> -> memref<40x128xi32, #tpu.memory_space<hbm>>
      %dma_start3A_45 = arith.constant 0 : i32
      %dma_start3A_46 = tpu.memref_slice %arg4[%multiple_of3A_21, %dma_start3A_45] : memref<2560x128xi32, #tpu.memory_space<hbm>> -> memref<40x128xi32, #tpu.memory_space<hbm>>
      tpu.enqueue_dma source(%dma_start3A_46 : memref<40x128xi32, #tpu.memory_space<hbm>>) target(%arg8 : memref<40x128xi32, #tpu.memory_space<vmem>>) target_semaphore(%run_scoped3A : memref<!tpu.dma_semaphore, #tpu.memory_space<semaphore_mem>>)
      %dma_wait3A = arith.constant 0 : i32
      %dma_wait3A_47 = tpu.memref_slice %arg4[%multiple_of3A_21, %dma_wait3A] : memref<2560x128xi32, #tpu.memory_space<hbm>> -> memref<40x128xi32, #tpu.memory_space<hbm>>
      %dma_wait3A_48 = arith.constant 0 : i32
      %dma_wait3A_49 = tpu.memref_slice %arg4[%multiple_of3A_21, %dma_wait3A_48] : memref<2560x128xi32, #tpu.memory_space<hbm>> -> memref<40x128xi32, #tpu.memory_space<hbm>>
      tpu.wait_dma2 semaphore(%run_scoped3A : memref<!tpu.dma_semaphore, #tpu.memory_space<semaphore_mem>>) src(%dma_wait3A_49 : memref<40x128xi32, #tpu.memory_space<hbm>>) dst(%arg8 : memref<40x128xi32, #tpu.memory_space<vmem>>)
      tpu.yield
    }) : () -> ()
    %dma_start3A_22 = arith.constant 0 : i32
    %dma_start3A_23 = arith.constant 0 : i32
    %dma_start3A_24 = tpu.memref_slice %arg7[%dma_start3A_22, %dma_start3A_23] : memref<40x128xi32, #tpu.memory_space<vmem>> -> memref<1x128xi32, #tpu.memory_space<vmem>>
    %dma_start3A_25 = tpu.memref_squeeze %dma_start3A_24 : memref<1x128xi32, #tpu.memory_space<vmem>> -> memref<128xi32, #tpu.memory_space<vmem>>
    %dma_start3A_26 = arith.constant 0 : i32
    %dma_start3A_27 = arith.constant 0 : i32
    %dma_start3A_28 = tpu.memref_slice %arg2[%dma_start3A_26, %dma_start3A_27] : memref<10000x128xf32, #tpu.memory_space<hbm>> -> memref<10000x128xf32, #tpu.memory_space<hbm>>
    tpu.enqueue_indirect_dma source(%dma_start3A_28 : memref<10000x128xf32, #tpu.memory_space<hbm>>) target(%arg9 : memref<128x128xf32, #tpu.memory_space<vmem>>) offsets(%dma_start3A_25 : memref<128xi32, #tpu.memory_space<vmem>>) semaphore(%arg12 : memref<!tpu.dma_semaphore, #tpu.memory_space<semaphore_mem>>)
    %scan3A_29 = arith.constant 0 : i32
    %scan3A_30 = arith.constant 0 : i32
    %scan3A_31 = arith.constant 20 : i32
    %scan3A_32 = arith.addi %scan3A_30, %scan3A_31 : i32
    %scan3A_33 = arith.constant 1 : i32
    scf.for %scan3A_43 = %scan3A_30 to %scan3A_32 step %scan3A_33  : i32 {
      %mul3A_44 = arith.constant 2 : i32
      %mul3A_45 = arith.muli %mul3A_44, %scan3A_43 : i32
      %add3A_46 = arith.constant 1 : i32
      %add3A_47 = arith.addi %mul3A_45, %add3A_46 : i32
      %dma_start3A_48 = arith.constant 0 : i32
      %dma_start3A_49 = tpu.memref_slice %arg7[%add3A_47, %dma_start3A_48] : memref<40x128xi32, #tpu.memory_space<vmem>> -> memref<1x128xi32, #tpu.memory_space<vmem>>
      %dma_start3A_50 = tpu.memref_squeeze %dma_start3A_49 : memref<1x128xi32, #tpu.memory_space<vmem>> -> memref<128xi32, #tpu.memory_space<vmem>>
      %dma_start3A_51 = arith.constant 0 : i32
      %dma_start3A_52 = arith.constant 0 : i32
      %dma_start3A_53 = tpu.memref_slice %arg2[%dma_start3A_51, %dma_start3A_52] : memref<10000x128xf32, #tpu.memory_space<hbm>> -> memref<10000x128xf32, #tpu.memory_space<hbm>>
      tpu.enqueue_indirect_dma source(%dma_start3A_53 : memref<10000x128xf32, #tpu.memory_space<hbm>>) target(%arg10 : memref<128x128xf32, #tpu.memory_space<vmem>>) offsets(%dma_start3A_50 : memref<128xi32, #tpu.memory_space<vmem>>) semaphore(%arg13 : memref<!tpu.dma_semaphore, #tpu.memory_space<semaphore_mem>>)
      %dma_wait3A = arith.constant 0 : i32
      %dma_wait3A_54 = arith.constant 0 : i32
      %dma_wait3A_55 = tpu.memref_slice %arg7[%dma_wait3A, %dma_wait3A_54] : memref<40x128xi32, #tpu.memory_space<vmem>> -> memref<1x128xi32, #tpu.memory_space<vmem>>
      %dma_wait3A_56 = tpu.memref_squeeze %dma_wait3A_55 : memref<1x128xi32, #tpu.memory_space<vmem>> -> memref<128xi32, #tpu.memory_space<vmem>>
      %dma_wait3A_57 = arith.constant 0 : i32
      %dma_wait3A_58 = arith.constant 0 : i32
      %dma_wait3A_59 = tpu.memref_slice %arg2[%dma_wait3A_57, %dma_wait3A_58] : memref<10000x128xf32, #tpu.memory_space<hbm>> -> memref<10000x128xf32, #tpu.memory_space<hbm>>
      tpu.wait_indirect_dma semaphore(%arg12 : memref<!tpu.dma_semaphore, #tpu.memory_space<semaphore_mem>>) src(%dma_wait3A_59 : memref<10000x128xf32, #tpu.memory_space<hbm>>) dst(%arg9 : memref<128x128xf32, #tpu.memory_space<vmem>>)
      "tpu.region"() ({
        %run_scoped3A = tpu.sem_alloc : memref<!tpu.dma_semaphore, #tpu.memory_space<semaphore_mem>>
        %dma_start3A_73 = arith.constant 0 : i32
        %dma_start3A_74 = tpu.memref_slice %arg8[%mul3A_45, %dma_start3A_73] : memref<40x128xi32, #tpu.memory_space<vmem>> -> memref<1x128xi32, #tpu.memory_space<vmem>>
        %dma_start3A_75 = tpu.memref_squeeze %dma_start3A_74 : memref<1x128xi32, #tpu.memory_space<vmem>> -> memref<128xi32, #tpu.memory_space<vmem>>
        %dma_start3A_76 = arith.constant 0 : i32
        %dma_start3A_77 = arith.constant 0 : i32
        %dma_start3A_78 = tpu.memref_slice %arg11[%dma_start3A_76, %dma_start3A_77] : memref<10008x128xf32, #tpu.memory_space<vmem_shared>> -> memref<10008x128xf32, #tpu.memory_space<vmem_shared>>
        tpu.enqueue_indirect_dma source(%arg9 : memref<128x128xf32, #tpu.memory_space<vmem>>) target(%dma_start3A_78 : memref<10008x128xf32, #tpu.memory_space<vmem_shared>>) offsets(%dma_start3A_75 : memref<128xi32, #tpu.memory_space<vmem>>) semaphore(%run_scoped3A : memref<!tpu.dma_semaphore, #tpu.memory_space<semaphore_mem>>) {add = true}
        %dma_wait3A_79 = arith.constant 0 : i32
        %dma_wait3A_80 = tpu.memref_slice %arg8[%mul3A_45, %dma_wait3A_79] : memref<40x128xi32, #tpu.memory_space<vmem>> -> memref<1x128xi32, #tpu.memory_space<vmem>>
        %dma_wait3A_81 = tpu.memref_squeeze %dma_wait3A_80 : memref<1x128xi32, #tpu.memory_space<vmem>> -> memref<128xi32, #tpu.memory_space<vmem>>
        %dma_wait3A_82 = arith.constant 0 : i32
        %dma_wait3A_83 = arith.constant 0 : i32
        %dma_wait3A_84 = tpu.memref_slice %arg11[%dma_wait3A_82, %dma_wait3A_83] : memref<10008x128xf32, #tpu.memory_space<vmem_shared>> -> memref<10008x128xf32, #tpu.memory_space<vmem_shared>>
        tpu.wait_indirect_dma semaphore(%run_scoped3A : memref<!tpu.dma_semaphore, #tpu.memory_space<semaphore_mem>>) src(%arg9 : memref<128x128xf32, #tpu.memory_space<vmem>>) dst(%dma_wait3A_84 : memref<10008x128xf32, #tpu.memory_space<vmem_shared>>)
        tpu.yield
      }) : () -> ()
      %lt3A = arith.constant 19 : i32
      %lt3A_60 = arith.cmpi slt, %scan3A_43, %lt3A : i32
      %convert_element_type3A_61 = arith.extui %lt3A_60 : i1 to i32
      %cond3A_62 = arith.constant 0 : i32
      %cond3A_63 = arith.cmpi ne, %convert_element_type3A_61, %cond3A_62 : i32
      scf.if %cond3A_63 {
        %add3A_73 = arith.constant 2 : i32
        %add3A_74 = arith.addi %mul3A_45, %add3A_73 : i32
        %dma_start3A_75 = arith.constant 0 : i32
        %dma_start3A_76 = tpu.memref_slice %arg7[%add3A_74, %dma_start3A_75] : memref<40x128xi32, #tpu.memory_space<vmem>> -> memref<1x128xi32, #tpu.memory_space<vmem>>
        %dma_start3A_77 = tpu.memref_squeeze %dma_start3A_76 : memref<1x128xi32, #tpu.memory_space<vmem>> -> memref<128xi32, #tpu.memory_space<vmem>>
        %dma_start3A_78 = arith.constant 0 : i32
        %dma_start3A_79 = arith.constant 0 : i32
        %dma_start3A_80 = tpu.memref_slice %arg2[%dma_start3A_78, %dma_start3A_79] : memref<10000x128xf32, #tpu.memory_space<hbm>> -> memref<10000x128xf32, #tpu.memory_space<hbm>>
        tpu.enqueue_indirect_dma source(%dma_start3A_80 : memref<10000x128xf32, #tpu.memory_space<hbm>>) target(%arg9 : memref<128x128xf32, #tpu.memory_space<vmem>>) offsets(%dma_start3A_77 : memref<128xi32, #tpu.memory_space<vmem>>) semaphore(%arg12 : memref<!tpu.dma_semaphore, #tpu.memory_space<semaphore_mem>>)
      } else {
      }
      %dma_wait3A_64 = arith.constant 0 : i32
      %dma_wait3A_65 = arith.constant 0 : i32
      %dma_wait3A_66 = tpu.memref_slice %arg7[%dma_wait3A_64, %dma_wait3A_65] : memref<40x128xi32, #tpu.memory_space<vmem>> -> memref<1x128xi32, #tpu.memory_space<vmem>>
      %dma_wait3A_67 = tpu.memref_squeeze %dma_wait3A_66 : memref<1x128xi32, #tpu.memory_space<vmem>> -> memref<128xi32, #tpu.memory_space<vmem>>
      %dma_wait3A_68 = arith.constant 0 : i32
      %dma_wait3A_69 = arith.constant 0 : i32
      %dma_wait3A_70 = tpu.memref_slice %arg2[%dma_wait3A_68, %dma_wait3A_69] : memref<10000x128xf32, #tpu.memory_space<hbm>> -> memref<10000x128xf32, #tpu.memory_space<hbm>>
      tpu.wait_indirect_dma semaphore(%arg13 : memref<!tpu.dma_semaphore, #tpu.memory_space<semaphore_mem>>) src(%dma_wait3A_70 : memref<10000x128xf32, #tpu.memory_space<hbm>>) dst(%arg10 : memref<128x128xf32, #tpu.memory_space<vmem>>)
      %add3A_71 = arith.constant 1 : i32
      %add3A_72 = arith.addi %mul3A_45, %add3A_71 : i32
      "tpu.region"() ({
        %run_scoped3A = tpu.sem_alloc : memref<!tpu.dma_semaphore, #tpu.memory_space<semaphore_mem>>
        %dma_start3A_73 = arith.constant 0 : i32
        %dma_start3A_74 = tpu.memref_slice %arg8[%add3A_72, %dma_start3A_73] : memref<40x128xi32, #tpu.memory_space<vmem>> -> memref<1x128xi32, #tpu.memory_space<vmem>>
        %dma_start3A_75 = tpu.memref_squeeze %dma_start3A_74 : memref<1x128xi32, #tpu.memory_space<vmem>> -> memref<128xi32, #tpu.memory_space<vmem>>
        %dma_start3A_76 = arith.constant 0 : i32
        %dma_start3A_77 = arith.constant 0 : i32
        %dma_start3A_78 = tpu.memref_slice %arg11[%dma_start3A_76, %dma_start3A_77] : memref<10008x128xf32, #tpu.memory_space<vmem_shared>> -> memref<10008x128xf32, #tpu.memory_space<vmem_shared>>
        tpu.enqueue_indirect_dma source(%arg10 : memref<128x128xf32, #tpu.memory_space<vmem>>) target(%dma_start3A_78 : memref<10008x128xf32, #tpu.memory_space<vmem_shared>>) offsets(%dma_start3A_75 : memref<128xi32, #tpu.memory_space<vmem>>) semaphore(%run_scoped3A : memref<!tpu.dma_semaphore, #tpu.memory_space<semaphore_mem>>) {add = true}
        %dma_wait3A_79 = arith.constant 0 : i32
        %dma_wait3A_80 = tpu.memref_slice %arg8[%add3A_72, %dma_wait3A_79] : memref<40x128xi32, #tpu.memory_space<vmem>> -> memref<1x128xi32, #tpu.memory_space<vmem>>
        %dma_wait3A_81 = tpu.memref_squeeze %dma_wait3A_80 : memref<1x128xi32, #tpu.memory_space<vmem>> -> memref<128xi32, #tpu.memory_space<vmem>>
        %dma_wait3A_82 = arith.constant 0 : i32
        %dma_wait3A_83 = arith.constant 0 : i32
        %dma_wait3A_84 = tpu.memref_slice %arg11[%dma_wait3A_82, %dma_wait3A_83] : memref<10008x128xf32, #tpu.memory_space<vmem_shared>> -> memref<10008x128xf32, #tpu.memory_space<vmem_shared>>
        tpu.wait_indirect_dma semaphore(%run_scoped3A : memref<!tpu.dma_semaphore, #tpu.memory_space<semaphore_mem>>) src(%arg10 : memref<128x128xf32, #tpu.memory_space<vmem>>) dst(%dma_wait3A_84 : memref<10008x128xf32, #tpu.memory_space<vmem_shared>>)
        tpu.yield
      }) : () -> ()
    }
    %scan3A_34 = arith.constant 20 : i32
    %barrier3A_35 = arith.constant 0 : index
    tpu.barrier barrier_id(%barrier3A_35)
    %mul3A_36 = arith.constant 624 : i32
    %mul3A_37 = arith.muli %arg1, %mul3A_36 : i32
    "tpu.region"() ({
      %run_scoped3A = tpu.sem_alloc : memref<!tpu.dma_semaphore, #tpu.memory_space<semaphore_mem>>
      %dma_start3A_43 = arith.constant 0 : i32
      %dma_start3A_44 = tpu.memref_slice %arg6[%arg0, %mul3A_37, %dma_start3A_43] : memref<2x10008x128xf32, #tpu.memory_space<hbm>> -> memref<1x624x128xf32, #tpu.memory_space<hbm>>
      %dma_start3A_45 = tpu.memref_squeeze %dma_start3A_44 : memref<1x624x128xf32, #tpu.memory_space<hbm>> -> memref<624x128xf32, #tpu.memory_space<hbm>>
      %dma_start3A_46 = arith.constant 0 : i32
      %dma_start3A_47 = tpu.memref_slice %arg11[%mul3A_37, %dma_start3A_46] : memref<10008x128xf32, #tpu.memory_space<vmem_shared>> -> memref<624x128xf32, #tpu.memory_space<vmem_shared>>
      tpu.enqueue_dma source(%dma_start3A_47 : memref<624x128xf32, #tpu.memory_space<vmem_shared>>) target(%dma_start3A_45 : memref<624x128xf32, #tpu.memory_space<hbm>>) target_semaphore(%run_scoped3A : memref<!tpu.dma_semaphore, #tpu.memory_space<semaphore_mem>>)
      %dma_wait3A = arith.constant 0 : i32
      %dma_wait3A_48 = tpu.memref_slice %arg6[%arg0, %mul3A_37, %dma_wait3A] : memref<2x10008x128xf32, #tpu.memory_space<hbm>> -> memref<1x624x128xf32, #tpu.memory_space<hbm>>
      %dma_wait3A_49 = tpu.memref_squeeze %dma_wait3A_48 : memref<1x624x128xf32, #tpu.memory_space<hbm>> -> memref<624x128xf32, #tpu.memory_space<hbm>>
      %dma_wait3A_50 = arith.constant 0 : i32
      %dma_wait3A_51 = tpu.memref_slice %arg11[%mul3A_37, %dma_wait3A_50] : memref<10008x128xf32, #tpu.memory_space<vmem_shared>> -> memref<624x128xf32, #tpu.memory_space<vmem_shared>>
      tpu.wait_dma2 semaphore(%run_scoped3A : memref<!tpu.dma_semaphore, #tpu.memory_space<semaphore_mem>>) src(%dma_wait3A_51 : memref<624x128xf32, #tpu.memory_space<vmem_shared>>) dst(%dma_wait3A_49 : memref<624x128xf32, #tpu.memory_space<hbm>>)
      tpu.yield
    }) : () -> ()
    %eq3A_38 = arith.constant 15 : i32
    %eq3A_39 = arith.cmpi eq, %arg1, %eq3A_38 : i32
    %convert_element_type3A_40 = arith.extui %eq3A_39 : i1 to i32
    %cond3A_41 = arith.constant 0 : i32
    %cond3A_42 = arith.cmpi ne, %convert_element_type3A_40, %cond3A_41 : i32
    scf.if %cond3A_42 {
      "tpu.region"() ({
        %run_scoped3A = tpu.sem_alloc : memref<!tpu.dma_semaphore, #tpu.memory_space<semaphore_mem>>
        %dma_start3A_43 = arith.constant 9984 : i32
        %dma_start3A_44 = arith.constant 0 : i32
        %dma_start3A_45 = tpu.memref_slice %arg6[%arg0, %dma_start3A_43, %dma_start3A_44] : memref<2x10008x128xf32, #tpu.memory_space<hbm>> -> memref<1x24x128xf32, #tpu.memory_space<hbm>>
        %dma_start3A_46 = tpu.memref_squeeze %dma_start3A_45 : memref<1x24x128xf32, #tpu.memory_space<hbm>> -> memref<24x128xf32, #tpu.memory_space<hbm>>
        %dma_start3A_47 = arith.constant 9984 : i32
        %dma_start3A_48 = arith.constant 0 : i32
        %dma_start3A_49 = tpu.memref_slice %arg11[%dma_start3A_47, %dma_start3A_48] : memref<10008x128xf32, #tpu.memory_space<vmem_shared>> -> memref<24x128xf32, #tpu.memory_space<vmem_shared>>
        tpu.enqueue_dma source(%dma_start3A_49 : memref<24x128xf32, #tpu.memory_space<vmem_shared>>) target(%dma_start3A_46 : memref<24x128xf32, #tpu.memory_space<hbm>>) target_semaphore(%run_scoped3A : memref<!tpu.dma_semaphore, #tpu.memory_space<semaphore_mem>>)
        %dma_wait3A = arith.constant 9984 : i32
        %dma_wait3A_50 = arith.constant 0 : i32
        %dma_wait3A_51 = tpu.memref_slice %arg6[%arg0, %dma_wait3A, %dma_wait3A_50] : memref<2x10008x128xf32, #tpu.memory_space<hbm>> -> memref<1x24x128xf32, #tpu.memory_space<hbm>>
        %dma_wait3A_52 = tpu.memref_squeeze %dma_wait3A_51 : memref<1x24x128xf32, #tpu.memory_space<hbm>> -> memref<24x128xf32, #tpu.memory_space<hbm>>
        %dma_wait3A_53 = arith.constant 9984 : i32
        %dma_wait3A_54 = arith.constant 0 : i32
        %dma_wait3A_55 = tpu.memref_slice %arg11[%dma_wait3A_53, %dma_wait3A_54] : memref<10008x128xf32, #tpu.memory_space<vmem_shared>> -> memref<24x128xf32, #tpu.memory_space<vmem_shared>>
        tpu.wait_dma2 semaphore(%run_scoped3A : memref<!tpu.dma_semaphore, #tpu.memory_space<semaphore_mem>>) src(%dma_wait3A_55 : memref<24x128xf32, #tpu.memory_space<vmem_shared>>) dst(%dma_wait3A_52 : memref<24x128xf32, #tpu.memory_space<hbm>>)
        tpu.yield
      }) : () -> ()
    } else {
    }
    return
  }
}

#map = affine_map<(d0, d1) -> (0, 0)>
module attributes {stable_mosaic.version = 14 : i64} {
  func.func @_final_gather_body(%arg0: i32, %arg1: i32, %arg2: memref<10000x128xf32, #tpu.memory_space<hbm>>, %arg3: memref<10000x128xf32, #tpu.memory_space<hbm>>, %arg4: memref<2560x128xi32, #tpu.memory_space<hbm>>, %arg5: memref<2560x128xi32, #tpu.memory_space<hbm>>, %arg6: memref<163840x128xf32, #tpu.memory_space<hbm>>, %arg7: memref<163840x128xf32, #tpu.memory_space<hbm>>, %arg8: memref<40x128xi32, #tpu.memory_space<vmem>>, %arg9: memref<40x128xi32, #tpu.memory_space<vmem>>, %arg10: memref<128x128xf32, #tpu.memory_space<vmem>>, %arg11: memref<128x128xf32, #tpu.memory_space<vmem>>, %arg12: memref<128x128xf32, #tpu.memory_space<vmem>>, %arg13: memref<128x128xf32, #tpu.memory_space<vmem>>, %arg14: memref<!tpu.dma_semaphore, #tpu.memory_space<semaphore_mem>>, %arg15: memref<!tpu.dma_semaphore, #tpu.memory_space<semaphore_mem>>, %arg16: memref<!tpu.dma_semaphore, #tpu.memory_space<semaphore_mem>>, %arg17: memref<!tpu.dma_semaphore, #tpu.memory_space<semaphore_mem>>) attributes {dimension_semantics = [#tpu.dimension_semantics<core_parallel>, #tpu.dimension_semantics<subcore_parallel>], iteration_bounds = array<i64: 2, 16>, scalar_prefetch = 0 : i64, scratch_operands = 10 : i64, tpu.core_type = #tpu.core_type<sc_vector_subcore>, window_params = [{transform_indices = #map}, {transform_indices = #map}, {transform_indices = #map}, {transform_indices = #map}, {transform_indices = #map}, {transform_indices = #map}]} {
    %mul3A = arith.constant 16 : i32
    %mul3A_0 = arith.muli %arg0, %mul3A : i32
    %add3A = arith.addi %mul3A_0, %arg1 : i32
    %mul3A_1 = arith.constant 40 : i32
    %mul3A_2 = arith.muli %add3A, %mul3A_1 : i32
    %add3A_3 = arith.constant 1280 : i32
    %add3A_4 = arith.addi %add3A_3, %mul3A_2 : i32
    %multiple_of3A = tpu.assume_multiple %add3A_4, 8 : i32
    %mul3A_5 = arith.constant 40 : i32
    %mul3A_6 = arith.muli %add3A, %mul3A_5 : i32
    %multiple_of3A_7 = tpu.assume_multiple %mul3A_6, 8 : i32
    "tpu.region"() ({
      %run_scoped3A = tpu.sem_alloc : memref<!tpu.dma_semaphore, #tpu.memory_space<semaphore_mem>>
      %dma_start3A_26 = arith.constant 0 : i32
      %dma_start3A_27 = tpu.memref_slice %arg4[%multiple_of3A, %dma_start3A_26] : memref<2560x128xi32, #tpu.memory_space<hbm>> -> memref<40x128xi32, #tpu.memory_space<hbm>>
      %dma_start3A_28 = arith.constant 0 : i32
      %dma_start3A_29 = tpu.memref_slice %arg4[%multiple_of3A, %dma_start3A_28] : memref<2560x128xi32, #tpu.memory_space<hbm>> -> memref<40x128xi32, #tpu.memory_space<hbm>>
      tpu.enqueue_dma source(%dma_start3A_29 : memref<40x128xi32, #tpu.memory_space<hbm>>) target(%arg8 : memref<40x128xi32, #tpu.memory_space<vmem>>) target_semaphore(%run_scoped3A : memref<!tpu.dma_semaphore, #tpu.memory_space<semaphore_mem>>)
      %dma_wait3A = arith.constant 0 : i32
      %dma_wait3A_30 = tpu.memref_slice %arg4[%multiple_of3A, %dma_wait3A] : memref<2560x128xi32, #tpu.memory_space<hbm>> -> memref<40x128xi32, #tpu.memory_space<hbm>>
      %dma_wait3A_31 = arith.constant 0 : i32
      %dma_wait3A_32 = tpu.memref_slice %arg4[%multiple_of3A, %dma_wait3A_31] : memref<2560x128xi32, #tpu.memory_space<hbm>> -> memref<40x128xi32, #tpu.memory_space<hbm>>
      tpu.wait_dma2 semaphore(%run_scoped3A : memref<!tpu.dma_semaphore, #tpu.memory_space<semaphore_mem>>) src(%dma_wait3A_32 : memref<40x128xi32, #tpu.memory_space<hbm>>) dst(%arg8 : memref<40x128xi32, #tpu.memory_space<vmem>>)
      tpu.yield
    }) : () -> ()
    "tpu.region"() ({
      %run_scoped3A = tpu.sem_alloc : memref<!tpu.dma_semaphore, #tpu.memory_space<semaphore_mem>>
      %dma_start3A_26 = arith.constant 0 : i32
      %dma_start3A_27 = tpu.memref_slice %arg5[%multiple_of3A, %dma_start3A_26] : memref<2560x128xi32, #tpu.memory_space<hbm>> -> memref<40x128xi32, #tpu.memory_space<hbm>>
      %dma_start3A_28 = arith.constant 0 : i32
      %dma_start3A_29 = tpu.memref_slice %arg5[%multiple_of3A, %dma_start3A_28] : memref<2560x128xi32, #tpu.memory_space<hbm>> -> memref<40x128xi32, #tpu.memory_space<hbm>>
      tpu.enqueue_dma source(%dma_start3A_29 : memref<40x128xi32, #tpu.memory_space<hbm>>) target(%arg9 : memref<40x128xi32, #tpu.memory_space<vmem>>) target_semaphore(%run_scoped3A : memref<!tpu.dma_semaphore, #tpu.memory_space<semaphore_mem>>)
      %dma_wait3A = arith.constant 0 : i32
      %dma_wait3A_30 = tpu.memref_slice %arg5[%multiple_of3A, %dma_wait3A] : memref<2560x128xi32, #tpu.memory_space<hbm>> -> memref<40x128xi32, #tpu.memory_space<hbm>>
      %dma_wait3A_31 = arith.constant 0 : i32
      %dma_wait3A_32 = tpu.memref_slice %arg5[%multiple_of3A, %dma_wait3A_31] : memref<2560x128xi32, #tpu.memory_space<hbm>> -> memref<40x128xi32, #tpu.memory_space<hbm>>
      tpu.wait_dma2 semaphore(%run_scoped3A : memref<!tpu.dma_semaphore, #tpu.memory_space<semaphore_mem>>) src(%dma_wait3A_32 : memref<40x128xi32, #tpu.memory_space<hbm>>) dst(%arg9 : memref<40x128xi32, #tpu.memory_space<vmem>>)
      tpu.yield
    }) : () -> ()
    %dma_start3A = arith.constant 0 : i32
    %dma_start3A_8 = arith.constant 0 : i32
    %dma_start3A_9 = tpu.memref_slice %arg8[%dma_start3A, %dma_start3A_8] : memref<40x128xi32, #tpu.memory_space<vmem>> -> memref<1x128xi32, #tpu.memory_space<vmem>>
    %dma_start3A_10 = tpu.memref_squeeze %dma_start3A_9 : memref<1x128xi32, #tpu.memory_space<vmem>> -> memref<128xi32, #tpu.memory_space<vmem>>
    %dma_start3A_11 = arith.constant 0 : i32
    %dma_start3A_12 = arith.constant 0 : i32
    %dma_start3A_13 = tpu.memref_slice %arg2[%dma_start3A_11, %dma_start3A_12] : memref<10000x128xf32, #tpu.memory_space<hbm>> -> memref<10000x128xf32, #tpu.memory_space<hbm>>
    tpu.enqueue_indirect_dma source(%dma_start3A_13 : memref<10000x128xf32, #tpu.memory_space<hbm>>) target(%arg10 : memref<128x128xf32, #tpu.memory_space<vmem>>) offsets(%dma_start3A_10 : memref<128xi32, #tpu.memory_space<vmem>>) semaphore(%arg14 : memref<!tpu.dma_semaphore, #tpu.memory_space<semaphore_mem>>)
    %dma_start3A_14 = arith.constant 0 : i32
    %dma_start3A_15 = arith.constant 0 : i32
    %dma_start3A_16 = tpu.memref_slice %arg9[%dma_start3A_14, %dma_start3A_15] : memref<40x128xi32, #tpu.memory_space<vmem>> -> memref<1x128xi32, #tpu.memory_space<vmem>>
    %dma_start3A_17 = tpu.memref_squeeze %dma_start3A_16 : memref<1x128xi32, #tpu.memory_space<vmem>> -> memref<128xi32, #tpu.memory_space<vmem>>
    %dma_start3A_18 = arith.constant 0 : i32
    %dma_start3A_19 = arith.constant 0 : i32
    %dma_start3A_20 = tpu.memref_slice %arg3[%dma_start3A_18, %dma_start3A_19] : memref<10000x128xf32, #tpu.memory_space<hbm>> -> memref<10000x128xf32, #tpu.memory_space<hbm>>
    tpu.enqueue_indirect_dma source(%dma_start3A_20 : memref<10000x128xf32, #tpu.memory_space<hbm>>) target(%arg12 : memref<128x128xf32, #tpu.memory_space<vmem>>) offsets(%dma_start3A_17 : memref<128xi32, #tpu.memory_space<vmem>>) semaphore(%arg15 : memref<!tpu.dma_semaphore, #tpu.memory_space<semaphore_mem>>)
    %scan3A = arith.constant 0 : i32
    %scan3A_21 = arith.constant 0 : i32
    %scan3A_22 = arith.constant 20 : i32
    %scan3A_23 = arith.addi %scan3A_21, %scan3A_22 : i32
    %scan3A_24 = arith.constant 1 : i32
    scf.for %scan3A_26 = %scan3A_21 to %scan3A_23 step %scan3A_24  : i32 {
      %mul3A_27 = arith.constant 2 : i32
      %mul3A_28 = arith.muli %mul3A_27, %scan3A_26 : i32
      %add3A_29 = arith.addi %multiple_of3A_7, %mul3A_28 : i32
      %mul3A_30 = arith.constant 128 : i32
      %mul3A_31 = arith.muli %add3A_29, %mul3A_30 : i32
      %multiple_of3A_32 = tpu.assume_multiple %mul3A_31, 8 : i32
      %add3A_33 = arith.addi %multiple_of3A_7, %mul3A_28 : i32
      %add3A_34 = arith.constant 1 : i32
      %add3A_35 = arith.addi %add3A_33, %add3A_34 : i32
      %mul3A_36 = arith.constant 128 : i32
      %mul3A_37 = arith.muli %add3A_35, %mul3A_36 : i32
      %multiple_of3A_38 = tpu.assume_multiple %mul3A_37, 8 : i32
      %add3A_39 = arith.constant 1 : i32
      %add3A_40 = arith.addi %mul3A_28, %add3A_39 : i32
      %dma_start3A_41 = arith.constant 0 : i32
      %dma_start3A_42 = tpu.memref_slice %arg8[%add3A_40, %dma_start3A_41] : memref<40x128xi32, #tpu.memory_space<vmem>> -> memref<1x128xi32, #tpu.memory_space<vmem>>
      %dma_start3A_43 = tpu.memref_squeeze %dma_start3A_42 : memref<1x128xi32, #tpu.memory_space<vmem>> -> memref<128xi32, #tpu.memory_space<vmem>>
      %dma_start3A_44 = arith.constant 0 : i32
      %dma_start3A_45 = arith.constant 0 : i32
      %dma_start3A_46 = tpu.memref_slice %arg2[%dma_start3A_44, %dma_start3A_45] : memref<10000x128xf32, #tpu.memory_space<hbm>> -> memref<10000x128xf32, #tpu.memory_space<hbm>>
      tpu.enqueue_indirect_dma source(%dma_start3A_46 : memref<10000x128xf32, #tpu.memory_space<hbm>>) target(%arg11 : memref<128x128xf32, #tpu.memory_space<vmem>>) offsets(%dma_start3A_43 : memref<128xi32, #tpu.memory_space<vmem>>) semaphore(%arg16 : memref<!tpu.dma_semaphore, #tpu.memory_space<semaphore_mem>>)
      %add3A_47 = arith.constant 1 : i32
      %add3A_48 = arith.addi %mul3A_28, %add3A_47 : i32
      %dma_start3A_49 = arith.constant 0 : i32
      %dma_start3A_50 = tpu.memref_slice %arg9[%add3A_48, %dma_start3A_49] : memref<40x128xi32, #tpu.memory_space<vmem>> -> memref<1x128xi32, #tpu.memory_space<vmem>>
      %dma_start3A_51 = tpu.memref_squeeze %dma_start3A_50 : memref<1x128xi32, #tpu.memory_space<vmem>> -> memref<128xi32, #tpu.memory_space<vmem>>
      %dma_start3A_52 = arith.constant 0 : i32
      %dma_start3A_53 = arith.constant 0 : i32
      %dma_start3A_54 = tpu.memref_slice %arg3[%dma_start3A_52, %dma_start3A_53] : memref<10000x128xf32, #tpu.memory_space<hbm>> -> memref<10000x128xf32, #tpu.memory_space<hbm>>
      tpu.enqueue_indirect_dma source(%dma_start3A_54 : memref<10000x128xf32, #tpu.memory_space<hbm>>) target(%arg13 : memref<128x128xf32, #tpu.memory_space<vmem>>) offsets(%dma_start3A_51 : memref<128xi32, #tpu.memory_space<vmem>>) semaphore(%arg17 : memref<!tpu.dma_semaphore, #tpu.memory_space<semaphore_mem>>)
      %dma_wait3A = arith.constant 0 : i32
      %dma_wait3A_55 = arith.constant 0 : i32
      %dma_wait3A_56 = tpu.memref_slice %arg8[%dma_wait3A, %dma_wait3A_55] : memref<40x128xi32, #tpu.memory_space<vmem>> -> memref<1x128xi32, #tpu.memory_space<vmem>>
      %dma_wait3A_57 = tpu.memref_squeeze %dma_wait3A_56 : memref<1x128xi32, #tpu.memory_space<vmem>> -> memref<128xi32, #tpu.memory_space<vmem>>
      %dma_wait3A_58 = arith.constant 0 : i32
      %dma_wait3A_59 = arith.constant 0 : i32
      %dma_wait3A_60 = tpu.memref_slice %arg2[%dma_wait3A_58, %dma_wait3A_59] : memref<10000x128xf32, #tpu.memory_space<hbm>> -> memref<10000x128xf32, #tpu.memory_space<hbm>>
      tpu.wait_indirect_dma semaphore(%arg14 : memref<!tpu.dma_semaphore, #tpu.memory_space<semaphore_mem>>) src(%dma_wait3A_60 : memref<10000x128xf32, #tpu.memory_space<hbm>>) dst(%arg10 : memref<128x128xf32, #tpu.memory_space<vmem>>)
      %dma_wait3A_61 = arith.constant 0 : i32
      %dma_wait3A_62 = arith.constant 0 : i32
      %dma_wait3A_63 = tpu.memref_slice %arg9[%dma_wait3A_61, %dma_wait3A_62] : memref<40x128xi32, #tpu.memory_space<vmem>> -> memref<1x128xi32, #tpu.memory_space<vmem>>
      %dma_wait3A_64 = tpu.memref_squeeze %dma_wait3A_63 : memref<1x128xi32, #tpu.memory_space<vmem>> -> memref<128xi32, #tpu.memory_space<vmem>>
      %dma_wait3A_65 = arith.constant 0 : i32
      %dma_wait3A_66 = arith.constant 0 : i32
      %dma_wait3A_67 = tpu.memref_slice %arg3[%dma_wait3A_65, %dma_wait3A_66] : memref<10000x128xf32, #tpu.memory_space<hbm>> -> memref<10000x128xf32, #tpu.memory_space<hbm>>
      tpu.wait_indirect_dma semaphore(%arg15 : memref<!tpu.dma_semaphore, #tpu.memory_space<semaphore_mem>>) src(%dma_wait3A_67 : memref<10000x128xf32, #tpu.memory_space<hbm>>) dst(%arg12 : memref<128x128xf32, #tpu.memory_space<vmem>>)
      "tpu.region"() ({
        %run_scoped3A = tpu.sem_alloc : memref<!tpu.dma_semaphore, #tpu.memory_space<semaphore_mem>>
        %dma_start3A_84 = arith.constant 0 : i32
        %dma_start3A_85 = tpu.memref_slice %arg6[%multiple_of3A_32, %dma_start3A_84] : memref<163840x128xf32, #tpu.memory_space<hbm>> -> memref<128x128xf32, #tpu.memory_space<hbm>>
        %dma_start3A_86 = arith.constant 0 : i32
        %dma_start3A_87 = tpu.memref_slice %arg6[%multiple_of3A_32, %dma_start3A_86] : memref<163840x128xf32, #tpu.memory_space<hbm>> -> memref<128x128xf32, #tpu.memory_space<hbm>>
        tpu.enqueue_dma source(%arg10 : memref<128x128xf32, #tpu.memory_space<vmem>>) target(%dma_start3A_87 : memref<128x128xf32, #tpu.memory_space<hbm>>) target_semaphore(%run_scoped3A : memref<!tpu.dma_semaphore, #tpu.memory_space<semaphore_mem>>)
        %dma_wait3A_88 = arith.constant 0 : i32
        %dma_wait3A_89 = tpu.memref_slice %arg6[%multiple_of3A_32, %dma_wait3A_88] : memref<163840x128xf32, #tpu.memory_space<hbm>> -> memref<128x128xf32, #tpu.memory_space<hbm>>
        %dma_wait3A_90 = arith.constant 0 : i32
        %dma_wait3A_91 = tpu.memref_slice %arg6[%multiple_of3A_32, %dma_wait3A_90] : memref<163840x128xf32, #tpu.memory_space<hbm>> -> memref<128x128xf32, #tpu.memory_space<hbm>>
        tpu.wait_dma2 semaphore(%run_scoped3A : memref<!tpu.dma_semaphore, #tpu.memory_space<semaphore_mem>>) src(%arg10 : memref<128x128xf32, #tpu.memory_space<vmem>>) dst(%dma_wait3A_91 : memref<128x128xf32, #tpu.memory_space<hbm>>)
        tpu.yield
      }) : () -> ()
      "tpu.region"() ({
        %run_scoped3A = tpu.sem_alloc : memref<!tpu.dma_semaphore, #tpu.memory_space<semaphore_mem>>
        %dma_start3A_84 = arith.constant 0 : i32
        %dma_start3A_85 = tpu.memref_slice %arg7[%multiple_of3A_32, %dma_start3A_84] : memref<163840x128xf32, #tpu.memory_space<hbm>> -> memref<128x128xf32, #tpu.memory_space<hbm>>
        %dma_start3A_86 = arith.constant 0 : i32
        %dma_start3A_87 = tpu.memref_slice %arg7[%multiple_of3A_32, %dma_start3A_86] : memref<163840x128xf32, #tpu.memory_space<hbm>> -> memref<128x128xf32, #tpu.memory_space<hbm>>
        tpu.enqueue_dma source(%arg12 : memref<128x128xf32, #tpu.memory_space<vmem>>) target(%dma_start3A_87 : memref<128x128xf32, #tpu.memory_space<hbm>>) target_semaphore(%run_scoped3A : memref<!tpu.dma_semaphore, #tpu.memory_space<semaphore_mem>>)
        %dma_wait3A_88 = arith.constant 0 : i32
        %dma_wait3A_89 = tpu.memref_slice %arg7[%multiple_of3A_32, %dma_wait3A_88] : memref<163840x128xf32, #tpu.memory_space<hbm>> -> memref<128x128xf32, #tpu.memory_space<hbm>>
        %dma_wait3A_90 = arith.constant 0 : i32
        %dma_wait3A_91 = tpu.memref_slice %arg7[%multiple_of3A_32, %dma_wait3A_90] : memref<163840x128xf32, #tpu.memory_space<hbm>> -> memref<128x128xf32, #tpu.memory_space<hbm>>
        tpu.wait_dma2 semaphore(%run_scoped3A : memref<!tpu.dma_semaphore, #tpu.memory_space<semaphore_mem>>) src(%arg12 : memref<128x128xf32, #tpu.memory_space<vmem>>) dst(%dma_wait3A_91 : memref<128x128xf32, #tpu.memory_space<hbm>>)
        tpu.yield
      }) : () -> ()
      %lt3A = arith.constant 19 : i32
      %lt3A_68 = arith.cmpi slt, %scan3A_26, %lt3A : i32
      %convert_element_type3A = arith.extui %lt3A_68 : i1 to i32
      %cond3A = arith.constant 0 : i32
      %cond3A_69 = arith.cmpi ne, %convert_element_type3A, %cond3A : i32
      scf.if %cond3A_69 {
        %add3A_84 = arith.constant 2 : i32
        %add3A_85 = arith.addi %mul3A_28, %add3A_84 : i32
        %dma_start3A_86 = arith.constant 0 : i32
        %dma_start3A_87 = tpu.memref_slice %arg8[%add3A_85, %dma_start3A_86] : memref<40x128xi32, #tpu.memory_space<vmem>> -> memref<1x128xi32, #tpu.memory_space<vmem>>
        %dma_start3A_88 = tpu.memref_squeeze %dma_start3A_87 : memref<1x128xi32, #tpu.memory_space<vmem>> -> memref<128xi32, #tpu.memory_space<vmem>>
        %dma_start3A_89 = arith.constant 0 : i32
        %dma_start3A_90 = arith.constant 0 : i32
        %dma_start3A_91 = tpu.memref_slice %arg2[%dma_start3A_89, %dma_start3A_90] : memref<10000x128xf32, #tpu.memory_space<hbm>> -> memref<10000x128xf32, #tpu.memory_space<hbm>>
        tpu.enqueue_indirect_dma source(%dma_start3A_91 : memref<10000x128xf32, #tpu.memory_space<hbm>>) target(%arg10 : memref<128x128xf32, #tpu.memory_space<vmem>>) offsets(%dma_start3A_88 : memref<128xi32, #tpu.memory_space<vmem>>) semaphore(%arg14 : memref<!tpu.dma_semaphore, #tpu.memory_space<semaphore_mem>>)
        %add3A_92 = arith.constant 2 : i32
        %add3A_93 = arith.addi %mul3A_28, %add3A_92 : i32
        %dma_start3A_94 = arith.constant 0 : i32
        %dma_start3A_95 = tpu.memref_slice %arg9[%add3A_93, %dma_start3A_94] : memref<40x128xi32, #tpu.memory_space<vmem>> -> memref<1x128xi32, #tpu.memory_space<vmem>>
        %dma_start3A_96 = tpu.memref_squeeze %dma_start3A_95 : memref<1x128xi32, #tpu.memory_space<vmem>> -> memref<128xi32, #tpu.memory_space<vmem>>
        %dma_start3A_97 = arith.constant 0 : i32
        %dma_start3A_98 = arith.constant 0 : i32
        %dma_start3A_99 = tpu.memref_slice %arg3[%dma_start3A_97, %dma_start3A_98] : memref<10000x128xf32, #tpu.memory_space<hbm>> -> memref<10000x128xf32, #tpu.memory_space<hbm>>
        tpu.enqueue_indirect_dma source(%dma_start3A_99 : memref<10000x128xf32, #tpu.memory_space<hbm>>) target(%arg12 : memref<128x128xf32, #tpu.memory_space<vmem>>) offsets(%dma_start3A_96 : memref<128xi32, #tpu.memory_space<vmem>>) semaphore(%arg15 : memref<!tpu.dma_semaphore, #tpu.memory_space<semaphore_mem>>)
      } else {
      }
      %dma_wait3A_70 = arith.constant 0 : i32
      %dma_wait3A_71 = arith.constant 0 : i32
      %dma_wait3A_72 = tpu.memref_slice %arg8[%dma_wait3A_70, %dma_wait3A_71] : memref<40x128xi32, #tpu.memory_space<vmem>> -> memref<1x128xi32, #tpu.memory_space<vmem>>
      %dma_wait3A_73 = tpu.memref_squeeze %dma_wait3A_72 : memref<1x128xi32, #tpu.memory_space<vmem>> -> memref<128xi32, #tpu.memory_space<vmem>>
      %dma_wait3A_74 = arith.constant 0 : i32
      %dma_wait3A_75 = arith.constant 0 : i32
      %dma_wait3A_76 = tpu.memref_slice %arg2[%dma_wait3A_74, %dma_wait3A_75] : memref<10000x128xf32, #tpu.memory_space<hbm>> -> memref<10000x128xf32, #tpu.memory_space<hbm>>
      tpu.wait_indirect_dma semaphore(%arg16 : memref<!tpu.dma_semaphore, #tpu.memory_space<semaphore_mem>>) src(%dma_wait3A_76 : memref<10000x128xf32, #tpu.memory_space<hbm>>) dst(%arg11 : memref<128x128xf32, #tpu.memory_space<vmem>>)
      %dma_wait3A_77 = arith.constant 0 : i32
      %dma_wait3A_78 = arith.constant 0 : i32
      %dma_wait3A_79 = tpu.memref_slice %arg9[%dma_wait3A_77, %dma_wait3A_78] : memref<40x128xi32, #tpu.memory_space<vmem>> -> memref<1x128xi32, #tpu.memory_space<vmem>>
      %dma_wait3A_80 = tpu.memref_squeeze %dma_wait3A_79 : memref<1x128xi32, #tpu.memory_space<vmem>> -> memref<128xi32, #tpu.memory_space<vmem>>
      %dma_wait3A_81 = arith.constant 0 : i32
      %dma_wait3A_82 = arith.constant 0 : i32
      %dma_wait3A_83 = tpu.memref_slice %arg3[%dma_wait3A_81, %dma_wait3A_82] : memref<10000x128xf32, #tpu.memory_space<hbm>> -> memref<10000x128xf32, #tpu.memory_space<hbm>>
      tpu.wait_indirect_dma semaphore(%arg17 : memref<!tpu.dma_semaphore, #tpu.memory_space<semaphore_mem>>) src(%dma_wait3A_83 : memref<10000x128xf32, #tpu.memory_space<hbm>>) dst(%arg13 : memref<128x128xf32, #tpu.memory_space<vmem>>)
      "tpu.region"() ({
        %run_scoped3A = tpu.sem_alloc : memref<!tpu.dma_semaphore, #tpu.memory_space<semaphore_mem>>
        %dma_start3A_84 = arith.constant 0 : i32
        %dma_start3A_85 = tpu.memref_slice %arg6[%multiple_of3A_38, %dma_start3A_84] : memref<163840x128xf32, #tpu.memory_space<hbm>> -> memref<128x128xf32, #tpu.memory_space<hbm>>
        %dma_start3A_86 = arith.constant 0 : i32
        %dma_start3A_87 = tpu.memref_slice %arg6[%multiple_of3A_38, %dma_start3A_86] : memref<163840x128xf32, #tpu.memory_space<hbm>> -> memref<128x128xf32, #tpu.memory_space<hbm>>
        tpu.enqueue_dma source(%arg11 : memref<128x128xf32, #tpu.memory_space<vmem>>) target(%dma_start3A_87 : memref<128x128xf32, #tpu.memory_space<hbm>>) target_semaphore(%run_scoped3A : memref<!tpu.dma_semaphore, #tpu.memory_space<semaphore_mem>>)
        %dma_wait3A_88 = arith.constant 0 : i32
        %dma_wait3A_89 = tpu.memref_slice %arg6[%multiple_of3A_38, %dma_wait3A_88] : memref<163840x128xf32, #tpu.memory_space<hbm>> -> memref<128x128xf32, #tpu.memory_space<hbm>>
        %dma_wait3A_90 = arith.constant 0 : i32
        %dma_wait3A_91 = tpu.memref_slice %arg6[%multiple_of3A_38, %dma_wait3A_90] : memref<163840x128xf32, #tpu.memory_space<hbm>> -> memref<128x128xf32, #tpu.memory_space<hbm>>
        tpu.wait_dma2 semaphore(%run_scoped3A : memref<!tpu.dma_semaphore, #tpu.memory_space<semaphore_mem>>) src(%arg11 : memref<128x128xf32, #tpu.memory_space<vmem>>) dst(%dma_wait3A_91 : memref<128x128xf32, #tpu.memory_space<hbm>>)
        tpu.yield
      }) : () -> ()
      "tpu.region"() ({
        %run_scoped3A = tpu.sem_alloc : memref<!tpu.dma_semaphore, #tpu.memory_space<semaphore_mem>>
        %dma_start3A_84 = arith.constant 0 : i32
        %dma_start3A_85 = tpu.memref_slice %arg7[%multiple_of3A_38, %dma_start3A_84] : memref<163840x128xf32, #tpu.memory_space<hbm>> -> memref<128x128xf32, #tpu.memory_space<hbm>>
        %dma_start3A_86 = arith.constant 0 : i32
        %dma_start3A_87 = tpu.memref_slice %arg7[%multiple_of3A_38, %dma_start3A_86] : memref<163840x128xf32, #tpu.memory_space<hbm>> -> memref<128x128xf32, #tpu.memory_space<hbm>>
        tpu.enqueue_dma source(%arg13 : memref<128x128xf32, #tpu.memory_space<vmem>>) target(%dma_start3A_87 : memref<128x128xf32, #tpu.memory_space<hbm>>) target_semaphore(%run_scoped3A : memref<!tpu.dma_semaphore, #tpu.memory_space<semaphore_mem>>)
        %dma_wait3A_88 = arith.constant 0 : i32
        %dma_wait3A_89 = tpu.memref_slice %arg7[%multiple_of3A_38, %dma_wait3A_88] : memref<163840x128xf32, #tpu.memory_space<hbm>> -> memref<128x128xf32, #tpu.memory_space<hbm>>
        %dma_wait3A_90 = arith.constant 0 : i32
        %dma_wait3A_91 = tpu.memref_slice %arg7[%multiple_of3A_38, %dma_wait3A_90] : memref<163840x128xf32, #tpu.memory_space<hbm>> -> memref<128x128xf32, #tpu.memory_space<hbm>>
        tpu.wait_dma2 semaphore(%run_scoped3A : memref<!tpu.dma_semaphore, #tpu.memory_space<semaphore_mem>>) src(%arg13 : memref<128x128xf32, #tpu.memory_space<vmem>>) dst(%dma_wait3A_91 : memref<128x128xf32, #tpu.memory_space<hbm>>)
        tpu.yield
      }) : () -> ()
    }
    %scan3A_25 = arith.constant 20 : i32
    return
  }
}

#map = affine_map<(d0, d1) -> (0, 0)>
module attributes {stable_mosaic.version = 14 : i64} {
  func.func @_final_gather_body(%arg0: i32, %arg1: i32, %arg2: memref<10000x128xf32, #tpu.memory_space<hbm>>, %arg3: memref<10000x128xf32, #tpu.memory_space<hbm>>, %arg4: memref<2560x128xi32, #tpu.memory_space<hbm>>, %arg5: memref<2560x128xi32, #tpu.memory_space<hbm>>, %arg6: memref<163840x128xf32, #tpu.memory_space<hbm>>, %arg7: memref<163840x128xf32, #tpu.memory_space<hbm>>, %arg8: memref<40x128xi32, #tpu.memory_space<vmem>>, %arg9: memref<40x128xi32, #tpu.memory_space<vmem>>, %arg10: memref<128x128xf32, #tpu.memory_space<vmem>>, %arg11: memref<128x128xf32, #tpu.memory_space<vmem>>, %arg12: memref<128x128xf32, #tpu.memory_space<vmem>>, %arg13: memref<128x128xf32, #tpu.memory_space<vmem>>, %arg14: memref<!tpu.dma_semaphore, #tpu.memory_space<semaphore_mem>>, %arg15: memref<!tpu.dma_semaphore, #tpu.memory_space<semaphore_mem>>, %arg16: memref<!tpu.dma_semaphore, #tpu.memory_space<semaphore_mem>>, %arg17: memref<!tpu.dma_semaphore, #tpu.memory_space<semaphore_mem>>) attributes {dimension_semantics = [#tpu.dimension_semantics<core_parallel>, #tpu.dimension_semantics<subcore_parallel>], iteration_bounds = array<i64: 2, 16>, scalar_prefetch = 0 : i64, scratch_operands = 10 : i64, tpu.core_type = #tpu.core_type<sc_vector_subcore>, window_params = [{transform_indices = #map}, {transform_indices = #map}, {transform_indices = #map}, {transform_indices = #map}, {transform_indices = #map}, {transform_indices = #map}]} {
    %mul3A = arith.constant 16 : i32
    %mul3A_0 = arith.muli %arg0, %mul3A : i32
    %add3A = arith.addi %mul3A_0, %arg1 : i32
    %mul3A_1 = arith.constant 40 : i32
    %mul3A_2 = arith.muli %add3A, %mul3A_1 : i32
    %add3A_3 = arith.constant 0 : i32
    %add3A_4 = arith.addi %add3A_3, %mul3A_2 : i32
    %multiple_of3A = tpu.assume_multiple %add3A_4, 8 : i32
    %mul3A_5 = arith.constant 40 : i32
    %mul3A_6 = arith.muli %add3A, %mul3A_5 : i32
    %multiple_of3A_7 = tpu.assume_multiple %mul3A_6, 8 : i32
    "tpu.region"() ({
      %run_scoped3A = tpu.sem_alloc : memref<!tpu.dma_semaphore, #tpu.memory_space<semaphore_mem>>
      %dma_start3A_26 = arith.constant 0 : i32
      %dma_start3A_27 = tpu.memref_slice %arg4[%multiple_of3A, %dma_start3A_26] : memref<2560x128xi32, #tpu.memory_space<hbm>> -> memref<40x128xi32, #tpu.memory_space<hbm>>
      %dma_start3A_28 = arith.constant 0 : i32
      %dma_start3A_29 = tpu.memref_slice %arg4[%multiple_of3A, %dma_start3A_28] : memref<2560x128xi32, #tpu.memory_space<hbm>> -> memref<40x128xi32, #tpu.memory_space<hbm>>
      tpu.enqueue_dma source(%dma_start3A_29 : memref<40x128xi32, #tpu.memory_space<hbm>>) target(%arg8 : memref<40x128xi32, #tpu.memory_space<vmem>>) target_semaphore(%run_scoped3A : memref<!tpu.dma_semaphore, #tpu.memory_space<semaphore_mem>>)
      %dma_wait3A = arith.constant 0 : i32
      %dma_wait3A_30 = tpu.memref_slice %arg4[%multiple_of3A, %dma_wait3A] : memref<2560x128xi32, #tpu.memory_space<hbm>> -> memref<40x128xi32, #tpu.memory_space<hbm>>
      %dma_wait3A_31 = arith.constant 0 : i32
      %dma_wait3A_32 = tpu.memref_slice %arg4[%multiple_of3A, %dma_wait3A_31] : memref<2560x128xi32, #tpu.memory_space<hbm>> -> memref<40x128xi32, #tpu.memory_space<hbm>>
      tpu.wait_dma2 semaphore(%run_scoped3A : memref<!tpu.dma_semaphore, #tpu.memory_space<semaphore_mem>>) src(%dma_wait3A_32 : memref<40x128xi32, #tpu.memory_space<hbm>>) dst(%arg8 : memref<40x128xi32, #tpu.memory_space<vmem>>)
      tpu.yield
    }) : () -> ()
    "tpu.region"() ({
      %run_scoped3A = tpu.sem_alloc : memref<!tpu.dma_semaphore, #tpu.memory_space<semaphore_mem>>
      %dma_start3A_26 = arith.constant 0 : i32
      %dma_start3A_27 = tpu.memref_slice %arg5[%multiple_of3A, %dma_start3A_26] : memref<2560x128xi32, #tpu.memory_space<hbm>> -> memref<40x128xi32, #tpu.memory_space<hbm>>
      %dma_start3A_28 = arith.constant 0 : i32
      %dma_start3A_29 = tpu.memref_slice %arg5[%multiple_of3A, %dma_start3A_28] : memref<2560x128xi32, #tpu.memory_space<hbm>> -> memref<40x128xi32, #tpu.memory_space<hbm>>
      tpu.enqueue_dma source(%dma_start3A_29 : memref<40x128xi32, #tpu.memory_space<hbm>>) target(%arg9 : memref<40x128xi32, #tpu.memory_space<vmem>>) target_semaphore(%run_scoped3A : memref<!tpu.dma_semaphore, #tpu.memory_space<semaphore_mem>>)
      %dma_wait3A = arith.constant 0 : i32
      %dma_wait3A_30 = tpu.memref_slice %arg5[%multiple_of3A, %dma_wait3A] : memref<2560x128xi32, #tpu.memory_space<hbm>> -> memref<40x128xi32, #tpu.memory_space<hbm>>
      %dma_wait3A_31 = arith.constant 0 : i32
      %dma_wait3A_32 = tpu.memref_slice %arg5[%multiple_of3A, %dma_wait3A_31] : memref<2560x128xi32, #tpu.memory_space<hbm>> -> memref<40x128xi32, #tpu.memory_space<hbm>>
      tpu.wait_dma2 semaphore(%run_scoped3A : memref<!tpu.dma_semaphore, #tpu.memory_space<semaphore_mem>>) src(%dma_wait3A_32 : memref<40x128xi32, #tpu.memory_space<hbm>>) dst(%arg9 : memref<40x128xi32, #tpu.memory_space<vmem>>)
      tpu.yield
    }) : () -> ()
    %dma_start3A = arith.constant 0 : i32
    %dma_start3A_8 = arith.constant 0 : i32
    %dma_start3A_9 = tpu.memref_slice %arg8[%dma_start3A, %dma_start3A_8] : memref<40x128xi32, #tpu.memory_space<vmem>> -> memref<1x128xi32, #tpu.memory_space<vmem>>
    %dma_start3A_10 = tpu.memref_squeeze %dma_start3A_9 : memref<1x128xi32, #tpu.memory_space<vmem>> -> memref<128xi32, #tpu.memory_space<vmem>>
    %dma_start3A_11 = arith.constant 0 : i32
    %dma_start3A_12 = arith.constant 0 : i32
    %dma_start3A_13 = tpu.memref_slice %arg2[%dma_start3A_11, %dma_start3A_12] : memref<10000x128xf32, #tpu.memory_space<hbm>> -> memref<10000x128xf32, #tpu.memory_space<hbm>>
    tpu.enqueue_indirect_dma source(%dma_start3A_13 : memref<10000x128xf32, #tpu.memory_space<hbm>>) target(%arg10 : memref<128x128xf32, #tpu.memory_space<vmem>>) offsets(%dma_start3A_10 : memref<128xi32, #tpu.memory_space<vmem>>) semaphore(%arg14 : memref<!tpu.dma_semaphore, #tpu.memory_space<semaphore_mem>>)
    %dma_start3A_14 = arith.constant 0 : i32
    %dma_start3A_15 = arith.constant 0 : i32
    %dma_start3A_16 = tpu.memref_slice %arg9[%dma_start3A_14, %dma_start3A_15] : memref<40x128xi32, #tpu.memory_space<vmem>> -> memref<1x128xi32, #tpu.memory_space<vmem>>
    %dma_start3A_17 = tpu.memref_squeeze %dma_start3A_16 : memref<1x128xi32, #tpu.memory_space<vmem>> -> memref<128xi32, #tpu.memory_space<vmem>>
    %dma_start3A_18 = arith.constant 0 : i32
    %dma_start3A_19 = arith.constant 0 : i32
    %dma_start3A_20 = tpu.memref_slice %arg3[%dma_start3A_18, %dma_start3A_19] : memref<10000x128xf32, #tpu.memory_space<hbm>> -> memref<10000x128xf32, #tpu.memory_space<hbm>>
    tpu.enqueue_indirect_dma source(%dma_start3A_20 : memref<10000x128xf32, #tpu.memory_space<hbm>>) target(%arg12 : memref<128x128xf32, #tpu.memory_space<vmem>>) offsets(%dma_start3A_17 : memref<128xi32, #tpu.memory_space<vmem>>) semaphore(%arg15 : memref<!tpu.dma_semaphore, #tpu.memory_space<semaphore_mem>>)
    %scan3A = arith.constant 0 : i32
    %scan3A_21 = arith.constant 0 : i32
    %scan3A_22 = arith.constant 20 : i32
    %scan3A_23 = arith.addi %scan3A_21, %scan3A_22 : i32
    %scan3A_24 = arith.constant 1 : i32
    scf.for %scan3A_26 = %scan3A_21 to %scan3A_23 step %scan3A_24  : i32 {
      %mul3A_27 = arith.constant 2 : i32
      %mul3A_28 = arith.muli %mul3A_27, %scan3A_26 : i32
      %add3A_29 = arith.addi %multiple_of3A_7, %mul3A_28 : i32
      %mul3A_30 = arith.constant 128 : i32
      %mul3A_31 = arith.muli %add3A_29, %mul3A_30 : i32
      %multiple_of3A_32 = tpu.assume_multiple %mul3A_31, 8 : i32
      %add3A_33 = arith.addi %multiple_of3A_7, %mul3A_28 : i32
      %add3A_34 = arith.constant 1 : i32
      %add3A_35 = arith.addi %add3A_33, %add3A_34 : i32
      %mul3A_36 = arith.constant 128 : i32
      %mul3A_37 = arith.muli %add3A_35, %mul3A_36 : i32
      %multiple_of3A_38 = tpu.assume_multiple %mul3A_37, 8 : i32
      %add3A_39 = arith.constant 1 : i32
      %add3A_40 = arith.addi %mul3A_28, %add3A_39 : i32
      %dma_start3A_41 = arith.constant 0 : i32
      %dma_start3A_42 = tpu.memref_slice %arg8[%add3A_40, %dma_start3A_41] : memref<40x128xi32, #tpu.memory_space<vmem>> -> memref<1x128xi32, #tpu.memory_space<vmem>>
      %dma_start3A_43 = tpu.memref_squeeze %dma_start3A_42 : memref<1x128xi32, #tpu.memory_space<vmem>> -> memref<128xi32, #tpu.memory_space<vmem>>
      %dma_start3A_44 = arith.constant 0 : i32
      %dma_start3A_45 = arith.constant 0 : i32
      %dma_start3A_46 = tpu.memref_slice %arg2[%dma_start3A_44, %dma_start3A_45] : memref<10000x128xf32, #tpu.memory_space<hbm>> -> memref<10000x128xf32, #tpu.memory_space<hbm>>
      tpu.enqueue_indirect_dma source(%dma_start3A_46 : memref<10000x128xf32, #tpu.memory_space<hbm>>) target(%arg11 : memref<128x128xf32, #tpu.memory_space<vmem>>) offsets(%dma_start3A_43 : memref<128xi32, #tpu.memory_space<vmem>>) semaphore(%arg16 : memref<!tpu.dma_semaphore, #tpu.memory_space<semaphore_mem>>)
      %add3A_47 = arith.constant 1 : i32
      %add3A_48 = arith.addi %mul3A_28, %add3A_47 : i32
      %dma_start3A_49 = arith.constant 0 : i32
      %dma_start3A_50 = tpu.memref_slice %arg9[%add3A_48, %dma_start3A_49] : memref<40x128xi32, #tpu.memory_space<vmem>> -> memref<1x128xi32, #tpu.memory_space<vmem>>
      %dma_start3A_51 = tpu.memref_squeeze %dma_start3A_50 : memref<1x128xi32, #tpu.memory_space<vmem>> -> memref<128xi32, #tpu.memory_space<vmem>>
      %dma_start3A_52 = arith.constant 0 : i32
      %dma_start3A_53 = arith.constant 0 : i32
      %dma_start3A_54 = tpu.memref_slice %arg3[%dma_start3A_52, %dma_start3A_53] : memref<10000x128xf32, #tpu.memory_space<hbm>> -> memref<10000x128xf32, #tpu.memory_space<hbm>>
      tpu.enqueue_indirect_dma source(%dma_start3A_54 : memref<10000x128xf32, #tpu.memory_space<hbm>>) target(%arg13 : memref<128x128xf32, #tpu.memory_space<vmem>>) offsets(%dma_start3A_51 : memref<128xi32, #tpu.memory_space<vmem>>) semaphore(%arg17 : memref<!tpu.dma_semaphore, #tpu.memory_space<semaphore_mem>>)
      %dma_wait3A = arith.constant 0 : i32
      %dma_wait3A_55 = arith.constant 0 : i32
      %dma_wait3A_56 = tpu.memref_slice %arg8[%dma_wait3A, %dma_wait3A_55] : memref<40x128xi32, #tpu.memory_space<vmem>> -> memref<1x128xi32, #tpu.memory_space<vmem>>
      %dma_wait3A_57 = tpu.memref_squeeze %dma_wait3A_56 : memref<1x128xi32, #tpu.memory_space<vmem>> -> memref<128xi32, #tpu.memory_space<vmem>>
      %dma_wait3A_58 = arith.constant 0 : i32
      %dma_wait3A_59 = arith.constant 0 : i32
      %dma_wait3A_60 = tpu.memref_slice %arg2[%dma_wait3A_58, %dma_wait3A_59] : memref<10000x128xf32, #tpu.memory_space<hbm>> -> memref<10000x128xf32, #tpu.memory_space<hbm>>
      tpu.wait_indirect_dma semaphore(%arg14 : memref<!tpu.dma_semaphore, #tpu.memory_space<semaphore_mem>>) src(%dma_wait3A_60 : memref<10000x128xf32, #tpu.memory_space<hbm>>) dst(%arg10 : memref<128x128xf32, #tpu.memory_space<vmem>>)
      %dma_wait3A_61 = arith.constant 0 : i32
      %dma_wait3A_62 = arith.constant 0 : i32
      %dma_wait3A_63 = tpu.memref_slice %arg9[%dma_wait3A_61, %dma_wait3A_62] : memref<40x128xi32, #tpu.memory_space<vmem>> -> memref<1x128xi32, #tpu.memory_space<vmem>>
      %dma_wait3A_64 = tpu.memref_squeeze %dma_wait3A_63 : memref<1x128xi32, #tpu.memory_space<vmem>> -> memref<128xi32, #tpu.memory_space<vmem>>
      %dma_wait3A_65 = arith.constant 0 : i32
      %dma_wait3A_66 = arith.constant 0 : i32
      %dma_wait3A_67 = tpu.memref_slice %arg3[%dma_wait3A_65, %dma_wait3A_66] : memref<10000x128xf32, #tpu.memory_space<hbm>> -> memref<10000x128xf32, #tpu.memory_space<hbm>>
      tpu.wait_indirect_dma semaphore(%arg15 : memref<!tpu.dma_semaphore, #tpu.memory_space<semaphore_mem>>) src(%dma_wait3A_67 : memref<10000x128xf32, #tpu.memory_space<hbm>>) dst(%arg12 : memref<128x128xf32, #tpu.memory_space<vmem>>)
      "tpu.region"() ({
        %run_scoped3A = tpu.sem_alloc : memref<!tpu.dma_semaphore, #tpu.memory_space<semaphore_mem>>
        %dma_start3A_84 = arith.constant 0 : i32
        %dma_start3A_85 = tpu.memref_slice %arg6[%multiple_of3A_32, %dma_start3A_84] : memref<163840x128xf32, #tpu.memory_space<hbm>> -> memref<128x128xf32, #tpu.memory_space<hbm>>
        %dma_start3A_86 = arith.constant 0 : i32
        %dma_start3A_87 = tpu.memref_slice %arg6[%multiple_of3A_32, %dma_start3A_86] : memref<163840x128xf32, #tpu.memory_space<hbm>> -> memref<128x128xf32, #tpu.memory_space<hbm>>
        tpu.enqueue_dma source(%arg10 : memref<128x128xf32, #tpu.memory_space<vmem>>) target(%dma_start3A_87 : memref<128x128xf32, #tpu.memory_space<hbm>>) target_semaphore(%run_scoped3A : memref<!tpu.dma_semaphore, #tpu.memory_space<semaphore_mem>>)
        %dma_wait3A_88 = arith.constant 0 : i32
        %dma_wait3A_89 = tpu.memref_slice %arg6[%multiple_of3A_32, %dma_wait3A_88] : memref<163840x128xf32, #tpu.memory_space<hbm>> -> memref<128x128xf32, #tpu.memory_space<hbm>>
        %dma_wait3A_90 = arith.constant 0 : i32
        %dma_wait3A_91 = tpu.memref_slice %arg6[%multiple_of3A_32, %dma_wait3A_90] : memref<163840x128xf32, #tpu.memory_space<hbm>> -> memref<128x128xf32, #tpu.memory_space<hbm>>
        tpu.wait_dma2 semaphore(%run_scoped3A : memref<!tpu.dma_semaphore, #tpu.memory_space<semaphore_mem>>) src(%arg10 : memref<128x128xf32, #tpu.memory_space<vmem>>) dst(%dma_wait3A_91 : memref<128x128xf32, #tpu.memory_space<hbm>>)
        tpu.yield
      }) : () -> ()
      "tpu.region"() ({
        %run_scoped3A = tpu.sem_alloc : memref<!tpu.dma_semaphore, #tpu.memory_space<semaphore_mem>>
        %dma_start3A_84 = arith.constant 0 : i32
        %dma_start3A_85 = tpu.memref_slice %arg7[%multiple_of3A_32, %dma_start3A_84] : memref<163840x128xf32, #tpu.memory_space<hbm>> -> memref<128x128xf32, #tpu.memory_space<hbm>>
        %dma_start3A_86 = arith.constant 0 : i32
        %dma_start3A_87 = tpu.memref_slice %arg7[%multiple_of3A_32, %dma_start3A_86] : memref<163840x128xf32, #tpu.memory_space<hbm>> -> memref<128x128xf32, #tpu.memory_space<hbm>>
        tpu.enqueue_dma source(%arg12 : memref<128x128xf32, #tpu.memory_space<vmem>>) target(%dma_start3A_87 : memref<128x128xf32, #tpu.memory_space<hbm>>) target_semaphore(%run_scoped3A : memref<!tpu.dma_semaphore, #tpu.memory_space<semaphore_mem>>)
        %dma_wait3A_88 = arith.constant 0 : i32
        %dma_wait3A_89 = tpu.memref_slice %arg7[%multiple_of3A_32, %dma_wait3A_88] : memref<163840x128xf32, #tpu.memory_space<hbm>> -> memref<128x128xf32, #tpu.memory_space<hbm>>
        %dma_wait3A_90 = arith.constant 0 : i32
        %dma_wait3A_91 = tpu.memref_slice %arg7[%multiple_of3A_32, %dma_wait3A_90] : memref<163840x128xf32, #tpu.memory_space<hbm>> -> memref<128x128xf32, #tpu.memory_space<hbm>>
        tpu.wait_dma2 semaphore(%run_scoped3A : memref<!tpu.dma_semaphore, #tpu.memory_space<semaphore_mem>>) src(%arg12 : memref<128x128xf32, #tpu.memory_space<vmem>>) dst(%dma_wait3A_91 : memref<128x128xf32, #tpu.memory_space<hbm>>)
        tpu.yield
      }) : () -> ()
      %lt3A = arith.constant 19 : i32
      %lt3A_68 = arith.cmpi slt, %scan3A_26, %lt3A : i32
      %convert_element_type3A = arith.extui %lt3A_68 : i1 to i32
      %cond3A = arith.constant 0 : i32
      %cond3A_69 = arith.cmpi ne, %convert_element_type3A, %cond3A : i32
      scf.if %cond3A_69 {
        %add3A_84 = arith.constant 2 : i32
        %add3A_85 = arith.addi %mul3A_28, %add3A_84 : i32
        %dma_start3A_86 = arith.constant 0 : i32
        %dma_start3A_87 = tpu.memref_slice %arg8[%add3A_85, %dma_start3A_86] : memref<40x128xi32, #tpu.memory_space<vmem>> -> memref<1x128xi32, #tpu.memory_space<vmem>>
        %dma_start3A_88 = tpu.memref_squeeze %dma_start3A_87 : memref<1x128xi32, #tpu.memory_space<vmem>> -> memref<128xi32, #tpu.memory_space<vmem>>
        %dma_start3A_89 = arith.constant 0 : i32
        %dma_start3A_90 = arith.constant 0 : i32
        %dma_start3A_91 = tpu.memref_slice %arg2[%dma_start3A_89, %dma_start3A_90] : memref<10000x128xf32, #tpu.memory_space<hbm>> -> memref<10000x128xf32, #tpu.memory_space<hbm>>
        tpu.enqueue_indirect_dma source(%dma_start3A_91 : memref<10000x128xf32, #tpu.memory_space<hbm>>) target(%arg10 : memref<128x128xf32, #tpu.memory_space<vmem>>) offsets(%dma_start3A_88 : memref<128xi32, #tpu.memory_space<vmem>>) semaphore(%arg14 : memref<!tpu.dma_semaphore, #tpu.memory_space<semaphore_mem>>)
        %add3A_92 = arith.constant 2 : i32
        %add3A_93 = arith.addi %mul3A_28, %add3A_92 : i32
        %dma_start3A_94 = arith.constant 0 : i32
        %dma_start3A_95 = tpu.memref_slice %arg9[%add3A_93, %dma_start3A_94] : memref<40x128xi32, #tpu.memory_space<vmem>> -> memref<1x128xi32, #tpu.memory_space<vmem>>
        %dma_start3A_96 = tpu.memref_squeeze %dma_start3A_95 : memref<1x128xi32, #tpu.memory_space<vmem>> -> memref<128xi32, #tpu.memory_space<vmem>>
        %dma_start3A_97 = arith.constant 0 : i32
        %dma_start3A_98 = arith.constant 0 : i32
        %dma_start3A_99 = tpu.memref_slice %arg3[%dma_start3A_97, %dma_start3A_98] : memref<10000x128xf32, #tpu.memory_space<hbm>> -> memref<10000x128xf32, #tpu.memory_space<hbm>>
        tpu.enqueue_indirect_dma source(%dma_start3A_99 : memref<10000x128xf32, #tpu.memory_space<hbm>>) target(%arg12 : memref<128x128xf32, #tpu.memory_space<vmem>>) offsets(%dma_start3A_96 : memref<128xi32, #tpu.memory_space<vmem>>) semaphore(%arg15 : memref<!tpu.dma_semaphore, #tpu.memory_space<semaphore_mem>>)
      } else {
      }
      %dma_wait3A_70 = arith.constant 0 : i32
      %dma_wait3A_71 = arith.constant 0 : i32
      %dma_wait3A_72 = tpu.memref_slice %arg8[%dma_wait3A_70, %dma_wait3A_71] : memref<40x128xi32, #tpu.memory_space<vmem>> -> memref<1x128xi32, #tpu.memory_space<vmem>>
      %dma_wait3A_73 = tpu.memref_squeeze %dma_wait3A_72 : memref<1x128xi32, #tpu.memory_space<vmem>> -> memref<128xi32, #tpu.memory_space<vmem>>
      %dma_wait3A_74 = arith.constant 0 : i32
      %dma_wait3A_75 = arith.constant 0 : i32
      %dma_wait3A_76 = tpu.memref_slice %arg2[%dma_wait3A_74, %dma_wait3A_75] : memref<10000x128xf32, #tpu.memory_space<hbm>> -> memref<10000x128xf32, #tpu.memory_space<hbm>>
      tpu.wait_indirect_dma semaphore(%arg16 : memref<!tpu.dma_semaphore, #tpu.memory_space<semaphore_mem>>) src(%dma_wait3A_76 : memref<10000x128xf32, #tpu.memory_space<hbm>>) dst(%arg11 : memref<128x128xf32, #tpu.memory_space<vmem>>)
      %dma_wait3A_77 = arith.constant 0 : i32
      %dma_wait3A_78 = arith.constant 0 : i32
      %dma_wait3A_79 = tpu.memref_slice %arg9[%dma_wait3A_77, %dma_wait3A_78] : memref<40x128xi32, #tpu.memory_space<vmem>> -> memref<1x128xi32, #tpu.memory_space<vmem>>
      %dma_wait3A_80 = tpu.memref_squeeze %dma_wait3A_79 : memref<1x128xi32, #tpu.memory_space<vmem>> -> memref<128xi32, #tpu.memory_space<vmem>>
      %dma_wait3A_81 = arith.constant 0 : i32
      %dma_wait3A_82 = arith.constant 0 : i32
      %dma_wait3A_83 = tpu.memref_slice %arg3[%dma_wait3A_81, %dma_wait3A_82] : memref<10000x128xf32, #tpu.memory_space<hbm>> -> memref<10000x128xf32, #tpu.memory_space<hbm>>
      tpu.wait_indirect_dma semaphore(%arg17 : memref<!tpu.dma_semaphore, #tpu.memory_space<semaphore_mem>>) src(%dma_wait3A_83 : memref<10000x128xf32, #tpu.memory_space<hbm>>) dst(%arg13 : memref<128x128xf32, #tpu.memory_space<vmem>>)
      "tpu.region"() ({
        %run_scoped3A = tpu.sem_alloc : memref<!tpu.dma_semaphore, #tpu.memory_space<semaphore_mem>>
        %dma_start3A_84 = arith.constant 0 : i32
        %dma_start3A_85 = tpu.memref_slice %arg6[%multiple_of3A_38, %dma_start3A_84] : memref<163840x128xf32, #tpu.memory_space<hbm>> -> memref<128x128xf32, #tpu.memory_space<hbm>>
        %dma_start3A_86 = arith.constant 0 : i32
        %dma_start3A_87 = tpu.memref_slice %arg6[%multiple_of3A_38, %dma_start3A_86] : memref<163840x128xf32, #tpu.memory_space<hbm>> -> memref<128x128xf32, #tpu.memory_space<hbm>>
        tpu.enqueue_dma source(%arg11 : memref<128x128xf32, #tpu.memory_space<vmem>>) target(%dma_start3A_87 : memref<128x128xf32, #tpu.memory_space<hbm>>) target_semaphore(%run_scoped3A : memref<!tpu.dma_semaphore, #tpu.memory_space<semaphore_mem>>)
        %dma_wait3A_88 = arith.constant 0 : i32
        %dma_wait3A_89 = tpu.memref_slice %arg6[%multiple_of3A_38, %dma_wait3A_88] : memref<163840x128xf32, #tpu.memory_space<hbm>> -> memref<128x128xf32, #tpu.memory_space<hbm>>
        %dma_wait3A_90 = arith.constant 0 : i32
        %dma_wait3A_91 = tpu.memref_slice %arg6[%multiple_of3A_38, %dma_wait3A_90] : memref<163840x128xf32, #tpu.memory_space<hbm>> -> memref<128x128xf32, #tpu.memory_space<hbm>>
        tpu.wait_dma2 semaphore(%run_scoped3A : memref<!tpu.dma_semaphore, #tpu.memory_space<semaphore_mem>>) src(%arg11 : memref<128x128xf32, #tpu.memory_space<vmem>>) dst(%dma_wait3A_91 : memref<128x128xf32, #tpu.memory_space<hbm>>)
        tpu.yield
      }) : () -> ()
      "tpu.region"() ({
        %run_scoped3A = tpu.sem_alloc : memref<!tpu.dma_semaphore, #tpu.memory_space<semaphore_mem>>
        %dma_start3A_84 = arith.constant 0 : i32
        %dma_start3A_85 = tpu.memref_slice %arg7[%multiple_of3A_38, %dma_start3A_84] : memref<163840x128xf32, #tpu.memory_space<hbm>> -> memref<128x128xf32, #tpu.memory_space<hbm>>
        %dma_start3A_86 = arith.constant 0 : i32
        %dma_start3A_87 = tpu.memref_slice %arg7[%multiple_of3A_38, %dma_start3A_86] : memref<163840x128xf32, #tpu.memory_space<hbm>> -> memref<128x128xf32, #tpu.memory_space<hbm>>
        tpu.enqueue_dma source(%arg13 : memref<128x128xf32, #tpu.memory_space<vmem>>) target(%dma_start3A_87 : memref<128x128xf32, #tpu.memory_space<hbm>>) target_semaphore(%run_scoped3A : memref<!tpu.dma_semaphore, #tpu.memory_space<semaphore_mem>>)
        %dma_wait3A_88 = arith.constant 0 : i32
        %dma_wait3A_89 = tpu.memref_slice %arg7[%multiple_of3A_38, %dma_wait3A_88] : memref<163840x128xf32, #tpu.memory_space<hbm>> -> memref<128x128xf32, #tpu.memory_space<hbm>>
        %dma_wait3A_90 = arith.constant 0 : i32
        %dma_wait3A_91 = tpu.memref_slice %arg7[%multiple_of3A_38, %dma_wait3A_90] : memref<163840x128xf32, #tpu.memory_space<hbm>> -> memref<128x128xf32, #tpu.memory_space<hbm>>
        tpu.wait_dma2 semaphore(%run_scoped3A : memref<!tpu.dma_semaphore, #tpu.memory_space<semaphore_mem>>) src(%arg13 : memref<128x128xf32, #tpu.memory_space<vmem>>) dst(%dma_wait3A_91 : memref<128x128xf32, #tpu.memory_space<hbm>>)
        tpu.yield
      }) : () -> ()
    }
    %scan3A_25 = arith.constant 20 : i32
    return
  }
}

module attributes {stable_mosaic.version = 14 : i64} {
  func.func @_mm_body(%arg0: memref<10000x128xf32, #tpu.memory_space<vmem>>, %arg1: memref<128x128xf32, #tpu.memory_space<vmem>>, %arg2: memref<10000x128xf32, #tpu.memory_space<vmem>>) attributes {dimension_semantics = [], scalar_prefetch = 0 : i64, scratch_operands = 0 : i64, tpu.core_type = #tpu.core_type<tc>} {
    %get3A = arith.constant 0 : index
    %get3A_0 = arith.constant 0 : index
    %get3A_1 = vector.load %arg0[%get3A, %get3A_0] : memref<10000x128xf32, #tpu.memory_space<vmem>>, vector<10000x128xf32>
    %get3A_2 = arith.constant 0 : index
    %get3A_3 = arith.constant 0 : index
    %get3A_4 = vector.load %arg1[%get3A_2, %get3A_3] : memref<128x128xf32, #tpu.memory_space<vmem>>, vector<128x128xf32>
    %dot_general3A = arith.constant dense<0.000000e+00> : vector<10000x128xf32>
    %dot_general3A_5 = tpu.matmul %get3A_1, %get3A_4, %dot_general3A {dimension_numbers = #tpu.dot_dimension_numbers<[1], [0], [0], [1], [0, 0, 1, 1], [], []>, transpose_lhs_hint = false} : vector<10000x128xf32>, vector<128x128xf32>, vector<10000x128xf32> -> vector<10000x128xf32>
    %swap3A = arith.constant 0 : index
    %swap3A_6 = arith.constant 0 : index
    %swap3A_7 = vector.load %arg2[%swap3A, %swap3A_6] : memref<10000x128xf32, #tpu.memory_space<vmem>>, vector<10000x128xf32>
    tpu.vector_store %arg2[%swap3A, %swap3A_6], %dot_general3A_5 {strides = array<i32>} : memref<10000x128xf32, #tpu.memory_space<vmem>>, vector<10000x128xf32>,
    return
  }
}

module attributes {stable_mosaic.version = 14 : i64} {
  func.func @_combine_body(%arg0: memref<10000x128xf32, #tpu.memory_space<vmem>>, %arg1: memref<2x10008x128xf32, #tpu.memory_space<vmem>>, %arg2: memref<2x10008x128xf32, #tpu.memory_space<vmem>>, %arg3: memref<128x128xf32, #tpu.memory_space<vmem>>, %arg4: memref<1x128xf32, #tpu.memory_space<vmem>>, %arg5: memref<128x128xf32, #tpu.memory_space<vmem>>, %arg6: memref<10000x128xf32, #tpu.memory_space<vmem>>, %arg7: memref<10000x128xf32, #tpu.memory_space<vmem>>) attributes {dimension_semantics = [], scalar_prefetch = 0 : i64, scratch_operands = 0 : i64, tpu.core_type = #tpu.core_type<tc>} {
    %get3A = arith.constant 0 : index
    %get3A_0 = arith.constant 0 : index
    %get3A_1 = arith.constant 0 : index
    %get3A_2 = vector.load %arg1[%get3A, %get3A_0, %get3A_1] : memref<2x10008x128xf32, #tpu.memory_space<vmem>>, vector<1x10000x128xf32>
    %get3A_3 = vector.shape_cast %get3A_2 : vector<1x10000x128xf32> to vector<10000x128xf32>
    %get3A_4 = arith.constant 1 : index
    %get3A_5 = arith.constant 0 : index
    %get3A_6 = arith.constant 0 : index
    %get3A_7 = vector.load %arg1[%get3A_4, %get3A_5, %get3A_6] : memref<2x10008x128xf32, #tpu.memory_space<vmem>>, vector<1x10000x128xf32>
    %get3A_8 = vector.shape_cast %get3A_7 : vector<1x10000x128xf32> to vector<10000x128xf32>
    %add3A = arith.addf %get3A_3, %get3A_8 : vector<10000x128xf32>
    %get3A_9 = arith.constant 0 : index
    %get3A_10 = arith.constant 0 : index
    %get3A_11 = arith.constant 0 : index
    %get3A_12 = vector.load %arg2[%get3A_9, %get3A_10, %get3A_11] : memref<2x10008x128xf32, #tpu.memory_space<vmem>>, vector<1x10000x1xf32>
    %get3A_13 = vector.shape_cast %get3A_12 : vector<1x10000x1xf32> to vector<10000x1xf32>
    %get3A_14 = arith.constant 1 : index
    %get3A_15 = arith.constant 0 : index
    %get3A_16 = arith.constant 0 : index
    %get3A_17 = vector.load %arg2[%get3A_14, %get3A_15, %get3A_16] : memref<2x10008x128xf32, #tpu.memory_space<vmem>>, vector<1x10000x1xf32>
    %get3A_18 = vector.shape_cast %get3A_17 : vector<1x10000x1xf32> to vector<10000x1xf32>
    %add3A_19 = arith.addf %get3A_13, %get3A_18 : vector<10000x1xf32>
    %max3A = arith.constant 1.000000e+00 : f32
    %max3A_20 = vector.broadcast %max3A : f32 to vector<10000x1xf32>
    %max3A_21 = arith.maximumf %add3A_19, %max3A_20 : vector<10000x1xf32>
    %div3A = arith.constant 1.000000e+00 : f32
    %div3A_22 = vector.broadcast %div3A : f32 to vector<10000x1xf32>
    %div3A_23 = arith.divf %div3A_22, %max3A_21 : vector<10000x1xf32>
    %get3A_24 = arith.constant 0 : index
    %get3A_25 = arith.constant 0 : index
    %get3A_26 = vector.load %arg0[%get3A_24, %get3A_25] : memref<10000x128xf32, #tpu.memory_space<vmem>>, vector<10000x128xf32>
    %get3A_27 = arith.constant 0 : index
    %get3A_28 = arith.constant 0 : index
    %get3A_29 = vector.load %arg3[%get3A_27, %get3A_28] : memref<128x128xf32, #tpu.memory_space<vmem>>, vector<128x128xf32>
    %dot_general3A = arith.constant dense<0.000000e+00> : vector<10000x128xf32>
    %dot_general3A_30 = tpu.matmul %get3A_26, %get3A_29, %dot_general3A {dimension_numbers = #tpu.dot_dimension_numbers<[1], [0], [0], [1], [0, 0, 1, 1], [], []>, transpose_lhs_hint = false} : vector<10000x128xf32>, vector<128x128xf32>, vector<10000x128xf32> -> vector<10000x128xf32>
    %mul3A = vector.broadcast %div3A_23 : vector<10000x1xf32> to vector<10000x128xf32>
    %mul3A_31 = arith.mulf %add3A, %mul3A : vector<10000x128xf32>
    %add3A_32 = arith.addf %dot_general3A_30, %mul3A_31 : vector<10000x128xf32>
    %get3A_33 = arith.constant 0 : index
    %get3A_34 = arith.constant 0 : index
    %get3A_35 = vector.load %arg4[%get3A_33, %get3A_34] : memref<1x128xf32, #tpu.memory_space<vmem>>, vector<1x128xf32>
    %add3A_36 = vector.broadcast %get3A_35 : vector<1x128xf32> to vector<10000x128xf32>
    %add3A_37 = arith.addf %add3A_32, %add3A_36 : vector<10000x128xf32>
    %gt3A = arith.constant 0.000000e+00 : f32
    %gt3A_38 = vector.broadcast %gt3A : f32 to vector<10000x128xf32>
    %gt3A_39 = arith.cmpf ogt, %add3A_37, %gt3A_38 : vector<10000x128xf32>
    %mul3A_40 = arith.constant 0.00999999977 : f32
    %mul3A_41 = vector.broadcast %mul3A_40 : f32 to vector<10000x128xf32>
    %mul3A_42 = arith.mulf %mul3A_41, %add3A_37 : vector<10000x128xf32>
    %select_n3A = arith.select %gt3A_39, %add3A_37, %mul3A_42 : vector<10000x128xi1>, vector<10000x128xf32>
    %swap3A = arith.constant 0 : index
    %swap3A_43 = arith.constant 0 : index
    %swap3A_44 = vector.load %arg6[%swap3A, %swap3A_43] : memref<10000x128xf32, #tpu.memory_space<vmem>>, vector<10000x128xf32>
    tpu.vector_store %arg6[%swap3A, %swap3A_43], %select_n3A {strides = array<i32>} : memref<10000x128xf32, #tpu.memory_space<vmem>>, vector<10000x128xf32>,
    %get3A_45 = arith.constant 0 : index
    %get3A_46 = arith.constant 0 : index
    %get3A_47 = vector.load %arg5[%get3A_45, %get3A_46] : memref<128x128xf32, #tpu.memory_space<vmem>>, vector<128x128xf32>
    %dot_general3A_48 = arith.constant dense<0.000000e+00> : vector<10000x128xf32>
    %dot_general3A_49 = tpu.matmul %select_n3A, %get3A_47, %dot_general3A_48 {dimension_numbers = #tpu.dot_dimension_numbers<[1], [0], [0], [1], [0, 0, 1, 1], [], []>, transpose_lhs_hint = false} : vector<10000x128xf32>, vector<128x128xf32>, vector<10000x128xf32> -> vector<10000x128xf32>
    %swap3A_50 = arith.constant 0 : index
    %swap3A_51 = arith.constant 0 : index
    %swap3A_52 = vector.load %arg7[%swap3A_50, %swap3A_51] : memref<10000x128xf32, #tpu.memory_space<vmem>>, vector<10000x128xf32>
    tpu.vector_store %arg7[%swap3A_50, %swap3A_51], %dot_general3A_49 {strides = array<i32>} : memref<10000x128xf32, #tpu.memory_space<vmem>>, vector<10000x128xf32>,
    return
  }
}

module attributes {stable_mosaic.version = 14 : i64} {
  func.func @_combine3_body(%arg0: memref<10000x128xf32, #tpu.memory_space<vmem>>, %arg1: memref<2x10008x128xf32, #tpu.memory_space<vmem>>, %arg2: memref<2x10008x128xf32, #tpu.memory_space<vmem>>, %arg3: memref<128x128xf32, #tpu.memory_space<vmem>>, %arg4: memref<1x128xf32, #tpu.memory_space<vmem>>, %arg5: memref<128x128xf32, #tpu.memory_space<vmem>>, %arg6: memref<128x128xf32, #tpu.memory_space<vmem>>, %arg7: memref<1x128xf32, #tpu.memory_space<vmem>>, %arg8: memref<10000x128xf32, #tpu.memory_space<vmem>>, %arg9: memref<10000x128xf32, #tpu.memory_space<vmem>>) attributes {dimension_semantics = [], scalar_prefetch = 0 : i64, scratch_operands = 0 : i64, tpu.core_type = #tpu.core_type<tc>} {
    %get3A = arith.constant 0 : index
    %get3A_0 = arith.constant 0 : index
    %get3A_1 = arith.constant 0 : index
    %get3A_2 = vector.load %arg1[%get3A, %get3A_0, %get3A_1] : memref<2x10008x128xf32, #tpu.memory_space<vmem>>, vector<1x10000x128xf32>
    %get3A_3 = vector.shape_cast %get3A_2 : vector<1x10000x128xf32> to vector<10000x128xf32>
    %get3A_4 = arith.constant 1 : index
    %get3A_5 = arith.constant 0 : index
    %get3A_6 = arith.constant 0 : index
    %get3A_7 = vector.load %arg1[%get3A_4, %get3A_5, %get3A_6] : memref<2x10008x128xf32, #tpu.memory_space<vmem>>, vector<1x10000x128xf32>
    %get3A_8 = vector.shape_cast %get3A_7 : vector<1x10000x128xf32> to vector<10000x128xf32>
    %add3A = arith.addf %get3A_3, %get3A_8 : vector<10000x128xf32>
    %get3A_9 = arith.constant 0 : index
    %get3A_10 = arith.constant 0 : index
    %get3A_11 = arith.constant 0 : index
    %get3A_12 = vector.load %arg2[%get3A_9, %get3A_10, %get3A_11] : memref<2x10008x128xf32, #tpu.memory_space<vmem>>, vector<1x10000x1xf32>
    %get3A_13 = vector.shape_cast %get3A_12 : vector<1x10000x1xf32> to vector<10000x1xf32>
    %get3A_14 = arith.constant 1 : index
    %get3A_15 = arith.constant 0 : index
    %get3A_16 = arith.constant 0 : index
    %get3A_17 = vector.load %arg2[%get3A_14, %get3A_15, %get3A_16] : memref<2x10008x128xf32, #tpu.memory_space<vmem>>, vector<1x10000x1xf32>
    %get3A_18 = vector.shape_cast %get3A_17 : vector<1x10000x1xf32> to vector<10000x1xf32>
    %add3A_19 = arith.addf %get3A_13, %get3A_18 : vector<10000x1xf32>
    %max3A = arith.constant 1.000000e+00 : f32
    %max3A_20 = vector.broadcast %max3A : f32 to vector<10000x1xf32>
    %max3A_21 = arith.maximumf %add3A_19, %max3A_20 : vector<10000x1xf32>
    %div3A = arith.constant 1.000000e+00 : f32
    %div3A_22 = vector.broadcast %div3A : f32 to vector<10000x1xf32>
    %div3A_23 = arith.divf %div3A_22, %max3A_21 : vector<10000x1xf32>
    %get3A_24 = arith.constant 0 : index
    %get3A_25 = arith.constant 0 : index
    %get3A_26 = vector.load %arg0[%get3A_24, %get3A_25] : memref<10000x128xf32, #tpu.memory_space<vmem>>, vector<10000x128xf32>
    %get3A_27 = arith.constant 0 : index
    %get3A_28 = arith.constant 0 : index
    %get3A_29 = vector.load %arg3[%get3A_27, %get3A_28] : memref<128x128xf32, #tpu.memory_space<vmem>>, vector<128x128xf32>
    %dot_general3A = arith.constant dense<0.000000e+00> : vector<10000x128xf32>
    %dot_general3A_30 = tpu.matmul %get3A_26, %get3A_29, %dot_general3A {dimension_numbers = #tpu.dot_dimension_numbers<[1], [0], [0], [1], [0, 0, 1, 1], [], []>, transpose_lhs_hint = false} : vector<10000x128xf32>, vector<128x128xf32>, vector<10000x128xf32> -> vector<10000x128xf32>
    %mul3A = vector.broadcast %div3A_23 : vector<10000x1xf32> to vector<10000x128xf32>
    %mul3A_31 = arith.mulf %add3A, %mul3A : vector<10000x128xf32>
    %add3A_32 = arith.addf %dot_general3A_30, %mul3A_31 : vector<10000x128xf32>
    %get3A_33 = arith.constant 0 : index
    %get3A_34 = arith.constant 0 : index
    %get3A_35 = vector.load %arg4[%get3A_33, %get3A_34] : memref<1x128xf32, #tpu.memory_space<vmem>>, vector<1x128xf32>
    %add3A_36 = vector.broadcast %get3A_35 : vector<1x128xf32> to vector<10000x128xf32>
    %add3A_37 = arith.addf %add3A_32, %add3A_36 : vector<10000x128xf32>
    %gt3A = arith.constant 0.000000e+00 : f32
    %gt3A_38 = vector.broadcast %gt3A : f32 to vector<10000x128xf32>
    %gt3A_39 = arith.cmpf ogt, %add3A_37, %gt3A_38 : vector<10000x128xf32>
    %mul3A_40 = arith.constant 0.00999999977 : f32
    %mul3A_41 = vector.broadcast %mul3A_40 : f32 to vector<10000x128xf32>
    %mul3A_42 = arith.mulf %mul3A_41, %add3A_37 : vector<10000x128xf32>
    %select_n3A = arith.select %gt3A_39, %add3A_37, %mul3A_42 : vector<10000x128xi1>, vector<10000x128xf32>
    %get3A_43 = arith.constant 0 : index
    %get3A_44 = arith.constant 0 : index
    %get3A_45 = vector.load %arg5[%get3A_43, %get3A_44] : memref<128x128xf32, #tpu.memory_space<vmem>>, vector<128x128xf32>
    %dot_general3A_46 = arith.constant dense<0.000000e+00> : vector<10000x128xf32>
    %dot_general3A_47 = tpu.matmul %select_n3A, %get3A_45, %dot_general3A_46 {dimension_numbers = #tpu.dot_dimension_numbers<[1], [0], [0], [1], [0, 0, 1, 1], [], []>, transpose_lhs_hint = false} : vector<10000x128xf32>, vector<128x128xf32>, vector<10000x128xf32> -> vector<10000x128xf32>
    %get3A_48 = arith.constant 0 : index
    %get3A_49 = arith.constant 0 : index
    %get3A_50 = vector.load %arg7[%get3A_48, %get3A_49] : memref<1x128xf32, #tpu.memory_space<vmem>>, vector<1x128xf32>
    %add3A_51 = vector.broadcast %get3A_50 : vector<1x128xf32> to vector<10000x128xf32>
    %add3A_52 = arith.addf %dot_general3A_47, %add3A_51 : vector<10000x128xf32>
    %swap3A = arith.constant 0 : index
    %swap3A_53 = arith.constant 0 : index
    %swap3A_54 = vector.load %arg8[%swap3A, %swap3A_53] : memref<10000x128xf32, #tpu.memory_space<vmem>>, vector<10000x128xf32>
    tpu.vector_store %arg8[%swap3A, %swap3A_53], %add3A_52 {strides = array<i32>} : memref<10000x128xf32, #tpu.memory_space<vmem>>, vector<10000x128xf32>,
    %get3A_55 = arith.constant 0 : index
    %get3A_56 = arith.constant 0 : index
    %get3A_57 = vector.load %arg6[%get3A_55, %get3A_56] : memref<128x128xf32, #tpu.memory_space<vmem>>, vector<128x128xf32>
    %dot_general3A_58 = arith.constant dense<0.000000e+00> : vector<10000x128xf32>
    %dot_general3A_59 = tpu.matmul %select_n3A, %get3A_57, %dot_general3A_58 {dimension_numbers = #tpu.dot_dimension_numbers<[1], [0], [0], [1], [0, 0, 1, 1], [], []>, transpose_lhs_hint = false} : vector<10000x128xf32>, vector<128x128xf32>, vector<10000x128xf32> -> vector<10000x128xf32>
    %swap3A_60 = arith.constant 0 : index
    %swap3A_61 = arith.constant 0 : index
    %swap3A_62 = vector.load %arg9[%swap3A_60, %swap3A_61] : memref<10000x128xf32, #tpu.memory_space<vmem>>, vector<10000x128xf32>
    tpu.vector_store %arg9[%swap3A_60, %swap3A_61], %dot_general3A_59 {strides = array<i32>} : memref<10000x128xf32, #tpu.memory_space<vmem>>, vector<10000x128xf32>,
    return
  }
}

module attributes {stable_mosaic.version = 14 : i64} {
  func.func @_edge_mlp_body(%arg0: i32, %arg1: memref<2560x128xf32, #tpu.memory_space<vmem>>, %arg2: memref<2560x128xf32, #tpu.memory_space<vmem>>, %arg3: memref<4x2560xf32, #tpu.memory_space<vmem>>, %arg4: memref<4x128xf32, #tpu.memory_space<vmem>>, %arg5: memref<128x2xf32, #tpu.memory_space<vmem>>, %arg6: memref<2x1xf32, #tpu.memory_space<vmem>>, %arg7: memref<2x2560xf32, #tpu.memory_space<vmem>>) attributes {dimension_semantics = [#tpu.dimension_semantics<arbitrary>], iteration_bounds = array<i64: 61>, scalar_prefetch = 0 : i64, scratch_operands = 0 : i64, tpu.core_type = #tpu.core_type<tc>, window_params = [{transform_indices = @transform_0, window_bounds = array<i64: 2560, 128>}, {transform_indices = @transform_1, window_bounds = array<i64: 2560, 128>}, {transform_indices = @transform_2, window_bounds = array<i64: 4, 2560>}, {pipeline_mode = #tpu.pipeline_mode<synchronous>, transform_indices = @transform_3, window_bounds = array<i64: 4, 128>}, {pipeline_mode = #tpu.pipeline_mode<synchronous>, transform_indices = @transform_4, window_bounds = array<i64: 128, 2>}, {pipeline_mode = #tpu.pipeline_mode<synchronous>, transform_indices = @transform_5, window_bounds = array<i64: 2, 1>}, {transform_indices = @transform_6, window_bounds = array<i64: 2, 2560>}]} {
    %get3A = arith.constant 0 : index
    %get3A_0 = arith.constant 0 : index
    %get3A_1 = vector.load %arg3[%get3A, %get3A_0] : memref<4x2560xf32, #tpu.memory_space<vmem>>, vector<4x2560xf32>
    %get3A_2 = arith.constant 0 : index
    %get3A_3 = arith.constant 0 : index
    %get3A_4 = vector.load %arg4[%get3A_2, %get3A_3] : memref<4x128xf32, #tpu.memory_space<vmem>>, vector<4x128xf32>
    %dot_general3A = arith.constant dense<0.000000e+00> : vector<2560x128xf32>
    %dot_general3A_5 = tpu.matmul %get3A_1, %get3A_4, %dot_general3A {dimension_numbers = #tpu.dot_dimension_numbers<[0], [0], [1], [1], [0, 1, 1, 1], [], []>, transpose_lhs_hint = false} : vector<4x2560xf32>, vector<4x128xf32>, vector<2560x128xf32> -> vector<2560x128xf32>
    %get3A_6 = arith.constant 0 : index
    %get3A_7 = arith.constant 0 : index
    %get3A_8 = vector.load %arg1[%get3A_6, %get3A_7] : memref<2560x128xf32, #tpu.memory_space<vmem>>, vector<2560x128xf32>
    %get3A_9 = arith.constant 0 : index
    %get3A_10 = arith.constant 0 : index
    %get3A_11 = vector.load %arg2[%get3A_9, %get3A_10] : memref<2560x128xf32, #tpu.memory_space<vmem>>, vector<2560x128xf32>
    %add3A = arith.addf %get3A_8, %get3A_11 : vector<2560x128xf32>
    %add3A_12 = arith.addf %add3A, %dot_general3A_5 : vector<2560x128xf32>
    %max3A = arith.constant 0.000000e+00 : f32
    %max3A_13 = vector.broadcast %max3A : f32 to vector<2560x128xf32>
    %max3A_14 = arith.maximumf %add3A_12, %max3A_13 : vector<2560x128xf32>
    %get3A_15 = arith.constant 0 : index
    %get3A_16 = arith.constant 0 : index
    %get3A_17 = vector.load %arg5[%get3A_15, %get3A_16] : memref<128x2xf32, #tpu.memory_space<vmem>>, vector<128x2xf32>
    %dot_general3A_18 = arith.constant dense<0.000000e+00> : vector<2x2560xf32>
    %dot_general3A_19 = tpu.matmul %get3A_17, %max3A_14, %dot_general3A_18 {dimension_numbers = #tpu.dot_dimension_numbers<[0], [1], [1], [0], [0, 1, 1, 0], [], []>, transpose_lhs_hint = false} : vector<128x2xf32>, vector<2560x128xf32>, vector<2x2560xf32> -> vector<2x2560xf32>
    %get3A_20 = arith.constant 0 : index
    %get3A_21 = arith.constant 0 : index
    %get3A_22 = vector.load %arg6[%get3A_20, %get3A_21] : memref<2x1xf32, #tpu.memory_space<vmem>>, vector<2x1xf32>
    %add3A_23 = vector.broadcast %get3A_22 : vector<2x1xf32> to vector<2x2560xf32>
    %add3A_24 = arith.addf %dot_general3A_19, %add3A_23 : vector<2x2560xf32>
    %swap3A = arith.constant 0 : index
    %swap3A_25 = arith.constant 0 : index
    %swap3A_26 = vector.load %arg7[%swap3A, %swap3A_25] : memref<2x2560xf32, #tpu.memory_space<vmem>>, vector<2x2560xf32>
    tpu.vector_store %arg7[%swap3A, %swap3A_25], %add3A_24 {strides = array<i32>} : memref<2x2560xf32, #tpu.memory_space<vmem>>, vector<2x2560xf32>,
    return
  }
  func.func @transform_0(%arg0: i32) -> (i32, i32) {
    %c0_i32 = arith.constant 0 : i32
    %c0_i32_0 = arith.constant 0 : i32
    return %arg0, %c0_i32 : i32, i32
  }
  func.func @transform_1(%arg0: i32) -> (i32, i32) {
    %c0_i32 = arith.constant 0 : i32
    %c0_i32_0 = arith.constant 0 : i32
    return %arg0, %c0_i32 : i32, i32
  }
  func.func @transform_2(%arg0: i32) -> (i32, i32) {
    %add3A = arith.constant 64 : i32
    %add3A_0 = arith.addi %add3A, %arg0 : i32
    %c0_i32 = arith.constant 0 : i32
    %c0_i32_1 = arith.constant 0 : i32
    return %c0_i32, %add3A_0 : i32, i32
  }
  func.func @transform_3(%arg0: i32) -> (i32, i32) {
    %c0_i32 = arith.constant 0 : i32
    %c0_i32_0 = arith.constant 0 : i32
    %c0_i32_1 = arith.constant 0 : i32
    return %c0_i32, %c0_i32_0 : i32, i32
  }
  func.func @transform_4(%arg0: i32) -> (i32, i32) {
    %c0_i32 = arith.constant 0 : i32
    %c0_i32_0 = arith.constant 0 : i32
    %c0_i32_1 = arith.constant 0 : i32
    return %c0_i32, %c0_i32_0 : i32, i32
  }
  func.func @transform_5(%arg0: i32) -> (i32, i32) {
    %c0_i32 = arith.constant 0 : i32
    %c0_i32_0 = arith.constant 0 : i32
    %c0_i32_1 = arith.constant 0 : i32
    return %c0_i32, %c0_i32_0 : i32, i32
  }
  func.func @transform_6(%arg0: i32) -> (i32, i32) {
    %c0_i32 = arith.constant 0 : i32
    %c0_i32_0 = arith.constant 0 : i32
    return %c0_i32, %arg0 : i32, i32
  }
}

module attributes {stable_mosaic.version = 14 : i64} {
  func.func @_edge_mlp_body(%arg0: i32, %arg1: memref<2560x128xf32, #tpu.memory_space<vmem>>, %arg2: memref<2560x128xf32, #tpu.memory_space<vmem>>, %arg3: memref<4x2560xf32, #tpu.memory_space<vmem>>, %arg4: memref<4x128xf32, #tpu.memory_space<vmem>>, %arg5: memref<128x2xf32, #tpu.memory_space<vmem>>, %arg6: memref<2x1xf32, #tpu.memory_space<vmem>>, %arg7: memref<2x2560xf32, #tpu.memory_space<vmem>>) attributes {dimension_semantics = [#tpu.dimension_semantics<arbitrary>], iteration_bounds = array<i64: 64>, scalar_prefetch = 0 : i64, scratch_operands = 0 : i64, tpu.core_type = #tpu.core_type<tc>, window_params = [{transform_indices = @transform_0, window_bounds = array<i64: 2560, 128>}, {transform_indices = @transform_1, window_bounds = array<i64: 2560, 128>}, {transform_indices = @transform_2, window_bounds = array<i64: 4, 2560>}, {pipeline_mode = #tpu.pipeline_mode<synchronous>, transform_indices = @transform_3, window_bounds = array<i64: 4, 128>}, {pipeline_mode = #tpu.pipeline_mode<synchronous>, transform_indices = @transform_4, window_bounds = array<i64: 128, 2>}, {pipeline_mode = #tpu.pipeline_mode<synchronous>, transform_indices = @transform_5, window_bounds = array<i64: 2, 1>}, {transform_indices = @transform_6, window_bounds = array<i64: 2, 2560>}]} {
    %get3A = arith.constant 0 : index
    %get3A_0 = arith.constant 0 : index
    %get3A_1 = vector.load %arg3[%get3A, %get3A_0] : memref<4x2560xf32, #tpu.memory_space<vmem>>, vector<4x2560xf32>
    %get3A_2 = arith.constant 0 : index
    %get3A_3 = arith.constant 0 : index
    %get3A_4 = vector.load %arg4[%get3A_2, %get3A_3] : memref<4x128xf32, #tpu.memory_space<vmem>>, vector<4x128xf32>
    %dot_general3A = arith.constant dense<0.000000e+00> : vector<2560x128xf32>
    %dot_general3A_5 = tpu.matmul %get3A_1, %get3A_4, %dot_general3A {dimension_numbers = #tpu.dot_dimension_numbers<[0], [0], [1], [1], [0, 1, 1, 1], [], []>, transpose_lhs_hint = false} : vector<4x2560xf32>, vector<4x128xf32>, vector<2560x128xf32> -> vector<2560x128xf32>
    %get3A_6 = arith.constant 0 : index
    %get3A_7 = arith.constant 0 : index
    %get3A_8 = vector.load %arg1[%get3A_6, %get3A_7] : memref<2560x128xf32, #tpu.memory_space<vmem>>, vector<2560x128xf32>
    %get3A_9 = arith.constant 0 : index
    %get3A_10 = arith.constant 0 : index
    %get3A_11 = vector.load %arg2[%get3A_9, %get3A_10] : memref<2560x128xf32, #tpu.memory_space<vmem>>, vector<2560x128xf32>
    %add3A = arith.addf %get3A_8, %get3A_11 : vector<2560x128xf32>
    %add3A_12 = arith.addf %add3A, %dot_general3A_5 : vector<2560x128xf32>
    %max3A = arith.constant 0.000000e+00 : f32
    %max3A_13 = vector.broadcast %max3A : f32 to vector<2560x128xf32>
    %max3A_14 = arith.maximumf %add3A_12, %max3A_13 : vector<2560x128xf32>
    %get3A_15 = arith.constant 0 : index
    %get3A_16 = arith.constant 0 : index
    %get3A_17 = vector.load %arg5[%get3A_15, %get3A_16] : memref<128x2xf32, #tpu.memory_space<vmem>>, vector<128x2xf32>
    %dot_general3A_18 = arith.constant dense<0.000000e+00> : vector<2x2560xf32>
    %dot_general3A_19 = tpu.matmul %get3A_17, %max3A_14, %dot_general3A_18 {dimension_numbers = #tpu.dot_dimension_numbers<[0], [1], [1], [0], [0, 1, 1, 0], [], []>, transpose_lhs_hint = false} : vector<128x2xf32>, vector<2560x128xf32>, vector<2x2560xf32> -> vector<2x2560xf32>
    %get3A_20 = arith.constant 0 : index
    %get3A_21 = arith.constant 0 : index
    %get3A_22 = vector.load %arg6[%get3A_20, %get3A_21] : memref<2x1xf32, #tpu.memory_space<vmem>>, vector<2x1xf32>
    %add3A_23 = vector.broadcast %get3A_22 : vector<2x1xf32> to vector<2x2560xf32>
    %add3A_24 = arith.addf %dot_general3A_19, %add3A_23 : vector<2x2560xf32>
    %swap3A = arith.constant 0 : index
    %swap3A_25 = arith.constant 0 : index
    %swap3A_26 = vector.load %arg7[%swap3A, %swap3A_25] : memref<2x2560xf32, #tpu.memory_space<vmem>>, vector<2x2560xf32>
    tpu.vector_store %arg7[%swap3A, %swap3A_25], %add3A_24 {strides = array<i32>} : memref<2x2560xf32, #tpu.memory_space<vmem>>, vector<2x2560xf32>,
    return
  }
  func.func @transform_0(%arg0: i32) -> (i32, i32) {
    %c0_i32 = arith.constant 0 : i32
    %c0_i32_0 = arith.constant 0 : i32
    return %arg0, %c0_i32 : i32, i32
  }
  func.func @transform_1(%arg0: i32) -> (i32, i32) {
    %c0_i32 = arith.constant 0 : i32
    %c0_i32_0 = arith.constant 0 : i32
    return %arg0, %c0_i32 : i32, i32
  }
  func.func @transform_2(%arg0: i32) -> (i32, i32) {
    %add3A = arith.constant 0 : i32
    %add3A_0 = arith.addi %add3A, %arg0 : i32
    %c0_i32 = arith.constant 0 : i32
    %c0_i32_1 = arith.constant 0 : i32
    return %c0_i32, %add3A_0 : i32, i32
  }
  func.func @transform_3(%arg0: i32) -> (i32, i32) {
    %c0_i32 = arith.constant 0 : i32
    %c0_i32_0 = arith.constant 0 : i32
    %c0_i32_1 = arith.constant 0 : i32
    return %c0_i32, %c0_i32_0 : i32, i32
  }
  func.func @transform_4(%arg0: i32) -> (i32, i32) {
    %c0_i32 = arith.constant 0 : i32
    %c0_i32_0 = arith.constant 0 : i32
    %c0_i32_1 = arith.constant 0 : i32
    return %c0_i32, %c0_i32_0 : i32, i32
  }
  func.func @transform_5(%arg0: i32) -> (i32, i32) {
    %c0_i32 = arith.constant 0 : i32
    %c0_i32_0 = arith.constant 0 : i32
    %c0_i32_1 = arith.constant 0 : i32
    return %c0_i32, %c0_i32_0 : i32, i32
  }
  func.func @transform_6(%arg0: i32) -> (i32, i32) {
    %c0_i32 = arith.constant 0 : i32
    %c0_i32_0 = arith.constant 0 : i32
    return %c0_i32, %arg0 : i32, i32
  }
}

</mosaic_0001>

<sc_bundles>
// kernel: kernel.14.cloned.1.call-start
scs
__scs_entry_jumppad:
0x0: {  	(pc) =	sbr.rel $0x88, $3  }
0x1: {  	(tag) =	ssettag $0x0;
	lr =	simm.s32 $0x1  }
0x2: {  	[smem:$0x3F91] =	sst lr;
	_ =	strace $0xD0000000  }
0x3: {  	_ = 	snop  }
0x4: {  	_ = 	snop  }
0x5: {  	_ = 	snop  }
0x6: {  	_ = 	snop  }
0x7: {  	_ = 	snop  }
__scs_overlays_trampoline_lowered:
0x8: {  	[smem:$0x3FA0] =	sst s0  }
0x9: {  	[smem:$0x3FA1] =	sst s1  }
0xa: {  	[smem:$0x3FA2] =	sst s2  }
0xb: {  	[smem:$0x3FA3] =	sst s3  }
0xc: {  	[smem:$0x3FA4] =	sst s4  }
0xd: {  	[smem:$0x3FA5] =	sst s5  }
0xe: {  	[smem:$0x3FA6] =	sst s6  }
0xf: {  	[smem:$0x3FA7] =	sst s7  }
0x10: {  	[smem:$0x3FA8] =	sst s8  }
0x11: {  	[smem:$0x3FA9] =	sst s9;
	s0 =	simm.s32 @!p0 $0x0  }
0x12: {  	s1 =	sld [smem:$0x3F8F];
	s0 =	simm.s32 @p0 $0x1  }
0x13: {  	[smem:$0x3FAA] =	sst s0;
	s0 =	simm.s32 @!p1 $0x0  }
0x14: {  	s2 =	sld [smem:$0x3F8E];
	s0 =	simm.s32 @p1 $0x1  }
0x15: {  	[smem:$0x3FAB] =	sst s0;
	s0 =	simm.s32 @!p2 $0x0  }
0x16: {  	s3 =	sld [smem:$0x3FDB];
	s0 =	simm.s32 @p2 $0x1  }
0x17: {  	s4 =	simm.s32 $0x1BF5;
	[smem:$0x3FAD] =	sst s0  }
0x18: {  	s0 =	sld [smem:$0x3F90];
	_ =	swait.ge [sflag:s4], $0x0  }
0x19: {  	s7 =	sld [smem:$0x3F91]  }
0x1a: {  	s8 =	sadd.s32 $0xFFFFE003, lr  }
0x1b: {  	s9 =	sadd.s32 $0xFFFFFEF7, lr;
	s5 =	simm.s32 $0xFFFFFFFF;
	p2 =	slt.u32 s8, $0xFFFFF086  }
0x1c: {  	p1 =	slt.u32 s9, $0xF7A;
	s5 =	simm.s32 @!p2 $0x0  }
0x1d: {  	s5 =	simm.s32 @p1 $0x1;
	p0 =	seq.s32 s7, s2  }
0x1e: {  	s7 =	smul.u32 @!p0 $0xF7A, s2;
	p2 =	seq.s32 @!p0 s5, $0x0  }
0x1f: {  	s9 =	smul.u32 $0xF7A, s1;
	s8 =	simm.s32 @!p0 $0x1BF5;
	p2 =	por !p2, p0  }
0x20: {  	[sflag:s8] =	ssyncset.s32 @!p0 $0xFFFFF086;
	s6 =	sadd.s32 @!p0 s3, s7;
	s7 =	simm.s32 @!p0 $0x108  }
0x21: {  	s3 =	sadd.s32 s3, s9;
	s6 =	sadd.s32 @!p0 $0x88, s6;
	s7 =	simm.s32 @p2 $0x1082  }
0x22: {  	[simem:s7], [sflag:s8] =	dma.local @!p0 [hbm:s6], $0xF7A  }
0x23: {  	s9 =	sor.u32 $0xD0000000, s2;
	s6 =	simm.s32 $0x108;
	_ =	swait.ge @!p0 [sflag:s8], $0x0  }
0x24: {  	s3 =	sadd.s32 $0x88, s3;
	s6 =	simm.s32 @!p1 $0x1082;
	[sflag:s4] =	ssyncset.s32 $0xFFFFF086  }
0x25: {  	[simem:s6], [sflag:s4] =	dma.local [hbm:s3], $0xF7A  }
0x26: {  	[smem:$0x3F91] =	sst s1;
	(tag) =	ssettag s2;
	_ =	strace s9  }
0x27: {  	s1 =	sld [smem:$0x3FA1]  }
0x28: {  	s2 =	sld [smem:$0x3FA2]  }
0x29: {  	s4 =	sld [smem:$0x3FA4]  }
0x2a: {  	p0 =	seq.s32 s5, $0x0;
	s5 =	sld [smem:$0x3FA5]  }
0x2b: {  	s6 =	sld [smem:$0x3FA6]  }
0x2c: {  	s7 =	sld [smem:$0x3FA7]  }
0x2d: {  	s3 =	simm.s32 $0x108;
	s8 =	sld [smem:$0x3FA8]  }
0x2e: {  	s3 =	simm.s32 @!p0 $0x1082;
	s9 =	sld [smem:$0x3FA9]  }
0x2f: {  	lr =	sadd.s32 s0, s3;
	s0 =	sld [smem:$0x3FA0]  }
0x30: {  	s3 =	sld [smem:$0x3FA3]  }
0x31: {  	[smem:$0x3FAC] =	sst s10  }
0x32: {  	s10 =	sld [smem:$0x3FAA];
	_ =	sdelay $0x3  }
0x33: {  	p0 =	seq.s32 s10, $0x1;
	s10 =	sld [smem:$0x3FAC];
	_ =	sdelay $0x3  }
0x34: {  	[smem:$0x3FAC] =	sst s10  }
0x35: {  	s10 =	sld [smem:$0x3FAB];
	_ =	sdelay $0x3  }
0x36: {  	p1 =	seq.s32 s10, $0x1;
	s10 =	sld [smem:$0x3FAC];
	_ =	sdelay $0x3  }
0x37: {  	[smem:$0x3FAC] =	sst s10  }
0x38: {  	s10 =	sld [smem:$0x3FAD]  }
0x39: {  	_ = 	snop;
	(pc) =	sbr.ind lr, $3  }
0x3a: {  	_ = 	snop  }
0x3b: {  	_ = 	snop  }
0x3c: {  	p2 =	seq.s32 s10, $0x1;
	s10 =	sld [smem:$0x3FAC]  }
0x3d: {  	_ =	shalt  }
0x3e: {  	_ =	shalt  }
0x3f: {  	_ =	shalt  }
0x40: {  	_ =	shalt  }
0x41: {  	_ =	shalt  }
0x42: {  	_ =	shalt  }
0x43: {  	_ =	shalt  }
0x44: {  	_ =	shalt  }
0x45: {  	_ =	shalt  }
0x46: {  	_ =	shalt  }
0x47: {  	_ =	shalt  }
0x48: {  	_ =	shalt  }
0x49: {  	_ =	shalt  }
0x4a: {  	_ =	shalt  }
0x4b: {  	_ =	shalt  }
0x4c: {  	_ =	shalt  }
0x4d: {  	_ =	shalt  }
0x4e: {  	_ =	shalt  }
0x4f: {  	_ =	shalt  }
0x50: {  	_ =	shalt  }
0x51: {  	_ =	shalt  }
0x52: {  	_ =	shalt  }
0x53: {  	_ =	shalt  }
0x54: {  	_ =	shalt  }
0x55: {  	_ =	shalt  }
0x56: {  	_ =	shalt  }
0x57: {  	_ =	shalt  }
0x58: {  	_ =	shalt  }
0x59: {  	_ =	shalt  }
0x5a: {  	_ =	shalt  }
0x5b: {  	_ =	shalt  }
0x5c: {  	_ =	shalt  }
0x5d: {  	_ =	shalt  }
0x5e: {  	_ =	shalt  }
0x5f: {  	_ =	shalt  }
0x60: {  	_ =	shalt  }
0x61: {  	_ =	shalt  }
0x62: {  	_ =	shalt  }
0x63: {  	_ =	shalt  }
0x64: {  	_ =	shalt  }
0x65: {  	_ =	shalt  }
0x66: {  	_ =	shalt  }
0x67: {  	_ =	shalt  }
0x68: {  	_ =	shalt  }
0x69: {  	_ =	shalt  }
0x6a: {  	_ =	shalt  }
0x6b: {  	_ =	shalt  }
0x6c: {  	_ =	shalt  }
0x6d: {  	_ =	shalt  }
0x6e: {  	_ =	shalt  }
0x6f: {  	_ =	shalt  }
0x70: {  	_ =	shalt  }
0x71: {  	_ =	shalt  }
0x72: {  	_ =	shalt  }
0x73: {  	_ =	shalt  }
0x74: {  	_ =	shalt  }
0x75: {  	_ =	shalt  }
0x76: {  	_ =	shalt  }
0x77: {  	_ =	shalt  }
0x78: {  	_ =	shalt  }
0x79: {  	_ =	shalt  }
0x7a: {  	_ =	shalt  }
0x7b: {  	_ =	shalt  }
0x7c: {  	_ =	shalt  }
0x7d: {  	_ =	shalt  }
0x7e: {  	_ =	shalt  }
0x7f: {  	_ =	shalt  }
0x80: {  	_ =	shalt  }
0x81: {  	_ =	shalt  }
0x82: {  	_ =	shalt  }
0x83: {  	_ =	shalt  }
0x84: {  	_ =	shalt  }
0x85: {  	_ =	shalt  }
0x86: {  	_ =	shalt  }
0x87: {  	_ =	shalt  }
.Lfunc_end0:
.L_simem_size_0:
called_computation_lowered:
.L_overlay_start_0:
0x88: {  	s2 =	sld [smem:$0x3FD9]  }
0x89: {  	s3 =	sld [smem:$0x3FFE];
	_ =	sdelay $0x1  }
0x8a: {  	s1 =	srdreg.scid  }
0x8b: {  	s0 =	sand.u32 $0x1, s1  }
0x8c: {  	s16 =	sshll.u32 s0, $0xA;
	s2 =	sadd.s32 s3, s2  }
0x8d: {  	s2 =	sadd.s32 s2, s16  }
0x8e: {  	[smem:$0x3FB8] =	sst s2  }
0x8f: {  	_ = 	snop  }
0x90: {  	(tm) =	ssettm $0x1  }
0x91: {  	s17 =	sld [smem:$0x3FFB];
	_ =	sdelay $0x3  }
0x92: {  	_ =	strace s17  }
0x93: {  	s2 =	sld [smem:$0x3FFC];
	_ =	sdelay $0x3  }
0x94: {  	_ =	strace s2  }
0x95: {  	s2 =	sld [smem:$0x3FFD];
	_ =	sdelay $0x3  }
0x96: {  	_ =	strace s2  }
0x97: {  	_ =	strace $0x8FFFFFFF  }
0x98: {  	s18 =	sld [smem:$0x3FDB];
	_ =	sdelay $0x1  }
0x99: {  	s19 =	simm.s32 $_scs_section_size  }
0x9a: {  	s4 =	simm.s32 $_size__tile_overlayer_lowered;
	s5 =	simm.s32 $_tile_overlayer_lowered  }
0x9b: {  	s22 =	simm.s32 $0x1BFF;
	s21 =	sshll.u32 s5, $0x1;
	s2 =	sadd.s32 s19, s18  }
0x9c: {  	s6 =	simm.s32 $0x0;
	s20 =	sshll.u32 s4, $0x1;
	s4 =	sadd.s32 s21, s2  }
0x9d: {  	[timem:s6], [sflag:s22] =	dma.local [hbm:s4], s20  }
0x9e: {  	_ =	swait.ge [sflag:s22], s20  }
0x9f: {  	s3 =	ssub.s32 $0x0, s20;
	[sflag:s22] =	ssyncset.done $0x0  }
0xa0: {  	[sflag:s22] =	ssyncadd.s32 s3;
	_ =	sdelay $0x1  }
0xa1: {  	s23 =	simm.s32 $0x1B8B  }
0xa2: {  	_ =	swait.ge [sflag:s23], $0x1  }
0xa3: {  	[sflag:s23] =	ssyncset.done $0x0  }
0xa4: {  	s25 =	simm.s32 $0x1B8E;
	s24 =	sld [smem:$0x3FFE];
	[sflag:s23] =	ssyncadd.s32 $0xFFFFFFFF  }
0xa5: {  	s26 =	simm.s32 $execute0_lowered;
	[smem:$0x3FD2] =	sst s25  }
0xa6: {  	s4 =	sshll.u32 s26, $0x1;
	_ =	strace $0x80000046;
	[dreg:$0x1] =	wrdreg $0xFFFFFFFF  }
0xa7: {  	s28 =	simm.s32 $_size_execute0_lowered;
	s2 =	sadd.s32 s2, s4;
	[dreg:$0x0] =	wrdreg $0x0  }
0xa8: {  	s4 =	sshll.u32 s28, $0x1;
	[dreg:$0x2] =	wrdreg s2  }
0xa9: {  	[dreg:$0x3] =	wrdreg s4  }
0xaa: {  	[dreg:$0x4] =	wrdreg $0xC0  }
0xab: {  	_ =	task [dreg:s6], $0x5FFFF  }
0xac: {  	[dreg:$0x1] =	wrdreg $0xFFFFFFFF  }
0xad: {  	[dreg:$0x0] =	wrdreg $0x60  }
0xae: {  	[dreg:$0x2] =	wrdreg s24  }
0xaf: {  	[dreg:$0x3] =	wrdreg $0x68000  }
0xb0: {  	[dreg:$0x4] =	wrdreg $0x9  }
0xb1: {  	_ =	task.clear_ibuf [dreg:s6], $0x5FFFF;
	_ =	strace $0x90000046  }
0xb2: {  	s29 =	simm.s32 $0x9;
	_ =	strace $0x80000048  }
0xb3: {  	_ =	swait.ge [sflag:s29], $0x1  }
0xb4: {  	[sflag:s29] =	ssyncadd.s32 $0xFFFFFFFF  }
0xb5: {  	_ =	strace $0x90000048  }
0xb6: {  	_ =	sfence  }
0xb7: {  	s30 =	sld [smem:$0x0];
	_ =	sdelay $0x2  }
0xb8: {  	s31 =	sshll.u32 s1, $0xD;
	s1 =	sshrl.u32 s1, $0x2  }
0xb9: {  	s3 =	sand.u32 $0x4000, s31;
	s1 =	sadd.s32 s1, s30  }
0xba: {  	s0 =	sor.u32 s3, s0;
	s1 =	sshll.u32 s1, $0x11  }
0xbb: {  	s0 =	sor.u32 s1, s0  }
0xbc: {  	s0 =	sadd.s32 $0x8F2B, s0  }
0xbd: {  	[sflag:s0] =	ssyncadd.remote.s32 $0x1  }
0xbe: {  	_ =	sfence.sel $0xFFFF  }
0xbf: {  	[dreg:$0x0] =	wrdreg $0xFFFFFFFF;
	(pc) =	sbr.abs _section_cstart, $3  }
0xc0: {  	[dreg:$0x1] =	wrdreg $0xFFFFFFFF  }
0xc1: {  	_ =	task.clear_ibuf [dreg:s6], $0x2FFFF;
	_ =	strace $0x9FFFFFFF  }
0xc2: {  	(tm) =	ssettm $0x7FFFFFFF  }
0xc3: {  	_ =	shalt  }
tec
execute0_lowered:
.L_overlay_start_1:
0x0: {  	(tag) =	ssettag $0x1  }
0x1: {  	s7 =	rddreg [dreg:$0x0]  }
0x2: {  	s0 =	srdreg.scid;
	s2 =	rddreg [dreg:$0x1]  }
0x3: {  	s3 =	simm.s32 $0x0;
	s16 =	simm.s32 $0x80;
	s17 =	simm.s32 $0x0  }
0x4: {  	s5 =	sand.u32 $0x1, s0;
	s0 =	stileid.u32;
	[smem:$0x7FF] =	sst s3  }
0x5: {  	s12 =	sadd.s32 $0x41000, s7;
	s15 =	sadd.s32 $0x138000, s2;
	s8 =	smul.u32 $0x13800, s0  }
0x6: {  	s1 =	sshll.u32 s5, $0x4;
	s10 =	ssub.s32 $0x2, s5;
	s11 =	smul.u32 $0x4E000, s0  }
0x7: {  	s28 =	smul.u32 $0x138C00, s5;
	s29 =	sshll.u32 s0, $0x6;
	p0 =	sne.s32 s0, $0xF  }
0x8: {  	s4 =	sor.u32 s0, s1;
	s1 =	rddreg [dreg:$0x2];
	_ =	strace $0x80000047  }
0x9: {  	s13 =	sshrl.u32 s10, $0x1;
	s6 =	smul.u32 $0x500, s4;
	s4 =	sadd.s32 $0x19600, s7  }
0xa: {  	s25 =	sshrl.u32 s8, $0x3;
	s13 =	ssub.s32 s10, s13;
	s26 =	sshrl.u32 s11, $0x2  }
0xb: {  	s8 =	sadd.s32 s8, s28;
	s11 =	sshrl.u32 s28, $0x3;
	s14 =	sadd.s32 s26, s2  }
0xc: {  	s30 =	sshrl.u32 s8, $0x3;
	s31 =	sadd.s32 s12, s11;
	s11 =	smax.u32 s13, $0x1  }
0xd: {  	s13 =	simm.s32 $0x1;
	s9 =	sadd.s32 s6, s7;
	s6 =	sadd.s32 s25, s7  }
0xe: {  	s7 =	sadd.s32 $0x40E00, s7;
	s10 =	sadd.s32 $0x27000, s31;
	s5 =	sadd.s32 $0x19E00, s6  }
0xf: {  	s6 =	sor.u32 $0x1C01, s29;
	s8 =	sadd.s32 $0x5600, s9;
	s9 =	sadd.s32 s12, s30  }
0x10: {  	s12 =	sshrl.u32 s14, $0x3;
	s14 =	sshrl.u32 @!p0 s15, $0x3;
	s15 =	simm.s32 $0x2800  }
.LBB2_1:
0x11: {  	[spmem:s12], [sflag:s6] =	dma.local [hbm:s5], $0x2700  }
0x12: {  	_ =	swait.ge [sflag:s13], $0x2700  }
0x13: {  	[sflag:s13] =	ssyncset.done $0x0  }
0x14: {  	s18 =	simm.s32 @!p0 $0x1;
	[sflag:s13] =	ssyncadd.s32 $0xFFFFD900  }
0x15: {  	[spmem:s14], [sflag:s6] =	dma.local @!p0 [hbm:s7], $0x180  }
0x16: {  	_ =	swait.ge @!p0 [sflag:s18], $0x180  }
0x17: {  	[sflag:s18] =	ssyncset.done @!p0 $0x0  }
0x18: {  	[sflag:s18] =	ssyncadd.s32 @!p0 $0xFFFFFE80  }
0x19: {  	[tilespmem:s15], [sflag:$0x1] =	stream.linear.gather [hbm4b:s4+s3], $0x4000, $0x38;
	[tilespmem:$0x1A0C0] =	vst v63  }
0x1a: {  	_ =	swait.ge [sflag:s13], $0x4000  }
0x1b: {  	[sflag:s13] =	ssyncset.done $0x0  }
0x1c: {  	[sflag:s13] =	ssyncadd.s32 $0xFFFFC000  }
0x1d: {  	[tilespmem:s3], [sflag:$0x1] =	stream.linear.gather [hbm4b:s8+s3], $0x2800, $0x38;
	[tilespmem:$0x1A0C0] =	vst v63  }
0x1e: {  	_ =	swait.ge [sflag:s13], $0x2800  }
0x1f: {  	[sflag:s13] =	ssyncset.done $0x0  }
0x20: {  	[sflag:s13] =	ssyncadd.s32 $0xFFFFD800  }
0x21: {  	s31 =	simm.s32 $0x0;
	[bflag:$0x0] =	sbarrier.arrive $0xFFFF  }
0x22: {  	[spmem:s2] =	stream.indirect.scatter.add.f32 [tilespmem:s15], [sflag:$0x1], $0x80, s31, s16, $0xb8;
	[tilespmem:$0x1A0C0] =	vst v63  }
0x23: {  	_ =	swait.ge [sflag:s13], $0x4000  }
0x24: {  	s18 =	simm.s32 $0x200;
	[sflag:s13] =	ssyncset.done $0x0  }
.LBB2_2:
0x25: {  	s19 =	sshra.s32 s18, $0x2;
	[sflag:s13] =	ssyncadd.s32 $0xFFFFC000;
	p1 =	sne.s32 s18, $0x9E00  }
0x26: {  	[spmem:s2] =	stream.indirect.scatter.add.f32 [tilespmem:s15], [sflag:$0x1], $0x80, s19, s16, $0xb8;
	[tilespmem:$0x1A0C0] =	vst v63  }
.Ltmp0:
0x27: {  	_ = 	snop;
	(pc) =	sbr.rel @p1 .LBB2_2-.Ltmp0, $4  }
0x28: {  	_ = 	snop  }
0x29: {  	s18 =	sadd.s32 $0x200, s18  }
0x2a: {  	_ =	swait.ge [sflag:s13], $0x4000  }
0x2b: {  	[sflag:s13] =	ssyncset.done $0x0  }
0x2c: {  	[sflag:s13] =	ssyncadd.s32 $0xFFFFC000  }
0x2d: {  	[bflag:$0x0] =	sbarrier.arrive $0xFFFF  }
0x2e: {  	[hbm:s9], [sflag:s6] =	dma.local [spmem:s12], $0x2700  }
0x2f: {  	s17 =	sadd.s32 $0x1, s17;
	_ =	swait.ge [sflag:s13], $0x2700  }
0x30: {  	p1 =	sne.s32 s17, s11;
	[sflag:s13] =	ssyncset.done $0x0  }
.Ltmp1:
0x31: {  	s18 =	simm.s32 @!p0 $0x1;
	[sflag:s13] =	ssyncadd.s32 $0xFFFFD900;
	(pc) =	sbr.rel @p1 .LBB2_1-.Ltmp1, $4  }
0x32: {  	[hbm:s10], [sflag:s6] =	dma.local @!p0 [spmem:s14], $0x180  }
0x33: {  	_ =	swait.ge @!p0 [sflag:s18], $0x180  }
0x34: {  	[sflag:s18] =	ssyncset.done @!p0 $0x0  }
0x35: {  	[sflag:s18] =	ssyncadd.s32 @!p0 $0xFFFFFE80  }
0x36: {  	_ =	sfence.sel $0x180000  }
0x37: {  	[bflag:$0x0] =	sbarrier.arrive $0xFFFF  }
0x38: {  	p0 =	sne.s32 s0, $0x0;
	_ =	strace $0x90000047  }
0x39: {  	s0 =	sadd.s32 @!p0 $0x100000, s1;
	[bflag:$0x2] =	sbarrier.arrive $0xFFFF  }
0x3a: {  	[sflag:s0] =	ssyncadd.tile.s32 @!p0 $0x1;
	_ =	shalt  }
.Lfunc_end2:
_tile_overlayer_lowered:
.L_overlay_start_2:
0x3b: {  	(tag) =	ssettag $0x2  }
0x3c: {  	s0 =	rddreg [dreg:$0x0];
	s2 =	stileid.u32  }
0x3d: {  	s1 =	rddreg [dreg:$0x1];
	p0 =	sne.s32 s2, $0x0  }
0x3e: {  	s3 =	rddreg [dreg:$0x2];
	[bflag:$0x3] =	sbarrier.arrive $0xFFFF;
	s2 =	simm.s32 @!p0 $0x1C01  }
0x3f: {  	[timem:s3], [sflag:s2] =	dma.local @!p0 [hbm:s0], s1  }
0x40: {  	s0 =	simm.s32 @!p0 $0x1  }
0x41: {  	_ =	swait.ge @!p0 [sflag:s0], s1  }
0x42: {  	s1 =	ssub.s32 @!p0 $0x0, s1;
	[sflag:s0] =	ssyncset.done @!p0 $0x0  }
0x43: {  	[sflag:s0] =	ssyncadd.s32 @!p0 s1  }
0x44: {  	[bflag:$0x3] =	sbarrier.arrive $0xFFFF  }
0x45: {  	_ =	shalt  }

// kernel: kernel.17.cloned.1.call-start
scs
__scs_entry_jumppad:
0x0: {  	(pc) =	sbr.rel $0x88, $3  }
0x1: {  	(tag) =	ssettag $0x0;
	lr =	simm.s32 $0x1  }
0x2: {  	[smem:$0x3F91] =	sst lr;
	_ =	strace $0xD0000000  }
0x3: {  	_ = 	snop  }
0x4: {  	_ = 	snop  }
0x5: {  	_ = 	snop  }
0x6: {  	_ = 	snop  }
0x7: {  	_ = 	snop  }
__scs_overlays_trampoline_lowered:
0x8: {  	[smem:$0x3FA0] =	sst s0  }
0x9: {  	[smem:$0x3FA1] =	sst s1  }
0xa: {  	[smem:$0x3FA2] =	sst s2  }
0xb: {  	[smem:$0x3FA3] =	sst s3  }
0xc: {  	[smem:$0x3FA4] =	sst s4  }
0xd: {  	[smem:$0x3FA5] =	sst s5  }
0xe: {  	[smem:$0x3FA6] =	sst s6  }
0xf: {  	[smem:$0x3FA7] =	sst s7  }
0x10: {  	[smem:$0x3FA8] =	sst s8  }
0x11: {  	[smem:$0x3FA9] =	sst s9;
	s0 =	simm.s32 @!p0 $0x0  }
0x12: {  	s1 =	sld [smem:$0x3F8F];
	s0 =	simm.s32 @p0 $0x1  }
0x13: {  	[smem:$0x3FAA] =	sst s0;
	s0 =	simm.s32 @!p1 $0x0  }
0x14: {  	s2 =	sld [smem:$0x3F8E];
	s0 =	simm.s32 @p1 $0x1  }
0x15: {  	[smem:$0x3FAB] =	sst s0;
	s0 =	simm.s32 @!p2 $0x0  }
0x16: {  	s3 =	sld [smem:$0x3FDB];
	s0 =	simm.s32 @p2 $0x1  }
0x17: {  	s4 =	simm.s32 $0x1BF5;
	[smem:$0x3FAD] =	sst s0  }
0x18: {  	s0 =	sld [smem:$0x3F90];
	_ =	swait.ge [sflag:s4], $0x0  }
0x19: {  	s7 =	sld [smem:$0x3F91]  }
0x1a: {  	s8 =	sadd.s32 $0xFFFFE003, lr  }
0x1b: {  	s9 =	sadd.s32 $0xFFFFFEF7, lr;
	s5 =	simm.s32 $0xFFFFFFFF;
	p2 =	slt.u32 s8, $0xFFFFF086  }
0x1c: {  	p1 =	slt.u32 s9, $0xF7A;
	s5 =	simm.s32 @!p2 $0x0  }
0x1d: {  	s5 =	simm.s32 @p1 $0x1;
	p0 =	seq.s32 s7, s2  }
0x1e: {  	s7 =	smul.u32 @!p0 $0xF7A, s2;
	p2 =	seq.s32 @!p0 s5, $0x0  }
0x1f: {  	s9 =	smul.u32 $0xF7A, s1;
	s8 =	simm.s32 @!p0 $0x1BF5;
	p2 =	por !p2, p0  }
0x20: {  	[sflag:s8] =	ssyncset.s32 @!p0 $0xFFFFF086;
	s6 =	sadd.s32 @!p0 s3, s7;
	s7 =	simm.s32 @!p0 $0x108  }
0x21: {  	s3 =	sadd.s32 s3, s9;
	s6 =	sadd.s32 @!p0 $0x88, s6;
	s7 =	simm.s32 @p2 $0x1082  }
0x22: {  	[simem:s7], [sflag:s8] =	dma.local @!p0 [hbm:s6], $0xF7A  }
0x23: {  	s9 =	sor.u32 $0xD0000000, s2;
	s6 =	simm.s32 $0x108;
	_ =	swait.ge @!p0 [sflag:s8], $0x0  }
0x24: {  	s3 =	sadd.s32 $0x88, s3;
	s6 =	simm.s32 @!p1 $0x1082;
	[sflag:s4] =	ssyncset.s32 $0xFFFFF086  }
0x25: {  	[simem:s6], [sflag:s4] =	dma.local [hbm:s3], $0xF7A  }
0x26: {  	[smem:$0x3F91] =	sst s1;
	(tag) =	ssettag s2;
	_ =	strace s9  }
0x27: {  	s1 =	sld [smem:$0x3FA1]  }
0x28: {  	s2 =	sld [smem:$0x3FA2]  }
0x29: {  	s4 =	sld [smem:$0x3FA4]  }
0x2a: {  	p0 =	seq.s32 s5, $0x0;
	s5 =	sld [smem:$0x3FA5]  }
0x2b: {  	s6 =	sld [smem:$0x3FA6]  }
0x2c: {  	s7 =	sld [smem:$0x3FA7]  }
0x2d: {  	s3 =	simm.s32 $0x108;
	s8 =	sld [smem:$0x3FA8]  }
0x2e: {  	s3 =	simm.s32 @!p0 $0x1082;
	s9 =	sld [smem:$0x3FA9]  }
0x2f: {  	lr =	sadd.s32 s0, s3;
	s0 =	sld [smem:$0x3FA0]  }
0x30: {  	s3 =	sld [smem:$0x3FA3]  }
0x31: {  	[smem:$0x3FAC] =	sst s10  }
0x32: {  	s10 =	sld [smem:$0x3FAA];
	_ =	sdelay $0x3  }
0x33: {  	p0 =	seq.s32 s10, $0x1;
	s10 =	sld [smem:$0x3FAC];
	_ =	sdelay $0x3  }
0x34: {  	[smem:$0x3FAC] =	sst s10  }
0x35: {  	s10 =	sld [smem:$0x3FAB];
	_ =	sdelay $0x3  }
0x36: {  	p1 =	seq.s32 s10, $0x1;
	s10 =	sld [smem:$0x3FAC];
	_ =	sdelay $0x3  }
0x37: {  	[smem:$0x3FAC] =	sst s10  }
0x38: {  	s10 =	sld [smem:$0x3FAD]  }
0x39: {  	_ = 	snop;
	(pc) =	sbr.ind lr, $3  }
0x3a: {  	_ = 	snop  }
0x3b: {  	_ = 	snop  }
0x3c: {  	p2 =	seq.s32 s10, $0x1;
	s10 =	sld [smem:$0x3FAC]  }
0x3d: {  	_ =	shalt  }
0x3e: {  	_ =	shalt  }
0x3f: {  	_ =	shalt  }
0x40: {  	_ =	shalt  }
0x41: {  	_ =	shalt  }
0x42: {  	_ =	shalt  }
0x43: {  	_ =	shalt  }
0x44: {  	_ =	shalt  }
0x45: {  	_ =	shalt  }
0x46: {  	_ =	shalt  }
0x47: {  	_ =	shalt  }
0x48: {  	_ =	shalt  }
0x49: {  	_ =	shalt  }
0x4a: {  	_ =	shalt  }
0x4b: {  	_ =	shalt  }
0x4c: {  	_ =	shalt  }
0x4d: {  	_ =	shalt  }
0x4e: {  	_ =	shalt  }
0x4f: {  	_ =	shalt  }
0x50: {  	_ =	shalt  }
0x51: {  	_ =	shalt  }
0x52: {  	_ =	shalt  }
0x53: {  	_ =	shalt  }
0x54: {  	_ =	shalt  }
0x55: {  	_ =	shalt  }
0x56: {  	_ =	shalt  }
0x57: {  	_ =	shalt  }
0x58: {  	_ =	shalt  }
0x59: {  	_ =	shalt  }
0x5a: {  	_ =	shalt  }
0x5b: {  	_ =	shalt  }
0x5c: {  	_ =	shalt  }
0x5d: {  	_ =	shalt  }
0x5e: {  	_ =	shalt  }
0x5f: {  	_ =	shalt  }
0x60: {  	_ =	shalt  }
0x61: {  	_ =	shalt  }
0x62: {  	_ =	shalt  }
0x63: {  	_ =	shalt  }
0x64: {  	_ =	shalt  }
0x65: {  	_ =	shalt  }
0x66: {  	_ =	shalt  }
0x67: {  	_ =	shalt  }
0x68: {  	_ =	shalt  }
0x69: {  	_ =	shalt  }
0x6a: {  	_ =	shalt  }
0x6b: {  	_ =	shalt  }
0x6c: {  	_ =	shalt  }
0x6d: {  	_ =	shalt  }
0x6e: {  	_ =	shalt  }
0x6f: {  	_ =	shalt  }
0x70: {  	_ =	shalt  }
0x71: {  	_ =	shalt  }
0x72: {  	_ =	shalt  }
0x73: {  	_ =	shalt  }
0x74: {  	_ =	shalt  }
0x75: {  	_ =	shalt  }
0x76: {  	_ =	shalt  }
0x77: {  	_ =	shalt  }
0x78: {  	_ =	shalt  }
0x79: {  	_ =	shalt  }
0x7a: {  	_ =	shalt  }
0x7b: {  	_ =	shalt  }
0x7c: {  	_ =	shalt  }
0x7d: {  	_ =	shalt  }
0x7e: {  	_ =	shalt  }
0x7f: {  	_ =	shalt  }
0x80: {  	_ =	shalt  }
0x81: {  	_ =	shalt  }
0x82: {  	_ =	shalt  }
0x83: {  	_ =	shalt  }
0x84: {  	_ =	shalt  }
0x85: {  	_ =	shalt  }
0x86: {  	_ =	shalt  }
0x87: {  	_ =	shalt  }
.Lfunc_end0:
.L_simem_size_0:
called_computation.1_lowered:
.L_overlay_start_0:
0x88: {  	s2 =	sld [smem:$0x3FD9]  }
0x89: {  	s3 =	sld [smem:$0x3FFE];
	_ =	sdelay $0x1  }
0x8a: {  	s1 =	srdreg.scid  }
0x8b: {  	s0 =	sand.u32 $0x1, s1  }
0x8c: {  	s17 =	sshll.u32 s0, $0xA;
	s2 =	sadd.s32 s3, s2  }
0x8d: {  	s2 =	sadd.s32 s2, s17  }
0x8e: {  	[smem:$0x3FB8] =	sst s2  }
0x8f: {  	_ = 	snop  }
0x90: {  	(tm) =	ssettm $0x1  }
0x91: {  	s18 =	sld [smem:$0x3FFB];
	_ =	sdelay $0x3  }
0x92: {  	_ =	strace s18  }
0x93: {  	s2 =	sld [smem:$0x3FFC];
	_ =	sdelay $0x3  }
0x94: {  	_ =	strace s2  }
0x95: {  	s2 =	sld [smem:$0x3FFD];
	_ =	sdelay $0x3  }
0x96: {  	_ =	strace s2  }
0x97: {  	_ =	strace $0x8FFFFFFF  }
0x98: {  	s19 =	sld [smem:$0x3FDB];
	_ =	sdelay $0x1  }
0x99: {  	s20 =	simm.s32 $_scs_section_size  }
0x9a: {  	s4 =	simm.s32 $_size__tile_overlayer_lowered;
	s5 =	simm.s32 $_tile_overlayer_lowered  }
0x9b: {  	s6 =	simm.s32 $0x1BFF;
	s21 =	sshll.u32 s5, $0x1;
	s3 =	sadd.s32 s20, s19  }
0x9c: {  	s22 =	simm.s32 $0x0;
	s4 =	sshll.u32 s4, $0x1;
	s5 =	sadd.s32 s21, s3  }
0x9d: {  	[timem:s22], [sflag:s6] =	dma.local [hbm:s5], s4  }
0x9e: {  	_ =	swait.ge [sflag:s6], s4  }
0x9f: {  	s4 =	ssub.s32 $0x0, s4;
	[sflag:s6] =	ssyncset.done $0x0  }
0xa0: {  	[sflag:s6] =	ssyncadd.s32 s4;
	_ =	sdelay $0x1  }
0xa1: {  	s23 =	simm.s32 $0x1B8B  }
0xa2: {  	_ =	swait.ge [sflag:s23], $0x1  }
0xa3: {  	[sflag:s23] =	ssyncset.done $0x0  }
0xa4: {  	[sflag:s23] =	ssyncadd.s32 $0xFFFFFFFF  }
0xa5: {  	s4 =	sld [smem:$0x0]  }
0xa6: {  	s5 =	sand.u32 $0xFFFFFFFE, s1  }
0xa7: {  	p0 =	sne.s32 s1, s5  }
0xa8: {  	s5 =	sshll.u32 @p0 s5, $0xE  }
0xa9: {  	s5 =	sadd.s32 @p0 $0x11B8D, s5;
	s6 =	sshll.u32 @p0 s4, $0x11  }
0xaa: {  	s5 =	sor.u32 @p0 s6, s5  }
0xab: {  	[sflag:s5] =	ssyncadd.remote.s32 @p0 $0x1;
	_ =	sdelay $0x1  }
0xac: {  	s5 =	simm.s32 @p0 $0x1B8D  }
0xad: {  	_ =	swait.eq @p0 [sflag:s5], $0x1  }
0xae: {  	[sflag:s5] =	ssyncadd.s32 @p0 $0xFFFFFFFF  }
0xaf: {  	s6 =	sshll.u32 @!p0 s1, $0xE  }
0xb0: {  	s6 =	sor.u32 @!p0 $0x4000, s6;
	s5 =	simm.s32 @!p0 $0x1B8D  }
0xb1: {  	s4 =	sshll.u32 @!p0 s4, $0x11;
	s6 =	sadd.s32 @!p0 $0x11B8D, s6;
	_ =	swait.eq @!p0 [sflag:s5], $0x1  }
0xb2: {  	s4 =	sor.u32 @!p0 s4, s6;
	[sflag:s5] =	ssyncadd.s32 @!p0 $0xFFFFFFFF  }
0xb3: {  	s25 =	simm.s32 $0x1B8E;
	s24 =	sld [smem:$0x3FFE];
	[sflag:s4] =	ssyncadd.remote.s32 @!p0 $0x1  }
0xb4: {  	s26 =	simm.s32 $execute0_lowered;
	[smem:$0x3FD2] =	sst s25  }
0xb5: {  	s5 =	sshll.u32 s26, $0x1;
	_ =	strace $0x80000049;
	[dreg:$0x1] =	wrdreg $0xFFFFFFFF  }
0xb6: {  	s28 =	simm.s32 $_size_execute0_lowered;
	s3 =	sadd.s32 s3, s5;
	[dreg:$0x0] =	wrdreg $0x0  }
0xb7: {  	s5 =	sshll.u32 s28, $0x1;
	[dreg:$0x2] =	wrdreg s3  }
0xb8: {  	[dreg:$0x3] =	wrdreg s5  }
0xb9: {  	[dreg:$0x4] =	wrdreg $0xC0  }
0xba: {  	_ =	task [dreg:s22], $0x5FFFF  }
0xbb: {  	[dreg:$0x1] =	wrdreg $0xFFFFFFFF  }
0xbc: {  	[dreg:$0x0] =	wrdreg $0x60  }
0xbd: {  	[dreg:$0x2] =	wrdreg s24  }
0xbe: {  	[dreg:$0x3] =	wrdreg $0xA8000  }
0xbf: {  	[dreg:$0x4] =	wrdreg $0xA  }
0xc0: {  	_ =	task.clear_ibuf [dreg:s22], $0x5FFFF;
	_ =	strace $0x90000049  }
0xc1: {  	s29 =	simm.s32 $0xA;
	_ =	strace $0x8000004B  }
0xc2: {  	_ =	swait.ge [sflag:s29], $0x1  }
0xc3: {  	[sflag:s29] =	ssyncadd.s32 $0xFFFFFFFF  }
0xc4: {  	_ =	strace $0x9000004B  }
0xc5: {  	_ =	sfence  }
0xc6: {  	s30 =	sld [smem:$0x0];
	_ =	sdelay $0x2  }
0xc7: {  	s31 =	sshll.u32 s1, $0xD;
	s1 =	sshrl.u32 s1, $0x2  }
0xc8: {  	s4 =	sand.u32 $0x4000, s31;
	s1 =	sadd.s32 s1, s30  }
0xc9: {  	s0 =	sor.u32 s4, s0;
	s1 =	sshll.u32 s1, $0x11  }
0xca: {  	s0 =	sor.u32 s1, s0  }
0xcb: {  	s0 =	sadd.s32 $0x8F2B, s0  }
0xcc: {  	[sflag:s0] =	ssyncadd.remote.s32 $0x1  }
0xcd: {  	_ =	sfence.sel $0xFFFF  }
0xce: {  	[dreg:$0x0] =	wrdreg $0xFFFFFFFF;
	(pc) =	sbr.abs _section_cstart, $3  }
0xcf: {  	[dreg:$0x1] =	wrdreg $0xFFFFFFFF  }
0xd0: {  	_ =	task.clear_ibuf [dreg:s22], $0x2FFFF;
	_ =	strace $0x9FFFFFFF  }
0xd1: {  	(tm) =	ssettm $0x7FFFFFFF  }
tec
execute0_lowered:
.L_overlay_start_1:
0x0: {  	(tag) =	ssettag $0x1  }
0x1: {  	s7 =	rddreg [dreg:$0x0]  }
0x2: {  	s2 =	rddreg [dreg:$0x1];
	s3 =	simm.s32 $0x0;
	s0 =	stileid.u32  }
0x3: {  	s5 =	srdreg.scid;
	s20 =	simm.s32 $0x2800;
	s21 =	simm.s32 $0x6800  }
0x4: {  	s22 =	simm.s32 $0x1;
	s23 =	simm.s32 $0x2;
	s24 =	simm.s32 $0x1380  }
0x5: {  	s28 =	simm.s32 $0x0;
	[smem:$0x7FF] =	sst s3;
	s10 =	smul.u32 $0x13800, s0  }
0x6: {  	s4 =	sadd.s32 $0x8F400, s7;
	s11 =	sadd.s32 $0xF600, s7;
	s12 =	sadd.s32 $0x5600, s7  }
0x7: {  	s8 =	sand.u32 $0x1, s5;
	s9 =	smul.u32 $0x4E000, s0;
	s13 =	sadd.s32 $0xB6600, s7  }
0x8: {  	s30 =	sshll.u32 s0, $0x6;
	s17 =	sadd.s32 $0x138000, s2;
	p0 =	sne.s32 s0, $0xF  }
0x9: {  	_ =	strace $0x8000004A;
	s26 =	ssub.s32 $0x2, s8;
	s15 =	sshll.u32 s8, $0x4  }
0xa: {  	s18 =	smul.u32 $0x138C00, s8;
	s17 =	sshrl.u32 @!p0 s17, $0x3;
	s6 =	sshrl.u32 s10, $0x3  }
0xb: {  	s14 =	sshrl.u32 s26, $0x1;
	s15 =	sor.u32 s0, s15;
	s29 =	sshrl.u32 s9, $0x2  }
0xc: {  	s25 =	sadd.s32 s6, s7;
	s14 =	ssub.s32 s26, s14;
	s31 =	smul.u32 $0x500, s15  }
0xd: {  	s16 =	sadd.s32 s29, s2;
	s6 =	sor.u32 $0x1C03, s30;
	s15 =	smul.u32 $0x2800, s15  }
0xe: {  	s7 =	sadd.s32 $0x40E00, s7;
	s19 =	sadd.s32 s10, s18;
	s18 =	sshrl.u32 s18, $0x3  }
0xf: {  	s26 =	simm.s32 $0x2780;
	s5 =	sadd.s32 $0x19E00, s25;
	s19 =	sshrl.u32 s19, $0x3  }
0x10: {  	s18 =	sadd.s32 s13, s18;
	s14 =	smax.u32 s14, $0x1;
	s15 =	sshrl.u32 s15, $0x3  }
0x11: {  	s25 =	simm.s32 $0x2700;
	s8 =	sadd.s32 s11, s31;
	s15 =	sadd.s32 $0x280, s15  }
0x12: {  	s9 =	sadd.s32 s12, s31;
	s10 =	sadd.s32 s11, s15;
	s11 =	sadd.s32 s12, s15  }
0x13: {  	s12 =	sadd.s32 s13, s19;
	s13 =	sadd.s32 $0x27000, s18;
	s15 =	sshrl.u32 s16, $0x3  }
0x14: {  	s16 =	simm.s32 $0x3;
	s18 =	simm.s32 $0x1400;
	s19 =	simm.s32 $0x80  }
.LBB2_1:
0x15: {  	[spmem:s15], [sflag:s6] =	dma.local [hbm:s5], $0x2700  }
0x16: {  	_ =	swait.ge [sflag:s16], $0x2700  }
0x17: {  	[sflag:s16] =	ssyncset.done $0x0  }
0x18: {  	s29 =	simm.s32 @!p0 $0x3;
	[sflag:s16] =	ssyncadd.s32 $0xFFFFD900  }
0x19: {  	[spmem:s17], [sflag:s6] =	dma.local @!p0 [hbm:s7], $0x180  }
0x1a: {  	_ =	swait.ge @!p0 [sflag:s29], $0x180  }
0x1b: {  	[sflag:s29] =	ssyncset.done @!p0 $0x0  }
0x1c: {  	[sflag:s29] =	ssyncadd.s32 @!p0 $0xFFFFFE80  }
0x1d: {  	[bflag:$0x0] =	sbarrier.arrive $0xFFFF  }
0x1e: {  	[tilespmem:s3], [sflag:$0x3] =	stream.linear.gather [hbm4b:s8+s3], $0x1400, $0x38;
	[tilespmem:$0x1E0C0] =	vst v63  }
0x1f: {  	_ =	swait.ge [sflag:s16], $0x1400  }
0x20: {  	[sflag:s16] =	ssyncset.done $0x0  }
0x21: {  	[sflag:s16] =	ssyncadd.s32 $0xFFFFEC00  }
0x22: {  	[tilespmem:s18], [sflag:$0x3] =	stream.linear.gather [hbm4b:s9+s3], $0x1400, $0x38;
	[tilespmem:$0x1E0C0] =	vst v63  }
0x23: {  	_ =	swait.ge [sflag:s16], $0x1400  }
0x24: {  	[sflag:s16] =	ssyncset.done $0x0  }
0x25: {  	[sflag:s16] =	ssyncadd.s32 $0xFFFFEC00  }
0x26: {  	[tilespmem:s20], [sflag:$0x1] =	stream.indirect.gather [hbm4b:s4+s19], $0x80, s3, s19, $0xb8;
	[tilespmem:$0x1E0C0] =	vst v63  }
0x27: {  	s29 =	simm.s32 $0x80  }
0x28: {  	[tilespmem:s21], [sflag:$0x2] =	stream.indirect.gather [hbm4b:s4+s19], $0x80, s29, s19, $0xb8;
	[tilespmem:$0x1E0C0] =	vst v63  }
0x29: {  	_ =	swait.ge [sflag:s22], $0x4000  }
0x2a: {  	[sflag:s22] =	ssyncset.done $0x0  }
0x2b: {  	s29 =	simm.s32 $0x1400;
	[sflag:s22] =	ssyncadd.s32 $0xFFFFC000  }
0x2c: {  	[spmem:s2] =	stream.indirect.scatter.add.f32 [tilespmem:s20], [sflag:$0x3], $0x80, s29, s19, $0xb8;
	[tilespmem:$0x1E0C0] =	vst v63  }
0x2d: {  	_ =	swait.ge [sflag:s16], $0x4000  }
0x2e: {  	[sflag:s16] =	ssyncset.done $0x0  }
0x2f: {  	s29 =	simm.s32 $0x100;
	[sflag:s16] =	ssyncadd.s32 $0xFFFFC000  }
0x30: {  	[tilespmem:s20], [sflag:$0x1] =	stream.indirect.gather [hbm4b:s4+s19], $0x80, s29, s19, $0xb8;
	[tilespmem:$0x1E0C0] =	vst v63  }
0x31: {  	_ =	swait.ge [sflag:s23], $0x4000  }
0x32: {  	[sflag:s23] =	ssyncset.done $0x0  }
0x33: {  	s29 =	simm.s32 $0x1480;
	[sflag:s23] =	ssyncadd.s32 $0xFFFFC000  }
0x34: {  	[spmem:s2] =	stream.indirect.scatter.add.f32 [tilespmem:s21], [sflag:$0x3], $0x80, s29, s19, $0xb8;
	[tilespmem:$0x1E0C0] =	vst v63  }
0x35: {  	_ =	swait.ge [sflag:s16], $0x4000  }
0x36: {  	s30 =	simm.s32 $0x800;
	s29 =	simm.s32 $0x100;
	[sflag:s16] =	ssyncset.done $0x0  }
.LBB2_2:
0x37: {  	s31 =	sadd.s32 $0x80, s29  }
0x38: {  	[sflag:s16] =	ssyncadd.s32 $0xFFFFC000;
	s0 =	smov.u32 s30;
	s1 =	sadd.s32 $0x400, s30  }
0x39: {  	[tilespmem:s21], [sflag:$0x2] =	stream.indirect.gather [hbm4b:s4+s19], $0x80, s31, s19, $0xb8;
	[tilespmem:$0x1E0C0] =	vst v63  }
0x3a: {  	p1 =	sne.s32 s30, $0x4800;
	_ =	swait.ge [sflag:s22], $0x4000  }
0x3b: {  	[sflag:s22] =	ssyncset.done $0x0  }
0x3c: {  	s30 =	sadd.s32 $0x1400, s29;
	[sflag:s22] =	ssyncadd.s32 $0xFFFFC000  }
0x3d: {  	[spmem:s2] =	stream.indirect.scatter.add.f32 [tilespmem:s20], [sflag:$0x3], $0x80, s30, s19, $0xb8;
	[tilespmem:$0x1E0C0] =	vst v63  }
0x3e: {  	_ =	swait.ge [sflag:s16], $0x4000  }
0x3f: {  	[sflag:s16] =	ssyncset.done $0x0  }
0x40: {  	s30 =	sadd.s32 $0x100, s29;
	[sflag:s16] =	ssyncadd.s32 $0xFFFFC000  }
0x41: {  	[tilespmem:s20], [sflag:$0x1] =	stream.indirect.gather [hbm4b:s4+s19], $0x80, s30, s19, $0xb8;
	[tilespmem:$0x1E0C0] =	vst v63  }
0x42: {  	_ =	swait.ge [sflag:s23], $0x4000  }
.Ltmp0:
0x43: {  	[sflag:s23] =	ssyncset.done $0x0;
	(pc) =	sbr.rel @p1 .LBB2_2-.Ltmp0, $4  }
0x44: {  	s29 =	sadd.s32 $0x1480, s29;
	[sflag:s23] =	ssyncadd.s32 $0xFFFFC000  }
0x45: {  	[spmem:s2] =	stream.indirect.scatter.add.f32 [tilespmem:s21], [sflag:$0x3], $0x80, s29, s19, $0xb8;
	[tilespmem:$0x1E0C0] =	vst v63  }
0x46: {  	_ =	swait.ge [sflag:s16], $0x4000  }
0x47: {  	s30 =	smov.u32 s1;
	s29 =	sshra.s32 s0, $0x2;
	[sflag:s16] =	ssyncset.done $0x0  }
0x48: {  	s0 =	sadd.s32 $0x80, s29;
	[sflag:s16] =	ssyncadd.s32 $0xFFFFC000  }
0x49: {  	[tilespmem:s21], [sflag:$0x2] =	stream.indirect.gather [hbm4b:s4+s19], $0x80, s0, s19, $0xb8;
	[tilespmem:$0x1E0C0] =	vst v63  }
0x4a: {  	_ =	swait.ge [sflag:s22], $0x4000  }
0x4b: {  	[sflag:s22] =	ssyncset.done $0x0  }
0x4c: {  	s1 =	sadd.s32 $0x1400, s29;
	[sflag:s22] =	ssyncadd.s32 $0xFFFFC000  }
0x4d: {  	[spmem:s2] =	stream.indirect.scatter.add.f32 [tilespmem:s20], [sflag:$0x3], $0x80, s1, s19, $0xb8;
	[tilespmem:$0x1E0C0] =	vst v63  }
0x4e: {  	_ =	swait.ge [sflag:s16], $0x4000  }
0x4f: {  	[sflag:s16] =	ssyncset.done $0x0  }
0x50: {  	s31 =	sadd.s32 $0x100, s29;
	[sflag:s16] =	ssyncadd.s32 $0xFFFFC000  }
0x51: {  	[tilespmem:s20], [sflag:$0x1] =	stream.indirect.gather [hbm4b:s4+s19], $0x80, s31, s19, $0xb8;
	[tilespmem:$0x1E0C0] =	vst v63  }
0x52: {  	_ =	swait.ge [sflag:s23], $0x4000  }
0x53: {  	[sflag:s23] =	ssyncset.done $0x0  }
0x54: {  	s1 =	sadd.s32 $0x1480, s29;
	[sflag:s23] =	ssyncadd.s32 $0xFFFFC000  }
0x55: {  	[spmem:s2] =	stream.indirect.scatter.add.f32 [tilespmem:s21], [sflag:$0x3], $0x80, s1, s19, $0xb8;
	[tilespmem:$0x1E0C0] =	vst v63  }
0x56: {  	_ =	swait.ge [sflag:s16], $0x4000  }
0x57: {  	[sflag:s16] =	ssyncset.done $0x0  }
0x58: {  	[sflag:s16] =	ssyncadd.s32 $0xFFFFC000  }
0x59: {  	[tilespmem:s21], [sflag:$0x2] =	stream.indirect.gather [hbm4b:s4+s19], $0x80, s24, s19, $0xb8;
	[tilespmem:$0x1E0C0] =	vst v63  }
0x5a: {  	_ =	swait.ge [sflag:s22], $0x4000  }
0x5b: {  	[sflag:s22] =	ssyncset.done $0x0  }
0x5c: {  	[sflag:s22] =	ssyncadd.s32 $0xFFFFC000  }
0x5d: {  	[spmem:s2] =	stream.indirect.scatter.add.f32 [tilespmem:s20], [sflag:$0x3], $0x80, s25, s19, $0xb8;
	[tilespmem:$0x1E0C0] =	vst v63  }
0x5e: {  	_ =	swait.ge [sflag:s16], $0x4000  }
0x5f: {  	[sflag:s16] =	ssyncset.done $0x0  }
0x60: {  	[sflag:s16] =	ssyncadd.s32 $0xFFFFC000  }
0x61: {  	_ =	swait.ge [sflag:s23], $0x4000  }
0x62: {  	[sflag:s23] =	ssyncset.done $0x0  }
0x63: {  	[sflag:s23] =	ssyncadd.s32 $0xFFFFC000  }
0x64: {  	[spmem:s2] =	stream.indirect.scatter.add.f32 [tilespmem:s21], [sflag:$0x3], $0x80, s26, s19, $0xb8;
	[tilespmem:$0x1E0C0] =	vst v63  }
0x65: {  	_ =	swait.ge [sflag:s16], $0x4000  }
0x66: {  	[sflag:s16] =	ssyncset.done $0x0  }
0x67: {  	s31 =	simm.s32 $0x0;
	[sflag:s16] =	ssyncadd.s32 $0xFFFFC000  }
0x68: {  	[tilespmem:s31], [sflag:$0x3] =	stream.linear.gather [hbm4b:s10+s31], $0x1400, $0x38;
	[tilespmem:$0x1E0C0] =	vst v63  }
0x69: {  	_ =	swait.ge [sflag:s16], $0x1400  }
0x6a: {  	[sflag:s16] =	ssyncset.done $0x0  }
0x6b: {  	[sflag:s16] =	ssyncadd.s32 $0xFFFFEC00  }
0x6c: {  	[tilespmem:s18], [sflag:$0x3] =	stream.linear.gather [hbm4b:s11+s31], $0x1400, $0x38;
	[tilespmem:$0x1E0C0] =	vst v63  }
0x6d: {  	_ =	swait.ge [sflag:s16], $0x1400  }
0x6e: {  	[sflag:s16] =	ssyncset.done $0x0  }
0x6f: {  	[sflag:s16] =	ssyncadd.s32 $0xFFFFEC00  }
0x70: {  	[tilespmem:s20], [sflag:$0x1] =	stream.indirect.gather [hbm4b:s4+s19], $0x80, s31, s19, $0xb8;
	[tilespmem:$0x1E0C0] =	vst v63  }
0x71: {  	s1 =	simm.s32 $0x80  }
0x72: {  	[tilespmem:s21], [sflag:$0x2] =	stream.indirect.gather [hbm4b:s4+s19], $0x80, s1, s19, $0xb8;
	[tilespmem:$0x1E0C0] =	vst v63  }
0x73: {  	_ =	swait.ge [sflag:s22], $0x4000  }
0x74: {  	[sflag:s22] =	ssyncset.done $0x0  }
0x75: {  	s31 =	simm.s32 $0x1400;
	[sflag:s22] =	ssyncadd.s32 $0xFFFFC000  }
0x76: {  	[spmem:s2] =	stream.indirect.scatter.add.f32 [tilespmem:s20], [sflag:$0x3], $0x80, s31, s19, $0xb8;
	[tilespmem:$0x1E0C0] =	vst v63  }
0x77: {  	_ =	swait.ge [sflag:s16], $0x4000  }
0x78: {  	[sflag:s16] =	ssyncset.done $0x0  }
0x79: {  	s1 =	simm.s32 $0x100;
	[sflag:s16] =	ssyncadd.s32 $0xFFFFC000  }
0x7a: {  	[tilespmem:s20], [sflag:$0x1] =	stream.indirect.gather [hbm4b:s4+s19], $0x80, s1, s19, $0xb8;
	[tilespmem:$0x1E0C0] =	vst v63  }
0x7b: {  	_ =	swait.ge [sflag:s23], $0x4000  }
0x7c: {  	[sflag:s23] =	ssyncset.done $0x0  }
0x7d: {  	s31 =	simm.s32 $0x1480;
	[sflag:s23] =	ssyncadd.s32 $0xFFFFC000  }
0x7e: {  	[spmem:s2] =	stream.indirect.scatter.add.f32 [tilespmem:s21], [sflag:$0x3], $0x80, s31, s19, $0xb8;
	[tilespmem:$0x1E0C0] =	vst v63  }
0x7f: {  	_ =	swait.ge [sflag:s16], $0x4000  }
0x80: {  	s30 =	simm.s32 $0x800;
	s29 =	simm.s32 $0x100;
	[sflag:s16] =	ssyncset.done $0x0  }
.LBB2_4:
0x81: {  	s0 =	sadd.s32 $0x80, s29  }
0x82: {  	[sflag:s16] =	ssyncadd.s32 $0xFFFFC000;
	s1 =	smov.u32 s30;
	s31 =	sadd.s32 $0x400, s30  }
0x83: {  	[tilespmem:s21], [sflag:$0x2] =	stream.indirect.gather [hbm4b:s4+s19], $0x80, s0, s19, $0xb8;
	[tilespmem:$0x1E0C0] =	vst v63  }
0x84: {  	p1 =	sne.s32 s30, $0x4800;
	_ =	swait.ge [sflag:s22], $0x4000  }
0x85: {  	[sflag:s22] =	ssyncset.done $0x0  }
0x86: {  	s0 =	sadd.s32 $0x1400, s29;
	[sflag:s22] =	ssyncadd.s32 $0xFFFFC000  }
0x87: {  	[spmem:s2] =	stream.indirect.scatter.add.f32 [tilespmem:s20], [sflag:$0x3], $0x80, s0, s19, $0xb8;
	[tilespmem:$0x1E0C0] =	vst v63  }
0x88: {  	_ =	swait.ge [sflag:s16], $0x4000  }
0x89: {  	[sflag:s16] =	ssyncset.done $0x0  }
0x8a: {  	s0 =	sadd.s32 $0x100, s29;
	[sflag:s16] =	ssyncadd.s32 $0xFFFFC000  }
0x8b: {  	[tilespmem:s20], [sflag:$0x1] =	stream.indirect.gather [hbm4b:s4+s19], $0x80, s0, s19, $0xb8;
	[tilespmem:$0x1E0C0] =	vst v63  }
0x8c: {  	_ =	swait.ge [sflag:s23], $0x4000  }
.Ltmp1:
0x8d: {  	[sflag:s23] =	ssyncset.done $0x0;
	(pc) =	sbr.rel @p1 .LBB2_4-.Ltmp1, $4  }
0x8e: {  	s0 =	sadd.s32 $0x1480, s29;
	[sflag:s23] =	ssyncadd.s32 $0xFFFFC000  }
0x8f: {  	[spmem:s2] =	stream.indirect.scatter.add.f32 [tilespmem:s21], [sflag:$0x3], $0x80, s0, s19, $0xb8;
	[tilespmem:$0x1E0C0] =	vst v63  }
0x90: {  	_ =	swait.ge [sflag:s16], $0x4000  }
0x91: {  	s30 =	smov.u32 s31;
	s29 =	sshra.s32 s1, $0x2;
	[sflag:s16] =	ssyncset.done $0x0  }
0x92: {  	s0 =	sadd.s32 $0x80, s29;
	[sflag:s16] =	ssyncadd.s32 $0xFFFFC000  }
0x93: {  	[tilespmem:s21], [sflag:$0x2] =	stream.indirect.gather [hbm4b:s4+s19], $0x80, s0, s19, $0xb8;
	[tilespmem:$0x1E0C0] =	vst v63  }
0x94: {  	_ =	swait.ge [sflag:s22], $0x4000  }
0x95: {  	[sflag:s22] =	ssyncset.done $0x0  }
0x96: {  	s1 =	sadd.s32 $0x1400, s29;
	[sflag:s22] =	ssyncadd.s32 $0xFFFFC000  }
0x97: {  	[spmem:s2] =	stream.indirect.scatter.add.f32 [tilespmem:s20], [sflag:$0x3], $0x80, s1, s19, $0xb8;
	[tilespmem:$0x1E0C0] =	vst v63  }
0x98: {  	_ =	swait.ge [sflag:s16], $0x4000  }
0x99: {  	[sflag:s16] =	ssyncset.done $0x0  }
0x9a: {  	s30 =	sadd.s32 $0x100, s29;
	[sflag:s16] =	ssyncadd.s32 $0xFFFFC000  }
0x9b: {  	[tilespmem:s20], [sflag:$0x1] =	stream.indirect.gather [hbm4b:s4+s19], $0x80, s30, s19, $0xb8;
	[tilespmem:$0x1E0C0] =	vst v63  }
0x9c: {  	_ =	swait.ge [sflag:s23], $0x4000  }
0x9d: {  	[sflag:s23] =	ssyncset.done $0x0  }
0x9e: {  	s31 =	sadd.s32 $0x1480, s29;
	[sflag:s23] =	ssyncadd.s32 $0xFFFFC000  }
0x9f: {  	[spmem:s2] =	stream.indirect.scatter.add.f32 [tilespmem:s21], [sflag:$0x3], $0x80, s31, s19, $0xb8;
	[tilespmem:$0x1E0C0] =	vst v63  }
0xa0: {  	_ =	swait.ge [sflag:s16], $0x4000  }
0xa1: {  	[sflag:s16] =	ssyncset.done $0x0  }
0xa2: {  	[sflag:s16] =	ssyncadd.s32 $0xFFFFC000  }
0xa3: {  	[tilespmem:s21], [sflag:$0x2] =	stream.indirect.gather [hbm4b:s4+s19], $0x80, s24, s19, $0xb8;
	[tilespmem:$0x1E0C0] =	vst v63  }
0xa4: {  	_ =	swait.ge [sflag:s22], $0x4000  }
0xa5: {  	[sflag:s22] =	ssyncset.done $0x0  }
0xa6: {  	[sflag:s22] =	ssyncadd.s32 $0xFFFFC000  }
0xa7: {  	[spmem:s2] =	stream.indirect.scatter.add.f32 [tilespmem:s20], [sflag:$0x3], $0x80, s25, s19, $0xb8;
	[tilespmem:$0x1E0C0] =	vst v63  }
0xa8: {  	_ =	swait.ge [sflag:s16], $0x4000  }
0xa9: {  	[sflag:s16] =	ssyncset.done $0x0  }
0xaa: {  	[sflag:s16] =	ssyncadd.s32 $0xFFFFC000  }
0xab: {  	_ =	swait.ge [sflag:s23], $0x4000  }
0xac: {  	[sflag:s23] =	ssyncset.done $0x0  }
0xad: {  	[sflag:s23] =	ssyncadd.s32 $0xFFFFC000  }
0xae: {  	[spmem:s2] =	stream.indirect.scatter.add.f32 [tilespmem:s21], [sflag:$0x3], $0x80, s26, s19, $0xb8;
	[tilespmem:$0x1E0C0] =	vst v63  }
0xaf: {  	_ =	swait.ge [sflag:s16], $0x4000  }
0xb0: {  	[sflag:s16] =	ssyncset.done $0x0  }
0xb1: {  	[sflag:s16] =	ssyncadd.s32 $0xFFFFC000  }
0xb2: {  	[bflag:$0x0] =	sbarrier.arrive $0xFFFF  }
0xb3: {  	[hbm:s12], [sflag:s6] =	dma.local [spmem:s15], $0x2700  }
0xb4: {  	s28 =	sadd.s32 $0x1, s28;
	_ =	swait.ge [sflag:s16], $0x2700  }
0xb5: {  	p1 =	sne.s32 s28, s14;
	[sflag:s16] =	ssyncset.done $0x0  }
.Ltmp2:
0xb6: {  	s0 =	simm.s32 @!p0 $0x3;
	[sflag:s16] =	ssyncadd.s32 $0xFFFFD900;
	(pc) =	sbr.rel @p1 .LBB2_1-.Ltmp2, $4  }
0xb7: {  	[hbm:s13], [sflag:s6] =	dma.local @!p0 [spmem:s17], $0x180  }
0xb8: {  	_ =	swait.ge @!p0 [sflag:s0], $0x180  }
0xb9: {  	[sflag:s0] =	ssyncset.done @!p0 $0x0  }
0xba: {  	[sflag:s0] =	ssyncadd.s32 @!p0 $0xFFFFFE80  }
0xbb: {  	_ =	sfence.sel $0x180000  }
0xbc: {  	[bflag:$0x0] =	sbarrier.arrive $0xFFFF  }
0xbd: {  	_ =	strace $0x9000004A  }
0xbe: {  	s0 =	stileid.u32;
	[bflag:$0x2] =	sbarrier.arrive $0xFFFF  }
0xbf: {  	p0 =	sne.s32 s0, $0x0;
	s0 =	rddreg [dreg:$0x2]  }
0xc0: {  	s0 =	sadd.s32 @!p0 $0x100000, s0  }
0xc1: {  	[sflag:s0] =	ssyncadd.tile.s32 @!p0 $0x1;
	_ =	shalt  }
.Lfunc_end2:
_tile_overlayer_lowered:
.L_overlay_start_2:
0xc2: {  	(tag) =	ssettag $0x2  }
0xc3: {  	s0 =	rddreg [dreg:$0x0];
	s2 =	stileid.u32  }
0xc4: {  	s1 =	rddreg [dreg:$0x1];
	p0 =	sne.s32 s2, $0x0  }
0xc5: {  	s3 =	rddreg [dreg:$0x2];
	[bflag:$0x3] =	sbarrier.arrive $0xFFFF;
	s2 =	simm.s32 @!p0 $0x1C03  }
0xc6: {  	[timem:s3], [sflag:s2] =	dma.local @!p0 [hbm:s0], s1  }
0xc7: {  	s0 =	simm.s32 @!p0 $0x3  }
0xc8: {  	_ =	swait.ge @!p0 [sflag:s0], s1  }
0xc9: {  	s1 =	ssub.s32 @!p0 $0x0, s1;
	[sflag:s0] =	ssyncset.done @!p0 $0x0  }
0xca: {  	[sflag:s0] =	ssyncadd.s32 @!p0 s1  }
0xcb: {  	[bflag:$0x3] =	sbarrier.arrive $0xFFFF  }
0xcc: {  	_ =	shalt  }

// kernel: kernel.20.cloned.1.call-start
scs
__scs_entry_jumppad:
0x0: {  	(pc) =	sbr.rel $0x88, $3  }
0x1: {  	(tag) =	ssettag $0x0;
	lr =	simm.s32 $0x1  }
0x2: {  	[smem:$0x3F91] =	sst lr;
	_ =	strace $0xD0000000  }
0x3: {  	_ = 	snop  }
0x4: {  	_ = 	snop  }
0x5: {  	_ = 	snop  }
0x6: {  	_ = 	snop  }
0x7: {  	_ = 	snop  }
__scs_overlays_trampoline_lowered:
0x8: {  	[smem:$0x3FA0] =	sst s0  }
0x9: {  	[smem:$0x3FA1] =	sst s1  }
0xa: {  	[smem:$0x3FA2] =	sst s2  }
0xb: {  	[smem:$0x3FA3] =	sst s3  }
0xc: {  	[smem:$0x3FA4] =	sst s4  }
0xd: {  	[smem:$0x3FA5] =	sst s5  }
0xe: {  	[smem:$0x3FA6] =	sst s6  }
0xf: {  	[smem:$0x3FA7] =	sst s7  }
0x10: {  	[smem:$0x3FA8] =	sst s8  }
0x11: {  	[smem:$0x3FA9] =	sst s9;
	s0 =	simm.s32 @!p0 $0x0  }
0x12: {  	s1 =	sld [smem:$0x3F8F];
	s0 =	simm.s32 @p0 $0x1  }
0x13: {  	[smem:$0x3FAA] =	sst s0;
	s0 =	simm.s32 @!p1 $0x0  }
0x14: {  	s2 =	sld [smem:$0x3F8E];
	s0 =	simm.s32 @p1 $0x1  }
0x15: {  	[smem:$0x3FAB] =	sst s0;
	s0 =	simm.s32 @!p2 $0x0  }
0x16: {  	s3 =	sld [smem:$0x3FDB];
	s0 =	simm.s32 @p2 $0x1  }
0x17: {  	s4 =	simm.s32 $0x1BF5;
	[smem:$0x3FAD] =	sst s0  }
0x18: {  	s0 =	sld [smem:$0x3F90];
	_ =	swait.ge [sflag:s4], $0x0  }
0x19: {  	s7 =	sld [smem:$0x3F91]  }
0x1a: {  	s8 =	sadd.s32 $0xFFFFE003, lr  }
0x1b: {  	s9 =	sadd.s32 $0xFFFFFEF7, lr;
	s5 =	simm.s32 $0xFFFFFFFF;
	p2 =	slt.u32 s8, $0xFFFFF086  }
0x1c: {  	p1 =	slt.u32 s9, $0xF7A;
	s5 =	simm.s32 @!p2 $0x0  }
0x1d: {  	s5 =	simm.s32 @p1 $0x1;
	p0 =	seq.s32 s7, s2  }
0x1e: {  	s7 =	smul.u32 @!p0 $0xF7A, s2;
	p2 =	seq.s32 @!p0 s5, $0x0  }
0x1f: {  	s9 =	smul.u32 $0xF7A, s1;
	s8 =	simm.s32 @!p0 $0x1BF5;
	p2 =	por !p2, p0  }
0x20: {  	[sflag:s8] =	ssyncset.s32 @!p0 $0xFFFFF086;
	s6 =	sadd.s32 @!p0 s3, s7;
	s7 =	simm.s32 @!p0 $0x108  }
0x21: {  	s3 =	sadd.s32 s3, s9;
	s6 =	sadd.s32 @!p0 $0x88, s6;
	s7 =	simm.s32 @p2 $0x1082  }
0x22: {  	[simem:s7], [sflag:s8] =	dma.local @!p0 [hbm:s6], $0xF7A  }
0x23: {  	s9 =	sor.u32 $0xD0000000, s2;
	s6 =	simm.s32 $0x108;
	_ =	swait.ge @!p0 [sflag:s8], $0x0  }
0x24: {  	s3 =	sadd.s32 $0x88, s3;
	s6 =	simm.s32 @!p1 $0x1082;
	[sflag:s4] =	ssyncset.s32 $0xFFFFF086  }
0x25: {  	[simem:s6], [sflag:s4] =	dma.local [hbm:s3], $0xF7A  }
0x26: {  	[smem:$0x3F91] =	sst s1;
	(tag) =	ssettag s2;
	_ =	strace s9  }
0x27: {  	s1 =	sld [smem:$0x3FA1]  }
0x28: {  	s2 =	sld [smem:$0x3FA2]  }
0x29: {  	s4 =	sld [smem:$0x3FA4]  }
0x2a: {  	p0 =	seq.s32 s5, $0x0;
	s5 =	sld [smem:$0x3FA5]  }
0x2b: {  	s6 =	sld [smem:$0x3FA6]  }
0x2c: {  	s7 =	sld [smem:$0x3FA7]  }
0x2d: {  	s3 =	simm.s32 $0x108;
	s8 =	sld [smem:$0x3FA8]  }
0x2e: {  	s3 =	simm.s32 @!p0 $0x1082;
	s9 =	sld [smem:$0x3FA9]  }
0x2f: {  	lr =	sadd.s32 s0, s3;
	s0 =	sld [smem:$0x3FA0]  }
0x30: {  	s3 =	sld [smem:$0x3FA3]  }
0x31: {  	[smem:$0x3FAC] =	sst s10  }
0x32: {  	s10 =	sld [smem:$0x3FAA];
	_ =	sdelay $0x3  }
0x33: {  	p0 =	seq.s32 s10, $0x1;
	s10 =	sld [smem:$0x3FAC];
	_ =	sdelay $0x3  }
0x34: {  	[smem:$0x3FAC] =	sst s10  }
0x35: {  	s10 =	sld [smem:$0x3FAB];
	_ =	sdelay $0x3  }
0x36: {  	p1 =	seq.s32 s10, $0x1;
	s10 =	sld [smem:$0x3FAC];
	_ =	sdelay $0x3  }
0x37: {  	[smem:$0x3FAC] =	sst s10  }
0x38: {  	s10 =	sld [smem:$0x3FAD]  }
0x39: {  	_ = 	snop;
	(pc) =	sbr.ind lr, $3  }
0x3a: {  	_ = 	snop  }
0x3b: {  	_ = 	snop  }
0x3c: {  	p2 =	seq.s32 s10, $0x1;
	s10 =	sld [smem:$0x3FAC]  }
0x3d: {  	_ =	shalt  }
0x3e: {  	_ =	shalt  }
0x3f: {  	_ =	shalt  }
0x40: {  	_ =	shalt  }
0x41: {  	_ =	shalt  }
0x42: {  	_ =	shalt  }
0x43: {  	_ =	shalt  }
0x44: {  	_ =	shalt  }
0x45: {  	_ =	shalt  }
0x46: {  	_ =	shalt  }
0x47: {  	_ =	shalt  }
0x48: {  	_ =	shalt  }
0x49: {  	_ =	shalt  }
0x4a: {  	_ =	shalt  }
0x4b: {  	_ =	shalt  }
0x4c: {  	_ =	shalt  }
0x4d: {  	_ =	shalt  }
0x4e: {  	_ =	shalt  }
0x4f: {  	_ =	shalt  }
0x50: {  	_ =	shalt  }
0x51: {  	_ =	shalt  }
0x52: {  	_ =	shalt  }
0x53: {  	_ =	shalt  }
0x54: {  	_ =	shalt  }
0x55: {  	_ =	shalt  }
0x56: {  	_ =	shalt  }
0x57: {  	_ =	shalt  }
0x58: {  	_ =	shalt  }
0x59: {  	_ =	shalt  }
0x5a: {  	_ =	shalt  }
0x5b: {  	_ =	shalt  }
0x5c: {  	_ =	shalt  }
0x5d: {  	_ =	shalt  }
0x5e: {  	_ =	shalt  }
0x5f: {  	_ =	shalt  }
0x60: {  	_ =	shalt  }
0x61: {  	_ =	shalt  }
0x62: {  	_ =	shalt  }
0x63: {  	_ =	shalt  }
0x64: {  	_ =	shalt  }
0x65: {  	_ =	shalt  }
0x66: {  	_ =	shalt  }
0x67: {  	_ =	shalt  }
0x68: {  	_ =	shalt  }
0x69: {  	_ =	shalt  }
0x6a: {  	_ =	shalt  }
0x6b: {  	_ =	shalt  }
0x6c: {  	_ =	shalt  }
0x6d: {  	_ =	shalt  }
0x6e: {  	_ =	shalt  }
0x6f: {  	_ =	shalt  }
0x70: {  	_ =	shalt  }
0x71: {  	_ =	shalt  }
0x72: {  	_ =	shalt  }
0x73: {  	_ =	shalt  }
0x74: {  	_ =	shalt  }
0x75: {  	_ =	shalt  }
0x76: {  	_ =	shalt  }
0x77: {  	_ =	shalt  }
0x78: {  	_ =	shalt  }
0x79: {  	_ =	shalt  }
0x7a: {  	_ =	shalt  }
0x7b: {  	_ =	shalt  }
0x7c: {  	_ =	shalt  }
0x7d: {  	_ =	shalt  }
0x7e: {  	_ =	shalt  }
0x7f: {  	_ =	shalt  }
0x80: {  	_ =	shalt  }
0x81: {  	_ =	shalt  }
0x82: {  	_ =	shalt  }
0x83: {  	_ =	shalt  }
0x84: {  	_ =	shalt  }
0x85: {  	_ =	shalt  }
0x86: {  	_ =	shalt  }
0x87: {  	_ =	shalt  }
.Lfunc_end0:
.L_simem_size_0:
called_computation.2_lowered:
.L_overlay_start_0:
0x88: {  	s2 =	sld [smem:$0x3FD9]  }
0x89: {  	s3 =	sld [smem:$0x3FFE];
	_ =	sdelay $0x1  }
0x8a: {  	s1 =	srdreg.scid  }
0x8b: {  	s0 =	sand.u32 $0x1, s1  }
0x8c: {  	s16 =	sshll.u32 s0, $0xA;
	s2 =	sadd.s32 s3, s2  }
0x8d: {  	s2 =	sadd.s32 s2, s16  }
0x8e: {  	[smem:$0x3FB8] =	sst s2  }
0x8f: {  	_ = 	snop  }
0x90: {  	(tm) =	ssettm $0x1  }
0x91: {  	s17 =	sld [smem:$0x3FFB];
	_ =	sdelay $0x3  }
0x92: {  	_ =	strace s17  }
0x93: {  	s2 =	sld [smem:$0x3FFC];
	_ =	sdelay $0x3  }
0x94: {  	_ =	strace s2  }
0x95: {  	s2 =	sld [smem:$0x3FFD];
	_ =	sdelay $0x3  }
0x96: {  	_ =	strace s2  }
0x97: {  	_ =	strace $0x8FFFFFFF  }
0x98: {  	s18 =	sld [smem:$0x3FDB];
	_ =	sdelay $0x1  }
0x99: {  	s19 =	simm.s32 $_scs_section_size  }
0x9a: {  	s4 =	simm.s32 $_size__tile_overlayer_lowered;
	s5 =	simm.s32 $_tile_overlayer_lowered  }
0x9b: {  	s22 =	simm.s32 $0x1BFF;
	s21 =	sshll.u32 s5, $0x1;
	s2 =	sadd.s32 s19, s18  }
0x9c: {  	s6 =	simm.s32 $0x0;
	s20 =	sshll.u32 s4, $0x1;
	s4 =	sadd.s32 s21, s2  }
0x9d: {  	[timem:s6], [sflag:s22] =	dma.local [hbm:s4], s20  }
0x9e: {  	_ =	swait.ge [sflag:s22], s20  }
0x9f: {  	s3 =	ssub.s32 $0x0, s20;
	[sflag:s22] =	ssyncset.done $0x0  }
0xa0: {  	[sflag:s22] =	ssyncadd.s32 s3;
	_ =	sdelay $0x1  }
0xa1: {  	s23 =	simm.s32 $0x1B8B  }
0xa2: {  	_ =	swait.ge [sflag:s23], $0x1  }
0xa3: {  	[sflag:s23] =	ssyncset.done $0x0  }
0xa4: {  	s25 =	simm.s32 $0x1B8E;
	s24 =	sld [smem:$0x3FFE];
	[sflag:s23] =	ssyncadd.s32 $0xFFFFFFFF  }
0xa5: {  	s26 =	simm.s32 $execute0_lowered;
	[smem:$0x3FD2] =	sst s25  }
0xa6: {  	s4 =	sshll.u32 s26, $0x1;
	_ =	strace $0x8000004C;
	[dreg:$0x1] =	wrdreg $0xFFFFFFFF  }
0xa7: {  	s28 =	simm.s32 $_size_execute0_lowered;
	s2 =	sadd.s32 s2, s4;
	[dreg:$0x0] =	wrdreg $0x0  }
0xa8: {  	s4 =	sshll.u32 s28, $0x1;
	[dreg:$0x2] =	wrdreg s2  }
0xa9: {  	[dreg:$0x3] =	wrdreg s4  }
0xaa: {  	[dreg:$0x4] =	wrdreg $0xC0  }
0xab: {  	_ =	task [dreg:s6], $0x5FFFF  }
0xac: {  	[dreg:$0x1] =	wrdreg $0xFFFFFFFF  }
0xad: {  	[dreg:$0x0] =	wrdreg $0x60  }
0xae: {  	[dreg:$0x2] =	wrdreg s24  }
0xaf: {  	[dreg:$0x3] =	wrdreg $0xA8000  }
0xb0: {  	[dreg:$0x4] =	wrdreg $0x9  }
0xb1: {  	_ =	task.clear_ibuf [dreg:s6], $0x5FFFF;
	_ =	strace $0x9000004C  }
0xb2: {  	s29 =	simm.s32 $0x9;
	_ =	strace $0x8000004E  }
0xb3: {  	_ =	swait.ge [sflag:s29], $0x1  }
0xb4: {  	[sflag:s29] =	ssyncadd.s32 $0xFFFFFFFF  }
0xb5: {  	_ =	strace $0x9000004E  }
0xb6: {  	_ =	sfence  }
0xb7: {  	s30 =	sld [smem:$0x0];
	_ =	sdelay $0x2  }
0xb8: {  	s31 =	sshll.u32 s1, $0xD;
	s1 =	sshrl.u32 s1, $0x2  }
0xb9: {  	s3 =	sand.u32 $0x4000, s31;
	s1 =	sadd.s32 s1, s30  }
0xba: {  	s0 =	sor.u32 s3, s0;
	s1 =	sshll.u32 s1, $0x11  }
0xbb: {  	s0 =	sor.u32 s1, s0  }
0xbc: {  	s0 =	sadd.s32 $0x8F2B, s0  }
0xbd: {  	[sflag:s0] =	ssyncadd.remote.s32 $0x1  }
0xbe: {  	_ =	sfence.sel $0xFFFF  }
0xbf: {  	[dreg:$0x0] =	wrdreg $0xFFFFFFFF;
	(pc) =	sbr.abs _section_cstart, $3  }
0xc0: {  	[dreg:$0x1] =	wrdreg $0xFFFFFFFF  }
0xc1: {  	_ =	task.clear_ibuf [dreg:s6], $0x2FFFF;
	_ =	strace $0x9FFFFFFF  }
0xc2: {  	(tm) =	ssettm $0x7FFFFFFF  }
0xc3: {  	_ =	shalt  }
tec
execute0_lowered:
.L_overlay_start_1:
0x0: {  	(tag) =	ssettag $0x1  }
0x1: {  	s7 =	rddreg [dreg:$0x0]  }
0x2: {  	s2 =	rddreg [dreg:$0x1];
	s3 =	simm.s32 $0x0;
	s0 =	stileid.u32  }
0x3: {  	s5 =	srdreg.scid;
	s20 =	simm.s32 $0x2800;
	s21 =	simm.s32 $0x6800  }
0x4: {  	s22 =	simm.s32 $0x1;
	s23 =	simm.s32 $0x2;
	s24 =	simm.s32 $0x1380  }
0x5: {  	s28 =	simm.s32 $0x0;
	[smem:$0x7FF] =	sst s3;
	s10 =	smul.u32 $0x13800, s0  }
0x6: {  	s4 =	sadd.s32 $0x8F400, s7;
	s11 =	sadd.s32 $0xF600, s7;
	s12 =	sadd.s32 $0x5600, s7  }
0x7: {  	s8 =	sand.u32 $0x1, s5;
	s9 =	smul.u32 $0x4E000, s0;
	s13 =	sadd.s32 $0xB6600, s7  }
0x8: {  	s30 =	sshll.u32 s0, $0x6;
	s17 =	sadd.s32 $0x138000, s2;
	p0 =	sne.s32 s0, $0xF  }
0x9: {  	_ =	strace $0x8000004D;
	s26 =	ssub.s32 $0x2, s8;
	s15 =	sshll.u32 s8, $0x4  }
0xa: {  	s18 =	smul.u32 $0x138C00, s8;
	s17 =	sshrl.u32 @!p0 s17, $0x3;
	s6 =	sshrl.u32 s10, $0x3  }
0xb: {  	s14 =	sshrl.u32 s26, $0x1;
	s15 =	sor.u32 s0, s15;
	s29 =	sshrl.u32 s9, $0x2  }
0xc: {  	s25 =	sadd.s32 s6, s7;
	s14 =	ssub.s32 s26, s14;
	s31 =	smul.u32 $0x500, s15  }
0xd: {  	s16 =	sadd.s32 s29, s2;
	s6 =	sor.u32 $0x1C03, s30;
	s15 =	smul.u32 $0x2800, s15  }
0xe: {  	s7 =	sadd.s32 $0x40E00, s7;
	s19 =	sadd.s32 s10, s18;
	s18 =	sshrl.u32 s18, $0x3  }
0xf: {  	s26 =	simm.s32 $0x2780;
	s5 =	sadd.s32 $0x19E00, s25;
	s19 =	sshrl.u32 s19, $0x3  }
0x10: {  	s18 =	sadd.s32 s13, s18;
	s14 =	smax.u32 s14, $0x1;
	s15 =	sshrl.u32 s15, $0x3  }
0x11: {  	s25 =	simm.s32 $0x2700;
	s8 =	sadd.s32 s11, s31;
	s15 =	sadd.s32 $0x280, s15  }
0x12: {  	s9 =	sadd.s32 s12, s31;
	s10 =	sadd.s32 s11, s15;
	s11 =	sadd.s32 s12, s15  }
0x13: {  	s12 =	sadd.s32 s13, s19;
	s13 =	sadd.s32 $0x27000, s18;
	s15 =	sshrl.u32 s16, $0x3  }
0x14: {  	s16 =	simm.s32 $0x3;
	s18 =	simm.s32 $0x1400;
	s19 =	simm.s32 $0x80  }
.LBB2_1:
0x15: {  	[spmem:s15], [sflag:s6] =	dma.local [hbm:s5], $0x2700  }
0x16: {  	_ =	swait.ge [sflag:s16], $0x2700  }
0x17: {  	[sflag:s16] =	ssyncset.done $0x0  }
0x18: {  	s29 =	simm.s32 @!p0 $0x3;
	[sflag:s16] =	ssyncadd.s32 $0xFFFFD900  }
0x19: {  	[spmem:s17], [sflag:s6] =	dma.local @!p0 [hbm:s7], $0x180  }
0x1a: {  	_ =	swait.ge @!p0 [sflag:s29], $0x180  }
0x1b: {  	[sflag:s29] =	ssyncset.done @!p0 $0x0  }
0x1c: {  	[sflag:s29] =	ssyncadd.s32 @!p0 $0xFFFFFE80  }
0x1d: {  	[bflag:$0x0] =	sbarrier.arrive $0xFFFF  }
0x1e: {  	[tilespmem:s3], [sflag:$0x3] =	stream.linear.gather [hbm4b:s8+s3], $0x1400, $0x38;
	[tilespmem:$0x1E0C0] =	vst v63  }
0x1f: {  	_ =	swait.ge [sflag:s16], $0x1400  }
0x20: {  	[sflag:s16] =	ssyncset.done $0x0  }
0x21: {  	[sflag:s16] =	ssyncadd.s32 $0xFFFFEC00  }
0x22: {  	[tilespmem:s18], [sflag:$0x3] =	stream.linear.gather [hbm4b:s9+s3], $0x1400, $0x38;
	[tilespmem:$0x1E0C0] =	vst v63  }
0x23: {  	_ =	swait.ge [sflag:s16], $0x1400  }
0x24: {  	[sflag:s16] =	ssyncset.done $0x0  }
0x25: {  	[sflag:s16] =	ssyncadd.s32 $0xFFFFEC00  }
0x26: {  	[tilespmem:s20], [sflag:$0x1] =	stream.indirect.gather [hbm4b:s4+s19], $0x80, s3, s19, $0xb8;
	[tilespmem:$0x1E0C0] =	vst v63  }
0x27: {  	s29 =	simm.s32 $0x80  }
0x28: {  	[tilespmem:s21], [sflag:$0x2] =	stream.indirect.gather [hbm4b:s4+s19], $0x80, s29, s19, $0xb8;
	[tilespmem:$0x1E0C0] =	vst v63  }
0x29: {  	_ =	swait.ge [sflag:s22], $0x4000  }
0x2a: {  	[sflag:s22] =	ssyncset.done $0x0  }
0x2b: {  	s29 =	simm.s32 $0x1400;
	[sflag:s22] =	ssyncadd.s32 $0xFFFFC000  }
0x2c: {  	[spmem:s2] =	stream.indirect.scatter.add.f32 [tilespmem:s20], [sflag:$0x3], $0x80, s29, s19, $0xb8;
	[tilespmem:$0x1E0C0] =	vst v63  }
0x2d: {  	_ =	swait.ge [sflag:s16], $0x4000  }
0x2e: {  	[sflag:s16] =	ssyncset.done $0x0  }
0x2f: {  	s29 =	simm.s32 $0x100;
	[sflag:s16] =	ssyncadd.s32 $0xFFFFC000  }
0x30: {  	[tilespmem:s20], [sflag:$0x1] =	stream.indirect.gather [hbm4b:s4+s19], $0x80, s29, s19, $0xb8;
	[tilespmem:$0x1E0C0] =	vst v63  }
0x31: {  	_ =	swait.ge [sflag:s23], $0x4000  }
0x32: {  	[sflag:s23] =	ssyncset.done $0x0  }
0x33: {  	s29 =	simm.s32 $0x1480;
	[sflag:s23] =	ssyncadd.s32 $0xFFFFC000  }
0x34: {  	[spmem:s2] =	stream.indirect.scatter.add.f32 [tilespmem:s21], [sflag:$0x3], $0x80, s29, s19, $0xb8;
	[tilespmem:$0x1E0C0] =	vst v63  }
0x35: {  	_ =	swait.ge [sflag:s16], $0x4000  }
0x36: {  	s30 =	simm.s32 $0x800;
	s29 =	simm.s32 $0x100;
	[sflag:s16] =	ssyncset.done $0x0  }
.LBB2_2:
0x37: {  	s31 =	sadd.s32 $0x80, s29  }
0x38: {  	[sflag:s16] =	ssyncadd.s32 $0xFFFFC000;
	s0 =	smov.u32 s30;
	s1 =	sadd.s32 $0x400, s30  }
0x39: {  	[tilespmem:s21], [sflag:$0x2] =	stream.indirect.gather [hbm4b:s4+s19], $0x80, s31, s19, $0xb8;
	[tilespmem:$0x1E0C0] =	vst v63  }
0x3a: {  	p1 =	sne.s32 s30, $0x4800;
	_ =	swait.ge [sflag:s22], $0x4000  }
0x3b: {  	[sflag:s22] =	ssyncset.done $0x0  }
0x3c: {  	s30 =	sadd.s32 $0x1400, s29;
	[sflag:s22] =	ssyncadd.s32 $0xFFFFC000  }
0x3d: {  	[spmem:s2] =	stream.indirect.scatter.add.f32 [tilespmem:s20], [sflag:$0x3], $0x80, s30, s19, $0xb8;
	[tilespmem:$0x1E0C0] =	vst v63  }
0x3e: {  	_ =	swait.ge [sflag:s16], $0x4000  }
0x3f: {  	[sflag:s16] =	ssyncset.done $0x0  }
0x40: {  	s30 =	sadd.s32 $0x100, s29;
	[sflag:s16] =	ssyncadd.s32 $0xFFFFC000  }
0x41: {  	[tilespmem:s20], [sflag:$0x1] =	stream.indirect.gather [hbm4b:s4+s19], $0x80, s30, s19, $0xb8;
	[tilespmem:$0x1E0C0] =	vst v63  }
0x42: {  	_ =	swait.ge [sflag:s23], $0x4000  }
.Ltmp0:
0x43: {  	[sflag:s23] =	ssyncset.done $0x0;
	(pc) =	sbr.rel @p1 .LBB2_2-.Ltmp0, $4  }
0x44: {  	s29 =	sadd.s32 $0x1480, s29;
	[sflag:s23] =	ssyncadd.s32 $0xFFFFC000  }
0x45: {  	[spmem:s2] =	stream.indirect.scatter.add.f32 [tilespmem:s21], [sflag:$0x3], $0x80, s29, s19, $0xb8;
	[tilespmem:$0x1E0C0] =	vst v63  }
0x46: {  	_ =	swait.ge [sflag:s16], $0x4000  }
0x47: {  	s30 =	smov.u32 s1;
	s29 =	sshra.s32 s0, $0x2;
	[sflag:s16] =	ssyncset.done $0x0  }
0x48: {  	s0 =	sadd.s32 $0x80, s29;
	[sflag:s16] =	ssyncadd.s32 $0xFFFFC000  }
0x49: {  	[tilespmem:s21], [sflag:$0x2] =	stream.indirect.gather [hbm4b:s4+s19], $0x80, s0, s19, $0xb8;
	[tilespmem:$0x1E0C0] =	vst v63  }
0x4a: {  	_ =	swait.ge [sflag:s22], $0x4000  }
0x4b: {  	[sflag:s22] =	ssyncset.done $0x0  }
0x4c: {  	s1 =	sadd.s32 $0x1400, s29;
	[sflag:s22] =	ssyncadd.s32 $0xFFFFC000  }
0x4d: {  	[spmem:s2] =	stream.indirect.scatter.add.f32 [tilespmem:s20], [sflag:$0x3], $0x80, s1, s19, $0xb8;
	[tilespmem:$0x1E0C0] =	vst v63  }
0x4e: {  	_ =	swait.ge [sflag:s16], $0x4000  }
0x4f: {  	[sflag:s16] =	ssyncset.done $0x0  }
0x50: {  	s31 =	sadd.s32 $0x100, s29;
	[sflag:s16] =	ssyncadd.s32 $0xFFFFC000  }
0x51: {  	[tilespmem:s20], [sflag:$0x1] =	stream.indirect.gather [hbm4b:s4+s19], $0x80, s31, s19, $0xb8;
	[tilespmem:$0x1E0C0] =	vst v63  }
0x52: {  	_ =	swait.ge [sflag:s23], $0x4000  }
0x53: {  	[sflag:s23] =	ssyncset.done $0x0  }
0x54: {  	s1 =	sadd.s32 $0x1480, s29;
	[sflag:s23] =	ssyncadd.s32 $0xFFFFC000  }
0x55: {  	[spmem:s2] =	stream.indirect.scatter.add.f32 [tilespmem:s21], [sflag:$0x3], $0x80, s1, s19, $0xb8;
	[tilespmem:$0x1E0C0] =	vst v63  }
0x56: {  	_ =	swait.ge [sflag:s16], $0x4000  }
0x57: {  	[sflag:s16] =	ssyncset.done $0x0  }
0x58: {  	[sflag:s16] =	ssyncadd.s32 $0xFFFFC000  }
0x59: {  	[tilespmem:s21], [sflag:$0x2] =	stream.indirect.gather [hbm4b:s4+s19], $0x80, s24, s19, $0xb8;
	[tilespmem:$0x1E0C0] =	vst v63  }
0x5a: {  	_ =	swait.ge [sflag:s22], $0x4000  }
0x5b: {  	[sflag:s22] =	ssyncset.done $0x0  }
0x5c: {  	[sflag:s22] =	ssyncadd.s32 $0xFFFFC000  }
0x5d: {  	[spmem:s2] =	stream.indirect.scatter.add.f32 [tilespmem:s20], [sflag:$0x3], $0x80, s25, s19, $0xb8;
	[tilespmem:$0x1E0C0] =	vst v63  }
0x5e: {  	_ =	swait.ge [sflag:s16], $0x4000  }
0x5f: {  	[sflag:s16] =	ssyncset.done $0x0  }
0x60: {  	[sflag:s16] =	ssyncadd.s32 $0xFFFFC000  }
0x61: {  	_ =	swait.ge [sflag:s23], $0x4000  }
0x62: {  	[sflag:s23] =	ssyncset.done $0x0  }
0x63: {  	[sflag:s23] =	ssyncadd.s32 $0xFFFFC000  }
0x64: {  	[spmem:s2] =	stream.indirect.scatter.add.f32 [tilespmem:s21], [sflag:$0x3], $0x80, s26, s19, $0xb8;
	[tilespmem:$0x1E0C0] =	vst v63  }
0x65: {  	_ =	swait.ge [sflag:s16], $0x4000  }
0x66: {  	[sflag:s16] =	ssyncset.done $0x0  }
0x67: {  	s31 =	simm.s32 $0x0;
	[sflag:s16] =	ssyncadd.s32 $0xFFFFC000  }
0x68: {  	[tilespmem:s31], [sflag:$0x3] =	stream.linear.gather [hbm4b:s10+s31], $0x1400, $0x38;
	[tilespmem:$0x1E0C0] =	vst v63  }
0x69: {  	_ =	swait.ge [sflag:s16], $0x1400  }
0x6a: {  	[sflag:s16] =	ssyncset.done $0x0  }
0x6b: {  	[sflag:s16] =	ssyncadd.s32 $0xFFFFEC00  }
0x6c: {  	[tilespmem:s18], [sflag:$0x3] =	stream.linear.gather [hbm4b:s11+s31], $0x1400, $0x38;
	[tilespmem:$0x1E0C0] =	vst v63  }
0x6d: {  	_ =	swait.ge [sflag:s16], $0x1400  }
0x6e: {  	[sflag:s16] =	ssyncset.done $0x0  }
0x6f: {  	[sflag:s16] =	ssyncadd.s32 $0xFFFFEC00  }
0x70: {  	[tilespmem:s20], [sflag:$0x1] =	stream.indirect.gather [hbm4b:s4+s19], $0x80, s31, s19, $0xb8;
	[tilespmem:$0x1E0C0] =	vst v63  }
0x71: {  	s1 =	simm.s32 $0x80  }
0x72: {  	[tilespmem:s21], [sflag:$0x2] =	stream.indirect.gather [hbm4b:s4+s19], $0x80, s1, s19, $0xb8;
	[tilespmem:$0x1E0C0] =	vst v63  }
0x73: {  	_ =	swait.ge [sflag:s22], $0x4000  }
0x74: {  	[sflag:s22] =	ssyncset.done $0x0  }
0x75: {  	s31 =	simm.s32 $0x1400;
	[sflag:s22] =	ssyncadd.s32 $0xFFFFC000  }
0x76: {  	[spmem:s2] =	stream.indirect.scatter.add.f32 [tilespmem:s20], [sflag:$0x3], $0x80, s31, s19, $0xb8;
	[tilespmem:$0x1E0C0] =	vst v63  }
0x77: {  	_ =	swait.ge [sflag:s16], $0x4000  }
0x78: {  	[sflag:s16] =	ssyncset.done $0x0  }
0x79: {  	s1 =	simm.s32 $0x100;
	[sflag:s16] =	ssyncadd.s32 $0xFFFFC000  }
0x7a: {  	[tilespmem:s20], [sflag:$0x1] =	stream.indirect.gather [hbm4b:s4+s19], $0x80, s1, s19, $0xb8;
	[tilespmem:$0x1E0C0] =	vst v63  }
0x7b: {  	_ =	swait.ge [sflag:s23], $0x4000  }
0x7c: {  	[sflag:s23] =	ssyncset.done $0x0  }
0x7d: {  	s31 =	simm.s32 $0x1480;
	[sflag:s23] =	ssyncadd.s32 $0xFFFFC000  }
0x7e: {  	[spmem:s2] =	stream.indirect.scatter.add.f32 [tilespmem:s21], [sflag:$0x3], $0x80, s31, s19, $0xb8;
	[tilespmem:$0x1E0C0] =	vst v63  }
0x7f: {  	_ =	swait.ge [sflag:s16], $0x4000  }
0x80: {  	s30 =	simm.s32 $0x800;
	s29 =	simm.s32 $0x100;
	[sflag:s16] =	ssyncset.done $0x0  }
.LBB2_4:
0x81: {  	s0 =	sadd.s32 $0x80, s29  }
0x82: {  	[sflag:s16] =	ssyncadd.s32 $0xFFFFC000;
	s1 =	smov.u32 s30;
	s31 =	sadd.s32 $0x400, s30  }
0x83: {  	[tilespmem:s21], [sflag:$0x2] =	stream.indirect.gather [hbm4b:s4+s19], $0x80, s0, s19, $0xb8;
	[tilespmem:$0x1E0C0] =	vst v63  }
0x84: {  	p1 =	sne.s32 s30, $0x4800;
	_ =	swait.ge [sflag:s22], $0x4000  }
0x85: {  	[sflag:s22] =	ssyncset.done $0x0  }
0x86: {  	s0 =	sadd.s32 $0x1400, s29;
	[sflag:s22] =	ssyncadd.s32 $0xFFFFC000  }
0x87: {  	[spmem:s2] =	stream.indirect.scatter.add.f32 [tilespmem:s20], [sflag:$0x3], $0x80, s0, s19, $0xb8;
	[tilespmem:$0x1E0C0] =	vst v63  }
0x88: {  	_ =	swait.ge [sflag:s16], $0x4000  }
0x89: {  	[sflag:s16] =	ssyncset.done $0x0  }
0x8a: {  	s0 =	sadd.s32 $0x100, s29;
	[sflag:s16] =	ssyncadd.s32 $0xFFFFC000  }
0x8b: {  	[tilespmem:s20], [sflag:$0x1] =	stream.indirect.gather [hbm4b:s4+s19], $0x80, s0, s19, $0xb8;
	[tilespmem:$0x1E0C0] =	vst v63  }
0x8c: {  	_ =	swait.ge [sflag:s23], $0x4000  }
.Ltmp1:
0x8d: {  	[sflag:s23] =	ssyncset.done $0x0;
	(pc) =	sbr.rel @p1 .LBB2_4-.Ltmp1, $4  }
0x8e: {  	s0 =	sadd.s32 $0x1480, s29;
	[sflag:s23] =	ssyncadd.s32 $0xFFFFC000  }
0x8f: {  	[spmem:s2] =	stream.indirect.scatter.add.f32 [tilespmem:s21], [sflag:$0x3], $0x80, s0, s19, $0xb8;
	[tilespmem:$0x1E0C0] =	vst v63  }
0x90: {  	_ =	swait.ge [sflag:s16], $0x4000  }
0x91: {  	s30 =	smov.u32 s31;
	s29 =	sshra.s32 s1, $0x2;
	[sflag:s16] =	ssyncset.done $0x0  }
0x92: {  	s0 =	sadd.s32 $0x80, s29;
	[sflag:s16] =	ssyncadd.s32 $0xFFFFC000  }
0x93: {  	[tilespmem:s21], [sflag:$0x2] =	stream.indirect.gather [hbm4b:s4+s19], $0x80, s0, s19, $0xb8;
	[tilespmem:$0x1E0C0] =	vst v63  }
0x94: {  	_ =	swait.ge [sflag:s22], $0x4000  }
0x95: {  	[sflag:s22] =	ssyncset.done $0x0  }
0x96: {  	s1 =	sadd.s32 $0x1400, s29;
	[sflag:s22] =	ssyncadd.s32 $0xFFFFC000  }
0x97: {  	[spmem:s2] =	stream.indirect.scatter.add.f32 [tilespmem:s20], [sflag:$0x3], $0x80, s1, s19, $0xb8;
	[tilespmem:$0x1E0C0] =	vst v63  }
0x98: {  	_ =	swait.ge [sflag:s16], $0x4000  }
0x99: {  	[sflag:s16] =	ssyncset.done $0x0  }
0x9a: {  	s30 =	sadd.s32 $0x100, s29;
	[sflag:s16] =	ssyncadd.s32 $0xFFFFC000  }
0x9b: {  	[tilespmem:s20], [sflag:$0x1] =	stream.indirect.gather [hbm4b:s4+s19], $0x80, s30, s19, $0xb8;
	[tilespmem:$0x1E0C0] =	vst v63  }
0x9c: {  	_ =	swait.ge [sflag:s23], $0x4000  }
0x9d: {  	[sflag:s23] =	ssyncset.done $0x0  }
0x9e: {  	s31 =	sadd.s32 $0x1480, s29;
	[sflag:s23] =	ssyncadd.s32 $0xFFFFC000  }
0x9f: {  	[spmem:s2] =	stream.indirect.scatter.add.f32 [tilespmem:s21], [sflag:$0x3], $0x80, s31, s19, $0xb8;
	[tilespmem:$0x1E0C0] =	vst v63  }
0xa0: {  	_ =	swait.ge [sflag:s16], $0x4000  }
0xa1: {  	[sflag:s16] =	ssyncset.done $0x0  }
0xa2: {  	[sflag:s16] =	ssyncadd.s32 $0xFFFFC000  }
0xa3: {  	[tilespmem:s21], [sflag:$0x2] =	stream.indirect.gather [hbm4b:s4+s19], $0x80, s24, s19, $0xb8;
	[tilespmem:$0x1E0C0] =	vst v63  }
0xa4: {  	_ =	swait.ge [sflag:s22], $0x4000  }
0xa5: {  	[sflag:s22] =	ssyncset.done $0x0  }
0xa6: {  	[sflag:s22] =	ssyncadd.s32 $0xFFFFC000  }
0xa7: {  	[spmem:s2] =	stream.indirect.scatter.add.f32 [tilespmem:s20], [sflag:$0x3], $0x80, s25, s19, $0xb8;
	[tilespmem:$0x1E0C0] =	vst v63  }
0xa8: {  	_ =	swait.ge [sflag:s16], $0x4000  }
0xa9: {  	[sflag:s16] =	ssyncset.done $0x0  }
0xaa: {  	[sflag:s16] =	ssyncadd.s32 $0xFFFFC000  }
0xab: {  	_ =	swait.ge [sflag:s23], $0x4000  }
0xac: {  	[sflag:s23] =	ssyncset.done $0x0  }
0xad: {  	[sflag:s23] =	ssyncadd.s32 $0xFFFFC000  }
0xae: {  	[spmem:s2] =	stream.indirect.scatter.add.f32 [tilespmem:s21], [sflag:$0x3], $0x80, s26, s19, $0xb8;
	[tilespmem:$0x1E0C0] =	vst v63  }
0xaf: {  	_ =	swait.ge [sflag:s16], $0x4000  }
0xb0: {  	[sflag:s16] =	ssyncset.done $0x0  }
0xb1: {  	[sflag:s16] =	ssyncadd.s32 $0xFFFFC000  }
0xb2: {  	[bflag:$0x0] =	sbarrier.arrive $0xFFFF  }
0xb3: {  	[hbm:s12], [sflag:s6] =	dma.local [spmem:s15], $0x2700  }
0xb4: {  	s28 =	sadd.s32 $0x1, s28;
	_ =	swait.ge [sflag:s16], $0x2700  }
0xb5: {  	p1 =	sne.s32 s28, s14;
	[sflag:s16] =	ssyncset.done $0x0  }
.Ltmp2:
0xb6: {  	s0 =	simm.s32 @!p0 $0x3;
	[sflag:s16] =	ssyncadd.s32 $0xFFFFD900;
	(pc) =	sbr.rel @p1 .LBB2_1-.Ltmp2, $4  }
0xb7: {  	[hbm:s13], [sflag:s6] =	dma.local @!p0 [spmem:s17], $0x180  }
0xb8: {  	_ =	swait.ge @!p0 [sflag:s0], $0x180  }
0xb9: {  	[sflag:s0] =	ssyncset.done @!p0 $0x0  }
0xba: {  	[sflag:s0] =	ssyncadd.s32 @!p0 $0xFFFFFE80  }
0xbb: {  	_ =	sfence.sel $0x180000  }
0xbc: {  	[bflag:$0x0] =	sbarrier.arrive $0xFFFF  }
0xbd: {  	_ =	strace $0x9000004D  }
0xbe: {  	s0 =	stileid.u32;
	[bflag:$0x2] =	sbarrier.arrive $0xFFFF  }
0xbf: {  	p0 =	sne.s32 s0, $0x0;
	s0 =	rddreg [dreg:$0x2]  }
0xc0: {  	s0 =	sadd.s32 @!p0 $0x100000, s0  }
0xc1: {  	[sflag:s0] =	ssyncadd.tile.s32 @!p0 $0x1;
	_ =	shalt  }
.Lfunc_end2:
_tile_overlayer_lowered:
.L_overlay_start_2:
0xc2: {  	(tag) =	ssettag $0x2  }
0xc3: {  	s0 =	rddreg [dreg:$0x0];
	s2 =	stileid.u32  }
0xc4: {  	s1 =	rddreg [dreg:$0x1];
	p0 =	sne.s32 s2, $0x0  }
0xc5: {  	s3 =	rddreg [dreg:$0x2];
	[bflag:$0x3] =	sbarrier.arrive $0xFFFF;
	s2 =	simm.s32 @!p0 $0x1C03  }
0xc6: {  	[timem:s3], [sflag:s2] =	dma.local @!p0 [hbm:s0], s1  }
0xc7: {  	s0 =	simm.s32 @!p0 $0x3  }
0xc8: {  	_ =	swait.ge @!p0 [sflag:s0], s1  }
0xc9: {  	s1 =	ssub.s32 @!p0 $0x0, s1;
	[sflag:s0] =	ssyncset.done @!p0 $0x0  }
0xca: {  	[sflag:s0] =	ssyncadd.s32 @!p0 s1  }
0xcb: {  	[bflag:$0x3] =	sbarrier.arrive $0xFFFF  }
0xcc: {  	_ =	shalt  }

// kernel: kernel.23.cloned.1.call-start
scs
__scs_entry_jumppad:
0x0: {  	(pc) =	sbr.rel $0x88, $3  }
0x1: {  	(tag) =	ssettag $0x0;
	lr =	simm.s32 $0x1  }
0x2: {  	[smem:$0x3F91] =	sst lr;
	_ =	strace $0xD0000000  }
0x3: {  	_ = 	snop  }
0x4: {  	_ = 	snop  }
0x5: {  	_ = 	snop  }
0x6: {  	_ = 	snop  }
0x7: {  	_ = 	snop  }
__scs_overlays_trampoline_lowered:
0x8: {  	[smem:$0x3FA0] =	sst s0  }
0x9: {  	[smem:$0x3FA1] =	sst s1  }
0xa: {  	[smem:$0x3FA2] =	sst s2  }
0xb: {  	[smem:$0x3FA3] =	sst s3  }
0xc: {  	[smem:$0x3FA4] =	sst s4  }
0xd: {  	[smem:$0x3FA5] =	sst s5  }
0xe: {  	[smem:$0x3FA6] =	sst s6  }
0xf: {  	[smem:$0x3FA7] =	sst s7  }
0x10: {  	[smem:$0x3FA8] =	sst s8  }
0x11: {  	[smem:$0x3FA9] =	sst s9;
	s0 =	simm.s32 @!p0 $0x0  }
0x12: {  	s1 =	sld [smem:$0x3F8F];
	s0 =	simm.s32 @p0 $0x1  }
0x13: {  	[smem:$0x3FAA] =	sst s0;
	s0 =	simm.s32 @!p1 $0x0  }
0x14: {  	s2 =	sld [smem:$0x3F8E];
	s0 =	simm.s32 @p1 $0x1  }
0x15: {  	[smem:$0x3FAB] =	sst s0;
	s0 =	simm.s32 @!p2 $0x0  }
0x16: {  	s3 =	sld [smem:$0x3FDB];
	s0 =	simm.s32 @p2 $0x1  }
0x17: {  	s4 =	simm.s32 $0x1BF5;
	[smem:$0x3FAD] =	sst s0  }
0x18: {  	s0 =	sld [smem:$0x3F90];
	_ =	swait.ge [sflag:s4], $0x0  }
0x19: {  	s7 =	sld [smem:$0x3F91]  }
0x1a: {  	s8 =	sadd.s32 $0xFFFFE003, lr  }
0x1b: {  	s9 =	sadd.s32 $0xFFFFFEF7, lr;
	s5 =	simm.s32 $0xFFFFFFFF;
	p2 =	slt.u32 s8, $0xFFFFF086  }
0x1c: {  	p1 =	slt.u32 s9, $0xF7A;
	s5 =	simm.s32 @!p2 $0x0  }
0x1d: {  	s5 =	simm.s32 @p1 $0x1;
	p0 =	seq.s32 s7, s2  }
0x1e: {  	s7 =	smul.u32 @!p0 $0xF7A, s2;
	p2 =	seq.s32 @!p0 s5, $0x0  }
0x1f: {  	s9 =	smul.u32 $0xF7A, s1;
	s8 =	simm.s32 @!p0 $0x1BF5;
	p2 =	por !p2, p0  }
0x20: {  	[sflag:s8] =	ssyncset.s32 @!p0 $0xFFFFF086;
	s6 =	sadd.s32 @!p0 s3, s7;
	s7 =	simm.s32 @!p0 $0x108  }
0x21: {  	s3 =	sadd.s32 s3, s9;
	s6 =	sadd.s32 @!p0 $0x88, s6;
	s7 =	simm.s32 @p2 $0x1082  }
0x22: {  	[simem:s7], [sflag:s8] =	dma.local @!p0 [hbm:s6], $0xF7A  }
0x23: {  	s9 =	sor.u32 $0xD0000000, s2;
	s6 =	simm.s32 $0x108;
	_ =	swait.ge @!p0 [sflag:s8], $0x0  }
0x24: {  	s3 =	sadd.s32 $0x88, s3;
	s6 =	simm.s32 @!p1 $0x1082;
	[sflag:s4] =	ssyncset.s32 $0xFFFFF086  }
0x25: {  	[simem:s6], [sflag:s4] =	dma.local [hbm:s3], $0xF7A  }
0x26: {  	[smem:$0x3F91] =	sst s1;
	(tag) =	ssettag s2;
	_ =	strace s9  }
0x27: {  	s1 =	sld [smem:$0x3FA1]  }
0x28: {  	s2 =	sld [smem:$0x3FA2]  }
0x29: {  	s4 =	sld [smem:$0x3FA4]  }
0x2a: {  	p0 =	seq.s32 s5, $0x0;
	s5 =	sld [smem:$0x3FA5]  }
0x2b: {  	s6 =	sld [smem:$0x3FA6]  }
0x2c: {  	s7 =	sld [smem:$0x3FA7]  }
0x2d: {  	s3 =	simm.s32 $0x108;
	s8 =	sld [smem:$0x3FA8]  }
0x2e: {  	s3 =	simm.s32 @!p0 $0x1082;
	s9 =	sld [smem:$0x3FA9]  }
0x2f: {  	lr =	sadd.s32 s0, s3;
	s0 =	sld [smem:$0x3FA0]  }
0x30: {  	s3 =	sld [smem:$0x3FA3]  }
0x31: {  	[smem:$0x3FAC] =	sst s10  }
0x32: {  	s10 =	sld [smem:$0x3FAA];
	_ =	sdelay $0x3  }
0x33: {  	p0 =	seq.s32 s10, $0x1;
	s10 =	sld [smem:$0x3FAC];
	_ =	sdelay $0x3  }
0x34: {  	[smem:$0x3FAC] =	sst s10  }
0x35: {  	s10 =	sld [smem:$0x3FAB];
	_ =	sdelay $0x3  }
0x36: {  	p1 =	seq.s32 s10, $0x1;
	s10 =	sld [smem:$0x3FAC];
	_ =	sdelay $0x3  }
0x37: {  	[smem:$0x3FAC] =	sst s10  }
0x38: {  	s10 =	sld [smem:$0x3FAD]  }
0x39: {  	_ = 	snop;
	(pc) =	sbr.ind lr, $3  }
0x3a: {  	_ = 	snop  }
0x3b: {  	_ = 	snop  }
0x3c: {  	p2 =	seq.s32 s10, $0x1;
	s10 =	sld [smem:$0x3FAC]  }
0x3d: {  	_ =	shalt  }
0x3e: {  	_ =	shalt  }
0x3f: {  	_ =	shalt  }
0x40: {  	_ =	shalt  }
0x41: {  	_ =	shalt  }
0x42: {  	_ =	shalt  }
0x43: {  	_ =	shalt  }
0x44: {  	_ =	shalt  }
0x45: {  	_ =	shalt  }
0x46: {  	_ =	shalt  }
0x47: {  	_ =	shalt  }
0x48: {  	_ =	shalt  }
0x49: {  	_ =	shalt  }
0x4a: {  	_ =	shalt  }
0x4b: {  	_ =	shalt  }
0x4c: {  	_ =	shalt  }
0x4d: {  	_ =	shalt  }
0x4e: {  	_ =	shalt  }
0x4f: {  	_ =	shalt  }
0x50: {  	_ =	shalt  }
0x51: {  	_ =	shalt  }
0x52: {  	_ =	shalt  }
0x53: {  	_ =	shalt  }
0x54: {  	_ =	shalt  }
0x55: {  	_ =	shalt  }
0x56: {  	_ =	shalt  }
0x57: {  	_ =	shalt  }
0x58: {  	_ =	shalt  }
0x59: {  	_ =	shalt  }
0x5a: {  	_ =	shalt  }
0x5b: {  	_ =	shalt  }
0x5c: {  	_ =	shalt  }
0x5d: {  	_ =	shalt  }
0x5e: {  	_ =	shalt  }
0x5f: {  	_ =	shalt  }
0x60: {  	_ =	shalt  }
0x61: {  	_ =	shalt  }
0x62: {  	_ =	shalt  }
0x63: {  	_ =	shalt  }
0x64: {  	_ =	shalt  }
0x65: {  	_ =	shalt  }
0x66: {  	_ =	shalt  }
0x67: {  	_ =	shalt  }
0x68: {  	_ =	shalt  }
0x69: {  	_ =	shalt  }
0x6a: {  	_ =	shalt  }
0x6b: {  	_ =	shalt  }
0x6c: {  	_ =	shalt  }
0x6d: {  	_ =	shalt  }
0x6e: {  	_ =	shalt  }
0x6f: {  	_ =	shalt  }
0x70: {  	_ =	shalt  }
0x71: {  	_ =	shalt  }
0x72: {  	_ =	shalt  }
0x73: {  	_ =	shalt  }
0x74: {  	_ =	shalt  }
0x75: {  	_ =	shalt  }
0x76: {  	_ =	shalt  }
0x77: {  	_ =	shalt  }
0x78: {  	_ =	shalt  }
0x79: {  	_ =	shalt  }
0x7a: {  	_ =	shalt  }
0x7b: {  	_ =	shalt  }
0x7c: {  	_ =	shalt  }
0x7d: {  	_ =	shalt  }
0x7e: {  	_ =	shalt  }
0x7f: {  	_ =	shalt  }
0x80: {  	_ =	shalt  }
0x81: {  	_ =	shalt  }
0x82: {  	_ =	shalt  }
0x83: {  	_ =	shalt  }
0x84: {  	_ =	shalt  }
0x85: {  	_ =	shalt  }
0x86: {  	_ =	shalt  }
0x87: {  	_ =	shalt  }
.Lfunc_end0:
.L_simem_size_0:
called_computation.3_lowered:
.L_overlay_start_0:
0x88: {  	s2 =	sld [smem:$0x3FD9]  }
0x89: {  	s3 =	sld [smem:$0x3FFE];
	_ =	sdelay $0x1  }
0x8a: {  	s1 =	srdreg.scid  }
0x8b: {  	s0 =	sand.u32 $0x1, s1  }
0x8c: {  	s16 =	sshll.u32 s0, $0xA;
	s2 =	sadd.s32 s3, s2  }
0x8d: {  	s2 =	sadd.s32 s2, s16  }
0x8e: {  	[smem:$0x3FB8] =	sst s2  }
0x8f: {  	_ = 	snop  }
0x90: {  	(tm) =	ssettm $0x1  }
0x91: {  	s17 =	sld [smem:$0x3FFB];
	_ =	sdelay $0x3  }
0x92: {  	_ =	strace s17  }
0x93: {  	s2 =	sld [smem:$0x3FFC];
	_ =	sdelay $0x3  }
0x94: {  	_ =	strace s2  }
0x95: {  	s2 =	sld [smem:$0x3FFD];
	_ =	sdelay $0x3  }
0x96: {  	_ =	strace s2  }
0x97: {  	_ =	strace $0x8FFFFFFF  }
0x98: {  	s18 =	sld [smem:$0x3FDB];
	_ =	sdelay $0x1  }
0x99: {  	s19 =	simm.s32 $_scs_section_size  }
0x9a: {  	s4 =	simm.s32 $_size__tile_overlayer_lowered;
	s5 =	simm.s32 $_tile_overlayer_lowered  }
0x9b: {  	s22 =	simm.s32 $0x1BFF;
	s21 =	sshll.u32 s5, $0x1;
	s2 =	sadd.s32 s19, s18  }
0x9c: {  	s6 =	simm.s32 $0x0;
	s20 =	sshll.u32 s4, $0x1;
	s4 =	sadd.s32 s21, s2  }
0x9d: {  	[timem:s6], [sflag:s22] =	dma.local [hbm:s4], s20  }
0x9e: {  	_ =	swait.ge [sflag:s22], s20  }
0x9f: {  	s3 =	ssub.s32 $0x0, s20;
	[sflag:s22] =	ssyncset.done $0x0  }
0xa0: {  	[sflag:s22] =	ssyncadd.s32 s3;
	_ =	sdelay $0x1  }
0xa1: {  	s23 =	simm.s32 $0x1B8B  }
0xa2: {  	_ =	swait.ge [sflag:s23], $0x1  }
0xa3: {  	[sflag:s23] =	ssyncset.done $0x0  }
0xa4: {  	s25 =	simm.s32 $0x1B8E;
	s24 =	sld [smem:$0x3FFE];
	[sflag:s23] =	ssyncadd.s32 $0xFFFFFFFF  }
0xa5: {  	s26 =	simm.s32 $execute0_lowered;
	[smem:$0x3FD2] =	sst s25  }
0xa6: {  	s4 =	sshll.u32 s26, $0x1;
	_ =	strace $0x8000004F;
	[dreg:$0x1] =	wrdreg $0xFFFFFFFF  }
0xa7: {  	s28 =	simm.s32 $_size_execute0_lowered;
	s2 =	sadd.s32 s2, s4;
	[dreg:$0x0] =	wrdreg $0x0  }
0xa8: {  	s4 =	sshll.u32 s28, $0x1;
	[dreg:$0x2] =	wrdreg s2  }
0xa9: {  	[dreg:$0x3] =	wrdreg s4  }
0xaa: {  	[dreg:$0x4] =	wrdreg $0xC0  }
0xab: {  	_ =	task [dreg:s6], $0x5FFFF  }
0xac: {  	[dreg:$0x1] =	wrdreg $0xFFFFFFFF  }
0xad: {  	[dreg:$0x0] =	wrdreg $0x60  }
0xae: {  	[dreg:$0x2] =	wrdreg s24  }
0xaf: {  	[dreg:$0x3] =	wrdreg $0xA8000  }
0xb0: {  	[dreg:$0x4] =	wrdreg $0x9  }
0xb1: {  	_ =	task.clear_ibuf [dreg:s6], $0x5FFFF;
	_ =	strace $0x9000004F  }
0xb2: {  	s29 =	simm.s32 $0x9;
	_ =	strace $0x80000051  }
0xb3: {  	_ =	swait.ge [sflag:s29], $0x1  }
0xb4: {  	[sflag:s29] =	ssyncadd.s32 $0xFFFFFFFF  }
0xb5: {  	_ =	strace $0x90000051  }
0xb6: {  	_ =	sfence  }
0xb7: {  	s30 =	sld [smem:$0x0];
	_ =	sdelay $0x2  }
0xb8: {  	s31 =	sshll.u32 s1, $0xD;
	s1 =	sshrl.u32 s1, $0x2  }
0xb9: {  	s3 =	sand.u32 $0x4000, s31;
	s1 =	sadd.s32 s1, s30  }
0xba: {  	s0 =	sor.u32 s3, s0;
	s1 =	sshll.u32 s1, $0x11  }
0xbb: {  	s0 =	sor.u32 s1, s0  }
0xbc: {  	s0 =	sadd.s32 $0x8F2B, s0  }
0xbd: {  	[sflag:s0] =	ssyncadd.remote.s32 $0x1  }
0xbe: {  	_ =	sfence.sel $0xFFFF  }
0xbf: {  	[dreg:$0x0] =	wrdreg $0xFFFFFFFF;
	(pc) =	sbr.abs _section_cstart, $3  }
0xc0: {  	[dreg:$0x1] =	wrdreg $0xFFFFFFFF  }
0xc1: {  	_ =	task.clear_ibuf [dreg:s6], $0x2FFFF;
	_ =	strace $0x9FFFFFFF  }
0xc2: {  	(tm) =	ssettm $0x7FFFFFFF  }
0xc3: {  	_ =	shalt  }
tec
execute0_lowered:
.L_overlay_start_1:
0x0: {  	(tag) =	ssettag $0x1  }
0x1: {  	s7 =	rddreg [dreg:$0x0]  }
0x2: {  	s2 =	rddreg [dreg:$0x1];
	s3 =	simm.s32 $0x0;
	s0 =	stileid.u32  }
0x3: {  	s5 =	srdreg.scid;
	s20 =	simm.s32 $0x2800;
	s21 =	simm.s32 $0x6800  }
0x4: {  	s22 =	simm.s32 $0x1;
	s23 =	simm.s32 $0x2;
	s24 =	simm.s32 $0x1380  }
0x5: {  	s28 =	simm.s32 $0x0;
	[smem:$0x7FF] =	sst s3;
	s10 =	smul.u32 $0x13800, s0  }
0x6: {  	s4 =	sadd.s32 $0x8F400, s7;
	s11 =	sadd.s32 $0xF600, s7;
	s12 =	sadd.s32 $0x5600, s7  }
0x7: {  	s8 =	sand.u32 $0x1, s5;
	s9 =	smul.u32 $0x4E000, s0;
	s13 =	sadd.s32 $0xB6600, s7  }
0x8: {  	s30 =	sshll.u32 s0, $0x6;
	s17 =	sadd.s32 $0x138000, s2;
	p0 =	sne.s32 s0, $0xF  }
0x9: {  	_ =	strace $0x80000050;
	s26 =	ssub.s32 $0x2, s8;
	s15 =	sshll.u32 s8, $0x4  }
0xa: {  	s18 =	smul.u32 $0x138C00, s8;
	s17 =	sshrl.u32 @!p0 s17, $0x3;
	s6 =	sshrl.u32 s10, $0x3  }
0xb: {  	s14 =	sshrl.u32 s26, $0x1;
	s15 =	sor.u32 s0, s15;
	s29 =	sshrl.u32 s9, $0x2  }
0xc: {  	s25 =	sadd.s32 s6, s7;
	s14 =	ssub.s32 s26, s14;
	s31 =	smul.u32 $0x500, s15  }
0xd: {  	s16 =	sadd.s32 s29, s2;
	s6 =	sor.u32 $0x1C03, s30;
	s15 =	smul.u32 $0x2800, s15  }
0xe: {  	s7 =	sadd.s32 $0x40E00, s7;
	s19 =	sadd.s32 s10, s18;
	s18 =	sshrl.u32 s18, $0x3  }
0xf: {  	s26 =	simm.s32 $0x2780;
	s5 =	sadd.s32 $0x19E00, s25;
	s19 =	sshrl.u32 s19, $0x3  }
0x10: {  	s18 =	sadd.s32 s13, s18;
	s14 =	smax.u32 s14, $0x1;
	s15 =	sshrl.u32 s15, $0x3  }
0x11: {  	s25 =	simm.s32 $0x2700;
	s8 =	sadd.s32 s11, s31;
	s15 =	sadd.s32 $0x280, s15  }
0x12: {  	s9 =	sadd.s32 s12, s31;
	s10 =	sadd.s32 s11, s15;
	s11 =	sadd.s32 s12, s15  }
0x13: {  	s12 =	sadd.s32 s13, s19;
	s13 =	sadd.s32 $0x27000, s18;
	s15 =	sshrl.u32 s16, $0x3  }
0x14: {  	s16 =	simm.s32 $0x3;
	s18 =	simm.s32 $0x1400;
	s19 =	simm.s32 $0x80  }
.LBB2_1:
0x15: {  	[spmem:s15], [sflag:s6] =	dma.local [hbm:s5], $0x2700  }
0x16: {  	_ =	swait.ge [sflag:s16], $0x2700  }
0x17: {  	[sflag:s16] =	ssyncset.done $0x0  }
0x18: {  	s29 =	simm.s32 @!p0 $0x3;
	[sflag:s16] =	ssyncadd.s32 $0xFFFFD900  }
0x19: {  	[spmem:s17], [sflag:s6] =	dma.local @!p0 [hbm:s7], $0x180  }
0x1a: {  	_ =	swait.ge @!p0 [sflag:s29], $0x180  }
0x1b: {  	[sflag:s29] =	ssyncset.done @!p0 $0x0  }
0x1c: {  	[sflag:s29] =	ssyncadd.s32 @!p0 $0xFFFFFE80  }
0x1d: {  	[bflag:$0x0] =	sbarrier.arrive $0xFFFF  }
0x1e: {  	[tilespmem:s3], [sflag:$0x3] =	stream.linear.gather [hbm4b:s8+s3], $0x1400, $0x38;
	[tilespmem:$0x1E0C0] =	vst v63  }
0x1f: {  	_ =	swait.ge [sflag:s16], $0x1400  }
0x20: {  	[sflag:s16] =	ssyncset.done $0x0  }
0x21: {  	[sflag:s16] =	ssyncadd.s32 $0xFFFFEC00  }
0x22: {  	[tilespmem:s18], [sflag:$0x3] =	stream.linear.gather [hbm4b:s9+s3], $0x1400, $0x38;
	[tilespmem:$0x1E0C0] =	vst v63  }
0x23: {  	_ =	swait.ge [sflag:s16], $0x1400  }
0x24: {  	[sflag:s16] =	ssyncset.done $0x0  }
0x25: {  	[sflag:s16] =	ssyncadd.s32 $0xFFFFEC00  }
0x26: {  	[tilespmem:s20], [sflag:$0x1] =	stream.indirect.gather [hbm4b:s4+s19], $0x80, s3, s19, $0xb8;
	[tilespmem:$0x1E0C0] =	vst v63  }
0x27: {  	s29 =	simm.s32 $0x80  }
0x28: {  	[tilespmem:s21], [sflag:$0x2] =	stream.indirect.gather [hbm4b:s4+s19], $0x80, s29, s19, $0xb8;
	[tilespmem:$0x1E0C0] =	vst v63  }
0x29: {  	_ =	swait.ge [sflag:s22], $0x4000  }
0x2a: {  	[sflag:s22] =	ssyncset.done $0x0  }
0x2b: {  	s29 =	simm.s32 $0x1400;
	[sflag:s22] =	ssyncadd.s32 $0xFFFFC000  }
0x2c: {  	[spmem:s2] =	stream.indirect.scatter.add.f32 [tilespmem:s20], [sflag:$0x3], $0x80, s29, s19, $0xb8;
	[tilespmem:$0x1E0C0] =	vst v63  }
0x2d: {  	_ =	swait.ge [sflag:s16], $0x4000  }
0x2e: {  	[sflag:s16] =	ssyncset.done $0x0  }
0x2f: {  	s29 =	simm.s32 $0x100;
	[sflag:s16] =	ssyncadd.s32 $0xFFFFC000  }
0x30: {  	[tilespmem:s20], [sflag:$0x1] =	stream.indirect.gather [hbm4b:s4+s19], $0x80, s29, s19, $0xb8;
	[tilespmem:$0x1E0C0] =	vst v63  }
0x31: {  	_ =	swait.ge [sflag:s23], $0x4000  }
0x32: {  	[sflag:s23] =	ssyncset.done $0x0  }
0x33: {  	s29 =	simm.s32 $0x1480;
	[sflag:s23] =	ssyncadd.s32 $0xFFFFC000  }
0x34: {  	[spmem:s2] =	stream.indirect.scatter.add.f32 [tilespmem:s21], [sflag:$0x3], $0x80, s29, s19, $0xb8;
	[tilespmem:$0x1E0C0] =	vst v63  }
0x35: {  	_ =	swait.ge [sflag:s16], $0x4000  }
0x36: {  	s30 =	simm.s32 $0x800;
	s29 =	simm.s32 $0x100;
	[sflag:s16] =	ssyncset.done $0x0  }
.LBB2_2:
0x37: {  	s31 =	sadd.s32 $0x80, s29  }
0x38: {  	[sflag:s16] =	ssyncadd.s32 $0xFFFFC000;
	s0 =	smov.u32 s30;
	s1 =	sadd.s32 $0x400, s30  }
0x39: {  	[tilespmem:s21], [sflag:$0x2] =	stream.indirect.gather [hbm4b:s4+s19], $0x80, s31, s19, $0xb8;
	[tilespmem:$0x1E0C0] =	vst v63  }
0x3a: {  	p1 =	sne.s32 s30, $0x4800;
	_ =	swait.ge [sflag:s22], $0x4000  }
0x3b: {  	[sflag:s22] =	ssyncset.done $0x0  }
0x3c: {  	s30 =	sadd.s32 $0x1400, s29;
	[sflag:s22] =	ssyncadd.s32 $0xFFFFC000  }
0x3d: {  	[spmem:s2] =	stream.indirect.scatter.add.f32 [tilespmem:s20], [sflag:$0x3], $0x80, s30, s19, $0xb8;
	[tilespmem:$0x1E0C0] =	vst v63  }
0x3e: {  	_ =	swait.ge [sflag:s16], $0x4000  }
0x3f: {  	[sflag:s16] =	ssyncset.done $0x0  }
0x40: {  	s30 =	sadd.s32 $0x100, s29;
	[sflag:s16] =	ssyncadd.s32 $0xFFFFC000  }
0x41: {  	[tilespmem:s20], [sflag:$0x1] =	stream.indirect.gather [hbm4b:s4+s19], $0x80, s30, s19, $0xb8;
	[tilespmem:$0x1E0C0] =	vst v63  }
0x42: {  	_ =	swait.ge [sflag:s23], $0x4000  }
.Ltmp0:
0x43: {  	[sflag:s23] =	ssyncset.done $0x0;
	(pc) =	sbr.rel @p1 .LBB2_2-.Ltmp0, $4  }
0x44: {  	s29 =	sadd.s32 $0x1480, s29;
	[sflag:s23] =	ssyncadd.s32 $0xFFFFC000  }
0x45: {  	[spmem:s2] =	stream.indirect.scatter.add.f32 [tilespmem:s21], [sflag:$0x3], $0x80, s29, s19, $0xb8;
	[tilespmem:$0x1E0C0] =	vst v63  }
0x46: {  	_ =	swait.ge [sflag:s16], $0x4000  }
0x47: {  	s30 =	smov.u32 s1;
	s29 =	sshra.s32 s0, $0x2;
	[sflag:s16] =	ssyncset.done $0x0  }
0x48: {  	s0 =	sadd.s32 $0x80, s29;
	[sflag:s16] =	ssyncadd.s32 $0xFFFFC000  }
0x49: {  	[tilespmem:s21], [sflag:$0x2] =	stream.indirect.gather [hbm4b:s4+s19], $0x80, s0, s19, $0xb8;
	[tilespmem:$0x1E0C0] =	vst v63  }
0x4a: {  	_ =	swait.ge [sflag:s22], $0x4000  }
0x4b: {  	[sflag:s22] =	ssyncset.done $0x0  }
0x4c: {  	s1 =	sadd.s32 $0x1400, s29;
	[sflag:s22] =	ssyncadd.s32 $0xFFFFC000  }
0x4d: {  	[spmem:s2] =	stream.indirect.scatter.add.f32 [tilespmem:s20], [sflag:$0x3], $0x80, s1, s19, $0xb8;
	[tilespmem:$0x1E0C0] =	vst v63  }
0x4e: {  	_ =	swait.ge [sflag:s16], $0x4000  }
0x4f: {  	[sflag:s16] =	ssyncset.done $0x0  }
0x50: {  	s31 =	sadd.s32 $0x100, s29;
	[sflag:s16] =	ssyncadd.s32 $0xFFFFC000  }
0x51: {  	[tilespmem:s20], [sflag:$0x1] =	stream.indirect.gather [hbm4b:s4+s19], $0x80, s31, s19, $0xb8;
	[tilespmem:$0x1E0C0] =	vst v63  }
0x52: {  	_ =	swait.ge [sflag:s23], $0x4000  }
0x53: {  	[sflag:s23] =	ssyncset.done $0x0  }
0x54: {  	s1 =	sadd.s32 $0x1480, s29;
	[sflag:s23] =	ssyncadd.s32 $0xFFFFC000  }
0x55: {  	[spmem:s2] =	stream.indirect.scatter.add.f32 [tilespmem:s21], [sflag:$0x3], $0x80, s1, s19, $0xb8;
	[tilespmem:$0x1E0C0] =	vst v63  }
0x56: {  	_ =	swait.ge [sflag:s16], $0x4000  }
0x57: {  	[sflag:s16] =	ssyncset.done $0x0  }
0x58: {  	[sflag:s16] =	ssyncadd.s32 $0xFFFFC000  }
0x59: {  	[tilespmem:s21], [sflag:$0x2] =	stream.indirect.gather [hbm4b:s4+s19], $0x80, s24, s19, $0xb8;
	[tilespmem:$0x1E0C0] =	vst v63  }
0x5a: {  	_ =	swait.ge [sflag:s22], $0x4000  }
0x5b: {  	[sflag:s22] =	ssyncset.done $0x0  }
0x5c: {  	[sflag:s22] =	ssyncadd.s32 $0xFFFFC000  }
0x5d: {  	[spmem:s2] =	stream.indirect.scatter.add.f32 [tilespmem:s20], [sflag:$0x3], $0x80, s25, s19, $0xb8;
	[tilespmem:$0x1E0C0] =	vst v63  }
0x5e: {  	_ =	swait.ge [sflag:s16], $0x4000  }
0x5f: {  	[sflag:s16] =	ssyncset.done $0x0  }
0x60: {  	[sflag:s16] =	ssyncadd.s32 $0xFFFFC000  }
0x61: {  	_ =	swait.ge [sflag:s23], $0x4000  }
0x62: {  	[sflag:s23] =	ssyncset.done $0x0  }
0x63: {  	[sflag:s23] =	ssyncadd.s32 $0xFFFFC000  }
0x64: {  	[spmem:s2] =	stream.indirect.scatter.add.f32 [tilespmem:s21], [sflag:$0x3], $0x80, s26, s19, $0xb8;
	[tilespmem:$0x1E0C0] =	vst v63  }
0x65: {  	_ =	swait.ge [sflag:s16], $0x4000  }
0x66: {  	[sflag:s16] =	ssyncset.done $0x0  }
0x67: {  	s31 =	simm.s32 $0x0;
	[sflag:s16] =	ssyncadd.s32 $0xFFFFC000  }
0x68: {  	[tilespmem:s31], [sflag:$0x3] =	stream.linear.gather [hbm4b:s10+s31], $0x1400, $0x38;
	[tilespmem:$0x1E0C0] =	vst v63  }
0x69: {  	_ =	swait.ge [sflag:s16], $0x1400  }
0x6a: {  	[sflag:s16] =	ssyncset.done $0x0  }
0x6b: {  	[sflag:s16] =	ssyncadd.s32 $0xFFFFEC00  }
0x6c: {  	[tilespmem:s18], [sflag:$0x3] =	stream.linear.gather [hbm4b:s11+s31], $0x1400, $0x38;
	[tilespmem:$0x1E0C0] =	vst v63  }
0x6d: {  	_ =	swait.ge [sflag:s16], $0x1400  }
0x6e: {  	[sflag:s16] =	ssyncset.done $0x0  }
0x6f: {  	[sflag:s16] =	ssyncadd.s32 $0xFFFFEC00  }
0x70: {  	[tilespmem:s20], [sflag:$0x1] =	stream.indirect.gather [hbm4b:s4+s19], $0x80, s31, s19, $0xb8;
	[tilespmem:$0x1E0C0] =	vst v63  }
0x71: {  	s1 =	simm.s32 $0x80  }
0x72: {  	[tilespmem:s21], [sflag:$0x2] =	stream.indirect.gather [hbm4b:s4+s19], $0x80, s1, s19, $0xb8;
	[tilespmem:$0x1E0C0] =	vst v63  }
0x73: {  	_ =	swait.ge [sflag:s22], $0x4000  }
0x74: {  	[sflag:s22] =	ssyncset.done $0x0  }
0x75: {  	s31 =	simm.s32 $0x1400;
	[sflag:s22] =	ssyncadd.s32 $0xFFFFC000  }
0x76: {  	[spmem:s2] =	stream.indirect.scatter.add.f32 [tilespmem:s20], [sflag:$0x3], $0x80, s31, s19, $0xb8;
	[tilespmem:$0x1E0C0] =	vst v63  }
0x77: {  	_ =	swait.ge [sflag:s16], $0x4000  }
0x78: {  	[sflag:s16] =	ssyncset.done $0x0  }
0x79: {  	s1 =	simm.s32 $0x100;
	[sflag:s16] =	ssyncadd.s32 $0xFFFFC000  }
0x7a: {  	[tilespmem:s20], [sflag:$0x1] =	stream.indirect.gather [hbm4b:s4+s19], $0x80, s1, s19, $0xb8;
	[tilespmem:$0x1E0C0] =	vst v63  }
0x7b: {  	_ =	swait.ge [sflag:s23], $0x4000  }
0x7c: {  	[sflag:s23] =	ssyncset.done $0x0  }
0x7d: {  	s31 =	simm.s32 $0x1480;
	[sflag:s23] =	ssyncadd.s32 $0xFFFFC000  }
0x7e: {  	[spmem:s2] =	stream.indirect.scatter.add.f32 [tilespmem:s21], [sflag:$0x3], $0x80, s31, s19, $0xb8;
	[tilespmem:$0x1E0C0] =	vst v63  }
0x7f: {  	_ =	swait.ge [sflag:s16], $0x4000  }
0x80: {  	s30 =	simm.s32 $0x800;
	s29 =	simm.s32 $0x100;
	[sflag:s16] =	ssyncset.done $0x0  }
.LBB2_4:
0x81: {  	s0 =	sadd.s32 $0x80, s29  }
0x82: {  	[sflag:s16] =	ssyncadd.s32 $0xFFFFC000;
	s1 =	smov.u32 s30;
	s31 =	sadd.s32 $0x400, s30  }
0x83: {  	[tilespmem:s21], [sflag:$0x2] =	stream.indirect.gather [hbm4b:s4+s19], $0x80, s0, s19, $0xb8;
	[tilespmem:$0x1E0C0] =	vst v63  }
0x84: {  	p1 =	sne.s32 s30, $0x4800;
	_ =	swait.ge [sflag:s22], $0x4000  }
0x85: {  	[sflag:s22] =	ssyncset.done $0x0  }
0x86: {  	s0 =	sadd.s32 $0x1400, s29;
	[sflag:s22] =	ssyncadd.s32 $0xFFFFC000  }
0x87: {  	[spmem:s2] =	stream.indirect.scatter.add.f32 [tilespmem:s20], [sflag:$0x3], $0x80, s0, s19, $0xb8;
	[tilespmem:$0x1E0C0] =	vst v63  }
0x88: {  	_ =	swait.ge [sflag:s16], $0x4000  }
0x89: {  	[sflag:s16] =	ssyncset.done $0x0  }
0x8a: {  	s0 =	sadd.s32 $0x100, s29;
	[sflag:s16] =	ssyncadd.s32 $0xFFFFC000  }
0x8b: {  	[tilespmem:s20], [sflag:$0x1] =	stream.indirect.gather [hbm4b:s4+s19], $0x80, s0, s19, $0xb8;
	[tilespmem:$0x1E0C0] =	vst v63  }
0x8c: {  	_ =	swait.ge [sflag:s23], $0x4000  }
.Ltmp1:
0x8d: {  	[sflag:s23] =	ssyncset.done $0x0;
	(pc) =	sbr.rel @p1 .LBB2_4-.Ltmp1, $4  }
0x8e: {  	s0 =	sadd.s32 $0x1480, s29;
	[sflag:s23] =	ssyncadd.s32 $0xFFFFC000  }
0x8f: {  	[spmem:s2] =	stream.indirect.scatter.add.f32 [tilespmem:s21], [sflag:$0x3], $0x80, s0, s19, $0xb8;
	[tilespmem:$0x1E0C0] =	vst v63  }
0x90: {  	_ =	swait.ge [sflag:s16], $0x4000  }
0x91: {  	s30 =	smov.u32 s31;
	s29 =	sshra.s32 s1, $0x2;
	[sflag:s16] =	ssyncset.done $0x0  }
0x92: {  	s0 =	sadd.s32 $0x80, s29;
	[sflag:s16] =	ssyncadd.s32 $0xFFFFC000  }
0x93: {  	[tilespmem:s21], [sflag:$0x2] =	stream.indirect.gather [hbm4b:s4+s19], $0x80, s0, s19, $0xb8;
	[tilespmem:$0x1E0C0] =	vst v63  }
0x94: {  	_ =	swait.ge [sflag:s22], $0x4000  }
0x95: {  	[sflag:s22] =	ssyncset.done $0x0  }
0x96: {  	s1 =	sadd.s32 $0x1400, s29;
	[sflag:s22] =	ssyncadd.s32 $0xFFFFC000  }
0x97: {  	[spmem:s2] =	stream.indirect.scatter.add.f32 [tilespmem:s20], [sflag:$0x3], $0x80, s1, s19, $0xb8;
	[tilespmem:$0x1E0C0] =	vst v63  }
0x98: {  	_ =	swait.ge [sflag:s16], $0x4000  }
0x99: {  	[sflag:s16] =	ssyncset.done $0x0  }
0x9a: {  	s30 =	sadd.s32 $0x100, s29;
	[sflag:s16] =	ssyncadd.s32 $0xFFFFC000  }
0x9b: {  	[tilespmem:s20], [sflag:$0x1] =	stream.indirect.gather [hbm4b:s4+s19], $0x80, s30, s19, $0xb8;
	[tilespmem:$0x1E0C0] =	vst v63  }
0x9c: {  	_ =	swait.ge [sflag:s23], $0x4000  }
0x9d: {  	[sflag:s23] =	ssyncset.done $0x0  }
0x9e: {  	s31 =	sadd.s32 $0x1480, s29;
	[sflag:s23] =	ssyncadd.s32 $0xFFFFC000  }
0x9f: {  	[spmem:s2] =	stream.indirect.scatter.add.f32 [tilespmem:s21], [sflag:$0x3], $0x80, s31, s19, $0xb8;
	[tilespmem:$0x1E0C0] =	vst v63  }
0xa0: {  	_ =	swait.ge [sflag:s16], $0x4000  }
0xa1: {  	[sflag:s16] =	ssyncset.done $0x0  }
0xa2: {  	[sflag:s16] =	ssyncadd.s32 $0xFFFFC000  }
0xa3: {  	[tilespmem:s21], [sflag:$0x2] =	stream.indirect.gather [hbm4b:s4+s19], $0x80, s24, s19, $0xb8;
	[tilespmem:$0x1E0C0] =	vst v63  }
0xa4: {  	_ =	swait.ge [sflag:s22], $0x4000  }
0xa5: {  	[sflag:s22] =	ssyncset.done $0x0  }
0xa6: {  	[sflag:s22] =	ssyncadd.s32 $0xFFFFC000  }
0xa7: {  	[spmem:s2] =	stream.indirect.scatter.add.f32 [tilespmem:s20], [sflag:$0x3], $0x80, s25, s19, $0xb8;
	[tilespmem:$0x1E0C0] =	vst v63  }
0xa8: {  	_ =	swait.ge [sflag:s16], $0x4000  }
0xa9: {  	[sflag:s16] =	ssyncset.done $0x0  }
0xaa: {  	[sflag:s16] =	ssyncadd.s32 $0xFFFFC000  }
0xab: {  	_ =	swait.ge [sflag:s23], $0x4000  }
0xac: {  	[sflag:s23] =	ssyncset.done $0x0  }
0xad: {  	[sflag:s23] =	ssyncadd.s32 $0xFFFFC000  }
0xae: {  	[spmem:s2] =	stream.indirect.scatter.add.f32 [tilespmem:s21], [sflag:$0x3], $0x80, s26, s19, $0xb8;
	[tilespmem:$0x1E0C0] =	vst v63  }
0xaf: {  	_ =	swait.ge [sflag:s16], $0x4000  }
0xb0: {  	[sflag:s16] =	ssyncset.done $0x0  }
0xb1: {  	[sflag:s16] =	ssyncadd.s32 $0xFFFFC000  }
0xb2: {  	[bflag:$0x0] =	sbarrier.arrive $0xFFFF  }
0xb3: {  	[hbm:s12], [sflag:s6] =	dma.local [spmem:s15], $0x2700  }
0xb4: {  	s28 =	sadd.s32 $0x1, s28;
	_ =	swait.ge [sflag:s16], $0x2700  }
0xb5: {  	p1 =	sne.s32 s28, s14;
	[sflag:s16] =	ssyncset.done $0x0  }
.Ltmp2:
0xb6: {  	s0 =	simm.s32 @!p0 $0x3;
	[sflag:s16] =	ssyncadd.s32 $0xFFFFD900;
	(pc) =	sbr.rel @p1 .LBB2_1-.Ltmp2, $4  }
0xb7: {  	[hbm:s13], [sflag:s6] =	dma.local @!p0 [spmem:s17], $0x180  }
0xb8: {  	_ =	swait.ge @!p0 [sflag:s0], $0x180  }
0xb9: {  	[sflag:s0] =	ssyncset.done @!p0 $0x0  }
0xba: {  	[sflag:s0] =	ssyncadd.s32 @!p0 $0xFFFFFE80  }
0xbb: {  	_ =	sfence.sel $0x180000  }
0xbc: {  	[bflag:$0x0] =	sbarrier.arrive $0xFFFF  }
0xbd: {  	_ =	strace $0x90000050  }
0xbe: {  	s0 =	stileid.u32;
	[bflag:$0x2] =	sbarrier.arrive $0xFFFF  }
0xbf: {  	p0 =	sne.s32 s0, $0x0;
	s0 =	rddreg [dreg:$0x2]  }
0xc0: {  	s0 =	sadd.s32 @!p0 $0x100000, s0  }
0xc1: {  	[sflag:s0] =	ssyncadd.tile.s32 @!p0 $0x1;
	_ =	shalt  }
.Lfunc_end2:
_tile_overlayer_lowered:
.L_overlay_start_2:
0xc2: {  	(tag) =	ssettag $0x2  }
0xc3: {  	s0 =	rddreg [dreg:$0x0];
	s2 =	stileid.u32  }
0xc4: {  	s1 =	rddreg [dreg:$0x1];
	p0 =	sne.s32 s2, $0x0  }
0xc5: {  	s3 =	rddreg [dreg:$0x2];
	[bflag:$0x3] =	sbarrier.arrive $0xFFFF;
	s2 =	simm.s32 @!p0 $0x1C03  }
0xc6: {  	[timem:s3], [sflag:s2] =	dma.local @!p0 [hbm:s0], s1  }
0xc7: {  	s0 =	simm.s32 @!p0 $0x3  }
0xc8: {  	_ =	swait.ge @!p0 [sflag:s0], s1  }
0xc9: {  	s1 =	ssub.s32 @!p0 $0x0, s1;
	[sflag:s0] =	ssyncset.done @!p0 $0x0  }
0xca: {  	[sflag:s0] =	ssyncadd.s32 @!p0 s1  }
0xcb: {  	[bflag:$0x3] =	sbarrier.arrive $0xFFFF  }
0xcc: {  	_ =	shalt  }

// kernel: kernel.26.cloned.1.call-start
scs
__scs_entry_jumppad:
0x0: {  	(pc) =	sbr.rel $0x88, $3  }
0x1: {  	(tag) =	ssettag $0x0;
	lr =	simm.s32 $0x1  }
0x2: {  	[smem:$0x3F91] =	sst lr;
	_ =	strace $0xD0000000  }
0x3: {  	_ = 	snop  }
0x4: {  	_ = 	snop  }
0x5: {  	_ = 	snop  }
0x6: {  	_ = 	snop  }
0x7: {  	_ = 	snop  }
__scs_overlays_trampoline_lowered:
0x8: {  	[smem:$0x3FA0] =	sst s0  }
0x9: {  	[smem:$0x3FA1] =	sst s1  }
0xa: {  	[smem:$0x3FA2] =	sst s2  }
0xb: {  	[smem:$0x3FA3] =	sst s3  }
0xc: {  	[smem:$0x3FA4] =	sst s4  }
0xd: {  	[smem:$0x3FA5] =	sst s5  }
0xe: {  	[smem:$0x3FA6] =	sst s6  }
0xf: {  	[smem:$0x3FA7] =	sst s7  }
0x10: {  	[smem:$0x3FA8] =	sst s8  }
0x11: {  	[smem:$0x3FA9] =	sst s9;
	s0 =	simm.s32 @!p0 $0x0  }
0x12: {  	s1 =	sld [smem:$0x3F8F];
	s0 =	simm.s32 @p0 $0x1  }
0x13: {  	[smem:$0x3FAA] =	sst s0;
	s0 =	simm.s32 @!p1 $0x0  }
0x14: {  	s2 =	sld [smem:$0x3F8E];
	s0 =	simm.s32 @p1 $0x1  }
0x15: {  	[smem:$0x3FAB] =	sst s0;
	s0 =	simm.s32 @!p2 $0x0  }
0x16: {  	s3 =	sld [smem:$0x3FDB];
	s0 =	simm.s32 @p2 $0x1  }
0x17: {  	s4 =	simm.s32 $0x1BF5;
	[smem:$0x3FAD] =	sst s0  }
0x18: {  	s0 =	sld [smem:$0x3F90];
	_ =	swait.ge [sflag:s4], $0x0  }
0x19: {  	s7 =	sld [smem:$0x3F91]  }
0x1a: {  	s8 =	sadd.s32 $0xFFFFE003, lr  }
0x1b: {  	s9 =	sadd.s32 $0xFFFFFEF7, lr;
	s5 =	simm.s32 $0xFFFFFFFF;
	p2 =	slt.u32 s8, $0xFFFFF086  }
0x1c: {  	p1 =	slt.u32 s9, $0xF7A;
	s5 =	simm.s32 @!p2 $0x0  }
0x1d: {  	s5 =	simm.s32 @p1 $0x1;
	p0 =	seq.s32 s7, s2  }
0x1e: {  	s7 =	smul.u32 @!p0 $0xF7A, s2;
	p2 =	seq.s32 @!p0 s5, $0x0  }
0x1f: {  	s9 =	smul.u32 $0xF7A, s1;
	s8 =	simm.s32 @!p0 $0x1BF5;
	p2 =	por !p2, p0  }
0x20: {  	[sflag:s8] =	ssyncset.s32 @!p0 $0xFFFFF086;
	s6 =	sadd.s32 @!p0 s3, s7;
	s7 =	simm.s32 @!p0 $0x108  }
0x21: {  	s3 =	sadd.s32 s3, s9;
	s6 =	sadd.s32 @!p0 $0x88, s6;
	s7 =	simm.s32 @p2 $0x1082  }
0x22: {  	[simem:s7], [sflag:s8] =	dma.local @!p0 [hbm:s6], $0xF7A  }
0x23: {  	s9 =	sor.u32 $0xD0000000, s2;
	s6 =	simm.s32 $0x108;
	_ =	swait.ge @!p0 [sflag:s8], $0x0  }
0x24: {  	s3 =	sadd.s32 $0x88, s3;
	s6 =	simm.s32 @!p1 $0x1082;
	[sflag:s4] =	ssyncset.s32 $0xFFFFF086  }
0x25: {  	[simem:s6], [sflag:s4] =	dma.local [hbm:s3], $0xF7A  }
0x26: {  	[smem:$0x3F91] =	sst s1;
	(tag) =	ssettag s2;
	_ =	strace s9  }
0x27: {  	s1 =	sld [smem:$0x3FA1]  }
0x28: {  	s2 =	sld [smem:$0x3FA2]  }
0x29: {  	s4 =	sld [smem:$0x3FA4]  }
0x2a: {  	p0 =	seq.s32 s5, $0x0;
	s5 =	sld [smem:$0x3FA5]  }
0x2b: {  	s6 =	sld [smem:$0x3FA6]  }
0x2c: {  	s7 =	sld [smem:$0x3FA7]  }
0x2d: {  	s3 =	simm.s32 $0x108;
	s8 =	sld [smem:$0x3FA8]  }
0x2e: {  	s3 =	simm.s32 @!p0 $0x1082;
	s9 =	sld [smem:$0x3FA9]  }
0x2f: {  	lr =	sadd.s32 s0, s3;
	s0 =	sld [smem:$0x3FA0]  }
0x30: {  	s3 =	sld [smem:$0x3FA3]  }
0x31: {  	[smem:$0x3FAC] =	sst s10  }
0x32: {  	s10 =	sld [smem:$0x3FAA];
	_ =	sdelay $0x3  }
0x33: {  	p0 =	seq.s32 s10, $0x1;
	s10 =	sld [smem:$0x3FAC];
	_ =	sdelay $0x3  }
0x34: {  	[smem:$0x3FAC] =	sst s10  }
0x35: {  	s10 =	sld [smem:$0x3FAB];
	_ =	sdelay $0x3  }
0x36: {  	p1 =	seq.s32 s10, $0x1;
	s10 =	sld [smem:$0x3FAC];
	_ =	sdelay $0x3  }
0x37: {  	[smem:$0x3FAC] =	sst s10  }
0x38: {  	s10 =	sld [smem:$0x3FAD]  }
0x39: {  	_ = 	snop;
	(pc) =	sbr.ind lr, $3  }
0x3a: {  	_ = 	snop  }
0x3b: {  	_ = 	snop  }
0x3c: {  	p2 =	seq.s32 s10, $0x1;
	s10 =	sld [smem:$0x3FAC]  }
0x3d: {  	_ =	shalt  }
0x3e: {  	_ =	shalt  }
0x3f: {  	_ =	shalt  }
0x40: {  	_ =	shalt  }
0x41: {  	_ =	shalt  }
0x42: {  	_ =	shalt  }
0x43: {  	_ =	shalt  }
0x44: {  	_ =	shalt  }
0x45: {  	_ =	shalt  }
0x46: {  	_ =	shalt  }
0x47: {  	_ =	shalt  }
0x48: {  	_ =	shalt  }
0x49: {  	_ =	shalt  }
0x4a: {  	_ =	shalt  }
0x4b: {  	_ =	shalt  }
0x4c: {  	_ =	shalt  }
0x4d: {  	_ =	shalt  }
0x4e: {  	_ =	shalt  }
0x4f: {  	_ =	shalt  }
0x50: {  	_ =	shalt  }
0x51: {  	_ =	shalt  }
0x52: {  	_ =	shalt  }
0x53: {  	_ =	shalt  }
0x54: {  	_ =	shalt  }
0x55: {  	_ =	shalt  }
0x56: {  	_ =	shalt  }
0x57: {  	_ =	shalt  }
0x58: {  	_ =	shalt  }
0x59: {  	_ =	shalt  }
0x5a: {  	_ =	shalt  }
0x5b: {  	_ =	shalt  }
0x5c: {  	_ =	shalt  }
0x5d: {  	_ =	shalt  }
0x5e: {  	_ =	shalt  }
0x5f: {  	_ =	shalt  }
0x60: {  	_ =	shalt  }
0x61: {  	_ =	shalt  }
0x62: {  	_ =	shalt  }
0x63: {  	_ =	shalt  }
0x64: {  	_ =	shalt  }
0x65: {  	_ =	shalt  }
0x66: {  	_ =	shalt  }
0x67: {  	_ =	shalt  }
0x68: {  	_ =	shalt  }
0x69: {  	_ =	shalt  }
0x6a: {  	_ =	shalt  }
0x6b: {  	_ =	shalt  }
0x6c: {  	_ =	shalt  }
0x6d: {  	_ =	shalt  }
0x6e: {  	_ =	shalt  }
0x6f: {  	_ =	shalt  }
0x70: {  	_ =	shalt  }
0x71: {  	_ =	shalt  }
0x72: {  	_ =	shalt  }
0x73: {  	_ =	shalt  }
0x74: {  	_ =	shalt  }
0x75: {  	_ =	shalt  }
0x76: {  	_ =	shalt  }
0x77: {  	_ =	shalt  }
0x78: {  	_ =	shalt  }
0x79: {  	_ =	shalt  }
0x7a: {  	_ =	shalt  }
0x7b: {  	_ =	shalt  }
0x7c: {  	_ =	shalt  }
0x7d: {  	_ =	shalt  }
0x7e: {  	_ =	shalt  }
0x7f: {  	_ =	shalt  }
0x80: {  	_ =	shalt  }
0x81: {  	_ =	shalt  }
0x82: {  	_ =	shalt  }
0x83: {  	_ =	shalt  }
0x84: {  	_ =	shalt  }
0x85: {  	_ =	shalt  }
0x86: {  	_ =	shalt  }
0x87: {  	_ =	shalt  }
.Lfunc_end0:
.L_simem_size_0:
called_computation.4_lowered:
.L_overlay_start_0:
0x88: {  	s2 =	sld [smem:$0x3FD9]  }
0x89: {  	s3 =	sld [smem:$0x3FFE];
	_ =	sdelay $0x1  }
0x8a: {  	s1 =	srdreg.scid  }
0x8b: {  	s0 =	sand.u32 $0x1, s1  }
0x8c: {  	s17 =	sshll.u32 s0, $0xA;
	s2 =	sadd.s32 s3, s2  }
0x8d: {  	s2 =	sadd.s32 s2, s17  }
0x8e: {  	[smem:$0x3FB8] =	sst s2  }
0x8f: {  	_ = 	snop  }
0x90: {  	s18 =	sld [smem:$0x3FD0];
	(tm) =	ssettm $0x1  }
0x91: {  	s19 =	sld [smem:$0x3FFB];
	_ =	sdelay $0x3  }
0x92: {  	_ =	strace s19  }
0x93: {  	s2 =	sld [smem:$0x3FFC];
	_ =	sdelay $0x3  }
0x94: {  	_ =	strace s2  }
0x95: {  	s2 =	sld [smem:$0x3FFD];
	_ =	sdelay $0x3  }
0x96: {  	_ =	strace s2  }
0x97: {  	_ =	strace $0x8FFFFFFF  }
0x98: {  	s20 =	sld [smem:$0x3FDB];
	_ =	sdelay $0x1  }
0x99: {  	s4 =	simm.s32 $_scs_section_size  }
0x9a: {  	s5 =	simm.s32 $_size__tile_overlayer_lowered;
	s6 =	simm.s32 $_tile_overlayer_lowered  }
0x9b: {  	s7 =	simm.s32 $0x1BFF;
	s21 =	sshll.u32 s6, $0x1;
	s4 =	sadd.s32 s4, s20  }
0x9c: {  	s22 =	simm.s32 $0x0;
	s5 =	sshll.u32 s5, $0x1;
	s6 =	sadd.s32 s21, s4  }
0x9d: {  	[timem:s22], [sflag:s7] =	dma.local [hbm:s6], s5  }
0x9e: {  	_ =	swait.ge [sflag:s7], s5  }
0x9f: {  	s5 =	ssub.s32 $0x0, s5;
	[sflag:s7] =	ssyncset.done $0x0  }
0xa0: {  	[sflag:s7] =	ssyncadd.s32 s5;
	_ =	sdelay $0x1  }
0xa1: {  	s23 =	simm.s32 $0x1B8B  }
0xa2: {  	_ =	swait.ge [sflag:s23], $0x1  }
0xa3: {  	[sflag:s23] =	ssyncset.done $0x0  }
0xa4: {  	[sflag:s23] =	ssyncadd.s32 $0xFFFFFFFF  }
0xa5: {  	s5 =	sld [smem:$0x0]  }
0xa6: {  	s6 =	sand.u32 $0xFFFFFFFE, s1  }
0xa7: {  	p0 =	sne.s32 s1, s6  }
0xa8: {  	s6 =	sshll.u32 @p0 s6, $0xE  }
0xa9: {  	s6 =	sadd.s32 @p0 $0x11B8D, s6;
	s7 =	sshll.u32 @p0 s5, $0x11  }
0xaa: {  	s6 =	sor.u32 @p0 s7, s6  }
0xab: {  	[sflag:s6] =	ssyncadd.remote.s32 @p0 $0x1;
	_ =	sdelay $0x1  }
0xac: {  	s6 =	simm.s32 @p0 $0x1B8D  }
0xad: {  	_ =	swait.eq @p0 [sflag:s6], $0x1  }
0xae: {  	[sflag:s6] =	ssyncadd.s32 @p0 $0xFFFFFFFF  }
0xaf: {  	s7 =	sshll.u32 @!p0 s1, $0xE  }
0xb0: {  	s7 =	sor.u32 @!p0 $0x4000, s7;
	s6 =	simm.s32 @!p0 $0x1B8D  }
0xb1: {  	s5 =	sshll.u32 @!p0 s5, $0x11;
	s7 =	sadd.s32 @!p0 $0x11B8D, s7;
	_ =	swait.eq @!p0 [sflag:s6], $0x1  }
0xb2: {  	s5 =	sor.u32 @!p0 s5, s7;
	[sflag:s6] =	ssyncadd.s32 @!p0 $0xFFFFFFFF  }
0xb3: {  	s25 =	simm.s32 $0x1B8E;
	s24 =	sld [smem:$0x3FFE];
	[sflag:s5] =	ssyncadd.remote.s32 @!p0 $0x1  }
0xb4: {  	s26 =	simm.s32 $execute0_lowered;
	[smem:$0x3FD2] =	sst s25  }
0xb5: {  	s6 =	sshll.u32 s26, $0x1;
	_ =	strace $0x80000055;
	[dreg:$0x1] =	wrdreg $0xFFFFFFFF  }
0xb6: {  	s28 =	simm.s32 $_size_execute0_lowered;
	s4 =	sadd.s32 s4, s6;
	[dreg:$0x0] =	wrdreg $0x0  }
0xb7: {  	s6 =	sshll.u32 s28, $0x1;
	[dreg:$0x2] =	wrdreg s4  }
0xb8: {  	[dreg:$0x3] =	wrdreg s6  }
0xb9: {  	[dreg:$0x4] =	wrdreg $0xC0  }
0xba: {  	_ =	task [dreg:s22], $0x5FFFF  }
0xbb: {  	[dreg:$0x1] =	wrdreg $0xFFFFFFFF  }
0xbc: {  	[dreg:$0x0] =	wrdreg $0x60  }
0xbd: {  	[dreg:$0x2] =	wrdreg s24  }
0xbe: {  	[dreg:$0x3] =	wrdreg s18  }
0xbf: {  	[dreg:$0x4] =	wrdreg $0x9  }
0xc0: {  	_ =	task.clear_ibuf [dreg:s22], $0x5FFFF;
	_ =	strace $0x90000055  }
0xc1: {  	s29 =	simm.s32 $0x9;
	_ =	strace $0x80000057  }
0xc2: {  	_ =	swait.ge [sflag:s29], $0x1  }
0xc3: {  	[sflag:s29] =	ssyncadd.s32 $0xFFFFFFFF  }
0xc4: {  	_ =	strace $0x90000057  }
0xc5: {  	_ =	sfence  }
0xc6: {  	s30 =	sld [smem:$0x0];
	_ =	sdelay $0x2  }
0xc7: {  	s31 =	sshll.u32 s1, $0xD;
	s1 =	sshrl.u32 s1, $0x2  }
0xc8: {  	s4 =	sand.u32 $0x4000, s31;
	s1 =	sadd.s32 s1, s30  }
0xc9: {  	s0 =	sor.u32 s4, s0;
	s1 =	sshll.u32 s1, $0x11  }
0xca: {  	s0 =	sor.u32 s1, s0  }
0xcb: {  	s0 =	sadd.s32 $0x8F2B, s0  }
0xcc: {  	[sflag:s0] =	ssyncadd.remote.s32 $0x1  }
0xcd: {  	_ =	sfence.sel $0xFFFF  }
0xce: {  	[dreg:$0x0] =	wrdreg $0xFFFFFFFF;
	(pc) =	sbr.abs _section_cstart, $3  }
0xcf: {  	[dreg:$0x1] =	wrdreg $0xFFFFFFFF  }
0xd0: {  	_ =	task.clear_ibuf [dreg:s22], $0x2FFFF;
	_ =	strace $0x9FFFFFFF  }
0xd1: {  	(tm) =	ssettm $0x7FFFFFFF  }
tec
execute0_lowered:
.L_overlay_start_1:
0x0: {  	(tag) =	ssettag $0x1  }
0x1: {  	s0 =	srdreg.scid;
	s1 =	rddreg [dreg:$0x0]  }
0x2: {  	s6 =	rddreg [dreg:$0x1];
	s12 =	stileid.u32;
	s2 =	simm.s32 $0x0  }
0x3: {  	s15 =	simm.s32 $0x1400;
	s16 =	simm.s32 $0x80;
	s17 =	simm.s32 $0x2800  }
0x4: {  	s18 =	simm.s32 $0xA800;
	s19 =	simm.s32 $0x6800;
	s20 =	simm.s32 $0xE800  }
0x5: {  	s21 =	simm.s32 $0x1;
	s22 =	simm.s32 $0x2;
	s23 =	simm.s32 $0x3  }
0x6: {  	s24 =	simm.s32 $0x4;
	s28 =	simm.s32 $0x0;
	s0 =	sand.u32 $0x1, s0  }
0x7: {  	[smem:$0x7FF] =	sst s2;
	s4 =	sadd.s32 $0x40800, s1;
	s3 =	sshll.u32 s0, $0x4  }
0x8: {  	s13 =	sadd.s32 $0x567A00, s1;
	s14 =	smul.u32 $0x14000, s12;
	s5 =	sor.u32 s12, s3  }
0x9: {  	_ =	strace $0x80000056;
	s9 =	ssub.s32 $0x2, s0;
	s7 =	smul.u32 $0x280, s5  }
0xa: {  	s0 =	smul.u32 $0x140000, s0;
	s3 =	sadd.s32 $0x19600, s1;
	s10 =	sshrl.u32 s9, $0x1  }
0xb: {  	s11 =	smul.u32 $0x14000, s5;
	s9 =	ssub.s32 s9, s10;
	s8 =	sadd.s32 s7, s1  }
0xc: {  	s1 =	sadd.s32 $0x7E7A00, s1;
	s6 =	sadd.s32 s6, s7;
	s7 =	smax.u32 s9, $0x1  }
0xd: {  	s30 =	sadd.s32 $0x13000, s11;
	s11 =	sadd.s32 $0x13800, s11;
	s5 =	sadd.s32 $0xF600, s8  }
0xe: {  	s8 =	sadd.s32 s13, s30;
	s9 =	sadd.s32 s1, s30;
	s10 =	sadd.s32 s13, s11  }
0xf: {  	s31 =	sadd.s32 s0, s1;
	s11 =	sadd.s32 s1, s11;
	s0 =	sadd.s32 s0, s13  }
0x10: {  	s12 =	sadd.s32 s14, s31;
	s13 =	sadd.s32 s14, s0;
	s14 =	simm.s32 $0x5  }
.LBB2_1:
0x11: {  	[tilespmem:s2], [sflag:$0x5] =	stream.linear.gather [hbm4b:s5+s2], $0x1400, $0x38;
	[tilespmem:$0x12800] =	vst v63  }
0x12: {  	_ =	swait.ge [sflag:s14], $0x1400  }
0x13: {  	[sflag:s14] =	ssyncset.done $0x0  }
0x14: {  	[sflag:s14] =	ssyncadd.s32 $0xFFFFEC00  }
0x15: {  	[tilespmem:s15], [sflag:$0x5] =	stream.linear.gather [hbm4b:s6+s2], $0x1400, $0x38;
	[tilespmem:$0x12800] =	vst v63  }
0x16: {  	_ =	swait.ge [sflag:s14], $0x1400  }
0x17: {  	[sflag:s14] =	ssyncset.done $0x0  }
0x18: {  	[sflag:s14] =	ssyncadd.s32 $0xFFFFEC00  }
0x19: {  	[tilespmem:s17], [sflag:$0x1] =	stream.indirect.gather [hbm4b:s3+s16], $0x80, s2, s16, $0xb8;
	[tilespmem:$0x12800] =	vst v63  }
0x1a: {  	_ = 	snop  }
0x1b: {  	[tilespmem:s18], [sflag:$0x2] =	stream.indirect.gather [hbm4b:s4+s16], $0x80, s15, s16, $0xb8;
	[tilespmem:$0x12800] =	vst v63  }
0x1c: {  	s0 =	simm.s32 $0x80  }
0x1d: {  	[tilespmem:s19], [sflag:$0x3] =	stream.indirect.gather [hbm4b:s3+s16], $0x80, s0, s16, $0xb8;
	[tilespmem:$0x12800] =	vst v63  }
0x1e: {  	s25 =	simm.s32 $0x1480  }
0x1f: {  	[tilespmem:s20], [sflag:$0x4] =	stream.indirect.gather [hbm4b:s4+s16], $0x80, s25, s16, $0xb8;
	[tilespmem:$0x12800] =	vst v63  }
0x20: {  	_ =	swait.ge [sflag:s21], $0x4000  }
0x21: {  	[sflag:s21] =	ssyncset.done $0x0  }
0x22: {  	[sflag:s21] =	ssyncadd.s32 $0xFFFFC000  }
0x23: {  	_ =	swait.ge [sflag:s22], $0x4000  }
0x24: {  	[sflag:s22] =	ssyncset.done $0x0  }
0x25: {  	[sflag:s22] =	ssyncadd.s32 $0xFFFFC000  }
0x26: {  	[hbm4b:s13+s2] =	stream.linear.scatter [tilespmem:s17], [sflag:$0x5], $0x4000, $0x38;
	[tilespmem:$0x12800] =	vst v63  }
0x27: {  	_ =	swait.ge [sflag:s14], $0x4000  }
0x28: {  	[sflag:s14] =	ssyncset.done $0x0  }
0x29: {  	[sflag:s14] =	ssyncadd.s32 $0xFFFFC000  }
0x2a: {  	[hbm4b:s12+s2] =	stream.linear.scatter [tilespmem:s18], [sflag:$0x5], $0x4000, $0x38;
	[tilespmem:$0x12800] =	vst v63  }
0x2b: {  	_ =	swait.ge [sflag:s14], $0x4000  }
0x2c: {  	[sflag:s14] =	ssyncset.done $0x0  }
0x2d: {  	s26 =	simm.s32 $0x100;
	[sflag:s14] =	ssyncadd.s32 $0xFFFFC000  }
0x2e: {  	[tilespmem:s17], [sflag:$0x1] =	stream.indirect.gather [hbm4b:s3+s16], $0x80, s26, s16, $0xb8;
	[tilespmem:$0x12800] =	vst v63  }
0x2f: {  	s1 =	simm.s32 $0x1500  }
0x30: {  	[tilespmem:s18], [sflag:$0x2] =	stream.indirect.gather [hbm4b:s4+s16], $0x80, s1, s16, $0xb8;
	[tilespmem:$0x12800] =	vst v63  }
0x31: {  	_ =	swait.ge [sflag:s23], $0x4000  }
0x32: {  	[sflag:s23] =	ssyncset.done $0x0  }
0x33: {  	[sflag:s23] =	ssyncadd.s32 $0xFFFFC000  }
0x34: {  	_ =	swait.ge [sflag:s24], $0x4000  }
0x35: {  	[sflag:s24] =	ssyncset.done $0x0  }
0x36: {  	s25 =	sadd.s32 $0x800, s13;
	[sflag:s24] =	ssyncadd.s32 $0xFFFFC000  }
0x37: {  	[hbm4b:s25+s2] =	stream.linear.scatter [tilespmem:s19], [sflag:$0x5], $0x4000, $0x38;
	[tilespmem:$0x12800] =	vst v63  }
0x38: {  	_ =	swait.ge [sflag:s14], $0x4000  }
0x39: {  	[sflag:s14] =	ssyncset.done $0x0  }
0x3a: {  	s26 =	sadd.s32 $0x800, s12;
	[sflag:s14] =	ssyncadd.s32 $0xFFFFC000  }
0x3b: {  	[hbm4b:s26+s2] =	stream.linear.scatter [tilespmem:s20], [sflag:$0x5], $0x4000, $0x38;
	[tilespmem:$0x12800] =	vst v63  }
0x3c: {  	s30 =	sadd.s32 $0x1000, s13;
	s31 =	simm.s32 $0x100;
	_ =	swait.ge [sflag:s14], $0x4000  }
0x3d: {  	s29 =	sadd.s32 $0x1000, s12;
	s0 =	simm.s32 $0x800;
	[sflag:s14] =	ssyncset.done $0x0  }
.LBB2_2:
0x3e: {  	s26 =	sadd.s32 $0x80, s31  }
0x3f: {  	[sflag:s14] =	ssyncadd.s32 $0xFFFFC000;
	s1 =	smov.u32 s0;
	s25 =	sadd.s32 $0x400, s0  }
0x40: {  	[tilespmem:s19], [sflag:$0x3] =	stream.indirect.gather [hbm4b:s3+s16], $0x80, s26, s16, $0xb8;
	[tilespmem:$0x12800] =	vst v63  }
0x41: {  	p0 =	sne.s32 s0, $0x4800;
	s0 =	sadd.s32 $0x1480, s31  }
0x42: {  	[tilespmem:s20], [sflag:$0x4] =	stream.indirect.gather [hbm4b:s4+s16], $0x80, s0, s16, $0xb8;
	[tilespmem:$0x12800] =	vst v63  }
0x43: {  	_ =	swait.ge [sflag:s21], $0x4000  }
0x44: {  	[sflag:s21] =	ssyncset.done $0x0  }
0x45: {  	[sflag:s21] =	ssyncadd.s32 $0xFFFFC000  }
0x46: {  	_ =	swait.ge [sflag:s22], $0x4000  }
0x47: {  	[sflag:s22] =	ssyncset.done $0x0  }
0x48: {  	[sflag:s22] =	ssyncadd.s32 $0xFFFFC000  }
0x49: {  	[hbm4b:s30+s2] =	stream.linear.scatter [tilespmem:s17], [sflag:$0x5], $0x4000, $0x38;
	[tilespmem:$0x12800] =	vst v63  }
0x4a: {  	_ =	swait.ge [sflag:s14], $0x4000  }
0x4b: {  	[sflag:s14] =	ssyncset.done $0x0  }
0x4c: {  	[sflag:s14] =	ssyncadd.s32 $0xFFFFC000  }
0x4d: {  	[hbm4b:s29+s2] =	stream.linear.scatter [tilespmem:s18], [sflag:$0x5], $0x4000, $0x38;
	[tilespmem:$0x12800] =	vst v63  }
0x4e: {  	_ =	swait.ge [sflag:s14], $0x4000  }
0x4f: {  	[sflag:s14] =	ssyncset.done $0x0  }
0x50: {  	s0 =	sadd.s32 $0x100, s31;
	[sflag:s14] =	ssyncadd.s32 $0xFFFFC000  }
0x51: {  	[tilespmem:s17], [sflag:$0x1] =	stream.indirect.gather [hbm4b:s3+s16], $0x80, s0, s16, $0xb8;
	[tilespmem:$0x12800] =	vst v63  }
0x52: {  	s0 =	sadd.s32 $0x1500, s31  }
0x53: {  	[tilespmem:s18], [sflag:$0x2] =	stream.indirect.gather [hbm4b:s4+s16], $0x80, s0, s16, $0xb8;
	[tilespmem:$0x12800] =	vst v63  }
0x54: {  	_ =	swait.ge [sflag:s23], $0x4000  }
0x55: {  	[sflag:s23] =	ssyncset.done $0x0  }
0x56: {  	[sflag:s23] =	ssyncadd.s32 $0xFFFFC000  }
0x57: {  	_ =	swait.ge [sflag:s24], $0x4000  }
0x58: {  	[sflag:s24] =	ssyncset.done $0x0  }
0x59: {  	s0 =	sadd.s32 $0x800, s30;
	[sflag:s24] =	ssyncadd.s32 $0xFFFFC000  }
0x5a: {  	[hbm4b:s0+s2] =	stream.linear.scatter [tilespmem:s19], [sflag:$0x5], $0x4000, $0x38;
	[tilespmem:$0x12800] =	vst v63  }
0x5b: {  	_ =	swait.ge [sflag:s14], $0x4000  }
.Ltmp0:
0x5c: {  	[sflag:s14] =	ssyncset.done $0x0;
	(pc) =	sbr.rel @p0 .LBB2_2-.Ltmp0, $4  }
0x5d: {  	s0 =	sadd.s32 $0x800, s29;
	[sflag:s14] =	ssyncadd.s32 $0xFFFFC000  }
0x5e: {  	[hbm4b:s0+s2] =	stream.linear.scatter [tilespmem:s20], [sflag:$0x5], $0x4000, $0x38;
	[tilespmem:$0x12800] =	vst v63  }
0x5f: {  	s31 =	sshra.s32 s1, $0x2;
	s30 =	sadd.s32 $0x1000, s30;
	_ =	swait.ge [sflag:s14], $0x4000  }
0x60: {  	s29 =	sadd.s32 $0x1000, s29;
	s0 =	smov.u32 s25;
	[sflag:s14] =	ssyncset.done $0x0  }
0x61: {  	s0 =	sadd.s32 $0x80, s31;
	[sflag:s14] =	ssyncadd.s32 $0xFFFFC000  }
0x62: {  	[tilespmem:s19], [sflag:$0x3] =	stream.indirect.gather [hbm4b:s3+s16], $0x80, s0, s16, $0xb8;
	[tilespmem:$0x12800] =	vst v63  }
0x63: {  	s26 =	sadd.s32 $0x1480, s31  }
0x64: {  	[tilespmem:s20], [sflag:$0x4] =	stream.indirect.gather [hbm4b:s4+s16], $0x80, s26, s16, $0xb8;
	[tilespmem:$0x12800] =	vst v63  }
0x65: {  	_ =	swait.ge [sflag:s21], $0x4000  }
0x66: {  	[sflag:s21] =	ssyncset.done $0x0  }
0x67: {  	[sflag:s21] =	ssyncadd.s32 $0xFFFFC000  }
0x68: {  	_ =	swait.ge [sflag:s22], $0x4000  }
0x69: {  	[sflag:s22] =	ssyncset.done $0x0  }
0x6a: {  	[sflag:s22] =	ssyncadd.s32 $0xFFFFC000  }
0x6b: {  	[hbm4b:s30+s2] =	stream.linear.scatter [tilespmem:s17], [sflag:$0x5], $0x4000, $0x38;
	[tilespmem:$0x12800] =	vst v63  }
0x6c: {  	_ =	swait.ge [sflag:s14], $0x4000  }
0x6d: {  	[sflag:s14] =	ssyncset.done $0x0  }
0x6e: {  	[sflag:s14] =	ssyncadd.s32 $0xFFFFC000  }
0x6f: {  	[hbm4b:s29+s2] =	stream.linear.scatter [tilespmem:s18], [sflag:$0x5], $0x4000, $0x38;
	[tilespmem:$0x12800] =	vst v63  }
0x70: {  	_ =	swait.ge [sflag:s14], $0x4000  }
0x71: {  	[sflag:s14] =	ssyncset.done $0x0  }
0x72: {  	s1 =	sadd.s32 $0x100, s31;
	[sflag:s14] =	ssyncadd.s32 $0xFFFFC000  }
0x73: {  	[tilespmem:s17], [sflag:$0x1] =	stream.indirect.gather [hbm4b:s3+s16], $0x80, s1, s16, $0xb8;
	[tilespmem:$0x12800] =	vst v63  }
0x74: {  	s25 =	sadd.s32 $0x1500, s31  }
0x75: {  	[tilespmem:s18], [sflag:$0x2] =	stream.indirect.gather [hbm4b:s4+s16], $0x80, s25, s16, $0xb8;
	[tilespmem:$0x12800] =	vst v63  }
0x76: {  	_ =	swait.ge [sflag:s23], $0x4000  }
0x77: {  	[sflag:s23] =	ssyncset.done $0x0  }
0x78: {  	[sflag:s23] =	ssyncadd.s32 $0xFFFFC000  }
0x79: {  	_ =	swait.ge [sflag:s24], $0x4000  }
0x7a: {  	[sflag:s24] =	ssyncset.done $0x0  }
0x7b: {  	s26 =	sadd.s32 $0x800, s30;
	[sflag:s24] =	ssyncadd.s32 $0xFFFFC000  }
0x7c: {  	[hbm4b:s26+s2] =	stream.linear.scatter [tilespmem:s19], [sflag:$0x5], $0x4000, $0x38;
	[tilespmem:$0x12800] =	vst v63  }
0x7d: {  	_ =	swait.ge [sflag:s14], $0x4000  }
0x7e: {  	[sflag:s14] =	ssyncset.done $0x0  }
0x7f: {  	s29 =	sadd.s32 $0x800, s29;
	[sflag:s14] =	ssyncadd.s32 $0xFFFFC000  }
0x80: {  	[hbm4b:s29+s2] =	stream.linear.scatter [tilespmem:s20], [sflag:$0x5], $0x4000, $0x38;
	[tilespmem:$0x12800] =	vst v63  }
0x81: {  	_ =	swait.ge [sflag:s14], $0x4000  }
0x82: {  	[sflag:s14] =	ssyncset.done $0x0  }
0x83: {  	s30 =	simm.s32 $0x1380;
	[sflag:s14] =	ssyncadd.s32 $0xFFFFC000  }
0x84: {  	[tilespmem:s19], [sflag:$0x3] =	stream.indirect.gather [hbm4b:s3+s16], $0x80, s30, s16, $0xb8;
	[tilespmem:$0x12800] =	vst v63  }
0x85: {  	s31 =	simm.s32 $0x2780  }
0x86: {  	[tilespmem:s20], [sflag:$0x4] =	stream.indirect.gather [hbm4b:s4+s16], $0x80, s31, s16, $0xb8;
	[tilespmem:$0x12800] =	vst v63  }
0x87: {  	_ =	swait.ge [sflag:s21], $0x4000  }
0x88: {  	[sflag:s21] =	ssyncset.done $0x0  }
0x89: {  	[sflag:s21] =	ssyncadd.s32 $0xFFFFC000  }
0x8a: {  	_ =	swait.ge [sflag:s22], $0x4000  }
0x8b: {  	[sflag:s22] =	ssyncset.done $0x0  }
0x8c: {  	[sflag:s22] =	ssyncadd.s32 $0xFFFFC000  }
0x8d: {  	[hbm4b:s8+s2] =	stream.linear.scatter [tilespmem:s17], [sflag:$0x5], $0x4000, $0x38;
	[tilespmem:$0x12800] =	vst v63  }
0x8e: {  	_ =	swait.ge [sflag:s14], $0x4000  }
0x8f: {  	[sflag:s14] =	ssyncset.done $0x0  }
0x90: {  	[sflag:s14] =	ssyncadd.s32 $0xFFFFC000  }
0x91: {  	[hbm4b:s9+s2] =	stream.linear.scatter [tilespmem:s18], [sflag:$0x5], $0x4000, $0x38;
	[tilespmem:$0x12800] =	vst v63  }
0x92: {  	_ =	swait.ge [sflag:s14], $0x4000  }
0x93: {  	[sflag:s14] =	ssyncset.done $0x0  }
0x94: {  	[sflag:s14] =	ssyncadd.s32 $0xFFFFC000  }
0x95: {  	_ =	swait.ge [sflag:s23], $0x4000  }
0x96: {  	[sflag:s23] =	ssyncset.done $0x0  }
0x97: {  	[sflag:s23] =	ssyncadd.s32 $0xFFFFC000  }
0x98: {  	_ =	swait.ge [sflag:s24], $0x4000  }
0x99: {  	[sflag:s24] =	ssyncset.done $0x0  }
0x9a: {  	[sflag:s24] =	ssyncadd.s32 $0xFFFFC000  }
0x9b: {  	[hbm4b:s10+s2] =	stream.linear.scatter [tilespmem:s19], [sflag:$0x5], $0x4000, $0x38;
	[tilespmem:$0x12800] =	vst v63  }
0x9c: {  	s28 =	sadd.s32 $0x1, s28;
	_ =	swait.ge [sflag:s14], $0x4000  }
0x9d: {  	p0 =	sne.s32 s28, s7;
	[sflag:s14] =	ssyncset.done $0x0  }
.Ltmp1:
0x9e: {  	[sflag:s14] =	ssyncadd.s32 $0xFFFFC000;
	(pc) =	sbr.rel @p0 .LBB2_1-.Ltmp1, $4  }
0x9f: {  	[hbm4b:s11+s2] =	stream.linear.scatter [tilespmem:s20], [sflag:$0x5], $0x4000, $0x38;
	[tilespmem:$0x12800] =	vst v63  }
0xa0: {  	_ =	swait.ge [sflag:s14], $0x4000  }
0xa1: {  	[sflag:s14] =	ssyncset.done $0x0  }
0xa2: {  	[sflag:s14] =	ssyncadd.s32 $0xFFFFC000  }
0xa3: {  	_ =	sfence.sel $0x180000  }
0xa4: {  	[bflag:$0x0] =	sbarrier.arrive $0xFFFF  }
0xa5: {  	_ =	strace $0x90000056  }
0xa6: {  	s0 =	stileid.u32;
	[bflag:$0x2] =	sbarrier.arrive $0xFFFF  }
0xa7: {  	p0 =	sne.s32 s0, $0x0;
	s0 =	rddreg [dreg:$0x2]  }
0xa8: {  	s0 =	sadd.s32 @!p0 $0x100000, s0  }
0xa9: {  	[sflag:s0] =	ssyncadd.tile.s32 @!p0 $0x1;
	_ =	shalt  }
.Lfunc_end2:
_tile_overlayer_lowered:
.L_overlay_start_2:
0xaa: {  	(tag) =	ssettag $0x2  }
0xab: {  	s0 =	rddreg [dreg:$0x0];
	s2 =	stileid.u32  }
0xac: {  	s1 =	rddreg [dreg:$0x1];
	p0 =	sne.s32 s2, $0x0  }
0xad: {  	s3 =	rddreg [dreg:$0x2];
	[bflag:$0x3] =	sbarrier.arrive $0xFFFF;
	s2 =	simm.s32 @!p0 $0x1C05  }
0xae: {  	[timem:s3], [sflag:s2] =	dma.local @!p0 [hbm:s0], s1  }
0xaf: {  	s0 =	simm.s32 @!p0 $0x5  }
0xb0: {  	_ =	swait.ge @!p0 [sflag:s0], s1  }
0xb1: {  	s1 =	ssub.s32 @!p0 $0x0, s1;
	[sflag:s0] =	ssyncset.done @!p0 $0x0  }
0xb2: {  	[sflag:s0] =	ssyncadd.s32 @!p0 s1  }
0xb3: {  	[bflag:$0x3] =	sbarrier.arrive $0xFFFF  }
0xb4: {  	_ =	shalt  }

// kernel: kernel.29.cloned.1.call-start
scs
__scs_entry_jumppad:
0x0: {  	(pc) =	sbr.rel $0x88, $3  }
0x1: {  	(tag) =	ssettag $0x0;
	lr =	simm.s32 $0x1  }
0x2: {  	[smem:$0x3F91] =	sst lr;
	_ =	strace $0xD0000000  }
0x3: {  	_ = 	snop  }
0x4: {  	_ = 	snop  }
0x5: {  	_ = 	snop  }
0x6: {  	_ = 	snop  }
0x7: {  	_ = 	snop  }
__scs_overlays_trampoline_lowered:
0x8: {  	[smem:$0x3FA0] =	sst s0  }
0x9: {  	[smem:$0x3FA1] =	sst s1  }
0xa: {  	[smem:$0x3FA2] =	sst s2  }
0xb: {  	[smem:$0x3FA3] =	sst s3  }
0xc: {  	[smem:$0x3FA4] =	sst s4  }
0xd: {  	[smem:$0x3FA5] =	sst s5  }
0xe: {  	[smem:$0x3FA6] =	sst s6  }
0xf: {  	[smem:$0x3FA7] =	sst s7  }
0x10: {  	[smem:$0x3FA8] =	sst s8  }
0x11: {  	[smem:$0x3FA9] =	sst s9;
	s0 =	simm.s32 @!p0 $0x0  }
0x12: {  	s1 =	sld [smem:$0x3F8F];
	s0 =	simm.s32 @p0 $0x1  }
0x13: {  	[smem:$0x3FAA] =	sst s0;
	s0 =	simm.s32 @!p1 $0x0  }
0x14: {  	s2 =	sld [smem:$0x3F8E];
	s0 =	simm.s32 @p1 $0x1  }
0x15: {  	[smem:$0x3FAB] =	sst s0;
	s0 =	simm.s32 @!p2 $0x0  }
0x16: {  	s3 =	sld [smem:$0x3FDB];
	s0 =	simm.s32 @p2 $0x1  }
0x17: {  	s4 =	simm.s32 $0x1BF5;
	[smem:$0x3FAD] =	sst s0  }
0x18: {  	s0 =	sld [smem:$0x3F90];
	_ =	swait.ge [sflag:s4], $0x0  }
0x19: {  	s7 =	sld [smem:$0x3F91]  }
0x1a: {  	s8 =	sadd.s32 $0xFFFFE003, lr  }
0x1b: {  	s9 =	sadd.s32 $0xFFFFFEF7, lr;
	s5 =	simm.s32 $0xFFFFFFFF;
	p2 =	slt.u32 s8, $0xFFFFF086  }
0x1c: {  	p1 =	slt.u32 s9, $0xF7A;
	s5 =	simm.s32 @!p2 $0x0  }
0x1d: {  	s5 =	simm.s32 @p1 $0x1;
	p0 =	seq.s32 s7, s2  }
0x1e: {  	s7 =	smul.u32 @!p0 $0xF7A, s2;
	p2 =	seq.s32 @!p0 s5, $0x0  }
0x1f: {  	s9 =	smul.u32 $0xF7A, s1;
	s8 =	simm.s32 @!p0 $0x1BF5;
	p2 =	por !p2, p0  }
0x20: {  	[sflag:s8] =	ssyncset.s32 @!p0 $0xFFFFF086;
	s6 =	sadd.s32 @!p0 s3, s7;
	s7 =	simm.s32 @!p0 $0x108  }
0x21: {  	s3 =	sadd.s32 s3, s9;
	s6 =	sadd.s32 @!p0 $0x88, s6;
	s7 =	simm.s32 @p2 $0x1082  }
0x22: {  	[simem:s7], [sflag:s8] =	dma.local @!p0 [hbm:s6], $0xF7A  }
0x23: {  	s9 =	sor.u32 $0xD0000000, s2;
	s6 =	simm.s32 $0x108;
	_ =	swait.ge @!p0 [sflag:s8], $0x0  }
0x24: {  	s3 =	sadd.s32 $0x88, s3;
	s6 =	simm.s32 @!p1 $0x1082;
	[sflag:s4] =	ssyncset.s32 $0xFFFFF086  }
0x25: {  	[simem:s6], [sflag:s4] =	dma.local [hbm:s3], $0xF7A  }
0x26: {  	[smem:$0x3F91] =	sst s1;
	(tag) =	ssettag s2;
	_ =	strace s9  }
0x27: {  	s1 =	sld [smem:$0x3FA1]  }
0x28: {  	s2 =	sld [smem:$0x3FA2]  }
0x29: {  	s4 =	sld [smem:$0x3FA4]  }
0x2a: {  	p0 =	seq.s32 s5, $0x0;
	s5 =	sld [smem:$0x3FA5]  }
0x2b: {  	s6 =	sld [smem:$0x3FA6]  }
0x2c: {  	s7 =	sld [smem:$0x3FA7]  }
0x2d: {  	s3 =	simm.s32 $0x108;
	s8 =	sld [smem:$0x3FA8]  }
0x2e: {  	s3 =	simm.s32 @!p0 $0x1082;
	s9 =	sld [smem:$0x3FA9]  }
0x2f: {  	lr =	sadd.s32 s0, s3;
	s0 =	sld [smem:$0x3FA0]  }
0x30: {  	s3 =	sld [smem:$0x3FA3]  }
0x31: {  	[smem:$0x3FAC] =	sst s10  }
0x32: {  	s10 =	sld [smem:$0x3FAA];
	_ =	sdelay $0x3  }
0x33: {  	p0 =	seq.s32 s10, $0x1;
	s10 =	sld [smem:$0x3FAC];
	_ =	sdelay $0x3  }
0x34: {  	[smem:$0x3FAC] =	sst s10  }
0x35: {  	s10 =	sld [smem:$0x3FAB];
	_ =	sdelay $0x3  }
0x36: {  	p1 =	seq.s32 s10, $0x1;
	s10 =	sld [smem:$0x3FAC];
	_ =	sdelay $0x3  }
0x37: {  	[smem:$0x3FAC] =	sst s10  }
0x38: {  	s10 =	sld [smem:$0x3FAD]  }
0x39: {  	_ = 	snop;
	(pc) =	sbr.ind lr, $3  }
0x3a: {  	_ = 	snop  }
0x3b: {  	_ = 	snop  }
0x3c: {  	p2 =	seq.s32 s10, $0x1;
	s10 =	sld [smem:$0x3FAC]  }
0x3d: {  	_ =	shalt  }
0x3e: {  	_ =	shalt  }
0x3f: {  	_ =	shalt  }
0x40: {  	_ =	shalt  }
0x41: {  	_ =	shalt  }
0x42: {  	_ =	shalt  }
0x43: {  	_ =	shalt  }
0x44: {  	_ =	shalt  }
0x45: {  	_ =	shalt  }
0x46: {  	_ =	shalt  }
0x47: {  	_ =	shalt  }
0x48: {  	_ =	shalt  }
0x49: {  	_ =	shalt  }
0x4a: {  	_ =	shalt  }
0x4b: {  	_ =	shalt  }
0x4c: {  	_ =	shalt  }
0x4d: {  	_ =	shalt  }
0x4e: {  	_ =	shalt  }
0x4f: {  	_ =	shalt  }
0x50: {  	_ =	shalt  }
0x51: {  	_ =	shalt  }
0x52: {  	_ =	shalt  }
0x53: {  	_ =	shalt  }
0x54: {  	_ =	shalt  }
0x55: {  	_ =	shalt  }
0x56: {  	_ =	shalt  }
0x57: {  	_ =	shalt  }
0x58: {  	_ =	shalt  }
0x59: {  	_ =	shalt  }
0x5a: {  	_ =	shalt  }
0x5b: {  	_ =	shalt  }
0x5c: {  	_ =	shalt  }
0x5d: {  	_ =	shalt  }
0x5e: {  	_ =	shalt  }
0x5f: {  	_ =	shalt  }
0x60: {  	_ =	shalt  }
0x61: {  	_ =	shalt  }
0x62: {  	_ =	shalt  }
0x63: {  	_ =	shalt  }
0x64: {  	_ =	shalt  }
0x65: {  	_ =	shalt  }
0x66: {  	_ =	shalt  }
0x67: {  	_ =	shalt  }
0x68: {  	_ =	shalt  }
0x69: {  	_ =	shalt  }
0x6a: {  	_ =	shalt  }
0x6b: {  	_ =	shalt  }
0x6c: {  	_ =	shalt  }
0x6d: {  	_ =	shalt  }
0x6e: {  	_ =	shalt  }
0x6f: {  	_ =	shalt  }
0x70: {  	_ =	shalt  }
0x71: {  	_ =	shalt  }
0x72: {  	_ =	shalt  }
0x73: {  	_ =	shalt  }
0x74: {  	_ =	shalt  }
0x75: {  	_ =	shalt  }
0x76: {  	_ =	shalt  }
0x77: {  	_ =	shalt  }
0x78: {  	_ =	shalt  }
0x79: {  	_ =	shalt  }
0x7a: {  	_ =	shalt  }
0x7b: {  	_ =	shalt  }
0x7c: {  	_ =	shalt  }
0x7d: {  	_ =	shalt  }
0x7e: {  	_ =	shalt  }
0x7f: {  	_ =	shalt  }
0x80: {  	_ =	shalt  }
0x81: {  	_ =	shalt  }
0x82: {  	_ =	shalt  }
0x83: {  	_ =	shalt  }
0x84: {  	_ =	shalt  }
0x85: {  	_ =	shalt  }
0x86: {  	_ =	shalt  }
0x87: {  	_ =	shalt  }
.Lfunc_end0:
.L_simem_size_0:
called_computation.5_lowered:
.L_overlay_start_0:
0x88: {  	s2 =	sld [smem:$0x3FD9]  }
0x89: {  	s3 =	sld [smem:$0x3FFE];
	_ =	sdelay $0x1  }
0x8a: {  	s1 =	srdreg.scid  }
0x8b: {  	s0 =	sand.u32 $0x1, s1  }
0x8c: {  	s17 =	sshll.u32 s0, $0xA;
	s2 =	sadd.s32 s3, s2  }
0x8d: {  	s2 =	sadd.s32 s2, s17  }
0x8e: {  	[smem:$0x3FB8] =	sst s2  }
0x8f: {  	_ = 	snop  }
0x90: {  	s2 =	sld [smem:$0x3FD0];
	(tm) =	ssettm $0x1  }
0x91: {  	s18 =	sld [smem:$0x3FFB];
	_ =	sdelay $0x3  }
0x92: {  	_ =	strace s18  }
0x93: {  	s3 =	sld [smem:$0x3FFC];
	_ =	sdelay $0x3  }
0x94: {  	_ =	strace s3  }
0x95: {  	s3 =	sld [smem:$0x3FFD];
	_ =	sdelay $0x3  }
0x96: {  	_ =	strace s3  }
0x97: {  	_ =	strace $0x8FFFFFFF  }
0x98: {  	s19 =	sld [smem:$0x3FDB];
	_ =	sdelay $0x1  }
0x99: {  	s4 =	simm.s32 $_scs_section_size  }
0x9a: {  	s5 =	simm.s32 $_size__tile_overlayer_lowered;
	s6 =	simm.s32 $_tile_overlayer_lowered  }
0x9b: {  	s22 =	simm.s32 $0x1BFF;
	s21 =	sshll.u32 s6, $0x1;
	s3 =	sadd.s32 s4, s19  }
0x9c: {  	s7 =	simm.s32 $0x0;
	s20 =	sshll.u32 s5, $0x1;
	s5 =	sadd.s32 s21, s3  }
0x9d: {  	[timem:s7], [sflag:s22] =	dma.local [hbm:s5], s20  }
0x9e: {  	_ =	swait.ge [sflag:s22], s20  }
0x9f: {  	s4 =	ssub.s32 $0x0, s20;
	[sflag:s22] =	ssyncset.done $0x0  }
0xa0: {  	[sflag:s22] =	ssyncadd.s32 s4;
	_ =	sdelay $0x1  }
0xa1: {  	s23 =	simm.s32 $0x1B8B  }
0xa2: {  	_ =	swait.ge [sflag:s23], $0x1  }
0xa3: {  	[sflag:s23] =	ssyncset.done $0x0  }
0xa4: {  	s25 =	simm.s32 $0x1B8E;
	s24 =	sld [smem:$0x3FFE];
	[sflag:s23] =	ssyncadd.s32 $0xFFFFFFFF  }
0xa5: {  	s26 =	simm.s32 $execute0_lowered;
	[smem:$0x3FD2] =	sst s25  }
0xa6: {  	s5 =	sshll.u32 s26, $0x1;
	_ =	strace $0x80000052;
	[dreg:$0x1] =	wrdreg $0xFFFFFFFF  }
0xa7: {  	s28 =	simm.s32 $_size_execute0_lowered;
	s3 =	sadd.s32 s3, s5;
	[dreg:$0x0] =	wrdreg $0x0  }
0xa8: {  	s5 =	sshll.u32 s28, $0x1;
	[dreg:$0x2] =	wrdreg s3  }
0xa9: {  	[dreg:$0x3] =	wrdreg s5  }
0xaa: {  	[dreg:$0x4] =	wrdreg $0xC0  }
0xab: {  	_ =	task [dreg:s7], $0x5FFFF  }
0xac: {  	[dreg:$0x1] =	wrdreg $0xFFFFFFFF  }
0xad: {  	[dreg:$0x0] =	wrdreg $0x60  }
0xae: {  	[dreg:$0x2] =	wrdreg s24  }
0xaf: {  	[dreg:$0x3] =	wrdreg s2  }
0xb0: {  	[dreg:$0x4] =	wrdreg $0xA  }
0xb1: {  	_ =	task.clear_ibuf [dreg:s7], $0x5FFFF;
	_ =	strace $0x90000052  }
0xb2: {  	s29 =	simm.s32 $0xA;
	_ =	strace $0x80000054  }
0xb3: {  	_ =	swait.ge [sflag:s29], $0x1  }
0xb4: {  	[sflag:s29] =	ssyncadd.s32 $0xFFFFFFFF  }
0xb5: {  	_ =	strace $0x90000054  }
0xb6: {  	_ =	sfence  }
0xb7: {  	s30 =	sld [smem:$0x0];
	_ =	sdelay $0x2  }
0xb8: {  	s31 =	sshll.u32 s1, $0xD;
	s1 =	sshrl.u32 s1, $0x2  }
0xb9: {  	s3 =	sand.u32 $0x4000, s31;
	s1 =	sadd.s32 s1, s30  }
0xba: {  	s0 =	sor.u32 s3, s0;
	s1 =	sshll.u32 s1, $0x11  }
0xbb: {  	s0 =	sor.u32 s1, s0  }
0xbc: {  	s0 =	sadd.s32 $0x8F2B, s0  }
0xbd: {  	[sflag:s0] =	ssyncadd.remote.s32 $0x1  }
0xbe: {  	_ =	sfence.sel $0xFFFF  }
0xbf: {  	[dreg:$0x0] =	wrdreg $0xFFFFFFFF;
	(pc) =	sbr.abs _section_cstart, $3  }
0xc0: {  	[dreg:$0x1] =	wrdreg $0xFFFFFFFF  }
0xc1: {  	_ =	task.clear_ibuf [dreg:s7], $0x2FFFF;
	_ =	strace $0x9FFFFFFF  }
0xc2: {  	(tm) =	ssettm $0x7FFFFFFF  }
0xc3: {  	_ =	shalt  }
tec
execute0_lowered:
.L_overlay_start_1:
0x0: {  	(tag) =	ssettag $0x1  }
0x1: {  	s0 =	srdreg.scid;
	s1 =	rddreg [dreg:$0x0]  }
0x2: {  	s12 =	stileid.u32;
	s6 =	rddreg [dreg:$0x1]  }
0x3: {  	s15 =	simm.s32 $0x1400;
	s16 =	simm.s32 $0x80;
	s17 =	simm.s32 $0x2800  }
0x4: {  	s18 =	simm.s32 $0xA800;
	s19 =	simm.s32 $0x6800;
	s20 =	simm.s32 $0xE800  }
0x5: {  	s21 =	simm.s32 $0x1;
	s22 =	simm.s32 $0x2;
	s23 =	simm.s32 $0x3  }
0x6: {  	s24 =	simm.s32 $0x4;
	s28 =	simm.s32 $0x0;
	s0 =	sand.u32 $0x1, s0  }
0x7: {  	s4 =	sadd.s32 $0x40800, s1;
	s14 =	smul.u32 $0x14000, s12;
	s2 =	sshll.u32 s0, $0x4  }
0x8: {  	s9 =	ssub.s32 $0x2, s0;
	s0 =	smul.u32 $0x140000, s0;
	s5 =	sor.u32 s12, s2  }
0x9: {  	s13 =	sadd.s32 $0x67A00, s1;
	s2 =	simm.s32 $0x0;
	s3 =	smul.u32 $0x1400, s5  }
0xa: {  	s10 =	sshrl.u32 s9, $0x1;
	[smem:$0x7FF] =	sst s2;
	s11 =	smul.u32 $0x14000, s5  }
0xb: {  	s9 =	ssub.s32 s9, s10;
	_ =	strace $0x80000053;
	s7 =	sshrl.u32 s3, $0x3  }
0xc: {  	s30 =	sadd.s32 $0x13000, s11;
	s11 =	sadd.s32 $0x13800, s11;
	s7 =	sadd.s32 $0x5000, s7  }
0xd: {  	s3 =	sadd.s32 $0x19600, s1;
	s10 =	sadd.s32 s13, s11;
	s8 =	sadd.s32 s7, s1  }
0xe: {  	s1 =	sadd.s32 $0x2E7A00, s1;
	s6 =	sadd.s32 s6, s7;
	s7 =	smax.u32 s9, $0x1  }
0xf: {  	s5 =	sadd.s32 $0xF600, s8;
	s8 =	sadd.s32 s13, s30;
	s9 =	sadd.s32 s1, s30  }
0x10: {  	s31 =	sadd.s32 s0, s1;
	s11 =	sadd.s32 s1, s11;
	s0 =	sadd.s32 s0, s13  }
0x11: {  	s12 =	sadd.s32 s14, s31;
	s13 =	sadd.s32 s14, s0;
	s14 =	simm.s32 $0x5  }
.LBB2_1:
0x12: {  	[tilespmem:s2], [sflag:$0x5] =	stream.linear.gather [hbm4b:s5+s2], $0x1400, $0x38;
	[tilespmem:$0x12800] =	vst v63  }
0x13: {  	_ =	swait.ge [sflag:s14], $0x1400  }
0x14: {  	[sflag:s14] =	ssyncset.done $0x0  }
0x15: {  	[sflag:s14] =	ssyncadd.s32 $0xFFFFEC00  }
0x16: {  	[tilespmem:s15], [sflag:$0x5] =	stream.linear.gather [hbm4b:s6+s2], $0x1400, $0x38;
	[tilespmem:$0x12800] =	vst v63  }
0x17: {  	_ =	swait.ge [sflag:s14], $0x1400  }
0x18: {  	[sflag:s14] =	ssyncset.done $0x0  }
0x19: {  	[sflag:s14] =	ssyncadd.s32 $0xFFFFEC00  }
0x1a: {  	[tilespmem:s17], [sflag:$0x1] =	stream.indirect.gather [hbm4b:s3+s16], $0x80, s2, s16, $0xb8;
	[tilespmem:$0x12800] =	vst v63  }
0x1b: {  	_ = 	snop  }
0x1c: {  	[tilespmem:s18], [sflag:$0x2] =	stream.indirect.gather [hbm4b:s4+s16], $0x80, s15, s16, $0xb8;
	[tilespmem:$0x12800] =	vst v63  }
0x1d: {  	s0 =	simm.s32 $0x80  }
0x1e: {  	[tilespmem:s19], [sflag:$0x3] =	stream.indirect.gather [hbm4b:s3+s16], $0x80, s0, s16, $0xb8;
	[tilespmem:$0x12800] =	vst v63  }
0x1f: {  	s25 =	simm.s32 $0x1480  }
0x20: {  	[tilespmem:s20], [sflag:$0x4] =	stream.indirect.gather [hbm4b:s4+s16], $0x80, s25, s16, $0xb8;
	[tilespmem:$0x12800] =	vst v63  }
0x21: {  	_ =	swait.ge [sflag:s21], $0x4000  }
0x22: {  	[sflag:s21] =	ssyncset.done $0x0  }
0x23: {  	[sflag:s21] =	ssyncadd.s32 $0xFFFFC000  }
0x24: {  	_ =	swait.ge [sflag:s22], $0x4000  }
0x25: {  	[sflag:s22] =	ssyncset.done $0x0  }
0x26: {  	[sflag:s22] =	ssyncadd.s32 $0xFFFFC000  }
0x27: {  	[hbm4b:s13+s2] =	stream.linear.scatter [tilespmem:s17], [sflag:$0x5], $0x4000, $0x38;
	[tilespmem:$0x12800] =	vst v63  }
0x28: {  	_ =	swait.ge [sflag:s14], $0x4000  }
0x29: {  	[sflag:s14] =	ssyncset.done $0x0  }
0x2a: {  	[sflag:s14] =	ssyncadd.s32 $0xFFFFC000  }
0x2b: {  	[hbm4b:s12+s2] =	stream.linear.scatter [tilespmem:s18], [sflag:$0x5], $0x4000, $0x38;
	[tilespmem:$0x12800] =	vst v63  }
0x2c: {  	_ =	swait.ge [sflag:s14], $0x4000  }
0x2d: {  	[sflag:s14] =	ssyncset.done $0x0  }
0x2e: {  	s26 =	simm.s32 $0x100;
	[sflag:s14] =	ssyncadd.s32 $0xFFFFC000  }
0x2f: {  	[tilespmem:s17], [sflag:$0x1] =	stream.indirect.gather [hbm4b:s3+s16], $0x80, s26, s16, $0xb8;
	[tilespmem:$0x12800] =	vst v63  }
0x30: {  	s1 =	simm.s32 $0x1500  }
0x31: {  	[tilespmem:s18], [sflag:$0x2] =	stream.indirect.gather [hbm4b:s4+s16], $0x80, s1, s16, $0xb8;
	[tilespmem:$0x12800] =	vst v63  }
0x32: {  	_ =	swait.ge [sflag:s23], $0x4000  }
0x33: {  	[sflag:s23] =	ssyncset.done $0x0  }
0x34: {  	[sflag:s23] =	ssyncadd.s32 $0xFFFFC000  }
0x35: {  	_ =	swait.ge [sflag:s24], $0x4000  }
0x36: {  	[sflag:s24] =	ssyncset.done $0x0  }
0x37: {  	s25 =	sadd.s32 $0x800, s13;
	[sflag:s24] =	ssyncadd.s32 $0xFFFFC000  }
0x38: {  	[hbm4b:s25+s2] =	stream.linear.scatter [tilespmem:s19], [sflag:$0x5], $0x4000, $0x38;
	[tilespmem:$0x12800] =	vst v63  }
0x39: {  	_ =	swait.ge [sflag:s14], $0x4000  }
0x3a: {  	[sflag:s14] =	ssyncset.done $0x0  }
0x3b: {  	s26 =	sadd.s32 $0x800, s12;
	[sflag:s14] =	ssyncadd.s32 $0xFFFFC000  }
0x3c: {  	[hbm4b:s26+s2] =	stream.linear.scatter [tilespmem:s20], [sflag:$0x5], $0x4000, $0x38;
	[tilespmem:$0x12800] =	vst v63  }
0x3d: {  	s30 =	sadd.s32 $0x1000, s13;
	s31 =	simm.s32 $0x100;
	_ =	swait.ge [sflag:s14], $0x4000  }
0x3e: {  	s29 =	sadd.s32 $0x1000, s12;
	s1 =	simm.s32 $0x800;
	[sflag:s14] =	ssyncset.done $0x0  }
.LBB2_2:
0x3f: {  	s26 =	sadd.s32 $0x80, s31  }
0x40: {  	[sflag:s14] =	ssyncadd.s32 $0xFFFFC000;
	s0 =	smov.u32 s1;
	s25 =	sadd.s32 $0x400, s1  }
0x41: {  	[tilespmem:s19], [sflag:$0x3] =	stream.indirect.gather [hbm4b:s3+s16], $0x80, s26, s16, $0xb8;
	[tilespmem:$0x12800] =	vst v63  }
0x42: {  	p0 =	sne.s32 s1, $0x4800;
	s1 =	sadd.s32 $0x1480, s31  }
0x43: {  	[tilespmem:s20], [sflag:$0x4] =	stream.indirect.gather [hbm4b:s4+s16], $0x80, s1, s16, $0xb8;
	[tilespmem:$0x12800] =	vst v63  }
0x44: {  	_ =	swait.ge [sflag:s21], $0x4000  }
0x45: {  	[sflag:s21] =	ssyncset.done $0x0  }
0x46: {  	[sflag:s21] =	ssyncadd.s32 $0xFFFFC000  }
0x47: {  	_ =	swait.ge [sflag:s22], $0x4000  }
0x48: {  	[sflag:s22] =	ssyncset.done $0x0  }
0x49: {  	[sflag:s22] =	ssyncadd.s32 $0xFFFFC000  }
0x4a: {  	[hbm4b:s30+s2] =	stream.linear.scatter [tilespmem:s17], [sflag:$0x5], $0x4000, $0x38;
	[tilespmem:$0x12800] =	vst v63  }
0x4b: {  	_ =	swait.ge [sflag:s14], $0x4000  }
0x4c: {  	[sflag:s14] =	ssyncset.done $0x0  }
0x4d: {  	[sflag:s14] =	ssyncadd.s32 $0xFFFFC000  }
0x4e: {  	[hbm4b:s29+s2] =	stream.linear.scatter [tilespmem:s18], [sflag:$0x5], $0x4000, $0x38;
	[tilespmem:$0x12800] =	vst v63  }
0x4f: {  	_ =	swait.ge [sflag:s14], $0x4000  }
0x50: {  	[sflag:s14] =	ssyncset.done $0x0  }
0x51: {  	s1 =	sadd.s32 $0x100, s31;
	[sflag:s14] =	ssyncadd.s32 $0xFFFFC000  }
0x52: {  	[tilespmem:s17], [sflag:$0x1] =	stream.indirect.gather [hbm4b:s3+s16], $0x80, s1, s16, $0xb8;
	[tilespmem:$0x12800] =	vst v63  }
0x53: {  	s1 =	sadd.s32 $0x1500, s31  }
0x54: {  	[tilespmem:s18], [sflag:$0x2] =	stream.indirect.gather [hbm4b:s4+s16], $0x80, s1, s16, $0xb8;
	[tilespmem:$0x12800] =	vst v63  }
0x55: {  	_ =	swait.ge [sflag:s23], $0x4000  }
0x56: {  	[sflag:s23] =	ssyncset.done $0x0  }
0x57: {  	[sflag:s23] =	ssyncadd.s32 $0xFFFFC000  }
0x58: {  	_ =	swait.ge [sflag:s24], $0x4000  }
0x59: {  	[sflag:s24] =	ssyncset.done $0x0  }
0x5a: {  	s1 =	sadd.s32 $0x800, s30;
	[sflag:s24] =	ssyncadd.s32 $0xFFFFC000  }
0x5b: {  	[hbm4b:s1+s2] =	stream.linear.scatter [tilespmem:s19], [sflag:$0x5], $0x4000, $0x38;
	[tilespmem:$0x12800] =	vst v63  }
0x5c: {  	_ =	swait.ge [sflag:s14], $0x4000  }
.Ltmp0:
0x5d: {  	[sflag:s14] =	ssyncset.done $0x0;
	(pc) =	sbr.rel @p0 .LBB2_2-.Ltmp0, $4  }
0x5e: {  	s1 =	sadd.s32 $0x800, s29;
	[sflag:s14] =	ssyncadd.s32 $0xFFFFC000  }
0x5f: {  	[hbm4b:s1+s2] =	stream.linear.scatter [tilespmem:s20], [sflag:$0x5], $0x4000, $0x38;
	[tilespmem:$0x12800] =	vst v63  }
0x60: {  	s31 =	sshra.s32 s0, $0x2;
	s30 =	sadd.s32 $0x1000, s30;
	_ =	swait.ge [sflag:s14], $0x4000  }
0x61: {  	s29 =	sadd.s32 $0x1000, s29;
	s1 =	smov.u32 s25;
	[sflag:s14] =	ssyncset.done $0x0  }
0x62: {  	s0 =	sadd.s32 $0x80, s31;
	[sflag:s14] =	ssyncadd.s32 $0xFFFFC000  }
0x63: {  	[tilespmem:s19], [sflag:$0x3] =	stream.indirect.gather [hbm4b:s3+s16], $0x80, s0, s16, $0xb8;
	[tilespmem:$0x12800] =	vst v63  }
0x64: {  	s26 =	sadd.s32 $0x1480, s31  }
0x65: {  	[tilespmem:s20], [sflag:$0x4] =	stream.indirect.gather [hbm4b:s4+s16], $0x80, s26, s16, $0xb8;
	[tilespmem:$0x12800] =	vst v63  }
0x66: {  	_ =	swait.ge [sflag:s21], $0x4000  }
0x67: {  	[sflag:s21] =	ssyncset.done $0x0  }
0x68: {  	[sflag:s21] =	ssyncadd.s32 $0xFFFFC000  }
0x69: {  	_ =	swait.ge [sflag:s22], $0x4000  }
0x6a: {  	[sflag:s22] =	ssyncset.done $0x0  }
0x6b: {  	[sflag:s22] =	ssyncadd.s32 $0xFFFFC000  }
0x6c: {  	[hbm4b:s30+s2] =	stream.linear.scatter [tilespmem:s17], [sflag:$0x5], $0x4000, $0x38;
	[tilespmem:$0x12800] =	vst v63  }
0x6d: {  	_ =	swait.ge [sflag:s14], $0x4000  }
0x6e: {  	[sflag:s14] =	ssyncset.done $0x0  }
0x6f: {  	[sflag:s14] =	ssyncadd.s32 $0xFFFFC000  }
0x70: {  	[hbm4b:s29+s2] =	stream.linear.scatter [tilespmem:s18], [sflag:$0x5], $0x4000, $0x38;
	[tilespmem:$0x12800] =	vst v63  }
0x71: {  	_ =	swait.ge [sflag:s14], $0x4000  }
0x72: {  	[sflag:s14] =	ssyncset.done $0x0  }
0x73: {  	s1 =	sadd.s32 $0x100, s31;
	[sflag:s14] =	ssyncadd.s32 $0xFFFFC000  }
0x74: {  	[tilespmem:s17], [sflag:$0x1] =	stream.indirect.gather [hbm4b:s3+s16], $0x80, s1, s16, $0xb8;
	[tilespmem:$0x12800] =	vst v63  }
0x75: {  	s25 =	sadd.s32 $0x1500, s31  }
0x76: {  	[tilespmem:s18], [sflag:$0x2] =	stream.indirect.gather [hbm4b:s4+s16], $0x80, s25, s16, $0xb8;
	[tilespmem:$0x12800] =	vst v63  }
0x77: {  	_ =	swait.ge [sflag:s23], $0x4000  }
0x78: {  	[sflag:s23] =	ssyncset.done $0x0  }
0x79: {  	[sflag:s23] =	ssyncadd.s32 $0xFFFFC000  }
0x7a: {  	_ =	swait.ge [sflag:s24], $0x4000  }
0x7b: {  	[sflag:s24] =	ssyncset.done $0x0  }
0x7c: {  	s26 =	sadd.s32 $0x800, s30;
	[sflag:s24] =	ssyncadd.s32 $0xFFFFC000  }
0x7d: {  	[hbm4b:s26+s2] =	stream.linear.scatter [tilespmem:s19], [sflag:$0x5], $0x4000, $0x38;
	[tilespmem:$0x12800] =	vst v63  }
0x7e: {  	_ =	swait.ge [sflag:s14], $0x4000  }
0x7f: {  	[sflag:s14] =	ssyncset.done $0x0  }
0x80: {  	s29 =	sadd.s32 $0x800, s29;
	[sflag:s14] =	ssyncadd.s32 $0xFFFFC000  }
0x81: {  	[hbm4b:s29+s2] =	stream.linear.scatter [tilespmem:s20], [sflag:$0x5], $0x4000, $0x38;
	[tilespmem:$0x12800] =	vst v63  }
0x82: {  	_ =	swait.ge [sflag:s14], $0x4000  }
0x83: {  	[sflag:s14] =	ssyncset.done $0x0  }
0x84: {  	s30 =	simm.s32 $0x1380;
	[sflag:s14] =	ssyncadd.s32 $0xFFFFC000  }
0x85: {  	[tilespmem:s19], [sflag:$0x3] =	stream.indirect.gather [hbm4b:s3+s16], $0x80, s30, s16, $0xb8;
	[tilespmem:$0x12800] =	vst v63  }
0x86: {  	s31 =	simm.s32 $0x2780  }
0x87: {  	[tilespmem:s20], [sflag:$0x4] =	stream.indirect.gather [hbm4b:s4+s16], $0x80, s31, s16, $0xb8;
	[tilespmem:$0x12800] =	vst v63  }
0x88: {  	_ =	swait.ge [sflag:s21], $0x4000  }
0x89: {  	[sflag:s21] =	ssyncset.done $0x0  }
0x8a: {  	[sflag:s21] =	ssyncadd.s32 $0xFFFFC000  }
0x8b: {  	_ =	swait.ge [sflag:s22], $0x4000  }
0x8c: {  	[sflag:s22] =	ssyncset.done $0x0  }
0x8d: {  	[sflag:s22] =	ssyncadd.s32 $0xFFFFC000  }
0x8e: {  	[hbm4b:s8+s2] =	stream.linear.scatter [tilespmem:s17], [sflag:$0x5], $0x4000, $0x38;
	[tilespmem:$0x12800] =	vst v63  }
0x8f: {  	_ =	swait.ge [sflag:s14], $0x4000  }
0x90: {  	[sflag:s14] =	ssyncset.done $0x0  }
0x91: {  	[sflag:s14] =	ssyncadd.s32 $0xFFFFC000  }
0x92: {  	[hbm4b:s9+s2] =	stream.linear.scatter [tilespmem:s18], [sflag:$0x5], $0x4000, $0x38;
	[tilespmem:$0x12800] =	vst v63  }
0x93: {  	_ =	swait.ge [sflag:s14], $0x4000  }
0x94: {  	[sflag:s14] =	ssyncset.done $0x0  }
0x95: {  	[sflag:s14] =	ssyncadd.s32 $0xFFFFC000  }
0x96: {  	_ =	swait.ge [sflag:s23], $0x4000  }
0x97: {  	[sflag:s23] =	ssyncset.done $0x0  }
0x98: {  	[sflag:s23] =	ssyncadd.s32 $0xFFFFC000  }
0x99: {  	_ =	swait.ge [sflag:s24], $0x4000  }
0x9a: {  	[sflag:s24] =	ssyncset.done $0x0  }
0x9b: {  	[sflag:s24] =	ssyncadd.s32 $0xFFFFC000  }
0x9c: {  	[hbm4b:s10+s2] =	stream.linear.scatter [tilespmem:s19], [sflag:$0x5], $0x4000, $0x38;
	[tilespmem:$0x12800] =	vst v63  }
0x9d: {  	s28 =	sadd.s32 $0x1, s28;
	_ =	swait.ge [sflag:s14], $0x4000  }
0x9e: {  	p0 =	sne.s32 s28, s7;
	[sflag:s14] =	ssyncset.done $0x0  }
.Ltmp1:
0x9f: {  	[sflag:s14] =	ssyncadd.s32 $0xFFFFC000;
	(pc) =	sbr.rel @p0 .LBB2_1-.Ltmp1, $4  }
0xa0: {  	[hbm4b:s11+s2] =	stream.linear.scatter [tilespmem:s20], [sflag:$0x5], $0x4000, $0x38;
	[tilespmem:$0x12800] =	vst v63  }
0xa1: {  	_ =	swait.ge [sflag:s14], $0x4000  }
0xa2: {  	[sflag:s14] =	ssyncset.done $0x0  }
0xa3: {  	[sflag:s14] =	ssyncadd.s32 $0xFFFFC000  }
0xa4: {  	_ =	sfence.sel $0x180000  }
0xa5: {  	[bflag:$0x0] =	sbarrier.arrive $0xFFFF  }
0xa6: {  	_ =	strace $0x90000053  }
0xa7: {  	s0 =	stileid.u32;
	[bflag:$0x2] =	sbarrier.arrive $0xFFFF  }
0xa8: {  	p0 =	sne.s32 s0, $0x0;
	s0 =	rddreg [dreg:$0x2]  }
0xa9: {  	s0 =	sadd.s32 @!p0 $0x100000, s0  }
0xaa: {  	[sflag:s0] =	ssyncadd.tile.s32 @!p0 $0x1;
	_ =	shalt  }
.Lfunc_end2:
_tile_overlayer_lowered:
.L_overlay_start_2:
0xab: {  	(tag) =	ssettag $0x2  }
0xac: {  	s0 =	rddreg [dreg:$0x0];
	s2 =	stileid.u32  }
0xad: {  	s1 =	rddreg [dreg:$0x1];
	p0 =	sne.s32 s2, $0x0  }
0xae: {  	s3 =	rddreg [dreg:$0x2];
	[bflag:$0x3] =	sbarrier.arrive $0xFFFF;
	s2 =	simm.s32 @!p0 $0x1C05  }
0xaf: {  	[timem:s3], [sflag:s2] =	dma.local @!p0 [hbm:s0], s1  }
0xb0: {  	s0 =	simm.s32 @!p0 $0x5  }
0xb1: {  	_ =	swait.ge @!p0 [sflag:s0], s1  }
0xb2: {  	s1 =	ssub.s32 @!p0 $0x0, s1;
	[sflag:s0] =	ssyncset.done @!p0 $0x0  }
0xb3: {  	[sflag:s0] =	ssyncadd.s32 @!p0 s1  }
0xb4: {  	[bflag:$0x3] =	sbarrier.arrive $0xFFFF  }
0xb5: {  	_ =	shalt  }

</sc_bundles>
